<compile_context>
chip_gen: v7x
topology: tpu7x:2x2x1
jax: 0.10.2.dev20260603
libtpu: 0.0.44.dev20260713+nightly
codegen_flags: <defaults>
</compile_context>

<pallas_src>
import functools

import jax
import jax.numpy as jnp
from jax import lax
from jax.experimental import pallas as pl
from jax.experimental.pallas import tpu as pltpu
from jax.experimental.pallas import tpu_sc as plsc

OUT_SIZE = 7
SR = 2
C = 256
NB = 1000
NB_PAD = 1024
BINS = OUT_SIZE * OUT_SIZE
TAPS = 16
PER_BOX = BINS * TAPS
REGION = 144
RHALF = REGION // 2

NC = 2
NS = 16
NW = NC * NS
BPW = NB_PAD // NW


def _idxw_body(boxes_ref, ridx_ref, loc_ref, w_ref):
    b = boxes_ref[...]
    nb = b.shape[0]
    bx1 = b[:, 0:1]
    by1 = b[:, 1:2]
    bx2 = b[:, 2:3]
    by2 = b[:, 3:4]
    area = (bx2 - bx1) * (by2 - by1)
    is2 = area >= 400.0
    scale = jnp.where(is2, 1.0 / 32.0, 1.0 / 8.0)
    wf = jnp.where(is2, 20.0, 80.0)
    wi = jnp.where(is2, 20, 80).astype(jnp.int32)
    base = jnp.where(is2, 6400, 0).astype(jnp.int32)
    x1s = bx1 * scale
    y1s = by1 * scale
    roi_w = jnp.maximum((bx2 - bx1) * scale, 1.0)
    roi_h = jnp.maximum((by2 - by1) * scale, 1.0)
    bin_w = roi_w / OUT_SIZE
    bin_h = roi_h / OUT_SIZE
    hi = wf - 1.0
    x0r = jnp.floor(jnp.clip(x1s, 0.0, hi))
    y0r = jnp.floor(jnp.clip(y1s, 0.0, hi))
    xm = jnp.clip(x1s + roi_w, 0.0, hi)
    ym = jnp.clip(y1s + roi_h, 0.0, hi)
    wreg = jnp.floor(xm) + 2.0 - x0r

    rr = lax.broadcasted_iota(jnp.int32, (nb, REGION), 1).astype(jnp.float32)
    q = jnp.floor(rr * (1.0 / wreg))
    q = jnp.where(q * wreg > rr, q - 1.0, q)
    q = jnp.where((q + 1.0) * wreg <= rr, q + 1.0, q)
    cc = rr - q * wreg
    yr = jnp.minimum(y0r + q, hi)
    xr = jnp.minimum(x0r + cc, hi)
    ridx_ref[...] = base + yr.astype(jnp.int32) * wi + xr.astype(jnp.int32)

    p = lax.broadcasted_iota(jnp.int32, (nb, PER_BOX), 1)
    i = p // (OUT_SIZE * TAPS)
    r = p % (OUT_SIZE * TAPS)
    j = r // TAPS
    l = r % TAPS
    s = l // 8
    t = (l // 4) % 2
    cy = (l // 2) % 2
    cx = l % 2
    sy = i.astype(jnp.float32) + (s.astype(jnp.float32) + 0.5) / SR
    sx = j.astype(jnp.float32) + (t.astype(jnp.float32) + 0.5) / SR
    y = jnp.clip(y1s + bin_h * sy, 0.0, hi)
    x = jnp.clip(x1s + bin_w * sx, 0.0, hi)
    y0f = jnp.floor(y)
    x0f = jnp.floor(x)
    ly = y - y0f
    lx = x - x0f
    yc = jnp.where(cy == 0, y0f, jnp.minimum(y0f + 1.0, hi))
    wyc = jnp.where(cy == 0, 1.0 - ly, ly)
    xc = jnp.where(cx == 0, x0f, jnp.minimum(x0f + 1.0, hi))
    wxc = jnp.where(cx == 0, 1.0 - lx, lx)
    loc_ref[...] = ((yc - y0r) * wreg + (xc - x0r)).astype(jnp.int32)
    w_ref[...] = 0.25 * wyc * wxc


def _compute_idx_w(boxes_pad):
    grid = 32
    blk = NB_PAD // grid
    return pl.pallas_call(
        _idxw_body,
        grid=(grid,),
        in_specs=[pl.BlockSpec((blk, 4), lambda g: (g, 0))],
        out_specs=[
            pl.BlockSpec((blk, REGION), lambda g: (g, 0)),
            pl.BlockSpec((blk, PER_BOX), lambda g: (g, 0)),
            pl.BlockSpec((blk, PER_BOX), lambda g: (g, 0)),
        ],
        out_shape=[
            jax.ShapeDtypeStruct((NB_PAD, REGION), jnp.int32),
            jax.ShapeDtypeStruct((NB_PAD, PER_BOX), jnp.int32),
            jax.ShapeDtypeStruct((NB_PAD, PER_BOX), jnp.float32),
        ],
    )(boxes_pad)


def _sc_pool_body(table_hbm, ridx_hbm, loc_hbm, w_hbm, out_hbm,
                  ridx_a, ridx_b, loc_a, loc_b, w_a, w_b, reg_a, reg_b,
                  out_v, semr, seml, semw, semg, semo):
    wid = lax.axis_index("s") * NC + lax.axis_index("c")
    box0 = wid * BPW
    ridx_bufs = (ridx_a, ridx_b)
    loc_bufs = (loc_a, loc_b)
    w_bufs = (w_a, w_b)
    reg_bufs = (reg_a, reg_b)

    def issue_trio(bb, par):
        gb = box0 + bb
        pltpu.async_copy(ridx_hbm.at[pl.ds(gb * REGION, REGION)],
                         ridx_bufs[par], semr)
        pltpu.async_copy(loc_hbm.at[pl.ds(gb * PER_BOX, PER_BOX)],
                         loc_bufs[par], seml)
        pltpu.async_copy(w_hbm.at[pl.ds(gb * PER_BOX, PER_BOX)],
                         w_bufs[par], semw)

    def wait_trio(bb, par):
        gb = box0 + bb
        pltpu.make_async_copy(ridx_hbm.at[pl.ds(gb * REGION, REGION)],
                              ridx_bufs[par], semr).wait()
        pltpu.make_async_copy(loc_hbm.at[pl.ds(gb * PER_BOX, PER_BOX)],
                              loc_bufs[par], seml).wait()
        pltpu.make_async_copy(w_hbm.at[pl.ds(gb * PER_BOX, PER_BOX)],
                              w_bufs[par], semw).wait()

    def issue_region(idxref, par):
        for h in range(2):
            pltpu.async_copy(
                table_hbm.at[idxref.at[pl.ds(h * RHALF, RHALF)]],
                reg_bufs[par].at[pl.ds(h * RHALF, RHALF)], semg)

    def wait_region():
        for h in range(2):
            pltpu.make_async_copy(
                table_hbm.at[ridx_a.at[pl.ds(0, RHALF)]],
                reg_a.at[pl.ds(0, RHALF)], semg).wait()

    def compute_box(w_v, loc_v, reg_v):
        lane16 = lax.iota(jnp.int32, 16)
        lane49 = lane16 * BINS

        def bin_body(j, carry):
            wbase = j * TAPS

            def tap_body(tq, accs):
                accs = list(accs)
                for u in range(8):
                    t = tq * 8 + u
                    sidx = jnp.full((16,), wbase + t, jnp.int32)
                    wb = plsc.load_gather(w_v, [sidx])
                    loff = plsc.load_gather(loc_v, [sidx])
                    for c in range(8):
                        vv = plsc.load_gather(reg_v, [loff, lane16 + c * 16])
                        lo = plsc.bitcast(vv << 16, jnp.float32)
                        hi = plsc.bitcast(vv, jnp.float32)
                        accs[2 * c] = accs[2 * c] + wb * lo
                        accs[2 * c + 1] = accs[2 * c + 1] + wb * hi
                return tuple(accs)

            accs = lax.fori_loop(
                0, 2, tap_body,
                tuple(jnp.zeros((16,), jnp.float32) for _ in range(16)))
            col = lane49 + jnp.full((16,), j, jnp.int32)
            for c in range(16):
                plsc.store_scatter(out_v, [col + (c * 16 * BINS)], accs[c])
            return carry

        lax.fori_loop(0, BINS, bin_body, 0)

    pltpu.sync_copy(ridx_hbm.at[pl.ds(box0 * REGION, REGION)], ridx_a)
    pltpu.sync_copy(loc_hbm.at[pl.ds(box0 * PER_BOX, PER_BOX)], loc_a)
    pltpu.sync_copy(w_hbm.at[pl.ds(box0 * PER_BOX, PER_BOX)], w_a)
    issue_region(ridx_a, 0)
    issue_trio(1, 1)

    def pair_body(p, carry):
        for sub in range(2):
            b = 2 * p + sub
            par = sub
            gb = box0 + b

            if sub == 0:
                @pl.when((p > 0) & (gb <= NB))
                def _ow_even():
                    pltpu.make_async_copy(
                        out_v, out_hbm.at[gb - 1], semo).wait()
            else:
                @pl.when(gb <= NB)
                def _ow_odd():
                    pltpu.make_async_copy(
                        out_v, out_hbm.at[gb - 1], semo).wait()

            wait_region()

            if sub == 0:
                wait_trio(b + 1, 1)
                issue_region(ridx_bufs[1], 1)
            else:
                @pl.when(p < (BPW // 2 - 1))
                def _rg_odd():
                    wait_trio(b + 1, 0)
                    issue_region(ridx_bufs[0], 0)

            compute_box(w_bufs[par], loc_bufs[par], reg_bufs[par])

            @pl.when(gb < NB)
            def _flush():
                pltpu.async_copy(out_v, out_hbm.at[gb], semo)

            @pl.when(p < (BPW // 2 - 1))
            def _trio2():
                issue_trio(b + 2, par)
        return carry

    lax.fori_loop(0, BPW // 2, pair_body, 0)
    gb_last = box0 + BPW - 1

    @pl.when(gb_last < NB)
    def _drain():
        pltpu.make_async_copy(out_v, out_hbm.at[gb_last], semo).wait()


_sc_pool = functools.partial(
    pl.kernel,
    mesh=plsc.VectorSubcoreMesh(core_axis_name="c", subcore_axis_name="s",
                                num_cores=NC, num_subcores=NS),
    compiler_params=pltpu.CompilerParams(needs_layout_passes=False),
    out_type=jax.ShapeDtypeStruct((NB, C * BINS), jnp.float32),
    scratch_types=[
        pltpu.VMEM((REGION,), jnp.int32),
        pltpu.VMEM((REGION,), jnp.int32),
        pltpu.VMEM((PER_BOX,), jnp.int32),
        pltpu.VMEM((PER_BOX,), jnp.int32),
        pltpu.VMEM((PER_BOX,), jnp.float32),
        pltpu.VMEM((PER_BOX,), jnp.float32),
        pltpu.VMEM((REGION, C // 2), jnp.int32),
        pltpu.VMEM((REGION, C // 2), jnp.int32),
        pltpu.VMEM((C * BINS,), jnp.float32),
        pltpu.SemaphoreType.DMA,
        pltpu.SemaphoreType.DMA,
        pltpu.SemaphoreType.DMA,
        pltpu.SemaphoreType.DMA,
        pltpu.SemaphoreType.DMA,
    ],
)(_sc_pool_body)


def kernel(x0, x1, x2, boxes):
    del x1
    t0 = jnp.transpose(x0[0], (1, 2, 0)).reshape(6400, C)
    t2 = jnp.transpose(x2[0], (1, 2, 0)).reshape(400, C)
    table = jnp.concatenate([t0, t2], axis=0)
    table = table.reshape(-1, C // 32, 2, 16).transpose(0, 1, 3, 2)
    table = table.reshape(-1, C // 2, 2).astype(jnp.bfloat16)
    table = lax.bitcast_convert_type(table, jnp.int32)

    boxes_pad = jnp.zeros((NB_PAD, 4), boxes.dtype).at[:NB].set(boxes)
    ridx, loc, w = _compute_idx_w(boxes_pad)

    out = _sc_pool(table, ridx.reshape(-1), loc.reshape(-1), w.reshape(-1))
    return out.reshape(NB, C, OUT_SIZE, OUT_SIZE)

# --- scband reference (transcript-rebuilt; emitter-appended) ---
"""Pipeline reference for scband-pooler-yolo-67087389164195 (READ-ONLY COPY).

The authoritative reference and input builder live on the scoring server;
editing this copy changes nothing except your own understanding.
"""

import jax, jax.numpy as jnp
import numpy as np

IMG_SIZE = 640.0
OUT_SIZE = 7
SAMPLING_RATIO = 2
OUT_CHANNELS = 256
N_BOXES = 1000


def _roi_align(feature, rois, out_size, spatial_scale, sr):
    B, C, H, W = feature.shape
    bidx = rois[:, 0].astype(jnp.int32)
    x1 = rois[:, 1] * spatial_scale
    y1 = rois[:, 2] * spatial_scale
    x2 = rois[:, 3] * spatial_scale
    y2 = rois[:, 4] * spatial_scale
    roi_w = jnp.maximum(x2 - x1, 1.0)
    roi_h = jnp.maximum(y2 - y1, 1.0)
    bin_w = roi_w / out_size
    bin_h = roi_h / out_size
    grid = jnp.arange(out_size, dtype=feature.dtype)[None, :, None] + (jnp.arange(sr, dtype=feature.dtype)[None, None, :] + 0.5) / sr
    n = rois.shape[0]
    ys = (y1[:, None, None] + bin_h[:, None, None] * grid).reshape(n, -1)
    xs = (x1[:, None, None] + bin_w[:, None, None] * grid).reshape(n, -1)
    y = jnp.clip(ys, 0.0, H - 1.0)
    x = jnp.clip(xs, 0.0, W - 1.0)
    y0f = jnp.floor(y)
    x0f = jnp.floor(x)
    y0 = y0f.astype(jnp.int32)
    x0 = x0f.astype(jnp.int32)
    y1i = jnp.minimum(y0 + 1, H - 1)
    x1i = jnp.minimum(x0 + 1, W - 1)
    ly = y - y0f
    lx = x - x0f
    hy = 1.0 - ly
    hx = 1.0 - lx
    fmap = jnp.transpose(feature, (0, 2, 3, 1))

    def g(yi, xi):
        return fmap[bidx[:, None, None], yi[:, :, None], xi[:, None, :]]

    val = g(y0, x0) * (hy[:, :, None, None] * hx[:, None, :, None])
    val = val + g(y0, x1i) * (hy[:, :, None, None] * lx[:, None, :, None])
    val = val + g(y1i, x0) * (ly[:, :, None, None] * hx[:, None, :, None])
    val = val + g(y1i, x1i) * (ly[:, :, None, None] * lx[:, None, :, None])
    val = val.reshape(n, out_size, sr, out_size, sr, val.shape[-1]).mean(axis=(2, 4))
    return jnp.transpose(val, (0, 3, 1, 2))


def _forward(x0, x1, x2, boxes):
    feats = (x0, x1, x2)
    n = boxes.shape[0]
    ids = jnp.zeros((n, 1), dtype=boxes.dtype)
    rois = jnp.concatenate([ids, boxes], axis=1)
    map_size = [f.shape[2] for f in feats]
    areas = (boxes[:, 2] - boxes[:, 0]) * (boxes[:, 3] - boxes[:, 1])
    t1 = float(map_size[1] * map_size[1])
    t2 = float(map_size[2] * map_size[2])
    levels = jnp.zeros_like(areas)
    levels = jnp.where(areas < t1, 0.0, levels)
    levels = jnp.where((areas >= t1) & (areas < t2), 1.0, levels)
    levels = jnp.where(areas >= t2, 2.0, levels)
    result = jnp.zeros((n, OUT_CHANNELS, OUT_SIZE, OUT_SIZE), dtype=x0.dtype)
    for lvl in range(3):
        f = feats[lvl]
        spatial_scale = f.shape[-1] / IMG_SIZE
        pooled = _roi_align(f, rois, OUT_SIZE, spatial_scale, SAMPLING_RATIO)
        mask = (levels == float(lvl)).astype(x0.dtype)[:, None, None, None]
        result = result * (1.0 - mask) + pooled * mask
    return result


def setup_inputs(seed: int = 0):
    key = jax.random.key(seed)
    k0, k1, k2, k3, k4 = jax.random.split(key, 5)
    x0 = jax.random.normal(k0, (1, 256, 80, 80), dtype=jnp.float32)
    x1 = jax.random.normal(k1, (1, 256, 40, 40), dtype=jnp.float32)
    x2 = jax.random.normal(k2, (1, 256, 20, 20), dtype=jnp.float32)
    centers = jax.random.uniform(k3, (N_BOXES, 2), dtype=jnp.float32) * IMG_SIZE
    wh = jax.random.uniform(k4, (N_BOXES, 2), dtype=jnp.float32) * 300.0 + 4.0
    bx1 = jnp.clip(centers[:, 0] - wh[:, 0] * 0.5, 0.0, IMG_SIZE - 2.0)
    by1 = jnp.clip(centers[:, 1] - wh[:, 1] * 0.5, 0.0, IMG_SIZE - 2.0)
    bx2 = jnp.clip(centers[:, 0] + wh[:, 0] * 0.5, bx1 + 1.0, IMG_SIZE - 1.0)
    by2 = jnp.clip(centers[:, 1] + wh[:, 1] * 0.5, by1 + 1.0, IMG_SIZE - 1.0)
    boxes = jnp.stack([bx1, by1, bx2, by2], axis=1)
    return {"x0": x0, "x1": x1, "x2": x2, "boxes": boxes}


def reference(x0, x1, x2, boxes):
    return _forward(x0, x1, x2, boxes)

if __name__ == "__main__":
    import jax
    _d = setup_inputs()
    print(jax.jit(kernel)(*tuple(_d.values())))

</pallas_src>

<mosaic_0001>
#map = affine_map<(d0, d1) -> (0, 0)>
#map1 = affine_map<(d0, d1) -> (0)>
module attributes {stable_mosaic.version = 14 : i64} {
  func.func @_sc_pool_body(%arg0: i32, %arg1: i32, %arg2: memref<6800x128xi32, #tpu.memory_space<hbm>>, %arg3: memref<147456xi32, #tpu.memory_space<hbm>>, %arg4: memref<802816xi32, #tpu.memory_space<hbm>>, %arg5: memref<802816xf32, #tpu.memory_space<hbm>>, %arg6: memref<1000x12544xf32, #tpu.memory_space<hbm>>, %arg7: memref<144xi32, #tpu.memory_space<vmem>>, %arg8: memref<144xi32, #tpu.memory_space<vmem>>, %arg9: memref<784xi32, #tpu.memory_space<vmem>>, %arg10: memref<784xi32, #tpu.memory_space<vmem>>, %arg11: memref<784xf32, #tpu.memory_space<vmem>>, %arg12: memref<784xf32, #tpu.memory_space<vmem>>, %arg13: memref<144x128xi32, #tpu.memory_space<vmem>>, %arg14: memref<144x128xi32, #tpu.memory_space<vmem>>, %arg15: memref<12544xf32, #tpu.memory_space<vmem>>, %arg16: memref<!tpu.dma_semaphore, #tpu.memory_space<semaphore_mem>>, %arg17: memref<!tpu.dma_semaphore, #tpu.memory_space<semaphore_mem>>, %arg18: memref<!tpu.dma_semaphore, #tpu.memory_space<semaphore_mem>>, %arg19: memref<!tpu.dma_semaphore, #tpu.memory_space<semaphore_mem>>, %arg20: memref<!tpu.dma_semaphore, #tpu.memory_space<semaphore_mem>>) attributes {dimension_semantics = [#tpu.dimension_semantics<core_parallel>, #tpu.dimension_semantics<subcore_parallel>], iteration_bounds = array<i64: 2, 16>, scalar_prefetch = 0 : i64, scratch_operands = 14 : i64, tpu.core_type = #tpu.core_type<sc_vector_subcore>, window_params = [{transform_indices = #map}, {transform_indices = #map1}, {transform_indices = #map1}, {transform_indices = #map1}, {transform_indices = #map}]} {
    %mul3A = arith.constant 2 : i32
    %mul3A_0 = arith.muli %arg1, %mul3A : i32
    %add3A = arith.addi %mul3A_0, %arg0 : i32
    %mul3A_1 = arith.constant 32 : i32
    %mul3A_2 = arith.muli %add3A, %mul3A_1 : i32
    %mul3A_3 = arith.constant 144 : i32
    %mul3A_4 = arith.muli %mul3A_2, %mul3A_3 : i32
    "tpu.region"() ({
      %run_scoped3A = tpu.sem_alloc : memref<!tpu.dma_semaphore, #tpu.memory_space<semaphore_mem>>
      %dma_start3A_48 = tpu.memref_slice %arg3[%mul3A_4] : memref<147456xi32, #tpu.memory_space<hbm>> -> memref<144xi32, #tpu.memory_space<hbm>>
      %dma_start3A_49 = tpu.memref_slice %arg3[%mul3A_4] : memref<147456xi32, #tpu.memory_space<hbm>> -> memref<144xi32, #tpu.memory_space<hbm>>
      tpu.enqueue_dma source(%dma_start3A_49 : memref<144xi32, #tpu.memory_space<hbm>>) target(%arg7 : memref<144xi32, #tpu.memory_space<vmem>>) target_semaphore(%run_scoped3A : memref<!tpu.dma_semaphore, #tpu.memory_space<semaphore_mem>>)
      %dma_wait3A = tpu.memref_slice %arg3[%mul3A_4] : memref<147456xi32, #tpu.memory_space<hbm>> -> memref<144xi32, #tpu.memory_space<hbm>>
      %dma_wait3A_50 = tpu.memref_slice %arg3[%mul3A_4] : memref<147456xi32, #tpu.memory_space<hbm>> -> memref<144xi32, #tpu.memory_space<hbm>>
      tpu.wait_dma2 semaphore(%run_scoped3A : memref<!tpu.dma_semaphore, #tpu.memory_space<semaphore_mem>>) src(%dma_wait3A_50 : memref<144xi32, #tpu.memory_space<hbm>>) dst(%arg7 : memref<144xi32, #tpu.memory_space<vmem>>)
      tpu.yield
    }) : () -> ()
    %mul3A_5 = arith.constant 784 : i32
    %mul3A_6 = arith.muli %mul3A_2, %mul3A_5 : i32
    "tpu.region"() ({
      %run_scoped3A = tpu.sem_alloc : memref<!tpu.dma_semaphore, #tpu.memory_space<semaphore_mem>>
      %dma_start3A_48 = tpu.memref_slice %arg4[%mul3A_6] : memref<802816xi32, #tpu.memory_space<hbm>> -> memref<784xi32, #tpu.memory_space<hbm>>
      %dma_start3A_49 = tpu.memref_slice %arg4[%mul3A_6] : memref<802816xi32, #tpu.memory_space<hbm>> -> memref<784xi32, #tpu.memory_space<hbm>>
      tpu.enqueue_dma source(%dma_start3A_49 : memref<784xi32, #tpu.memory_space<hbm>>) target(%arg9 : memref<784xi32, #tpu.memory_space<vmem>>) target_semaphore(%run_scoped3A : memref<!tpu.dma_semaphore, #tpu.memory_space<semaphore_mem>>)
      %dma_wait3A = tpu.memref_slice %arg4[%mul3A_6] : memref<802816xi32, #tpu.memory_space<hbm>> -> memref<784xi32, #tpu.memory_space<hbm>>
      %dma_wait3A_50 = tpu.memref_slice %arg4[%mul3A_6] : memref<802816xi32, #tpu.memory_space<hbm>> -> memref<784xi32, #tpu.memory_space<hbm>>
      tpu.wait_dma2 semaphore(%run_scoped3A : memref<!tpu.dma_semaphore, #tpu.memory_space<semaphore_mem>>) src(%dma_wait3A_50 : memref<784xi32, #tpu.memory_space<hbm>>) dst(%arg9 : memref<784xi32, #tpu.memory_space<vmem>>)
      tpu.yield
    }) : () -> ()
    %mul3A_7 = arith.constant 784 : i32
    %mul3A_8 = arith.muli %mul3A_2, %mul3A_7 : i32
    "tpu.region"() ({
      %run_scoped3A = tpu.sem_alloc : memref<!tpu.dma_semaphore, #tpu.memory_space<semaphore_mem>>
      %dma_start3A_48 = tpu.memref_slice %arg5[%mul3A_8] : memref<802816xf32, #tpu.memory_space<hbm>> -> memref<784xf32, #tpu.memory_space<hbm>>
      %dma_start3A_49 = tpu.memref_slice %arg5[%mul3A_8] : memref<802816xf32, #tpu.memory_space<hbm>> -> memref<784xf32, #tpu.memory_space<hbm>>
      tpu.enqueue_dma source(%dma_start3A_49 : memref<784xf32, #tpu.memory_space<hbm>>) target(%arg11 : memref<784xf32, #tpu.memory_space<vmem>>) target_semaphore(%run_scoped3A : memref<!tpu.dma_semaphore, #tpu.memory_space<semaphore_mem>>)
      %dma_wait3A = tpu.memref_slice %arg5[%mul3A_8] : memref<802816xf32, #tpu.memory_space<hbm>> -> memref<784xf32, #tpu.memory_space<hbm>>
      %dma_wait3A_50 = tpu.memref_slice %arg5[%mul3A_8] : memref<802816xf32, #tpu.memory_space<hbm>> -> memref<784xf32, #tpu.memory_space<hbm>>
      tpu.wait_dma2 semaphore(%run_scoped3A : memref<!tpu.dma_semaphore, #tpu.memory_space<semaphore_mem>>) src(%dma_wait3A_50 : memref<784xf32, #tpu.memory_space<hbm>>) dst(%arg11 : memref<784xf32, #tpu.memory_space<vmem>>)
      tpu.yield
    }) : () -> ()
    %dma_start3A = arith.constant 0 : i32
    %dma_start3A_9 = arith.constant 0 : i32
    %dma_start3A_10 = tpu.memref_slice %arg13[%dma_start3A, %dma_start3A_9] : memref<144x128xi32, #tpu.memory_space<vmem>> -> memref<72x128xi32, #tpu.memory_space<vmem>>
    %dma_start3A_11 = arith.constant 0 : i32
    %dma_start3A_12 = tpu.memref_slice %arg7[%dma_start3A_11] : memref<144xi32, #tpu.memory_space<vmem>> -> memref<72xi32, #tpu.memory_space<vmem>>
    %dma_start3A_13 = arith.constant 0 : i32
    %dma_start3A_14 = arith.constant 0 : i32
    %dma_start3A_15 = tpu.memref_slice %arg2[%dma_start3A_13, %dma_start3A_14] : memref<6800x128xi32, #tpu.memory_space<hbm>> -> memref<6800x128xi32, #tpu.memory_space<hbm>>
    tpu.enqueue_indirect_dma source(%dma_start3A_15 : memref<6800x128xi32, #tpu.memory_space<hbm>>) target(%dma_start3A_10 : memref<72x128xi32, #tpu.memory_space<vmem>>) offsets(%dma_start3A_12 : memref<72xi32, #tpu.memory_space<vmem>>) semaphore(%arg19 : memref<!tpu.dma_semaphore, #tpu.memory_space<semaphore_mem>>)
    %dma_start3A_16 = arith.constant 72 : i32
    %dma_start3A_17 = arith.constant 0 : i32
    %dma_start3A_18 = tpu.memref_slice %arg13[%dma_start3A_16, %dma_start3A_17] : memref<144x128xi32, #tpu.memory_space<vmem>> -> memref<72x128xi32, #tpu.memory_space<vmem>>
    %dma_start3A_19 = arith.constant 72 : i32
    %dma_start3A_20 = tpu.memref_slice %arg7[%dma_start3A_19] : memref<144xi32, #tpu.memory_space<vmem>> -> memref<72xi32, #tpu.memory_space<vmem>>
    %dma_start3A_21 = arith.constant 0 : i32
    %dma_start3A_22 = arith.constant 0 : i32
    %dma_start3A_23 = tpu.memref_slice %arg2[%dma_start3A_21, %dma_start3A_22] : memref<6800x128xi32, #tpu.memory_space<hbm>> -> memref<6800x128xi32, #tpu.memory_space<hbm>>
    tpu.enqueue_indirect_dma source(%dma_start3A_23 : memref<6800x128xi32, #tpu.memory_space<hbm>>) target(%dma_start3A_18 : memref<72x128xi32, #tpu.memory_space<vmem>>) offsets(%dma_start3A_20 : memref<72xi32, #tpu.memory_space<vmem>>) semaphore(%arg19 : memref<!tpu.dma_semaphore, #tpu.memory_space<semaphore_mem>>)
    %add3A_24 = arith.constant 1 : i32
    %add3A_25 = arith.addi %mul3A_2, %add3A_24 : i32
    %mul3A_26 = arith.constant 144 : i32
    %mul3A_27 = arith.muli %add3A_25, %mul3A_26 : i32
    %dma_start3A_28 = tpu.memref_slice %arg3[%mul3A_27] : memref<147456xi32, #tpu.memory_space<hbm>> -> memref<144xi32, #tpu.memory_space<hbm>>
    %dma_start3A_29 = tpu.memref_slice %arg3[%mul3A_27] : memref<147456xi32, #tpu.memory_space<hbm>> -> memref<144xi32, #tpu.memory_space<hbm>>
    tpu.enqueue_dma source(%dma_start3A_29 : memref<144xi32, #tpu.memory_space<hbm>>) target(%arg8 : memref<144xi32, #tpu.memory_space<vmem>>) target_semaphore(%arg16 : memref<!tpu.dma_semaphore, #tpu.memory_space<semaphore_mem>>)
    %mul3A_30 = arith.constant 784 : i32
    %mul3A_31 = arith.muli %add3A_25, %mul3A_30 : i32
    %dma_start3A_32 = tpu.memref_slice %arg4[%mul3A_31] : memref<802816xi32, #tpu.memory_space<hbm>> -> memref<784xi32, #tpu.memory_space<hbm>>
    %dma_start3A_33 = tpu.memref_slice %arg4[%mul3A_31] : memref<802816xi32, #tpu.memory_space<hbm>> -> memref<784xi32, #tpu.memory_space<hbm>>
    tpu.enqueue_dma source(%dma_start3A_33 : memref<784xi32, #tpu.memory_space<hbm>>) target(%arg10 : memref<784xi32, #tpu.memory_space<vmem>>) target_semaphore(%arg17 : memref<!tpu.dma_semaphore, #tpu.memory_space<semaphore_mem>>)
    %mul3A_34 = arith.constant 784 : i32
    %mul3A_35 = arith.muli %add3A_25, %mul3A_34 : i32
    %dma_start3A_36 = tpu.memref_slice %arg5[%mul3A_35] : memref<802816xf32, #tpu.memory_space<hbm>> -> memref<784xf32, #tpu.memory_space<hbm>>
    %dma_start3A_37 = tpu.memref_slice %arg5[%mul3A_35] : memref<802816xf32, #tpu.memory_space<hbm>> -> memref<784xf32, #tpu.memory_space<hbm>>
    tpu.enqueue_dma source(%dma_start3A_37 : memref<784xf32, #tpu.memory_space<hbm>>) target(%arg12 : memref<784xf32, #tpu.memory_space<vmem>>) target_semaphore(%arg18 : memref<!tpu.dma_semaphore, #tpu.memory_space<semaphore_mem>>)
    %scan3A = arith.constant 0 : i32
    %scan3A_38 = arith.constant 0 : i32
    %scan3A_39 = arith.constant 16 : i32
    %scan3A_40 = arith.addi %scan3A_38, %scan3A_39 : i32
    %scan3A_41 = arith.constant 1 : i32
    scf.for %scan3A_48 = %scan3A_38 to %scan3A_40 step %scan3A_41  : i32 {
      %mul3A_49 = arith.constant 2 : i32
      %mul3A_50 = arith.muli %mul3A_49, %scan3A_48 : i32
      %add3A_51 = arith.constant 0 : i32
      %add3A_52 = arith.addi %mul3A_50, %add3A_51 : i32
      %add3A_53 = arith.addi %mul3A_2, %add3A_52 : i32
      %gt3A = arith.constant 0 : i32
      %gt3A_54 = arith.cmpi sgt, %scan3A_48, %gt3A : i32
      %le3A = arith.constant 1000 : i32
      %le3A_55 = arith.cmpi sle, %add3A_53, %le3A : i32
      %and3A = arith.andi %gt3A_54, %le3A_55 : i1
      %convert_element_type3A_56 = arith.extui %and3A : i1 to i32
      %cond3A_57 = arith.constant 0 : i32
      %cond3A_58 = arith.cmpi ne, %convert_element_type3A_56, %cond3A_57 : i32
      scf.if %cond3A_58 {
        %sub3A_175 = arith.constant 1 : i32
        %sub3A_176 = arith.subi %add3A_53, %sub3A_175 : i32
        %dma_wait3A_177 = arith.constant 0 : i32
        %dma_wait3A_178 = tpu.memref_slice %arg6[%sub3A_176, %dma_wait3A_177] : memref<1000x12544xf32, #tpu.memory_space<hbm>> -> memref<1x12544xf32, #tpu.memory_space<hbm>>
        %dma_wait3A_179 = tpu.memref_squeeze %dma_wait3A_178 : memref<1x12544xf32, #tpu.memory_space<hbm>> -> memref<12544xf32, #tpu.memory_space<hbm>>
        %dma_wait3A_180 = arith.constant 0 : i32
        %dma_wait3A_181 = tpu.memref_slice %arg6[%sub3A_176, %dma_wait3A_180] : memref<1000x12544xf32, #tpu.memory_space<hbm>> -> memref<1x12544xf32, #tpu.memory_space<hbm>>
        %dma_wait3A_182 = tpu.memref_squeeze %dma_wait3A_181 : memref<1x12544xf32, #tpu.memory_space<hbm>> -> memref<12544xf32, #tpu.memory_space<hbm>>
        tpu.wait_dma2 semaphore(%arg20 : memref<!tpu.dma_semaphore, #tpu.memory_space<semaphore_mem>>) src(%arg15 : memref<12544xf32, #tpu.memory_space<vmem>>) dst(%dma_wait3A_182 : memref<12544xf32, #tpu.memory_space<hbm>>)
      } else {
      }
      %dma_wait3A = arith.constant 0 : i32
      %dma_wait3A_59 = arith.constant 0 : i32
      %dma_wait3A_60 = tpu.memref_slice %arg13[%dma_wait3A, %dma_wait3A_59] : memref<144x128xi32, #tpu.memory_space<vmem>> -> memref<72x128xi32, #tpu.memory_space<vmem>>
      %dma_wait3A_61 = arith.constant 0 : i32
      %dma_wait3A_62 = tpu.memref_slice %arg7[%dma_wait3A_61] : memref<144xi32, #tpu.memory_space<vmem>> -> memref<72xi32, #tpu.memory_space<vmem>>
      %dma_wait3A_63 = arith.constant 0 : i32
      %dma_wait3A_64 = arith.constant 0 : i32
      %dma_wait3A_65 = tpu.memref_slice %arg2[%dma_wait3A_63, %dma_wait3A_64] : memref<6800x128xi32, #tpu.memory_space<hbm>> -> memref<6800x128xi32, #tpu.memory_space<hbm>>
      tpu.wait_indirect_dma semaphore(%arg19 : memref<!tpu.dma_semaphore, #tpu.memory_space<semaphore_mem>>) src(%dma_wait3A_65 : memref<6800x128xi32, #tpu.memory_space<hbm>>) dst(%dma_wait3A_60 : memref<72x128xi32, #tpu.memory_space<vmem>>)
      %dma_wait3A_66 = arith.constant 0 : i32
      %dma_wait3A_67 = arith.constant 0 : i32
      %dma_wait3A_68 = tpu.memref_slice %arg13[%dma_wait3A_66, %dma_wait3A_67] : memref<144x128xi32, #tpu.memory_space<vmem>> -> memref<72x128xi32, #tpu.memory_space<vmem>>
      %dma_wait3A_69 = arith.constant 0 : i32
      %dma_wait3A_70 = tpu.memref_slice %arg7[%dma_wait3A_69] : memref<144xi32, #tpu.memory_space<vmem>> -> memref<72xi32, #tpu.memory_space<vmem>>
      %dma_wait3A_71 = arith.constant 0 : i32
      %dma_wait3A_72 = arith.constant 0 : i32
      %dma_wait3A_73 = tpu.memref_slice %arg2[%dma_wait3A_71, %dma_wait3A_72] : memref<6800x128xi32, #tpu.memory_space<hbm>> -> memref<6800x128xi32, #tpu.memory_space<hbm>>
      tpu.wait_indirect_dma semaphore(%arg19 : memref<!tpu.dma_semaphore, #tpu.memory_space<semaphore_mem>>) src(%dma_wait3A_73 : memref<6800x128xi32, #tpu.memory_space<hbm>>) dst(%dma_wait3A_68 : memref<72x128xi32, #tpu.memory_space<vmem>>)
      %add3A_74 = arith.constant 1 : i32
      %add3A_75 = arith.addi %add3A_52, %add3A_74 : i32
      %add3A_76 = arith.addi %mul3A_2, %add3A_75 : i32
      %mul3A_77 = arith.constant 144 : i32
      %mul3A_78 = arith.muli %add3A_76, %mul3A_77 : i32
      %dma_wait3A_79 = tpu.memref_slice %arg3[%mul3A_78] : memref<147456xi32, #tpu.memory_space<hbm>> -> memref<144xi32, #tpu.memory_space<hbm>>
      %dma_wait3A_80 = tpu.memref_slice %arg3[%mul3A_78] : memref<147456xi32, #tpu.memory_space<hbm>> -> memref<144xi32, #tpu.memory_space<hbm>>
      tpu.wait_dma2 semaphore(%arg16 : memref<!tpu.dma_semaphore, #tpu.memory_space<semaphore_mem>>) src(%dma_wait3A_80 : memref<144xi32, #tpu.memory_space<hbm>>) dst(%arg8 : memref<144xi32, #tpu.memory_space<vmem>>)
      %mul3A_81 = arith.constant 784 : i32
      %mul3A_82 = arith.muli %add3A_76, %mul3A_81 : i32
      %dma_wait3A_83 = tpu.memref_slice %arg4[%mul3A_82] : memref<802816xi32, #tpu.memory_space<hbm>> -> memref<784xi32, #tpu.memory_space<hbm>>
      %dma_wait3A_84 = tpu.memref_slice %arg4[%mul3A_82] : memref<802816xi32, #tpu.memory_space<hbm>> -> memref<784xi32, #tpu.memory_space<hbm>>
      tpu.wait_dma2 semaphore(%arg17 : memref<!tpu.dma_semaphore, #tpu.memory_space<semaphore_mem>>) src(%dma_wait3A_84 : memref<784xi32, #tpu.memory_space<hbm>>) dst(%arg10 : memref<784xi32, #tpu.memory_space<vmem>>)
      %mul3A_85 = arith.constant 784 : i32
      %mul3A_86 = arith.muli %add3A_76, %mul3A_85 : i32
      %dma_wait3A_87 = tpu.memref_slice %arg5[%mul3A_86] : memref<802816xf32, #tpu.memory_space<hbm>> -> memref<784xf32, #tpu.memory_space<hbm>>
      %dma_wait3A_88 = tpu.memref_slice %arg5[%mul3A_86] : memref<802816xf32, #tpu.memory_space<hbm>> -> memref<784xf32, #tpu.memory_space<hbm>>
      tpu.wait_dma2 semaphore(%arg18 : memref<!tpu.dma_semaphore, #tpu.memory_space<semaphore_mem>>) src(%dma_wait3A_88 : memref<784xf32, #tpu.memory_space<hbm>>) dst(%arg12 : memref<784xf32, #tpu.memory_space<vmem>>)
      %dma_start3A_89 = arith.constant 0 : i32
      %dma_start3A_90 = arith.constant 0 : i32
      %dma_start3A_91 = tpu.memref_slice %arg14[%dma_start3A_89, %dma_start3A_90] : memref<144x128xi32, #tpu.memory_space<vmem>> -> memref<72x128xi32, #tpu.memory_space<vmem>>
      %dma_start3A_92 = arith.constant 0 : i32
      %dma_start3A_93 = tpu.memref_slice %arg8[%dma_start3A_92] : memref<144xi32, #tpu.memory_space<vmem>> -> memref<72xi32, #tpu.memory_space<vmem>>
      %dma_start3A_94 = arith.constant 0 : i32
      %dma_start3A_95 = arith.constant 0 : i32
      %dma_start3A_96 = tpu.memref_slice %arg2[%dma_start3A_94, %dma_start3A_95] : memref<6800x128xi32, #tpu.memory_space<hbm>> -> memref<6800x128xi32, #tpu.memory_space<hbm>>
      tpu.enqueue_indirect_dma source(%dma_start3A_96 : memref<6800x128xi32, #tpu.memory_space<hbm>>) target(%dma_start3A_91 : memref<72x128xi32, #tpu.memory_space<vmem>>) offsets(%dma_start3A_93 : memref<72xi32, #tpu.memory_space<vmem>>) semaphore(%arg19 : memref<!tpu.dma_semaphore, #tpu.memory_space<semaphore_mem>>)
      %dma_start3A_97 = arith.constant 72 : i32
      %dma_start3A_98 = arith.constant 0 : i32
      %dma_start3A_99 = tpu.memref_slice %arg14[%dma_start3A_97, %dma_start3A_98] : memref<144x128xi32, #tpu.memory_space<vmem>> -> memref<72x128xi32, #tpu.memory_space<vmem>>
      %dma_start3A_100 = arith.constant 72 : i32
      %dma_start3A_101 = tpu.memref_slice %arg8[%dma_start3A_100] : memref<144xi32, #tpu.memory_space<vmem>> -> memref<72xi32, #tpu.memory_space<vmem>>
      %dma_start3A_102 = arith.constant 0 : i32
      %dma_start3A_103 = arith.constant 0 : i32
      %dma_start3A_104 = tpu.memref_slice %arg2[%dma_start3A_102, %dma_start3A_103] : memref<6800x128xi32, #tpu.memory_space<hbm>> -> memref<6800x128xi32, #tpu.memory_space<hbm>>
      tpu.enqueue_indirect_dma source(%dma_start3A_104 : memref<6800x128xi32, #tpu.memory_space<hbm>>) target(%dma_start3A_99 : memref<72x128xi32, #tpu.memory_space<vmem>>) offsets(%dma_start3A_101 : memref<72xi32, #tpu.memory_space<vmem>>) semaphore(%arg19 : memref<!tpu.dma_semaphore, #tpu.memory_space<semaphore_mem>>)
      %iota3A = tpu.iota {dimensions = array<i32: 0>} : vector<16xi32>
      %mul3A_105 = arith.constant 49 : i32
      %mul3A_106 = vector.broadcast %mul3A_105 : i32 to vector<16xi32>
      %mul3A_107 = arith.muli %iota3A, %mul3A_106 : vector<16xi32>
      %scan3A_108 = arith.constant 0 : i32
      %scan3A_109 = arith.constant 0 : i32
      %scan3A_110 = arith.constant 49 : i32
      %scan3A_111 = arith.addi %scan3A_109, %scan3A_110 : i32
      %scan3A_112 = arith.constant 1 : i32
      scf.for %scan3A_175 = %scan3A_109 to %scan3A_111 step %scan3A_112  : i32 {
        %mul3A_176 = arith.constant 16 : i32
        %mul3A_177 = arith.muli %scan3A_175, %mul3A_176 : i32
        %broadcast_in_dim3A = arith.constant 0.000000e+00 : f32
        %broadcast_in_dim3A_178 = vector.broadcast %broadcast_in_dim3A : f32 to vector<16xf32>
        %broadcast_in_dim3A_179 = arith.constant 0.000000e+00 : f32
        %broadcast_in_dim3A_180 = vector.broadcast %broadcast_in_dim3A_179 : f32 to vector<16xf32>
        %broadcast_in_dim3A_181 = arith.constant 0.000000e+00 : f32
        %broadcast_in_dim3A_182 = vector.broadcast %broadcast_in_dim3A_181 : f32 to vector<16xf32>
        %broadcast_in_dim3A_183 = arith.constant 0.000000e+00 : f32
        %broadcast_in_dim3A_184 = vector.broadcast %broadcast_in_dim3A_183 : f32 to vector<16xf32>
        %broadcast_in_dim3A_185 = arith.constant 0.000000e+00 : f32
        %broadcast_in_dim3A_186 = vector.broadcast %broadcast_in_dim3A_185 : f32 to vector<16xf32>
        %broadcast_in_dim3A_187 = arith.constant 0.000000e+00 : f32
        %broadcast_in_dim3A_188 = vector.broadcast %broadcast_in_dim3A_187 : f32 to vector<16xf32>
        %broadcast_in_dim3A_189 = arith.constant 0.000000e+00 : f32
        %broadcast_in_dim3A_190 = vector.broadcast %broadcast_in_dim3A_189 : f32 to vector<16xf32>
        %broadcast_in_dim3A_191 = arith.constant 0.000000e+00 : f32
        %broadcast_in_dim3A_192 = vector.broadcast %broadcast_in_dim3A_191 : f32 to vector<16xf32>
        %broadcast_in_dim3A_193 = arith.constant 0.000000e+00 : f32
        %broadcast_in_dim3A_194 = vector.broadcast %broadcast_in_dim3A_193 : f32 to vector<16xf32>
        %broadcast_in_dim3A_195 = arith.constant 0.000000e+00 : f32
        %broadcast_in_dim3A_196 = vector.broadcast %broadcast_in_dim3A_195 : f32 to vector<16xf32>
        %broadcast_in_dim3A_197 = arith.constant 0.000000e+00 : f32
        %broadcast_in_dim3A_198 = vector.broadcast %broadcast_in_dim3A_197 : f32 to vector<16xf32>
        %broadcast_in_dim3A_199 = arith.constant 0.000000e+00 : f32
        %broadcast_in_dim3A_200 = vector.broadcast %broadcast_in_dim3A_199 : f32 to vector<16xf32>
        %broadcast_in_dim3A_201 = arith.constant 0.000000e+00 : f32
        %broadcast_in_dim3A_202 = vector.broadcast %broadcast_in_dim3A_201 : f32 to vector<16xf32>
        %broadcast_in_dim3A_203 = arith.constant 0.000000e+00 : f32
        %broadcast_in_dim3A_204 = vector.broadcast %broadcast_in_dim3A_203 : f32 to vector<16xf32>
        %broadcast_in_dim3A_205 = arith.constant 0.000000e+00 : f32
        %broadcast_in_dim3A_206 = vector.broadcast %broadcast_in_dim3A_205 : f32 to vector<16xf32>
        %broadcast_in_dim3A_207 = arith.constant 0.000000e+00 : f32
        %broadcast_in_dim3A_208 = vector.broadcast %broadcast_in_dim3A_207 : f32 to vector<16xf32>
        %scan3A_209 = arith.constant 0 : i32
        %scan3A_210 = arith.constant 2 : i32
        %scan3A_211 = arith.addi %scan3A_209, %scan3A_210 : i32
        %scan3A_212 = arith.constant 1 : i32
        %scan3A_213:16 = scf.for %scan3A_265 = %scan3A_209 to %scan3A_211 step %scan3A_212 iter_args(%scan3A_266 = %broadcast_in_dim3A_178, %scan3A_267 = %broadcast_in_dim3A_180, %scan3A_268 = %broadcast_in_dim3A_182, %scan3A_269 = %broadcast_in_dim3A_184, %scan3A_270 = %broadcast_in_dim3A_186, %scan3A_271 = %broadcast_in_dim3A_188, %scan3A_272 = %broadcast_in_dim3A_190, %scan3A_273 = %broadcast_in_dim3A_192, %scan3A_274 = %broadcast_in_dim3A_194, %scan3A_275 = %broadcast_in_dim3A_196, %scan3A_276 = %broadcast_in_dim3A_198, %scan3A_277 = %broadcast_in_dim3A_200, %scan3A_278 = %broadcast_in_dim3A_202, %scan3A_279 = %broadcast_in_dim3A_204, %scan3A_280 = %broadcast_in_dim3A_206, %scan3A_281 = %broadcast_in_dim3A_208) -> (vector<16xf32>, vector<16xf32>, vector<16xf32>, vector<16xf32>, vector<16xf32>, vector<16xf32>, vector<16xf32>, vector<16xf32>, vector<16xf32>, vector<16xf32>, vector<16xf32>, vector<16xf32>, vector<16xf32>, vector<16xf32>, vector<16xf32>, vector<16xf32>)  : i32 {
          %mul3A_282 = arith.constant 8 : i32
          %mul3A_283 = arith.muli %scan3A_265, %mul3A_282 : i32
          %add3A_284 = arith.constant 0 : i32
          %add3A_285 = arith.addi %mul3A_283, %add3A_284 : i32
          %add3A_286 = arith.addi %mul3A_177, %add3A_285 : i32
          %broadcast_in_dim3A_287 = vector.broadcast %add3A_286 : i32 to vector<16xi32>
          %gather3A = tpu.vector_load_idx %arg11[%broadcast_in_dim3A_287] : memref<784xf32, #tpu.memory_space<vmem>>[vector<16xi32>], vector<16xf32>,
          %gather3A_288 = tpu.vector_load_idx %arg9[%broadcast_in_dim3A_287] : memref<784xi32, #tpu.memory_space<vmem>>[vector<16xi32>], vector<16xi32>,
          %add3A_289 = arith.constant 0 : i32
          %add3A_290 = vector.broadcast %add3A_289 : i32 to vector<16xi32>
          %add3A_291 = arith.addi %iota3A, %add3A_290 : vector<16xi32>
          %gather3A_292 = tpu.vector_load_idx %arg13[%gather3A_288, %add3A_291] : memref<144x128xi32, #tpu.memory_space<vmem>>[vector<16xi32>, vector<16xi32>], vector<16xi32>,
          %shift_left3A = arith.constant 16 : i32
          %shift_left3A_293 = vector.broadcast %shift_left3A : i32 to vector<16xi32>
          %shift_left3A_294 = arith.shli %gather3A_292, %shift_left3A_293 : vector<16xi32>
          %bitcast3A = vector.bitcast %shift_left3A_294 : vector<16xi32> to vector<16xf32>
          %bitcast3A_295 = vector.bitcast %gather3A_292 : vector<16xi32> to vector<16xf32>
          %mul3A_296 = arith.mulf %gather3A, %bitcast3A : vector<16xf32>
          %add3A_297 = arith.addf %scan3A_266, %mul3A_296 : vector<16xf32>
          %mul3A_298 = arith.mulf %gather3A, %bitcast3A_295 : vector<16xf32>
          %add3A_299 = arith.addf %scan3A_267, %mul3A_298 : vector<16xf32>
          %add3A_300 = arith.constant 16 : i32
          %add3A_301 = vector.broadcast %add3A_300 : i32 to vector<16xi32>
          %add3A_302 = arith.addi %iota3A, %add3A_301 : vector<16xi32>
          %gather3A_303 = tpu.vector_load_idx %arg13[%gather3A_288, %add3A_302] : memref<144x128xi32, #tpu.memory_space<vmem>>[vector<16xi32>, vector<16xi32>], vector<16xi32>,
          %shift_left3A_304 = arith.constant 16 : i32
          %shift_left3A_305 = vector.broadcast %shift_left3A_304 : i32 to vector<16xi32>
          %shift_left3A_306 = arith.shli %gather3A_303, %shift_left3A_305 : vector<16xi32>
          %bitcast3A_307 = vector.bitcast %shift_left3A_306 : vector<16xi32> to vector<16xf32>
          %bitcast3A_308 = vector.bitcast %gather3A_303 : vector<16xi32> to vector<16xf32>
          %mul3A_309 = arith.mulf %gather3A, %bitcast3A_307 : vector<16xf32>
          %add3A_310 = arith.addf %scan3A_268, %mul3A_309 : vector<16xf32>
          %mul3A_311 = arith.mulf %gather3A, %bitcast3A_308 : vector<16xf32>
          %add3A_312 = arith.addf %scan3A_269, %mul3A_311 : vector<16xf32>
          %add3A_313 = arith.constant 32 : i32
          %add3A_314 = vector.broadcast %add3A_313 : i32 to vector<16xi32>
          %add3A_315 = arith.addi %iota3A, %add3A_314 : vector<16xi32>
          %gather3A_316 = tpu.vector_load_idx %arg13[%gather3A_288, %add3A_315] : memref<144x128xi32, #tpu.memory_space<vmem>>[vector<16xi32>, vector<16xi32>], vector<16xi32>,
          %shift_left3A_317 = arith.constant 16 : i32
          %shift_left3A_318 = vector.broadcast %shift_left3A_317 : i32 to vector<16xi32>
          %shift_left3A_319 = arith.shli %gather3A_316, %shift_left3A_318 : vector<16xi32>
          %bitcast3A_320 = vector.bitcast %shift_left3A_319 : vector<16xi32> to vector<16xf32>
          %bitcast3A_321 = vector.bitcast %gather3A_316 : vector<16xi32> to vector<16xf32>
          %mul3A_322 = arith.mulf %gather3A, %bitcast3A_320 : vector<16xf32>
          %add3A_323 = arith.addf %scan3A_270, %mul3A_322 : vector<16xf32>
          %mul3A_324 = arith.mulf %gather3A, %bitcast3A_321 : vector<16xf32>
          %add3A_325 = arith.addf %scan3A_271, %mul3A_324 : vector<16xf32>
          %add3A_326 = arith.constant 48 : i32
          %add3A_327 = vector.broadcast %add3A_326 : i32 to vector<16xi32>
          %add3A_328 = arith.addi %iota3A, %add3A_327 : vector<16xi32>
          %gather3A_329 = tpu.vector_load_idx %arg13[%gather3A_288, %add3A_328] : memref<144x128xi32, #tpu.memory_space<vmem>>[vector<16xi32>, vector<16xi32>], vector<16xi32>,
          %shift_left3A_330 = arith.constant 16 : i32
          %shift_left3A_331 = vector.broadcast %shift_left3A_330 : i32 to vector<16xi32>
          %shift_left3A_332 = arith.shli %gather3A_329, %shift_left3A_331 : vector<16xi32>
          %bitcast3A_333 = vector.bitcast %shift_left3A_332 : vector<16xi32> to vector<16xf32>
          %bitcast3A_334 = vector.bitcast %gather3A_329 : vector<16xi32> to vector<16xf32>
          %mul3A_335 = arith.mulf %gather3A, %bitcast3A_333 : vector<16xf32>
          %add3A_336 = arith.addf %scan3A_272, %mul3A_335 : vector<16xf32>
          %mul3A_337 = arith.mulf %gather3A, %bitcast3A_334 : vector<16xf32>
          %add3A_338 = arith.addf %scan3A_273, %mul3A_337 : vector<16xf32>
          %add3A_339 = arith.constant 64 : i32
          %add3A_340 = vector.broadcast %add3A_339 : i32 to vector<16xi32>
          %add3A_341 = arith.addi %iota3A, %add3A_340 : vector<16xi32>
          %gather3A_342 = tpu.vector_load_idx %arg13[%gather3A_288, %add3A_341] : memref<144x128xi32, #tpu.memory_space<vmem>>[vector<16xi32>, vector<16xi32>], vector<16xi32>,
          %shift_left3A_343 = arith.constant 16 : i32
          %shift_left3A_344 = vector.broadcast %shift_left3A_343 : i32 to vector<16xi32>
          %shift_left3A_345 = arith.shli %gather3A_342, %shift_left3A_344 : vector<16xi32>
          %bitcast3A_346 = vector.bitcast %shift_left3A_345 : vector<16xi32> to vector<16xf32>
          %bitcast3A_347 = vector.bitcast %gather3A_342 : vector<16xi32> to vector<16xf32>
          %mul3A_348 = arith.mulf %gather3A, %bitcast3A_346 : vector<16xf32>
          %add3A_349 = arith.addf %scan3A_274, %mul3A_348 : vector<16xf32>
          %mul3A_350 = arith.mulf %gather3A, %bitcast3A_347 : vector<16xf32>
          %add3A_351 = arith.addf %scan3A_275, %mul3A_350 : vector<16xf32>
          %add3A_352 = arith.constant 80 : i32
          %add3A_353 = vector.broadcast %add3A_352 : i32 to vector<16xi32>
          %add3A_354 = arith.addi %iota3A, %add3A_353 : vector<16xi32>
          %gather3A_355 = tpu.vector_load_idx %arg13[%gather3A_288, %add3A_354] : memref<144x128xi32, #tpu.memory_space<vmem>>[vector<16xi32>, vector<16xi32>], vector<16xi32>,
          %shift_left3A_356 = arith.constant 16 : i32
          %shift_left3A_357 = vector.broadcast %shift_left3A_356 : i32 to vector<16xi32>
          %shift_left3A_358 = arith.shli %gather3A_355, %shift_left3A_357 : vector<16xi32>
          %bitcast3A_359 = vector.bitcast %shift_left3A_358 : vector<16xi32> to vector<16xf32>
          %bitcast3A_360 = vector.bitcast %gather3A_355 : vector<16xi32> to vector<16xf32>
          %mul3A_361 = arith.mulf %gather3A, %bitcast3A_359 : vector<16xf32>
          %add3A_362 = arith.addf %scan3A_276, %mul3A_361 : vector<16xf32>
          %mul3A_363 = arith.mulf %gather3A, %bitcast3A_360 : vector<16xf32>
          %add3A_364 = arith.addf %scan3A_277, %mul3A_363 : vector<16xf32>
          %add3A_365 = arith.constant 96 : i32
          %add3A_366 = vector.broadcast %add3A_365 : i32 to vector<16xi32>
          %add3A_367 = arith.addi %iota3A, %add3A_366 : vector<16xi32>
          %gather3A_368 = tpu.vector_load_idx %arg13[%gather3A_288, %add3A_367] : memref<144x128xi32, #tpu.memory_space<vmem>>[vector<16xi32>, vector<16xi32>], vector<16xi32>,
          %shift_left3A_369 = arith.constant 16 : i32
          %shift_left3A_370 = vector.broadcast %shift_left3A_369 : i32 to vector<16xi32>
          %shift_left3A_371 = arith.shli %gather3A_368, %shift_left3A_370 : vector<16xi32>
          %bitcast3A_372 = vector.bitcast %shift_left3A_371 : vector<16xi32> to vector<16xf32>
          %bitcast3A_373 = vector.bitcast %gather3A_368 : vector<16xi32> to vector<16xf32>
          %mul3A_374 = arith.mulf %gather3A, %bitcast3A_372 : vector<16xf32>
          %add3A_375 = arith.addf %scan3A_278, %mul3A_374 : vector<16xf32>
          %mul3A_376 = arith.mulf %gather3A, %bitcast3A_373 : vector<16xf32>
          %add3A_377 = arith.addf %scan3A_279, %mul3A_376 : vector<16xf32>
          %add3A_378 = arith.constant 112 : i32
          %add3A_379 = vector.broadcast %add3A_378 : i32 to vector<16xi32>
          %add3A_380 = arith.addi %iota3A, %add3A_379 : vector<16xi32>
          %gather3A_381 = tpu.vector_load_idx %arg13[%gather3A_288, %add3A_380] : memref<144x128xi32, #tpu.memory_space<vmem>>[vector<16xi32>, vector<16xi32>], vector<16xi32>,
          %shift_left3A_382 = arith.constant 16 : i32
          %shift_left3A_383 = vector.broadcast %shift_left3A_382 : i32 to vector<16xi32>
          %shift_left3A_384 = arith.shli %gather3A_381, %shift_left3A_383 : vector<16xi32>
          %bitcast3A_385 = vector.bitcast %shift_left3A_384 : vector<16xi32> to vector<16xf32>
          %bitcast3A_386 = vector.bitcast %gather3A_381 : vector<16xi32> to vector<16xf32>
          %mul3A_387 = arith.mulf %gather3A, %bitcast3A_385 : vector<16xf32>
          %add3A_388 = arith.addf %scan3A_280, %mul3A_387 : vector<16xf32>
          %mul3A_389 = arith.mulf %gather3A, %bitcast3A_386 : vector<16xf32>
          %add3A_390 = arith.addf %scan3A_281, %mul3A_389 : vector<16xf32>
          %mul3A_391 = arith.constant 8 : i32
          %mul3A_392 = arith.muli %scan3A_265, %mul3A_391 : i32
          %add3A_393 = arith.constant 1 : i32
          %add3A_394 = arith.addi %mul3A_392, %add3A_393 : i32
          %add3A_395 = arith.addi %mul3A_177, %add3A_394 : i32
          %broadcast_in_dim3A_396 = vector.broadcast %add3A_395 : i32 to vector<16xi32>
          %gather3A_397 = tpu.vector_load_idx %arg11[%broadcast_in_dim3A_396] : memref<784xf32, #tpu.memory_space<vmem>>[vector<16xi32>], vector<16xf32>,
          %gather3A_398 = tpu.vector_load_idx %arg9[%broadcast_in_dim3A_396] : memref<784xi32, #tpu.memory_space<vmem>>[vector<16xi32>], vector<16xi32>,
          %add3A_399 = arith.constant 0 : i32
          %add3A_400 = vector.broadcast %add3A_399 : i32 to vector<16xi32>
          %add3A_401 = arith.addi %iota3A, %add3A_400 : vector<16xi32>
          %gather3A_402 = tpu.vector_load_idx %arg13[%gather3A_398, %add3A_401] : memref<144x128xi32, #tpu.memory_space<vmem>>[vector<16xi32>, vector<16xi32>], vector<16xi32>,
          %shift_left3A_403 = arith.constant 16 : i32
          %shift_left3A_404 = vector.broadcast %shift_left3A_403 : i32 to vector<16xi32>
          %shift_left3A_405 = arith.shli %gather3A_402, %shift_left3A_404 : vector<16xi32>
          %bitcast3A_406 = vector.bitcast %shift_left3A_405 : vector<16xi32> to vector<16xf32>
          %bitcast3A_407 = vector.bitcast %gather3A_402 : vector<16xi32> to vector<16xf32>
          %mul3A_408 = arith.mulf %gather3A_397, %bitcast3A_406 : vector<16xf32>
          %add3A_409 = arith.addf %add3A_297, %mul3A_408 : vector<16xf32>
          %mul3A_410 = arith.mulf %gather3A_397, %bitcast3A_407 : vector<16xf32>
          %add3A_411 = arith.addf %add3A_299, %mul3A_410 : vector<16xf32>
          %add3A_412 = arith.constant 16 : i32
          %add3A_413 = vector.broadcast %add3A_412 : i32 to vector<16xi32>
          %add3A_414 = arith.addi %iota3A, %add3A_413 : vector<16xi32>
          %gather3A_415 = tpu.vector_load_idx %arg13[%gather3A_398, %add3A_414] : memref<144x128xi32, #tpu.memory_space<vmem>>[vector<16xi32>, vector<16xi32>], vector<16xi32>,
          %shift_left3A_416 = arith.constant 16 : i32
          %shift_left3A_417 = vector.broadcast %shift_left3A_416 : i32 to vector<16xi32>
          %shift_left3A_418 = arith.shli %gather3A_415, %shift_left3A_417 : vector<16xi32>
          %bitcast3A_419 = vector.bitcast %shift_left3A_418 : vector<16xi32> to vector<16xf32>
          %bitcast3A_420 = vector.bitcast %gather3A_415 : vector<16xi32> to vector<16xf32>
          %mul3A_421 = arith.mulf %gather3A_397, %bitcast3A_419 : vector<16xf32>
          %add3A_422 = arith.addf %add3A_310, %mul3A_421 : vector<16xf32>
          %mul3A_423 = arith.mulf %gather3A_397, %bitcast3A_420 : vector<16xf32>
          %add3A_424 = arith.addf %add3A_312, %mul3A_423 : vector<16xf32>
          %add3A_425 = arith.constant 32 : i32
          %add3A_426 = vector.broadcast %add3A_425 : i32 to vector<16xi32>
          %add3A_427 = arith.addi %iota3A, %add3A_426 : vector<16xi32>
          %gather3A_428 = tpu.vector_load_idx %arg13[%gather3A_398, %add3A_427] : memref<144x128xi32, #tpu.memory_space<vmem>>[vector<16xi32>, vector<16xi32>], vector<16xi32>,
          %shift_left3A_429 = arith.constant 16 : i32
          %shift_left3A_430 = vector.broadcast %shift_left3A_429 : i32 to vector<16xi32>
          %shift_left3A_431 = arith.shli %gather3A_428, %shift_left3A_430 : vector<16xi32>
          %bitcast3A_432 = vector.bitcast %shift_left3A_431 : vector<16xi32> to vector<16xf32>
          %bitcast3A_433 = vector.bitcast %gather3A_428 : vector<16xi32> to vector<16xf32>
          %mul3A_434 = arith.mulf %gather3A_397, %bitcast3A_432 : vector<16xf32>
          %add3A_435 = arith.addf %add3A_323, %mul3A_434 : vector<16xf32>
          %mul3A_436 = arith.mulf %gather3A_397, %bitcast3A_433 : vector<16xf32>
          %add3A_437 = arith.addf %add3A_325, %mul3A_436 : vector<16xf32>
          %add3A_438 = arith.constant 48 : i32
          %add3A_439 = vector.broadcast %add3A_438 : i32 to vector<16xi32>
          %add3A_440 = arith.addi %iota3A, %add3A_439 : vector<16xi32>
          %gather3A_441 = tpu.vector_load_idx %arg13[%gather3A_398, %add3A_440] : memref<144x128xi32, #tpu.memory_space<vmem>>[vector<16xi32>, vector<16xi32>], vector<16xi32>,
          %shift_left3A_442 = arith.constant 16 : i32
          %shift_left3A_443 = vector.broadcast %shift_left3A_442 : i32 to vector<16xi32>
          %shift_left3A_444 = arith.shli %gather3A_441, %shift_left3A_443 : vector<16xi32>
          %bitcast3A_445 = vector.bitcast %shift_left3A_444 : vector<16xi32> to vector<16xf32>
          %bitcast3A_446 = vector.bitcast %gather3A_441 : vector<16xi32> to vector<16xf32>
          %mul3A_447 = arith.mulf %gather3A_397, %bitcast3A_445 : vector<16xf32>
          %add3A_448 = arith.addf %add3A_336, %mul3A_447 : vector<16xf32>
          %mul3A_449 = arith.mulf %gather3A_397, %bitcast3A_446 : vector<16xf32>
          %add3A_450 = arith.addf %add3A_338, %mul3A_449 : vector<16xf32>
          %add3A_451 = arith.constant 64 : i32
          %add3A_452 = vector.broadcast %add3A_451 : i32 to vector<16xi32>
          %add3A_453 = arith.addi %iota3A, %add3A_452 : vector<16xi32>
          %gather3A_454 = tpu.vector_load_idx %arg13[%gather3A_398, %add3A_453] : memref<144x128xi32, #tpu.memory_space<vmem>>[vector<16xi32>, vector<16xi32>], vector<16xi32>,
          %shift_left3A_455 = arith.constant 16 : i32
          %shift_left3A_456 = vector.broadcast %shift_left3A_455 : i32 to vector<16xi32>
          %shift_left3A_457 = arith.shli %gather3A_454, %shift_left3A_456 : vector<16xi32>
          %bitcast3A_458 = vector.bitcast %shift_left3A_457 : vector<16xi32> to vector<16xf32>
          %bitcast3A_459 = vector.bitcast %gather3A_454 : vector<16xi32> to vector<16xf32>
          %mul3A_460 = arith.mulf %gather3A_397, %bitcast3A_458 : vector<16xf32>
          %add3A_461 = arith.addf %add3A_349, %mul3A_460 : vector<16xf32>
          %mul3A_462 = arith.mulf %gather3A_397, %bitcast3A_459 : vector<16xf32>
          %add3A_463 = arith.addf %add3A_351, %mul3A_462 : vector<16xf32>
          %add3A_464 = arith.constant 80 : i32
          %add3A_465 = vector.broadcast %add3A_464 : i32 to vector<16xi32>
          %add3A_466 = arith.addi %iota3A, %add3A_465 : vector<16xi32>
          %gather3A_467 = tpu.vector_load_idx %arg13[%gather3A_398, %add3A_466] : memref<144x128xi32, #tpu.memory_space<vmem>>[vector<16xi32>, vector<16xi32>], vector<16xi32>,
          %shift_left3A_468 = arith.constant 16 : i32
          %shift_left3A_469 = vector.broadcast %shift_left3A_468 : i32 to vector<16xi32>
          %shift_left3A_470 = arith.shli %gather3A_467, %shift_left3A_469 : vector<16xi32>
          %bitcast3A_471 = vector.bitcast %shift_left3A_470 : vector<16xi32> to vector<16xf32>
          %bitcast3A_472 = vector.bitcast %gather3A_467 : vector<16xi32> to vector<16xf32>
          %mul3A_473 = arith.mulf %gather3A_397, %bitcast3A_471 : vector<16xf32>
          %add3A_474 = arith.addf %add3A_362, %mul3A_473 : vector<16xf32>
          %mul3A_475 = arith.mulf %gather3A_397, %bitcast3A_472 : vector<16xf32>
          %add3A_476 = arith.addf %add3A_364, %mul3A_475 : vector<16xf32>
          %add3A_477 = arith.constant 96 : i32
          %add3A_478 = vector.broadcast %add3A_477 : i32 to vector<16xi32>
          %add3A_479 = arith.addi %iota3A, %add3A_478 : vector<16xi32>
          %gather3A_480 = tpu.vector_load_idx %arg13[%gather3A_398, %add3A_479] : memref<144x128xi32, #tpu.memory_space<vmem>>[vector<16xi32>, vector<16xi32>], vector<16xi32>,
          %shift_left3A_481 = arith.constant 16 : i32
          %shift_left3A_482 = vector.broadcast %shift_left3A_481 : i32 to vector<16xi32>
          %shift_left3A_483 = arith.shli %gather3A_480, %shift_left3A_482 : vector<16xi32>
          %bitcast3A_484 = vector.bitcast %shift_left3A_483 : vector<16xi32> to vector<16xf32>
          %bitcast3A_485 = vector.bitcast %gather3A_480 : vector<16xi32> to vector<16xf32>
          %mul3A_486 = arith.mulf %gather3A_397, %bitcast3A_484 : vector<16xf32>
          %add3A_487 = arith.addf %add3A_375, %mul3A_486 : vector<16xf32>
          %mul3A_488 = arith.mulf %gather3A_397, %bitcast3A_485 : vector<16xf32>
          %add3A_489 = arith.addf %add3A_377, %mul3A_488 : vector<16xf32>
          %add3A_490 = arith.constant 112 : i32
          %add3A_491 = vector.broadcast %add3A_490 : i32 to vector<16xi32>
          %add3A_492 = arith.addi %iota3A, %add3A_491 : vector<16xi32>
          %gather3A_493 = tpu.vector_load_idx %arg13[%gather3A_398, %add3A_492] : memref<144x128xi32, #tpu.memory_space<vmem>>[vector<16xi32>, vector<16xi32>], vector<16xi32>,
          %shift_left3A_494 = arith.constant 16 : i32
          %shift_left3A_495 = vector.broadcast %shift_left3A_494 : i32 to vector<16xi32>
          %shift_left3A_496 = arith.shli %gather3A_493, %shift_left3A_495 : vector<16xi32>
          %bitcast3A_497 = vector.bitcast %shift_left3A_496 : vector<16xi32> to vector<16xf32>
          %bitcast3A_498 = vector.bitcast %gather3A_493 : vector<16xi32> to vector<16xf32>
          %mul3A_499 = arith.mulf %gather3A_397, %bitcast3A_497 : vector<16xf32>
          %add3A_500 = arith.addf %add3A_388, %mul3A_499 : vector<16xf32>
          %mul3A_501 = arith.mulf %gather3A_397, %bitcast3A_498 : vector<16xf32>
          %add3A_502 = arith.addf %add3A_390, %mul3A_501 : vector<16xf32>
          %mul3A_503 = arith.constant 8 : i32
          %mul3A_504 = arith.muli %scan3A_265, %mul3A_503 : i32
          %add3A_505 = arith.constant 2 : i32
          %add3A_506 = arith.addi %mul3A_504, %add3A_505 : i32
          %add3A_507 = arith.addi %mul3A_177, %add3A_506 : i32
          %broadcast_in_dim3A_508 = vector.broadcast %add3A_507 : i32 to vector<16xi32>
          %gather3A_509 = tpu.vector_load_idx %arg11[%broadcast_in_dim3A_508] : memref<784xf32, #tpu.memory_space<vmem>>[vector<16xi32>], vector<16xf32>,
          %gather3A_510 = tpu.vector_load_idx %arg9[%broadcast_in_dim3A_508] : memref<784xi32, #tpu.memory_space<vmem>>[vector<16xi32>], vector<16xi32>,
          %add3A_511 = arith.constant 0 : i32
          %add3A_512 = vector.broadcast %add3A_511 : i32 to vector<16xi32>
          %add3A_513 = arith.addi %iota3A, %add3A_512 : vector<16xi32>
          %gather3A_514 = tpu.vector_load_idx %arg13[%gather3A_510, %add3A_513] : memref<144x128xi32, #tpu.memory_space<vmem>>[vector<16xi32>, vector<16xi32>], vector<16xi32>,
          %shift_left3A_515 = arith.constant 16 : i32
          %shift_left3A_516 = vector.broadcast %shift_left3A_515 : i32 to vector<16xi32>
          %shift_left3A_517 = arith.shli %gather3A_514, %shift_left3A_516 : vector<16xi32>
          %bitcast3A_518 = vector.bitcast %shift_left3A_517 : vector<16xi32> to vector<16xf32>
          %bitcast3A_519 = vector.bitcast %gather3A_514 : vector<16xi32> to vector<16xf32>
          %mul3A_520 = arith.mulf %gather3A_509, %bitcast3A_518 : vector<16xf32>
          %add3A_521 = arith.addf %add3A_409, %mul3A_520 : vector<16xf32>
          %mul3A_522 = arith.mulf %gather3A_509, %bitcast3A_519 : vector<16xf32>
          %add3A_523 = arith.addf %add3A_411, %mul3A_522 : vector<16xf32>
          %add3A_524 = arith.constant 16 : i32
          %add3A_525 = vector.broadcast %add3A_524 : i32 to vector<16xi32>
          %add3A_526 = arith.addi %iota3A, %add3A_525 : vector<16xi32>
          %gather3A_527 = tpu.vector_load_idx %arg13[%gather3A_510, %add3A_526] : memref<144x128xi32, #tpu.memory_space<vmem>>[vector<16xi32>, vector<16xi32>], vector<16xi32>,
          %shift_left3A_528 = arith.constant 16 : i32
          %shift_left3A_529 = vector.broadcast %shift_left3A_528 : i32 to vector<16xi32>
          %shift_left3A_530 = arith.shli %gather3A_527, %shift_left3A_529 : vector<16xi32>
          %bitcast3A_531 = vector.bitcast %shift_left3A_530 : vector<16xi32> to vector<16xf32>
          %bitcast3A_532 = vector.bitcast %gather3A_527 : vector<16xi32> to vector<16xf32>
          %mul3A_533 = arith.mulf %gather3A_509, %bitcast3A_531 : vector<16xf32>
          %add3A_534 = arith.addf %add3A_422, %mul3A_533 : vector<16xf32>
          %mul3A_535 = arith.mulf %gather3A_509, %bitcast3A_532 : vector<16xf32>
          %add3A_536 = arith.addf %add3A_424, %mul3A_535 : vector<16xf32>
          %add3A_537 = arith.constant 32 : i32
          %add3A_538 = vector.broadcast %add3A_537 : i32 to vector<16xi32>
          %add3A_539 = arith.addi %iota3A, %add3A_538 : vector<16xi32>
          %gather3A_540 = tpu.vector_load_idx %arg13[%gather3A_510, %add3A_539] : memref<144x128xi32, #tpu.memory_space<vmem>>[vector<16xi32>, vector<16xi32>], vector<16xi32>,
          %shift_left3A_541 = arith.constant 16 : i32
          %shift_left3A_542 = vector.broadcast %shift_left3A_541 : i32 to vector<16xi32>
          %shift_left3A_543 = arith.shli %gather3A_540, %shift_left3A_542 : vector<16xi32>
          %bitcast3A_544 = vector.bitcast %shift_left3A_543 : vector<16xi32> to vector<16xf32>
          %bitcast3A_545 = vector.bitcast %gather3A_540 : vector<16xi32> to vector<16xf32>
          %mul3A_546 = arith.mulf %gather3A_509, %bitcast3A_544 : vector<16xf32>
          %add3A_547 = arith.addf %add3A_435, %mul3A_546 : vector<16xf32>
          %mul3A_548 = arith.mulf %gather3A_509, %bitcast3A_545 : vector<16xf32>
          %add3A_549 = arith.addf %add3A_437, %mul3A_548 : vector<16xf32>
          %add3A_550 = arith.constant 48 : i32
          %add3A_551 = vector.broadcast %add3A_550 : i32 to vector<16xi32>
          %add3A_552 = arith.addi %iota3A, %add3A_551 : vector<16xi32>
          %gather3A_553 = tpu.vector_load_idx %arg13[%gather3A_510, %add3A_552] : memref<144x128xi32, #tpu.memory_space<vmem>>[vector<16xi32>, vector<16xi32>], vector<16xi32>,
          %shift_left3A_554 = arith.constant 16 : i32
          %shift_left3A_555 = vector.broadcast %shift_left3A_554 : i32 to vector<16xi32>
          %shift_left3A_556 = arith.shli %gather3A_553, %shift_left3A_555 : vector<16xi32>
          %bitcast3A_557 = vector.bitcast %shift_left3A_556 : vector<16xi32> to vector<16xf32>
          %bitcast3A_558 = vector.bitcast %gather3A_553 : vector<16xi32> to vector<16xf32>
          %mul3A_559 = arith.mulf %gather3A_509, %bitcast3A_557 : vector<16xf32>
          %add3A_560 = arith.addf %add3A_448, %mul3A_559 : vector<16xf32>
          %mul3A_561 = arith.mulf %gather3A_509, %bitcast3A_558 : vector<16xf32>
          %add3A_562 = arith.addf %add3A_450, %mul3A_561 : vector<16xf32>
          %add3A_563 = arith.constant 64 : i32
          %add3A_564 = vector.broadcast %add3A_563 : i32 to vector<16xi32>
          %add3A_565 = arith.addi %iota3A, %add3A_564 : vector<16xi32>
          %gather3A_566 = tpu.vector_load_idx %arg13[%gather3A_510, %add3A_565] : memref<144x128xi32, #tpu.memory_space<vmem>>[vector<16xi32>, vector<16xi32>], vector<16xi32>,
          %shift_left3A_567 = arith.constant 16 : i32
          %shift_left3A_568 = vector.broadcast %shift_left3A_567 : i32 to vector<16xi32>
          %shift_left3A_569 = arith.shli %gather3A_566, %shift_left3A_568 : vector<16xi32>
          %bitcast3A_570 = vector.bitcast %shift_left3A_569 : vector<16xi32> to vector<16xf32>
          %bitcast3A_571 = vector.bitcast %gather3A_566 : vector<16xi32> to vector<16xf32>
          %mul3A_572 = arith.mulf %gather3A_509, %bitcast3A_570 : vector<16xf32>
          %add3A_573 = arith.addf %add3A_461, %mul3A_572 : vector<16xf32>
          %mul3A_574 = arith.mulf %gather3A_509, %bitcast3A_571 : vector<16xf32>
          %add3A_575 = arith.addf %add3A_463, %mul3A_574 : vector<16xf32>
          %add3A_576 = arith.constant 80 : i32
          %add3A_577 = vector.broadcast %add3A_576 : i32 to vector<16xi32>
          %add3A_578 = arith.addi %iota3A, %add3A_577 : vector<16xi32>
          %gather3A_579 = tpu.vector_load_idx %arg13[%gather3A_510, %add3A_578] : memref<144x128xi32, #tpu.memory_space<vmem>>[vector<16xi32>, vector<16xi32>], vector<16xi32>,
          %shift_left3A_580 = arith.constant 16 : i32
          %shift_left3A_581 = vector.broadcast %shift_left3A_580 : i32 to vector<16xi32>
          %shift_left3A_582 = arith.shli %gather3A_579, %shift_left3A_581 : vector<16xi32>
          %bitcast3A_583 = vector.bitcast %shift_left3A_582 : vector<16xi32> to vector<16xf32>
          %bitcast3A_584 = vector.bitcast %gather3A_579 : vector<16xi32> to vector<16xf32>
          %mul3A_585 = arith.mulf %gather3A_509, %bitcast3A_583 : vector<16xf32>
          %add3A_586 = arith.addf %add3A_474, %mul3A_585 : vector<16xf32>
          %mul3A_587 = arith.mulf %gather3A_509, %bitcast3A_584 : vector<16xf32>
          %add3A_588 = arith.addf %add3A_476, %mul3A_587 : vector<16xf32>
          %add3A_589 = arith.constant 96 : i32
          %add3A_590 = vector.broadcast %add3A_589 : i32 to vector<16xi32>
          %add3A_591 = arith.addi %iota3A, %add3A_590 : vector<16xi32>
          %gather3A_592 = tpu.vector_load_idx %arg13[%gather3A_510, %add3A_591] : memref<144x128xi32, #tpu.memory_space<vmem>>[vector<16xi32>, vector<16xi32>], vector<16xi32>,
          %shift_left3A_593 = arith.constant 16 : i32
          %shift_left3A_594 = vector.broadcast %shift_left3A_593 : i32 to vector<16xi32>
          %shift_left3A_595 = arith.shli %gather3A_592, %shift_left3A_594 : vector<16xi32>
          %bitcast3A_596 = vector.bitcast %shift_left3A_595 : vector<16xi32> to vector<16xf32>
          %bitcast3A_597 = vector.bitcast %gather3A_592 : vector<16xi32> to vector<16xf32>
          %mul3A_598 = arith.mulf %gather3A_509, %bitcast3A_596 : vector<16xf32>
          %add3A_599 = arith.addf %add3A_487, %mul3A_598 : vector<16xf32>
          %mul3A_600 = arith.mulf %gather3A_509, %bitcast3A_597 : vector<16xf32>
          %add3A_601 = arith.addf %add3A_489, %mul3A_600 : vector<16xf32>
          %add3A_602 = arith.constant 112 : i32
          %add3A_603 = vector.broadcast %add3A_602 : i32 to vector<16xi32>
          %add3A_604 = arith.addi %iota3A, %add3A_603 : vector<16xi32>
          %gather3A_605 = tpu.vector_load_idx %arg13[%gather3A_510, %add3A_604] : memref<144x128xi32, #tpu.memory_space<vmem>>[vector<16xi32>, vector<16xi32>], vector<16xi32>,
          %shift_left3A_606 = arith.constant 16 : i32
          %shift_left3A_607 = vector.broadcast %shift_left3A_606 : i32 to vector<16xi32>
          %shift_left3A_608 = arith.shli %gather3A_605, %shift_left3A_607 : vector<16xi32>
          %bitcast3A_609 = vector.bitcast %shift_left3A_608 : vector<16xi32> to vector<16xf32>
          %bitcast3A_610 = vector.bitcast %gather3A_605 : vector<16xi32> to vector<16xf32>
          %mul3A_611 = arith.mulf %gather3A_509, %bitcast3A_609 : vector<16xf32>
          %add3A_612 = arith.addf %add3A_500, %mul3A_611 : vector<16xf32>
          %mul3A_613 = arith.mulf %gather3A_509, %bitcast3A_610 : vector<16xf32>
          %add3A_614 = arith.addf %add3A_502, %mul3A_613 : vector<16xf32>
          %mul3A_615 = arith.constant 8 : i32
          %mul3A_616 = arith.muli %scan3A_265, %mul3A_615 : i32
          %add3A_617 = arith.constant 3 : i32
          %add3A_618 = arith.addi %mul3A_616, %add3A_617 : i32
          %add3A_619 = arith.addi %mul3A_177, %add3A_618 : i32
          %broadcast_in_dim3A_620 = vector.broadcast %add3A_619 : i32 to vector<16xi32>
          %gather3A_621 = tpu.vector_load_idx %arg11[%broadcast_in_dim3A_620] : memref<784xf32, #tpu.memory_space<vmem>>[vector<16xi32>], vector<16xf32>,
          %gather3A_622 = tpu.vector_load_idx %arg9[%broadcast_in_dim3A_620] : memref<784xi32, #tpu.memory_space<vmem>>[vector<16xi32>], vector<16xi32>,
          %add3A_623 = arith.constant 0 : i32
          %add3A_624 = vector.broadcast %add3A_623 : i32 to vector<16xi32>
          %add3A_625 = arith.addi %iota3A, %add3A_624 : vector<16xi32>
          %gather3A_626 = tpu.vector_load_idx %arg13[%gather3A_622, %add3A_625] : memref<144x128xi32, #tpu.memory_space<vmem>>[vector<16xi32>, vector<16xi32>], vector<16xi32>,
          %shift_left3A_627 = arith.constant 16 : i32
          %shift_left3A_628 = vector.broadcast %shift_left3A_627 : i32 to vector<16xi32>
          %shift_left3A_629 = arith.shli %gather3A_626, %shift_left3A_628 : vector<16xi32>
          %bitcast3A_630 = vector.bitcast %shift_left3A_629 : vector<16xi32> to vector<16xf32>
          %bitcast3A_631 = vector.bitcast %gather3A_626 : vector<16xi32> to vector<16xf32>
          %mul3A_632 = arith.mulf %gather3A_621, %bitcast3A_630 : vector<16xf32>
          %add3A_633 = arith.addf %add3A_521, %mul3A_632 : vector<16xf32>
          %mul3A_634 = arith.mulf %gather3A_621, %bitcast3A_631 : vector<16xf32>
          %add3A_635 = arith.addf %add3A_523, %mul3A_634 : vector<16xf32>
          %add3A_636 = arith.constant 16 : i32
          %add3A_637 = vector.broadcast %add3A_636 : i32 to vector<16xi32>
          %add3A_638 = arith.addi %iota3A, %add3A_637 : vector<16xi32>
          %gather3A_639 = tpu.vector_load_idx %arg13[%gather3A_622, %add3A_638] : memref<144x128xi32, #tpu.memory_space<vmem>>[vector<16xi32>, vector<16xi32>], vector<16xi32>,
          %shift_left3A_640 = arith.constant 16 : i32
          %shift_left3A_641 = vector.broadcast %shift_left3A_640 : i32 to vector<16xi32>
          %shift_left3A_642 = arith.shli %gather3A_639, %shift_left3A_641 : vector<16xi32>
          %bitcast3A_643 = vector.bitcast %shift_left3A_642 : vector<16xi32> to vector<16xf32>
          %bitcast3A_644 = vector.bitcast %gather3A_639 : vector<16xi32> to vector<16xf32>
          %mul3A_645 = arith.mulf %gather3A_621, %bitcast3A_643 : vector<16xf32>
          %add3A_646 = arith.addf %add3A_534, %mul3A_645 : vector<16xf32>
          %mul3A_647 = arith.mulf %gather3A_621, %bitcast3A_644 : vector<16xf32>
          %add3A_648 = arith.addf %add3A_536, %mul3A_647 : vector<16xf32>
          %add3A_649 = arith.constant 32 : i32
          %add3A_650 = vector.broadcast %add3A_649 : i32 to vector<16xi32>
          %add3A_651 = arith.addi %iota3A, %add3A_650 : vector<16xi32>
          %gather3A_652 = tpu.vector_load_idx %arg13[%gather3A_622, %add3A_651] : memref<144x128xi32, #tpu.memory_space<vmem>>[vector<16xi32>, vector<16xi32>], vector<16xi32>,
          %shift_left3A_653 = arith.constant 16 : i32
          %shift_left3A_654 = vector.broadcast %shift_left3A_653 : i32 to vector<16xi32>
          %shift_left3A_655 = arith.shli %gather3A_652, %shift_left3A_654 : vector<16xi32>
          %bitcast3A_656 = vector.bitcast %shift_left3A_655 : vector<16xi32> to vector<16xf32>
          %bitcast3A_657 = vector.bitcast %gather3A_652 : vector<16xi32> to vector<16xf32>
          %mul3A_658 = arith.mulf %gather3A_621, %bitcast3A_656 : vector<16xf32>
          %add3A_659 = arith.addf %add3A_547, %mul3A_658 : vector<16xf32>
          %mul3A_660 = arith.mulf %gather3A_621, %bitcast3A_657 : vector<16xf32>
          %add3A_661 = arith.addf %add3A_549, %mul3A_660 : vector<16xf32>
          %add3A_662 = arith.constant 48 : i32
          %add3A_663 = vector.broadcast %add3A_662 : i32 to vector<16xi32>
          %add3A_664 = arith.addi %iota3A, %add3A_663 : vector<16xi32>
          %gather3A_665 = tpu.vector_load_idx %arg13[%gather3A_622, %add3A_664] : memref<144x128xi32, #tpu.memory_space<vmem>>[vector<16xi32>, vector<16xi32>], vector<16xi32>,
          %shift_left3A_666 = arith.constant 16 : i32
          %shift_left3A_667 = vector.broadcast %shift_left3A_666 : i32 to vector<16xi32>
          %shift_left3A_668 = arith.shli %gather3A_665, %shift_left3A_667 : vector<16xi32>
          %bitcast3A_669 = vector.bitcast %shift_left3A_668 : vector<16xi32> to vector<16xf32>
          %bitcast3A_670 = vector.bitcast %gather3A_665 : vector<16xi32> to vector<16xf32>
          %mul3A_671 = arith.mulf %gather3A_621, %bitcast3A_669 : vector<16xf32>
          %add3A_672 = arith.addf %add3A_560, %mul3A_671 : vector<16xf32>
          %mul3A_673 = arith.mulf %gather3A_621, %bitcast3A_670 : vector<16xf32>
          %add3A_674 = arith.addf %add3A_562, %mul3A_673 : vector<16xf32>
          %add3A_675 = arith.constant 64 : i32
          %add3A_676 = vector.broadcast %add3A_675 : i32 to vector<16xi32>
          %add3A_677 = arith.addi %iota3A, %add3A_676 : vector<16xi32>
          %gather3A_678 = tpu.vector_load_idx %arg13[%gather3A_622, %add3A_677] : memref<144x128xi32, #tpu.memory_space<vmem>>[vector<16xi32>, vector<16xi32>], vector<16xi32>,
          %shift_left3A_679 = arith.constant 16 : i32
          %shift_left3A_680 = vector.broadcast %shift_left3A_679 : i32 to vector<16xi32>
          %shift_left3A_681 = arith.shli %gather3A_678, %shift_left3A_680 : vector<16xi32>
          %bitcast3A_682 = vector.bitcast %shift_left3A_681 : vector<16xi32> to vector<16xf32>
          %bitcast3A_683 = vector.bitcast %gather3A_678 : vector<16xi32> to vector<16xf32>
          %mul3A_684 = arith.mulf %gather3A_621, %bitcast3A_682 : vector<16xf32>
          %add3A_685 = arith.addf %add3A_573, %mul3A_684 : vector<16xf32>
          %mul3A_686 = arith.mulf %gather3A_621, %bitcast3A_683 : vector<16xf32>
          %add3A_687 = arith.addf %add3A_575, %mul3A_686 : vector<16xf32>
          %add3A_688 = arith.constant 80 : i32
          %add3A_689 = vector.broadcast %add3A_688 : i32 to vector<16xi32>
          %add3A_690 = arith.addi %iota3A, %add3A_689 : vector<16xi32>
          %gather3A_691 = tpu.vector_load_idx %arg13[%gather3A_622, %add3A_690] : memref<144x128xi32, #tpu.memory_space<vmem>>[vector<16xi32>, vector<16xi32>], vector<16xi32>,
          %shift_left3A_692 = arith.constant 16 : i32
          %shift_left3A_693 = vector.broadcast %shift_left3A_692 : i32 to vector<16xi32>
          %shift_left3A_694 = arith.shli %gather3A_691, %shift_left3A_693 : vector<16xi32>
          %bitcast3A_695 = vector.bitcast %shift_left3A_694 : vector<16xi32> to vector<16xf32>
          %bitcast3A_696 = vector.bitcast %gather3A_691 : vector<16xi32> to vector<16xf32>
          %mul3A_697 = arith.mulf %gather3A_621, %bitcast3A_695 : vector<16xf32>
          %add3A_698 = arith.addf %add3A_586, %mul3A_697 : vector<16xf32>
          %mul3A_699 = arith.mulf %gather3A_621, %bitcast3A_696 : vector<16xf32>
          %add3A_700 = arith.addf %add3A_588, %mul3A_699 : vector<16xf32>
          %add3A_701 = arith.constant 96 : i32
          %add3A_702 = vector.broadcast %add3A_701 : i32 to vector<16xi32>
          %add3A_703 = arith.addi %iota3A, %add3A_702 : vector<16xi32>
          %gather3A_704 = tpu.vector_load_idx %arg13[%gather3A_622, %add3A_703] : memref<144x128xi32, #tpu.memory_space<vmem>>[vector<16xi32>, vector<16xi32>], vector<16xi32>,
          %shift_left3A_705 = arith.constant 16 : i32
          %shift_left3A_706 = vector.broadcast %shift_left3A_705 : i32 to vector<16xi32>
          %shift_left3A_707 = arith.shli %gather3A_704, %shift_left3A_706 : vector<16xi32>
          %bitcast3A_708 = vector.bitcast %shift_left3A_707 : vector<16xi32> to vector<16xf32>
          %bitcast3A_709 = vector.bitcast %gather3A_704 : vector<16xi32> to vector<16xf32>
          %mul3A_710 = arith.mulf %gather3A_621, %bitcast3A_708 : vector<16xf32>
          %add3A_711 = arith.addf %add3A_599, %mul3A_710 : vector<16xf32>
          %mul3A_712 = arith.mulf %gather3A_621, %bitcast3A_709 : vector<16xf32>
          %add3A_713 = arith.addf %add3A_601, %mul3A_712 : vector<16xf32>
          %add3A_714 = arith.constant 112 : i32
          %add3A_715 = vector.broadcast %add3A_714 : i32 to vector<16xi32>
          %add3A_716 = arith.addi %iota3A, %add3A_715 : vector<16xi32>
          %gather3A_717 = tpu.vector_load_idx %arg13[%gather3A_622, %add3A_716] : memref<144x128xi32, #tpu.memory_space<vmem>>[vector<16xi32>, vector<16xi32>], vector<16xi32>,
          %shift_left3A_718 = arith.constant 16 : i32
          %shift_left3A_719 = vector.broadcast %shift_left3A_718 : i32 to vector<16xi32>
          %shift_left3A_720 = arith.shli %gather3A_717, %shift_left3A_719 : vector<16xi32>
          %bitcast3A_721 = vector.bitcast %shift_left3A_720 : vector<16xi32> to vector<16xf32>
          %bitcast3A_722 = vector.bitcast %gather3A_717 : vector<16xi32> to vector<16xf32>
          %mul3A_723 = arith.mulf %gather3A_621, %bitcast3A_721 : vector<16xf32>
          %add3A_724 = arith.addf %add3A_612, %mul3A_723 : vector<16xf32>
          %mul3A_725 = arith.mulf %gather3A_621, %bitcast3A_722 : vector<16xf32>
          %add3A_726 = arith.addf %add3A_614, %mul3A_725 : vector<16xf32>
          %mul3A_727 = arith.constant 8 : i32
          %mul3A_728 = arith.muli %scan3A_265, %mul3A_727 : i32
          %add3A_729 = arith.constant 4 : i32
          %add3A_730 = arith.addi %mul3A_728, %add3A_729 : i32
          %add3A_731 = arith.addi %mul3A_177, %add3A_730 : i32
          %broadcast_in_dim3A_732 = vector.broadcast %add3A_731 : i32 to vector<16xi32>
          %gather3A_733 = tpu.vector_load_idx %arg11[%broadcast_in_dim3A_732] : memref<784xf32, #tpu.memory_space<vmem>>[vector<16xi32>], vector<16xf32>,
          %gather3A_734 = tpu.vector_load_idx %arg9[%broadcast_in_dim3A_732] : memref<784xi32, #tpu.memory_space<vmem>>[vector<16xi32>], vector<16xi32>,
          %add3A_735 = arith.constant 0 : i32
          %add3A_736 = vector.broadcast %add3A_735 : i32 to vector<16xi32>
          %add3A_737 = arith.addi %iota3A, %add3A_736 : vector<16xi32>
          %gather3A_738 = tpu.vector_load_idx %arg13[%gather3A_734, %add3A_737] : memref<144x128xi32, #tpu.memory_space<vmem>>[vector<16xi32>, vector<16xi32>], vector<16xi32>,
          %shift_left3A_739 = arith.constant 16 : i32
          %shift_left3A_740 = vector.broadcast %shift_left3A_739 : i32 to vector<16xi32>
          %shift_left3A_741 = arith.shli %gather3A_738, %shift_left3A_740 : vector<16xi32>
          %bitcast3A_742 = vector.bitcast %shift_left3A_741 : vector<16xi32> to vector<16xf32>
          %bitcast3A_743 = vector.bitcast %gather3A_738 : vector<16xi32> to vector<16xf32>
          %mul3A_744 = arith.mulf %gather3A_733, %bitcast3A_742 : vector<16xf32>
          %add3A_745 = arith.addf %add3A_633, %mul3A_744 : vector<16xf32>
          %mul3A_746 = arith.mulf %gather3A_733, %bitcast3A_743 : vector<16xf32>
          %add3A_747 = arith.addf %add3A_635, %mul3A_746 : vector<16xf32>
          %add3A_748 = arith.constant 16 : i32
          %add3A_749 = vector.broadcast %add3A_748 : i32 to vector<16xi32>
          %add3A_750 = arith.addi %iota3A, %add3A_749 : vector<16xi32>
          %gather3A_751 = tpu.vector_load_idx %arg13[%gather3A_734, %add3A_750] : memref<144x128xi32, #tpu.memory_space<vmem>>[vector<16xi32>, vector<16xi32>], vector<16xi32>,
          %shift_left3A_752 = arith.constant 16 : i32
          %shift_left3A_753 = vector.broadcast %shift_left3A_752 : i32 to vector<16xi32>
          %shift_left3A_754 = arith.shli %gather3A_751, %shift_left3A_753 : vector<16xi32>
          %bitcast3A_755 = vector.bitcast %shift_left3A_754 : vector<16xi32> to vector<16xf32>
          %bitcast3A_756 = vector.bitcast %gather3A_751 : vector<16xi32> to vector<16xf32>
          %mul3A_757 = arith.mulf %gather3A_733, %bitcast3A_755 : vector<16xf32>
          %add3A_758 = arith.addf %add3A_646, %mul3A_757 : vector<16xf32>
          %mul3A_759 = arith.mulf %gather3A_733, %bitcast3A_756 : vector<16xf32>
          %add3A_760 = arith.addf %add3A_648, %mul3A_759 : vector<16xf32>
          %add3A_761 = arith.constant 32 : i32
          %add3A_762 = vector.broadcast %add3A_761 : i32 to vector<16xi32>
          %add3A_763 = arith.addi %iota3A, %add3A_762 : vector<16xi32>
          %gather3A_764 = tpu.vector_load_idx %arg13[%gather3A_734, %add3A_763] : memref<144x128xi32, #tpu.memory_space<vmem>>[vector<16xi32>, vector<16xi32>], vector<16xi32>,
          %shift_left3A_765 = arith.constant 16 : i32
          %shift_left3A_766 = vector.broadcast %shift_left3A_765 : i32 to vector<16xi32>
          %shift_left3A_767 = arith.shli %gather3A_764, %shift_left3A_766 : vector<16xi32>
          %bitcast3A_768 = vector.bitcast %shift_left3A_767 : vector<16xi32> to vector<16xf32>
          %bitcast3A_769 = vector.bitcast %gather3A_764 : vector<16xi32> to vector<16xf32>
          %mul3A_770 = arith.mulf %gather3A_733, %bitcast3A_768 : vector<16xf32>
          %add3A_771 = arith.addf %add3A_659, %mul3A_770 : vector<16xf32>
          %mul3A_772 = arith.mulf %gather3A_733, %bitcast3A_769 : vector<16xf32>
          %add3A_773 = arith.addf %add3A_661, %mul3A_772 : vector<16xf32>
          %add3A_774 = arith.constant 48 : i32
          %add3A_775 = vector.broadcast %add3A_774 : i32 to vector<16xi32>
          %add3A_776 = arith.addi %iota3A, %add3A_775 : vector<16xi32>
          %gather3A_777 = tpu.vector_load_idx %arg13[%gather3A_734, %add3A_776] : memref<144x128xi32, #tpu.memory_space<vmem>>[vector<16xi32>, vector<16xi32>], vector<16xi32>,
          %shift_left3A_778 = arith.constant 16 : i32
          %shift_left3A_779 = vector.broadcast %shift_left3A_778 : i32 to vector<16xi32>
          %shift_left3A_780 = arith.shli %gather3A_777, %shift_left3A_779 : vector<16xi32>
          %bitcast3A_781 = vector.bitcast %shift_left3A_780 : vector<16xi32> to vector<16xf32>
          %bitcast3A_782 = vector.bitcast %gather3A_777 : vector<16xi32> to vector<16xf32>
          %mul3A_783 = arith.mulf %gather3A_733, %bitcast3A_781 : vector<16xf32>
          %add3A_784 = arith.addf %add3A_672, %mul3A_783 : vector<16xf32>
          %mul3A_785 = arith.mulf %gather3A_733, %bitcast3A_782 : vector<16xf32>
          %add3A_786 = arith.addf %add3A_674, %mul3A_785 : vector<16xf32>
          %add3A_787 = arith.constant 64 : i32
          %add3A_788 = vector.broadcast %add3A_787 : i32 to vector<16xi32>
          %add3A_789 = arith.addi %iota3A, %add3A_788 : vector<16xi32>
          %gather3A_790 = tpu.vector_load_idx %arg13[%gather3A_734, %add3A_789] : memref<144x128xi32, #tpu.memory_space<vmem>>[vector<16xi32>, vector<16xi32>], vector<16xi32>,
          %shift_left3A_791 = arith.constant 16 : i32
          %shift_left3A_792 = vector.broadcast %shift_left3A_791 : i32 to vector<16xi32>
          %shift_left3A_793 = arith.shli %gather3A_790, %shift_left3A_792 : vector<16xi32>
          %bitcast3A_794 = vector.bitcast %shift_left3A_793 : vector<16xi32> to vector<16xf32>
          %bitcast3A_795 = vector.bitcast %gather3A_790 : vector<16xi32> to vector<16xf32>
          %mul3A_796 = arith.mulf %gather3A_733, %bitcast3A_794 : vector<16xf32>
          %add3A_797 = arith.addf %add3A_685, %mul3A_796 : vector<16xf32>
          %mul3A_798 = arith.mulf %gather3A_733, %bitcast3A_795 : vector<16xf32>
          %add3A_799 = arith.addf %add3A_687, %mul3A_798 : vector<16xf32>
          %add3A_800 = arith.constant 80 : i32
          %add3A_801 = vector.broadcast %add3A_800 : i32 to vector<16xi32>
          %add3A_802 = arith.addi %iota3A, %add3A_801 : vector<16xi32>
          %gather3A_803 = tpu.vector_load_idx %arg13[%gather3A_734, %add3A_802] : memref<144x128xi32, #tpu.memory_space<vmem>>[vector<16xi32>, vector<16xi32>], vector<16xi32>,
          %shift_left3A_804 = arith.constant 16 : i32
          %shift_left3A_805 = vector.broadcast %shift_left3A_804 : i32 to vector<16xi32>
          %shift_left3A_806 = arith.shli %gather3A_803, %shift_left3A_805 : vector<16xi32>
          %bitcast3A_807 = vector.bitcast %shift_left3A_806 : vector<16xi32> to vector<16xf32>
          %bitcast3A_808 = vector.bitcast %gather3A_803 : vector<16xi32> to vector<16xf32>
          %mul3A_809 = arith.mulf %gather3A_733, %bitcast3A_807 : vector<16xf32>
          %add3A_810 = arith.addf %add3A_698, %mul3A_809 : vector<16xf32>
          %mul3A_811 = arith.mulf %gather3A_733, %bitcast3A_808 : vector<16xf32>
          %add3A_812 = arith.addf %add3A_700, %mul3A_811 : vector<16xf32>
          %add3A_813 = arith.constant 96 : i32
          %add3A_814 = vector.broadcast %add3A_813 : i32 to vector<16xi32>
          %add3A_815 = arith.addi %iota3A, %add3A_814 : vector<16xi32>
          %gather3A_816 = tpu.vector_load_idx %arg13[%gather3A_734, %add3A_815] : memref<144x128xi32, #tpu.memory_space<vmem>>[vector<16xi32>, vector<16xi32>], vector<16xi32>,
          %shift_left3A_817 = arith.constant 16 : i32
          %shift_left3A_818 = vector.broadcast %shift_left3A_817 : i32 to vector<16xi32>
          %shift_left3A_819 = arith.shli %gather3A_816, %shift_left3A_818 : vector<16xi32>
          %bitcast3A_820 = vector.bitcast %shift_left3A_819 : vector<16xi32> to vector<16xf32>
          %bitcast3A_821 = vector.bitcast %gather3A_816 : vector<16xi32> to vector<16xf32>
          %mul3A_822 = arith.mulf %gather3A_733, %bitcast3A_820 : vector<16xf32>
          %add3A_823 = arith.addf %add3A_711, %mul3A_822 : vector<16xf32>
          %mul3A_824 = arith.mulf %gather3A_733, %bitcast3A_821 : vector<16xf32>
          %add3A_825 = arith.addf %add3A_713, %mul3A_824 : vector<16xf32>
          %add3A_826 = arith.constant 112 : i32
          %add3A_827 = vector.broadcast %add3A_826 : i32 to vector<16xi32>
          %add3A_828 = arith.addi %iota3A, %add3A_827 : vector<16xi32>
          %gather3A_829 = tpu.vector_load_idx %arg13[%gather3A_734, %add3A_828] : memref<144x128xi32, #tpu.memory_space<vmem>>[vector<16xi32>, vector<16xi32>], vector<16xi32>,
          %shift_left3A_830 = arith.constant 16 : i32
          %shift_left3A_831 = vector.broadcast %shift_left3A_830 : i32 to vector<16xi32>
          %shift_left3A_832 = arith.shli %gather3A_829, %shift_left3A_831 : vector<16xi32>
          %bitcast3A_833 = vector.bitcast %shift_left3A_832 : vector<16xi32> to vector<16xf32>
          %bitcast3A_834 = vector.bitcast %gather3A_829 : vector<16xi32> to vector<16xf32>
          %mul3A_835 = arith.mulf %gather3A_733, %bitcast3A_833 : vector<16xf32>
          %add3A_836 = arith.addf %add3A_724, %mul3A_835 : vector<16xf32>
          %mul3A_837 = arith.mulf %gather3A_733, %bitcast3A_834 : vector<16xf32>
          %add3A_838 = arith.addf %add3A_726, %mul3A_837 : vector<16xf32>
          %mul3A_839 = arith.constant 8 : i32
          %mul3A_840 = arith.muli %scan3A_265, %mul3A_839 : i32
          %add3A_841 = arith.constant 5 : i32
          %add3A_842 = arith.addi %mul3A_840, %add3A_841 : i32
          %add3A_843 = arith.addi %mul3A_177, %add3A_842 : i32
          %broadcast_in_dim3A_844 = vector.broadcast %add3A_843 : i32 to vector<16xi32>
          %gather3A_845 = tpu.vector_load_idx %arg11[%broadcast_in_dim3A_844] : memref<784xf32, #tpu.memory_space<vmem>>[vector<16xi32>], vector<16xf32>,
          %gather3A_846 = tpu.vector_load_idx %arg9[%broadcast_in_dim3A_844] : memref<784xi32, #tpu.memory_space<vmem>>[vector<16xi32>], vector<16xi32>,
          %add3A_847 = arith.constant 0 : i32
          %add3A_848 = vector.broadcast %add3A_847 : i32 to vector<16xi32>
          %add3A_849 = arith.addi %iota3A, %add3A_848 : vector<16xi32>
          %gather3A_850 = tpu.vector_load_idx %arg13[%gather3A_846, %add3A_849] : memref<144x128xi32, #tpu.memory_space<vmem>>[vector<16xi32>, vector<16xi32>], vector<16xi32>,
          %shift_left3A_851 = arith.constant 16 : i32
          %shift_left3A_852 = vector.broadcast %shift_left3A_851 : i32 to vector<16xi32>
          %shift_left3A_853 = arith.shli %gather3A_850, %shift_left3A_852 : vector<16xi32>
          %bitcast3A_854 = vector.bitcast %shift_left3A_853 : vector<16xi32> to vector<16xf32>
          %bitcast3A_855 = vector.bitcast %gather3A_850 : vector<16xi32> to vector<16xf32>
          %mul3A_856 = arith.mulf %gather3A_845, %bitcast3A_854 : vector<16xf32>
          %add3A_857 = arith.addf %add3A_745, %mul3A_856 : vector<16xf32>
          %mul3A_858 = arith.mulf %gather3A_845, %bitcast3A_855 : vector<16xf32>
          %add3A_859 = arith.addf %add3A_747, %mul3A_858 : vector<16xf32>
          %add3A_860 = arith.constant 16 : i32
          %add3A_861 = vector.broadcast %add3A_860 : i32 to vector<16xi32>
          %add3A_862 = arith.addi %iota3A, %add3A_861 : vector<16xi32>
          %gather3A_863 = tpu.vector_load_idx %arg13[%gather3A_846, %add3A_862] : memref<144x128xi32, #tpu.memory_space<vmem>>[vector<16xi32>, vector<16xi32>], vector<16xi32>,
          %shift_left3A_864 = arith.constant 16 : i32
          %shift_left3A_865 = vector.broadcast %shift_left3A_864 : i32 to vector<16xi32>
          %shift_left3A_866 = arith.shli %gather3A_863, %shift_left3A_865 : vector<16xi32>
          %bitcast3A_867 = vector.bitcast %shift_left3A_866 : vector<16xi32> to vector<16xf32>
          %bitcast3A_868 = vector.bitcast %gather3A_863 : vector<16xi32> to vector<16xf32>
          %mul3A_869 = arith.mulf %gather3A_845, %bitcast3A_867 : vector<16xf32>
          %add3A_870 = arith.addf %add3A_758, %mul3A_869 : vector<16xf32>
          %mul3A_871 = arith.mulf %gather3A_845, %bitcast3A_868 : vector<16xf32>
          %add3A_872 = arith.addf %add3A_760, %mul3A_871 : vector<16xf32>
          %add3A_873 = arith.constant 32 : i32
          %add3A_874 = vector.broadcast %add3A_873 : i32 to vector<16xi32>
          %add3A_875 = arith.addi %iota3A, %add3A_874 : vector<16xi32>
          %gather3A_876 = tpu.vector_load_idx %arg13[%gather3A_846, %add3A_875] : memref<144x128xi32, #tpu.memory_space<vmem>>[vector<16xi32>, vector<16xi32>], vector<16xi32>,
          %shift_left3A_877 = arith.constant 16 : i32
          %shift_left3A_878 = vector.broadcast %shift_left3A_877 : i32 to vector<16xi32>
          %shift_left3A_879 = arith.shli %gather3A_876, %shift_left3A_878 : vector<16xi32>
          %bitcast3A_880 = vector.bitcast %shift_left3A_879 : vector<16xi32> to vector<16xf32>
          %bitcast3A_881 = vector.bitcast %gather3A_876 : vector<16xi32> to vector<16xf32>
          %mul3A_882 = arith.mulf %gather3A_845, %bitcast3A_880 : vector<16xf32>
          %add3A_883 = arith.addf %add3A_771, %mul3A_882 : vector<16xf32>
          %mul3A_884 = arith.mulf %gather3A_845, %bitcast3A_881 : vector<16xf32>
          %add3A_885 = arith.addf %add3A_773, %mul3A_884 : vector<16xf32>
          %add3A_886 = arith.constant 48 : i32
          %add3A_887 = vector.broadcast %add3A_886 : i32 to vector<16xi32>
          %add3A_888 = arith.addi %iota3A, %add3A_887 : vector<16xi32>
          %gather3A_889 = tpu.vector_load_idx %arg13[%gather3A_846, %add3A_888] : memref<144x128xi32, #tpu.memory_space<vmem>>[vector<16xi32>, vector<16xi32>], vector<16xi32>,
          %shift_left3A_890 = arith.constant 16 : i32
          %shift_left3A_891 = vector.broadcast %shift_left3A_890 : i32 to vector<16xi32>
          %shift_left3A_892 = arith.shli %gather3A_889, %shift_left3A_891 : vector<16xi32>
          %bitcast3A_893 = vector.bitcast %shift_left3A_892 : vector<16xi32> to vector<16xf32>
          %bitcast3A_894 = vector.bitcast %gather3A_889 : vector<16xi32> to vector<16xf32>
          %mul3A_895 = arith.mulf %gather3A_845, %bitcast3A_893 : vector<16xf32>
          %add3A_896 = arith.addf %add3A_784, %mul3A_895 : vector<16xf32>
          %mul3A_897 = arith.mulf %gather3A_845, %bitcast3A_894 : vector<16xf32>
          %add3A_898 = arith.addf %add3A_786, %mul3A_897 : vector<16xf32>
          %add3A_899 = arith.constant 64 : i32
          %add3A_900 = vector.broadcast %add3A_899 : i32 to vector<16xi32>
          %add3A_901 = arith.addi %iota3A, %add3A_900 : vector<16xi32>
          %gather3A_902 = tpu.vector_load_idx %arg13[%gather3A_846, %add3A_901] : memref<144x128xi32, #tpu.memory_space<vmem>>[vector<16xi32>, vector<16xi32>], vector<16xi32>,
          %shift_left3A_903 = arith.constant 16 : i32
          %shift_left3A_904 = vector.broadcast %shift_left3A_903 : i32 to vector<16xi32>
          %shift_left3A_905 = arith.shli %gather3A_902, %shift_left3A_904 : vector<16xi32>
          %bitcast3A_906 = vector.bitcast %shift_left3A_905 : vector<16xi32> to vector<16xf32>
          %bitcast3A_907 = vector.bitcast %gather3A_902 : vector<16xi32> to vector<16xf32>
          %mul3A_908 = arith.mulf %gather3A_845, %bitcast3A_906 : vector<16xf32>
          %add3A_909 = arith.addf %add3A_797, %mul3A_908 : vector<16xf32>
          %mul3A_910 = arith.mulf %gather3A_845, %bitcast3A_907 : vector<16xf32>
          %add3A_911 = arith.addf %add3A_799, %mul3A_910 : vector<16xf32>
          %add3A_912 = arith.constant 80 : i32
          %add3A_913 = vector.broadcast %add3A_912 : i32 to vector<16xi32>
          %add3A_914 = arith.addi %iota3A, %add3A_913 : vector<16xi32>
          %gather3A_915 = tpu.vector_load_idx %arg13[%gather3A_846, %add3A_914] : memref<144x128xi32, #tpu.memory_space<vmem>>[vector<16xi32>, vector<16xi32>], vector<16xi32>,
          %shift_left3A_916 = arith.constant 16 : i32
          %shift_left3A_917 = vector.broadcast %shift_left3A_916 : i32 to vector<16xi32>
          %shift_left3A_918 = arith.shli %gather3A_915, %shift_left3A_917 : vector<16xi32>
          %bitcast3A_919 = vector.bitcast %shift_left3A_918 : vector<16xi32> to vector<16xf32>
          %bitcast3A_920 = vector.bitcast %gather3A_915 : vector<16xi32> to vector<16xf32>
          %mul3A_921 = arith.mulf %gather3A_845, %bitcast3A_919 : vector<16xf32>
          %add3A_922 = arith.addf %add3A_810, %mul3A_921 : vector<16xf32>
          %mul3A_923 = arith.mulf %gather3A_845, %bitcast3A_920 : vector<16xf32>
          %add3A_924 = arith.addf %add3A_812, %mul3A_923 : vector<16xf32>
          %add3A_925 = arith.constant 96 : i32
          %add3A_926 = vector.broadcast %add3A_925 : i32 to vector<16xi32>
          %add3A_927 = arith.addi %iota3A, %add3A_926 : vector<16xi32>
          %gather3A_928 = tpu.vector_load_idx %arg13[%gather3A_846, %add3A_927] : memref<144x128xi32, #tpu.memory_space<vmem>>[vector<16xi32>, vector<16xi32>], vector<16xi32>,
          %shift_left3A_929 = arith.constant 16 : i32
          %shift_left3A_930 = vector.broadcast %shift_left3A_929 : i32 to vector<16xi32>
          %shift_left3A_931 = arith.shli %gather3A_928, %shift_left3A_930 : vector<16xi32>
          %bitcast3A_932 = vector.bitcast %shift_left3A_931 : vector<16xi32> to vector<16xf32>
          %bitcast3A_933 = vector.bitcast %gather3A_928 : vector<16xi32> to vector<16xf32>
          %mul3A_934 = arith.mulf %gather3A_845, %bitcast3A_932 : vector<16xf32>
          %add3A_935 = arith.addf %add3A_823, %mul3A_934 : vector<16xf32>
          %mul3A_936 = arith.mulf %gather3A_845, %bitcast3A_933 : vector<16xf32>
          %add3A_937 = arith.addf %add3A_825, %mul3A_936 : vector<16xf32>
          %add3A_938 = arith.constant 112 : i32
          %add3A_939 = vector.broadcast %add3A_938 : i32 to vector<16xi32>
          %add3A_940 = arith.addi %iota3A, %add3A_939 : vector<16xi32>
          %gather3A_941 = tpu.vector_load_idx %arg13[%gather3A_846, %add3A_940] : memref<144x128xi32, #tpu.memory_space<vmem>>[vector<16xi32>, vector<16xi32>], vector<16xi32>,
          %shift_left3A_942 = arith.constant 16 : i32
          %shift_left3A_943 = vector.broadcast %shift_left3A_942 : i32 to vector<16xi32>
          %shift_left3A_944 = arith.shli %gather3A_941, %shift_left3A_943 : vector<16xi32>
          %bitcast3A_945 = vector.bitcast %shift_left3A_944 : vector<16xi32> to vector<16xf32>
          %bitcast3A_946 = vector.bitcast %gather3A_941 : vector<16xi32> to vector<16xf32>
          %mul3A_947 = arith.mulf %gather3A_845, %bitcast3A_945 : vector<16xf32>
          %add3A_948 = arith.addf %add3A_836, %mul3A_947 : vector<16xf32>
          %mul3A_949 = arith.mulf %gather3A_845, %bitcast3A_946 : vector<16xf32>
          %add3A_950 = arith.addf %add3A_838, %mul3A_949 : vector<16xf32>
          %mul3A_951 = arith.constant 8 : i32
          %mul3A_952 = arith.muli %scan3A_265, %mul3A_951 : i32
          %add3A_953 = arith.constant 6 : i32
          %add3A_954 = arith.addi %mul3A_952, %add3A_953 : i32
          %add3A_955 = arith.addi %mul3A_177, %add3A_954 : i32
          %broadcast_in_dim3A_956 = vector.broadcast %add3A_955 : i32 to vector<16xi32>
          %gather3A_957 = tpu.vector_load_idx %arg11[%broadcast_in_dim3A_956] : memref<784xf32, #tpu.memory_space<vmem>>[vector<16xi32>], vector<16xf32>,
          %gather3A_958 = tpu.vector_load_idx %arg9[%broadcast_in_dim3A_956] : memref<784xi32, #tpu.memory_space<vmem>>[vector<16xi32>], vector<16xi32>,
          %add3A_959 = arith.constant 0 : i32
          %add3A_960 = vector.broadcast %add3A_959 : i32 to vector<16xi32>
          %add3A_961 = arith.addi %iota3A, %add3A_960 : vector<16xi32>
          %gather3A_962 = tpu.vector_load_idx %arg13[%gather3A_958, %add3A_961] : memref<144x128xi32, #tpu.memory_space<vmem>>[vector<16xi32>, vector<16xi32>], vector<16xi32>,
          %shift_left3A_963 = arith.constant 16 : i32
          %shift_left3A_964 = vector.broadcast %shift_left3A_963 : i32 to vector<16xi32>
          %shift_left3A_965 = arith.shli %gather3A_962, %shift_left3A_964 : vector<16xi32>
          %bitcast3A_966 = vector.bitcast %shift_left3A_965 : vector<16xi32> to vector<16xf32>
          %bitcast3A_967 = vector.bitcast %gather3A_962 : vector<16xi32> to vector<16xf32>
          %mul3A_968 = arith.mulf %gather3A_957, %bitcast3A_966 : vector<16xf32>
          %add3A_969 = arith.addf %add3A_857, %mul3A_968 : vector<16xf32>
          %mul3A_970 = arith.mulf %gather3A_957, %bitcast3A_967 : vector<16xf32>
          %add3A_971 = arith.addf %add3A_859, %mul3A_970 : vector<16xf32>
          %add3A_972 = arith.constant 16 : i32
          %add3A_973 = vector.broadcast %add3A_972 : i32 to vector<16xi32>
          %add3A_974 = arith.addi %iota3A, %add3A_973 : vector<16xi32>
          %gather3A_975 = tpu.vector_load_idx %arg13[%gather3A_958, %add3A_974] : memref<144x128xi32, #tpu.memory_space<vmem>>[vector<16xi32>, vector<16xi32>], vector<16xi32>,
          %shift_left3A_976 = arith.constant 16 : i32
          %shift_left3A_977 = vector.broadcast %shift_left3A_976 : i32 to vector<16xi32>
          %shift_left3A_978 = arith.shli %gather3A_975, %shift_left3A_977 : vector<16xi32>
          %bitcast3A_979 = vector.bitcast %shift_left3A_978 : vector<16xi32> to vector<16xf32>
          %bitcast3A_980 = vector.bitcast %gather3A_975 : vector<16xi32> to vector<16xf32>
          %mul3A_981 = arith.mulf %gather3A_957, %bitcast3A_979 : vector<16xf32>
          %add3A_982 = arith.addf %add3A_870, %mul3A_981 : vector<16xf32>
          %mul3A_983 = arith.mulf %gather3A_957, %bitcast3A_980 : vector<16xf32>
          %add3A_984 = arith.addf %add3A_872, %mul3A_983 : vector<16xf32>
          %add3A_985 = arith.constant 32 : i32
          %add3A_986 = vector.broadcast %add3A_985 : i32 to vector<16xi32>
          %add3A_987 = arith.addi %iota3A, %add3A_986 : vector<16xi32>
          %gather3A_988 = tpu.vector_load_idx %arg13[%gather3A_958, %add3A_987] : memref<144x128xi32, #tpu.memory_space<vmem>>[vector<16xi32>, vector<16xi32>], vector<16xi32>,
          %shift_left3A_989 = arith.constant 16 : i32
          %shift_left3A_990 = vector.broadcast %shift_left3A_989 : i32 to vector<16xi32>
          %shift_left3A_991 = arith.shli %gather3A_988, %shift_left3A_990 : vector<16xi32>
          %bitcast3A_992 = vector.bitcast %shift_left3A_991 : vector<16xi32> to vector<16xf32>
          %bitcast3A_993 = vector.bitcast %gather3A_988 : vector<16xi32> to vector<16xf32>
          %mul3A_994 = arith.mulf %gather3A_957, %bitcast3A_992 : vector<16xf32>
          %add3A_995 = arith.addf %add3A_883, %mul3A_994 : vector<16xf32>
          %mul3A_996 = arith.mulf %gather3A_957, %bitcast3A_993 : vector<16xf32>
          %add3A_997 = arith.addf %add3A_885, %mul3A_996 : vector<16xf32>
          %add3A_998 = arith.constant 48 : i32
          %add3A_999 = vector.broadcast %add3A_998 : i32 to vector<16xi32>
          %add3A_1000 = arith.addi %iota3A, %add3A_999 : vector<16xi32>
          %gather3A_1001 = tpu.vector_load_idx %arg13[%gather3A_958, %add3A_1000] : memref<144x128xi32, #tpu.memory_space<vmem>>[vector<16xi32>, vector<16xi32>], vector<16xi32>,
          %shift_left3A_1002 = arith.constant 16 : i32
          %shift_left3A_1003 = vector.broadcast %shift_left3A_1002 : i32 to vector<16xi32>
          %shift_left3A_1004 = arith.shli %gather3A_1001, %shift_left3A_1003 : vector<16xi32>
          %bitcast3A_1005 = vector.bitcast %shift_left3A_1004 : vector<16xi32> to vector<16xf32>
          %bitcast3A_1006 = vector.bitcast %gather3A_1001 : vector<16xi32> to vector<16xf32>
          %mul3A_1007 = arith.mulf %gather3A_957, %bitcast3A_1005 : vector<16xf32>
          %add3A_1008 = arith.addf %add3A_896, %mul3A_1007 : vector<16xf32>
          %mul3A_1009 = arith.mulf %gather3A_957, %bitcast3A_1006 : vector<16xf32>
          %add3A_1010 = arith.addf %add3A_898, %mul3A_1009 : vector<16xf32>
          %add3A_1011 = arith.constant 64 : i32
          %add3A_1012 = vector.broadcast %add3A_1011 : i32 to vector<16xi32>
          %add3A_1013 = arith.addi %iota3A, %add3A_1012 : vector<16xi32>
          %gather3A_1014 = tpu.vector_load_idx %arg13[%gather3A_958, %add3A_1013] : memref<144x128xi32, #tpu.memory_space<vmem>>[vector<16xi32>, vector<16xi32>], vector<16xi32>,
          %shift_left3A_1015 = arith.constant 16 : i32
          %shift_left3A_1016 = vector.broadcast %shift_left3A_1015 : i32 to vector<16xi32>
          %shift_left3A_1017 = arith.shli %gather3A_1014, %shift_left3A_1016 : vector<16xi32>
          %bitcast3A_1018 = vector.bitcast %shift_left3A_1017 : vector<16xi32> to vector<16xf32>
          %bitcast3A_1019 = vector.bitcast %gather3A_1014 : vector<16xi32> to vector<16xf32>
          %mul3A_1020 = arith.mulf %gather3A_957, %bitcast3A_1018 : vector<16xf32>
          %add3A_1021 = arith.addf %add3A_909, %mul3A_1020 : vector<16xf32>
          %mul3A_1022 = arith.mulf %gather3A_957, %bitcast3A_1019 : vector<16xf32>
          %add3A_1023 = arith.addf %add3A_911, %mul3A_1022 : vector<16xf32>
          %add3A_1024 = arith.constant 80 : i32
          %add3A_1025 = vector.broadcast %add3A_1024 : i32 to vector<16xi32>
          %add3A_1026 = arith.addi %iota3A, %add3A_1025 : vector<16xi32>
          %gather3A_1027 = tpu.vector_load_idx %arg13[%gather3A_958, %add3A_1026] : memref<144x128xi32, #tpu.memory_space<vmem>>[vector<16xi32>, vector<16xi32>], vector<16xi32>,
          %shift_left3A_1028 = arith.constant 16 : i32
          %shift_left3A_1029 = vector.broadcast %shift_left3A_1028 : i32 to vector<16xi32>
          %shift_left3A_1030 = arith.shli %gather3A_1027, %shift_left3A_1029 : vector<16xi32>
          %bitcast3A_1031 = vector.bitcast %shift_left3A_1030 : vector<16xi32> to vector<16xf32>
          %bitcast3A_1032 = vector.bitcast %gather3A_1027 : vector<16xi32> to vector<16xf32>
          %mul3A_1033 = arith.mulf %gather3A_957, %bitcast3A_1031 : vector<16xf32>
          %add3A_1034 = arith.addf %add3A_922, %mul3A_1033 : vector<16xf32>
          %mul3A_1035 = arith.mulf %gather3A_957, %bitcast3A_1032 : vector<16xf32>
          %add3A_1036 = arith.addf %add3A_924, %mul3A_1035 : vector<16xf32>
          %add3A_1037 = arith.constant 96 : i32
          %add3A_1038 = vector.broadcast %add3A_1037 : i32 to vector<16xi32>
          %add3A_1039 = arith.addi %iota3A, %add3A_1038 : vector<16xi32>
          %gather3A_1040 = tpu.vector_load_idx %arg13[%gather3A_958, %add3A_1039] : memref<144x128xi32, #tpu.memory_space<vmem>>[vector<16xi32>, vector<16xi32>], vector<16xi32>,
          %shift_left3A_1041 = arith.constant 16 : i32
          %shift_left3A_1042 = vector.broadcast %shift_left3A_1041 : i32 to vector<16xi32>
          %shift_left3A_1043 = arith.shli %gather3A_1040, %shift_left3A_1042 : vector<16xi32>
          %bitcast3A_1044 = vector.bitcast %shift_left3A_1043 : vector<16xi32> to vector<16xf32>
          %bitcast3A_1045 = vector.bitcast %gather3A_1040 : vector<16xi32> to vector<16xf32>
          %mul3A_1046 = arith.mulf %gather3A_957, %bitcast3A_1044 : vector<16xf32>
          %add3A_1047 = arith.addf %add3A_935, %mul3A_1046 : vector<16xf32>
          %mul3A_1048 = arith.mulf %gather3A_957, %bitcast3A_1045 : vector<16xf32>
          %add3A_1049 = arith.addf %add3A_937, %mul3A_1048 : vector<16xf32>
          %add3A_1050 = arith.constant 112 : i32
          %add3A_1051 = vector.broadcast %add3A_1050 : i32 to vector<16xi32>
          %add3A_1052 = arith.addi %iota3A, %add3A_1051 : vector<16xi32>
          %gather3A_1053 = tpu.vector_load_idx %arg13[%gather3A_958, %add3A_1052] : memref<144x128xi32, #tpu.memory_space<vmem>>[vector<16xi32>, vector<16xi32>], vector<16xi32>,
          %shift_left3A_1054 = arith.constant 16 : i32
          %shift_left3A_1055 = vector.broadcast %shift_left3A_1054 : i32 to vector<16xi32>
          %shift_left3A_1056 = arith.shli %gather3A_1053, %shift_left3A_1055 : vector<16xi32>
          %bitcast3A_1057 = vector.bitcast %shift_left3A_1056 : vector<16xi32> to vector<16xf32>
          %bitcast3A_1058 = vector.bitcast %gather3A_1053 : vector<16xi32> to vector<16xf32>
          %mul3A_1059 = arith.mulf %gather3A_957, %bitcast3A_1057 : vector<16xf32>
          %add3A_1060 = arith.addf %add3A_948, %mul3A_1059 : vector<16xf32>
          %mul3A_1061 = arith.mulf %gather3A_957, %bitcast3A_1058 : vector<16xf32>
          %add3A_1062 = arith.addf %add3A_950, %mul3A_1061 : vector<16xf32>
          %mul3A_1063 = arith.constant 8 : i32
          %mul3A_1064 = arith.muli %scan3A_265, %mul3A_1063 : i32
          %add3A_1065 = arith.constant 7 : i32
          %add3A_1066 = arith.addi %mul3A_1064, %add3A_1065 : i32
          %add3A_1067 = arith.addi %mul3A_177, %add3A_1066 : i32
          %broadcast_in_dim3A_1068 = vector.broadcast %add3A_1067 : i32 to vector<16xi32>
          %gather3A_1069 = tpu.vector_load_idx %arg11[%broadcast_in_dim3A_1068] : memref<784xf32, #tpu.memory_space<vmem>>[vector<16xi32>], vector<16xf32>,
          %gather3A_1070 = tpu.vector_load_idx %arg9[%broadcast_in_dim3A_1068] : memref<784xi32, #tpu.memory_space<vmem>>[vector<16xi32>], vector<16xi32>,
          %add3A_1071 = arith.constant 0 : i32
          %add3A_1072 = vector.broadcast %add3A_1071 : i32 to vector<16xi32>
          %add3A_1073 = arith.addi %iota3A, %add3A_1072 : vector<16xi32>
          %gather3A_1074 = tpu.vector_load_idx %arg13[%gather3A_1070, %add3A_1073] : memref<144x128xi32, #tpu.memory_space<vmem>>[vector<16xi32>, vector<16xi32>], vector<16xi32>,
          %shift_left3A_1075 = arith.constant 16 : i32
          %shift_left3A_1076 = vector.broadcast %shift_left3A_1075 : i32 to vector<16xi32>
          %shift_left3A_1077 = arith.shli %gather3A_1074, %shift_left3A_1076 : vector<16xi32>
          %bitcast3A_1078 = vector.bitcast %shift_left3A_1077 : vector<16xi32> to vector<16xf32>
          %bitcast3A_1079 = vector.bitcast %gather3A_1074 : vector<16xi32> to vector<16xf32>
          %mul3A_1080 = arith.mulf %gather3A_1069, %bitcast3A_1078 : vector<16xf32>
          %add3A_1081 = arith.addf %add3A_969, %mul3A_1080 : vector<16xf32>
          %mul3A_1082 = arith.mulf %gather3A_1069, %bitcast3A_1079 : vector<16xf32>
          %add3A_1083 = arith.addf %add3A_971, %mul3A_1082 : vector<16xf32>
          %add3A_1084 = arith.constant 16 : i32
          %add3A_1085 = vector.broadcast %add3A_1084 : i32 to vector<16xi32>
          %add3A_1086 = arith.addi %iota3A, %add3A_1085 : vector<16xi32>
          %gather3A_1087 = tpu.vector_load_idx %arg13[%gather3A_1070, %add3A_1086] : memref<144x128xi32, #tpu.memory_space<vmem>>[vector<16xi32>, vector<16xi32>], vector<16xi32>,
          %shift_left3A_1088 = arith.constant 16 : i32
          %shift_left3A_1089 = vector.broadcast %shift_left3A_1088 : i32 to vector<16xi32>
          %shift_left3A_1090 = arith.shli %gather3A_1087, %shift_left3A_1089 : vector<16xi32>
          %bitcast3A_1091 = vector.bitcast %shift_left3A_1090 : vector<16xi32> to vector<16xf32>
          %bitcast3A_1092 = vector.bitcast %gather3A_1087 : vector<16xi32> to vector<16xf32>
          %mul3A_1093 = arith.mulf %gather3A_1069, %bitcast3A_1091 : vector<16xf32>
          %add3A_1094 = arith.addf %add3A_982, %mul3A_1093 : vector<16xf32>
          %mul3A_1095 = arith.mulf %gather3A_1069, %bitcast3A_1092 : vector<16xf32>
          %add3A_1096 = arith.addf %add3A_984, %mul3A_1095 : vector<16xf32>
          %add3A_1097 = arith.constant 32 : i32
          %add3A_1098 = vector.broadcast %add3A_1097 : i32 to vector<16xi32>
          %add3A_1099 = arith.addi %iota3A, %add3A_1098 : vector<16xi32>
          %gather3A_1100 = tpu.vector_load_idx %arg13[%gather3A_1070, %add3A_1099] : memref<144x128xi32, #tpu.memory_space<vmem>>[vector<16xi32>, vector<16xi32>], vector<16xi32>,
          %shift_left3A_1101 = arith.constant 16 : i32
          %shift_left3A_1102 = vector.broadcast %shift_left3A_1101 : i32 to vector<16xi32>
          %shift_left3A_1103 = arith.shli %gather3A_1100, %shift_left3A_1102 : vector<16xi32>
          %bitcast3A_1104 = vector.bitcast %shift_left3A_1103 : vector<16xi32> to vector<16xf32>
          %bitcast3A_1105 = vector.bitcast %gather3A_1100 : vector<16xi32> to vector<16xf32>
          %mul3A_1106 = arith.mulf %gather3A_1069, %bitcast3A_1104 : vector<16xf32>
          %add3A_1107 = arith.addf %add3A_995, %mul3A_1106 : vector<16xf32>
          %mul3A_1108 = arith.mulf %gather3A_1069, %bitcast3A_1105 : vector<16xf32>
          %add3A_1109 = arith.addf %add3A_997, %mul3A_1108 : vector<16xf32>
          %add3A_1110 = arith.constant 48 : i32
          %add3A_1111 = vector.broadcast %add3A_1110 : i32 to vector<16xi32>
          %add3A_1112 = arith.addi %iota3A, %add3A_1111 : vector<16xi32>
          %gather3A_1113 = tpu.vector_load_idx %arg13[%gather3A_1070, %add3A_1112] : memref<144x128xi32, #tpu.memory_space<vmem>>[vector<16xi32>, vector<16xi32>], vector<16xi32>,
          %shift_left3A_1114 = arith.constant 16 : i32
          %shift_left3A_1115 = vector.broadcast %shift_left3A_1114 : i32 to vector<16xi32>
          %shift_left3A_1116 = arith.shli %gather3A_1113, %shift_left3A_1115 : vector<16xi32>
          %bitcast3A_1117 = vector.bitcast %shift_left3A_1116 : vector<16xi32> to vector<16xf32>
          %bitcast3A_1118 = vector.bitcast %gather3A_1113 : vector<16xi32> to vector<16xf32>
          %mul3A_1119 = arith.mulf %gather3A_1069, %bitcast3A_1117 : vector<16xf32>
          %add3A_1120 = arith.addf %add3A_1008, %mul3A_1119 : vector<16xf32>
          %mul3A_1121 = arith.mulf %gather3A_1069, %bitcast3A_1118 : vector<16xf32>
          %add3A_1122 = arith.addf %add3A_1010, %mul3A_1121 : vector<16xf32>
          %add3A_1123 = arith.constant 64 : i32
          %add3A_1124 = vector.broadcast %add3A_1123 : i32 to vector<16xi32>
          %add3A_1125 = arith.addi %iota3A, %add3A_1124 : vector<16xi32>
          %gather3A_1126 = tpu.vector_load_idx %arg13[%gather3A_1070, %add3A_1125] : memref<144x128xi32, #tpu.memory_space<vmem>>[vector<16xi32>, vector<16xi32>], vector<16xi32>,
          %shift_left3A_1127 = arith.constant 16 : i32
          %shift_left3A_1128 = vector.broadcast %shift_left3A_1127 : i32 to vector<16xi32>
          %shift_left3A_1129 = arith.shli %gather3A_1126, %shift_left3A_1128 : vector<16xi32>
          %bitcast3A_1130 = vector.bitcast %shift_left3A_1129 : vector<16xi32> to vector<16xf32>
          %bitcast3A_1131 = vector.bitcast %gather3A_1126 : vector<16xi32> to vector<16xf32>
          %mul3A_1132 = arith.mulf %gather3A_1069, %bitcast3A_1130 : vector<16xf32>
          %add3A_1133 = arith.addf %add3A_1021, %mul3A_1132 : vector<16xf32>
          %mul3A_1134 = arith.mulf %gather3A_1069, %bitcast3A_1131 : vector<16xf32>
          %add3A_1135 = arith.addf %add3A_1023, %mul3A_1134 : vector<16xf32>
          %add3A_1136 = arith.constant 80 : i32
          %add3A_1137 = vector.broadcast %add3A_1136 : i32 to vector<16xi32>
          %add3A_1138 = arith.addi %iota3A, %add3A_1137 : vector<16xi32>
          %gather3A_1139 = tpu.vector_load_idx %arg13[%gather3A_1070, %add3A_1138] : memref<144x128xi32, #tpu.memory_space<vmem>>[vector<16xi32>, vector<16xi32>], vector<16xi32>,
          %shift_left3A_1140 = arith.constant 16 : i32
          %shift_left3A_1141 = vector.broadcast %shift_left3A_1140 : i32 to vector<16xi32>
          %shift_left3A_1142 = arith.shli %gather3A_1139, %shift_left3A_1141 : vector<16xi32>
          %bitcast3A_1143 = vector.bitcast %shift_left3A_1142 : vector<16xi32> to vector<16xf32>
          %bitcast3A_1144 = vector.bitcast %gather3A_1139 : vector<16xi32> to vector<16xf32>
          %mul3A_1145 = arith.mulf %gather3A_1069, %bitcast3A_1143 : vector<16xf32>
          %add3A_1146 = arith.addf %add3A_1034, %mul3A_1145 : vector<16xf32>
          %mul3A_1147 = arith.mulf %gather3A_1069, %bitcast3A_1144 : vector<16xf32>
          %add3A_1148 = arith.addf %add3A_1036, %mul3A_1147 : vector<16xf32>
          %add3A_1149 = arith.constant 96 : i32
          %add3A_1150 = vector.broadcast %add3A_1149 : i32 to vector<16xi32>
          %add3A_1151 = arith.addi %iota3A, %add3A_1150 : vector<16xi32>
          %gather3A_1152 = tpu.vector_load_idx %arg13[%gather3A_1070, %add3A_1151] : memref<144x128xi32, #tpu.memory_space<vmem>>[vector<16xi32>, vector<16xi32>], vector<16xi32>,
          %shift_left3A_1153 = arith.constant 16 : i32
          %shift_left3A_1154 = vector.broadcast %shift_left3A_1153 : i32 to vector<16xi32>
          %shift_left3A_1155 = arith.shli %gather3A_1152, %shift_left3A_1154 : vector<16xi32>
          %bitcast3A_1156 = vector.bitcast %shift_left3A_1155 : vector<16xi32> to vector<16xf32>
          %bitcast3A_1157 = vector.bitcast %gather3A_1152 : vector<16xi32> to vector<16xf32>
          %mul3A_1158 = arith.mulf %gather3A_1069, %bitcast3A_1156 : vector<16xf32>
          %add3A_1159 = arith.addf %add3A_1047, %mul3A_1158 : vector<16xf32>
          %mul3A_1160 = arith.mulf %gather3A_1069, %bitcast3A_1157 : vector<16xf32>
          %add3A_1161 = arith.addf %add3A_1049, %mul3A_1160 : vector<16xf32>
          %add3A_1162 = arith.constant 112 : i32
          %add3A_1163 = vector.broadcast %add3A_1162 : i32 to vector<16xi32>
          %add3A_1164 = arith.addi %iota3A, %add3A_1163 : vector<16xi32>
          %gather3A_1165 = tpu.vector_load_idx %arg13[%gather3A_1070, %add3A_1164] : memref<144x128xi32, #tpu.memory_space<vmem>>[vector<16xi32>, vector<16xi32>], vector<16xi32>,
          %shift_left3A_1166 = arith.constant 16 : i32
          %shift_left3A_1167 = vector.broadcast %shift_left3A_1166 : i32 to vector<16xi32>
          %shift_left3A_1168 = arith.shli %gather3A_1165, %shift_left3A_1167 : vector<16xi32>
          %bitcast3A_1169 = vector.bitcast %shift_left3A_1168 : vector<16xi32> to vector<16xf32>
          %bitcast3A_1170 = vector.bitcast %gather3A_1165 : vector<16xi32> to vector<16xf32>
          %mul3A_1171 = arith.mulf %gather3A_1069, %bitcast3A_1169 : vector<16xf32>
          %add3A_1172 = arith.addf %add3A_1060, %mul3A_1171 : vector<16xf32>
          %mul3A_1173 = arith.mulf %gather3A_1069, %bitcast3A_1170 : vector<16xf32>
          %add3A_1174 = arith.addf %add3A_1062, %mul3A_1173 : vector<16xf32>
          scf.yield %add3A_1081, %add3A_1083, %add3A_1094, %add3A_1096, %add3A_1107, %add3A_1109, %add3A_1120, %add3A_1122, %add3A_1133, %add3A_1135, %add3A_1146, %add3A_1148, %add3A_1159, %add3A_1161, %add3A_1172, %add3A_1174 : vector<16xf32>, vector<16xf32>, vector<16xf32>, vector<16xf32>, vector<16xf32>, vector<16xf32>, vector<16xf32>, vector<16xf32>, vector<16xf32>, vector<16xf32>, vector<16xf32>, vector<16xf32>, vector<16xf32>, vector<16xf32>, vector<16xf32>, vector<16xf32>
        }
        %scan3A_214 = arith.constant 2 : i32
        %broadcast_in_dim3A_215 = vector.broadcast %scan3A_175 : i32 to vector<16xi32>
        %add3A_216 = arith.addi %mul3A_107, %broadcast_in_dim3A_215 : vector<16xi32>
        %add3A_217 = arith.constant 0 : i32
        %add3A_218 = vector.broadcast %add3A_217 : i32 to vector<16xi32>
        %add3A_219 = arith.addi %add3A_216, %add3A_218 : vector<16xi32>
        tpu.vector_store_idx %arg15[%add3A_219], %scan3A_213#0 : memref<12544xf32, #tpu.memory_space<vmem>>[vector<16xi32>], vector<16xf32>,
        %add3A_220 = arith.constant 784 : i32
        %add3A_221 = vector.broadcast %add3A_220 : i32 to vector<16xi32>
        %add3A_222 = arith.addi %add3A_216, %add3A_221 : vector<16xi32>
        tpu.vector_store_idx %arg15[%add3A_222], %scan3A_213#1 : memref<12544xf32, #tpu.memory_space<vmem>>[vector<16xi32>], vector<16xf32>,
        %add3A_223 = arith.constant 1568 : i32
        %add3A_224 = vector.broadcast %add3A_223 : i32 to vector<16xi32>
        %add3A_225 = arith.addi %add3A_216, %add3A_224 : vector<16xi32>
        tpu.vector_store_idx %arg15[%add3A_225], %scan3A_213#2 : memref<12544xf32, #tpu.memory_space<vmem>>[vector<16xi32>], vector<16xf32>,
        %add3A_226 = arith.constant 2352 : i32
        %add3A_227 = vector.broadcast %add3A_226 : i32 to vector<16xi32>
        %add3A_228 = arith.addi %add3A_216, %add3A_227 : vector<16xi32>
        tpu.vector_store_idx %arg15[%add3A_228], %scan3A_213#3 : memref<12544xf32, #tpu.memory_space<vmem>>[vector<16xi32>], vector<16xf32>,
        %add3A_229 = arith.constant 3136 : i32
        %add3A_230 = vector.broadcast %add3A_229 : i32 to vector<16xi32>
        %add3A_231 = arith.addi %add3A_216, %add3A_230 : vector<16xi32>
        tpu.vector_store_idx %arg15[%add3A_231], %scan3A_213#4 : memref<12544xf32, #tpu.memory_space<vmem>>[vector<16xi32>], vector<16xf32>,
        %add3A_232 = arith.constant 3920 : i32
        %add3A_233 = vector.broadcast %add3A_232 : i32 to vector<16xi32>
        %add3A_234 = arith.addi %add3A_216, %add3A_233 : vector<16xi32>
        tpu.vector_store_idx %arg15[%add3A_234], %scan3A_213#5 : memref<12544xf32, #tpu.memory_space<vmem>>[vector<16xi32>], vector<16xf32>,
        %add3A_235 = arith.constant 4704 : i32
        %add3A_236 = vector.broadcast %add3A_235 : i32 to vector<16xi32>
        %add3A_237 = arith.addi %add3A_216, %add3A_236 : vector<16xi32>
        tpu.vector_store_idx %arg15[%add3A_237], %scan3A_213#6 : memref<12544xf32, #tpu.memory_space<vmem>>[vector<16xi32>], vector<16xf32>,
        %add3A_238 = arith.constant 5488 : i32
        %add3A_239 = vector.broadcast %add3A_238 : i32 to vector<16xi32>
        %add3A_240 = arith.addi %add3A_216, %add3A_239 : vector<16xi32>
        tpu.vector_store_idx %arg15[%add3A_240], %scan3A_213#7 : memref<12544xf32, #tpu.memory_space<vmem>>[vector<16xi32>], vector<16xf32>,
        %add3A_241 = arith.constant 6272 : i32
        %add3A_242 = vector.broadcast %add3A_241 : i32 to vector<16xi32>
        %add3A_243 = arith.addi %add3A_216, %add3A_242 : vector<16xi32>
        tpu.vector_store_idx %arg15[%add3A_243], %scan3A_213#8 : memref<12544xf32, #tpu.memory_space<vmem>>[vector<16xi32>], vector<16xf32>,
        %add3A_244 = arith.constant 7056 : i32
        %add3A_245 = vector.broadcast %add3A_244 : i32 to vector<16xi32>
        %add3A_246 = arith.addi %add3A_216, %add3A_245 : vector<16xi32>
        tpu.vector_store_idx %arg15[%add3A_246], %scan3A_213#9 : memref<12544xf32, #tpu.memory_space<vmem>>[vector<16xi32>], vector<16xf32>,
        %add3A_247 = arith.constant 7840 : i32
        %add3A_248 = vector.broadcast %add3A_247 : i32 to vector<16xi32>
        %add3A_249 = arith.addi %add3A_216, %add3A_248 : vector<16xi32>
        tpu.vector_store_idx %arg15[%add3A_249], %scan3A_213#10 : memref<12544xf32, #tpu.memory_space<vmem>>[vector<16xi32>], vector<16xf32>,
        %add3A_250 = arith.constant 8624 : i32
        %add3A_251 = vector.broadcast %add3A_250 : i32 to vector<16xi32>
        %add3A_252 = arith.addi %add3A_216, %add3A_251 : vector<16xi32>
        tpu.vector_store_idx %arg15[%add3A_252], %scan3A_213#11 : memref<12544xf32, #tpu.memory_space<vmem>>[vector<16xi32>], vector<16xf32>,
        %add3A_253 = arith.constant 9408 : i32
        %add3A_254 = vector.broadcast %add3A_253 : i32 to vector<16xi32>
        %add3A_255 = arith.addi %add3A_216, %add3A_254 : vector<16xi32>
        tpu.vector_store_idx %arg15[%add3A_255], %scan3A_213#12 : memref<12544xf32, #tpu.memory_space<vmem>>[vector<16xi32>], vector<16xf32>,
        %add3A_256 = arith.constant 10192 : i32
        %add3A_257 = vector.broadcast %add3A_256 : i32 to vector<16xi32>
        %add3A_258 = arith.addi %add3A_216, %add3A_257 : vector<16xi32>
        tpu.vector_store_idx %arg15[%add3A_258], %scan3A_213#13 : memref<12544xf32, #tpu.memory_space<vmem>>[vector<16xi32>], vector<16xf32>,
        %add3A_259 = arith.constant 10976 : i32
        %add3A_260 = vector.broadcast %add3A_259 : i32 to vector<16xi32>
        %add3A_261 = arith.addi %add3A_216, %add3A_260 : vector<16xi32>
        tpu.vector_store_idx %arg15[%add3A_261], %scan3A_213#14 : memref<12544xf32, #tpu.memory_space<vmem>>[vector<16xi32>], vector<16xf32>,
        %add3A_262 = arith.constant 11760 : i32
        %add3A_263 = vector.broadcast %add3A_262 : i32 to vector<16xi32>
        %add3A_264 = arith.addi %add3A_216, %add3A_263 : vector<16xi32>
        tpu.vector_store_idx %arg15[%add3A_264], %scan3A_213#15 : memref<12544xf32, #tpu.memory_space<vmem>>[vector<16xi32>], vector<16xf32>,
      }
      %scan3A_113 = arith.constant 49 : i32
      %lt3A_114 = arith.constant 1000 : i32
      %lt3A_115 = arith.cmpi slt, %add3A_53, %lt3A_114 : i32
      %convert_element_type3A_116 = arith.extui %lt3A_115 : i1 to i32
      %cond3A_117 = arith.constant 0 : i32
      %cond3A_118 = arith.cmpi ne, %convert_element_type3A_116, %cond3A_117 : i32
      scf.if %cond3A_118 {
        %dma_start3A_175 = arith.constant 0 : i32
        %dma_start3A_176 = tpu.memref_slice %arg6[%add3A_53, %dma_start3A_175] : memref<1000x12544xf32, #tpu.memory_space<hbm>> -> memref<1x12544xf32, #tpu.memory_space<hbm>>
        %dma_start3A_177 = tpu.memref_squeeze %dma_start3A_176 : memref<1x12544xf32, #tpu.memory_space<hbm>> -> memref<12544xf32, #tpu.memory_space<hbm>>
        %dma_start3A_178 = arith.constant 0 : i32
        %dma_start3A_179 = tpu.memref_slice %arg6[%add3A_53, %dma_start3A_178] : memref<1000x12544xf32, #tpu.memory_space<hbm>> -> memref<1x12544xf32, #tpu.memory_space<hbm>>
        %dma_start3A_180 = tpu.memref_squeeze %dma_start3A_179 : memref<1x12544xf32, #tpu.memory_space<hbm>> -> memref<12544xf32, #tpu.memory_space<hbm>>
        tpu.enqueue_dma source(%arg15 : memref<12544xf32, #tpu.memory_space<vmem>>) target(%dma_start3A_180 : memref<12544xf32, #tpu.memory_space<hbm>>) target_semaphore(%arg20 : memref<!tpu.dma_semaphore, #tpu.memory_space<semaphore_mem>>)
      } else {
      }
      %lt3A_119 = arith.constant 15 : i32
      %lt3A_120 = arith.cmpi slt, %scan3A_48, %lt3A_119 : i32
      %convert_element_type3A_121 = arith.extui %lt3A_120 : i1 to i32
      %cond3A_122 = arith.constant 0 : i32
      %cond3A_123 = arith.cmpi ne, %convert_element_type3A_121, %cond3A_122 : i32
      scf.if %cond3A_123 {
        %add3A_175 = arith.constant 2 : i32
        %add3A_176 = arith.addi %add3A_52, %add3A_175 : i32
        %add3A_177 = arith.addi %mul3A_2, %add3A_176 : i32
        %mul3A_178 = arith.constant 144 : i32
        %mul3A_179 = arith.muli %add3A_177, %mul3A_178 : i32
        %dma_start3A_180 = tpu.memref_slice %arg3[%mul3A_179] : memref<147456xi32, #tpu.memory_space<hbm>> -> memref<144xi32, #tpu.memory_space<hbm>>
        %dma_start3A_181 = tpu.memref_slice %arg3[%mul3A_179] : memref<147456xi32, #tpu.memory_space<hbm>> -> memref<144xi32, #tpu.memory_space<hbm>>
        tpu.enqueue_dma source(%dma_start3A_181 : memref<144xi32, #tpu.memory_space<hbm>>) target(%arg7 : memref<144xi32, #tpu.memory_space<vmem>>) target_semaphore(%arg16 : memref<!tpu.dma_semaphore, #tpu.memory_space<semaphore_mem>>)
        %mul3A_182 = arith.constant 784 : i32
        %mul3A_183 = arith.muli %add3A_177, %mul3A_182 : i32
        %dma_start3A_184 = tpu.memref_slice %arg4[%mul3A_183] : memref<802816xi32, #tpu.memory_space<hbm>> -> memref<784xi32, #tpu.memory_space<hbm>>
        %dma_start3A_185 = tpu.memref_slice %arg4[%mul3A_183] : memref<802816xi32, #tpu.memory_space<hbm>> -> memref<784xi32, #tpu.memory_space<hbm>>
        tpu.enqueue_dma source(%dma_start3A_185 : memref<784xi32, #tpu.memory_space<hbm>>) target(%arg9 : memref<784xi32, #tpu.memory_space<vmem>>) target_semaphore(%arg17 : memref<!tpu.dma_semaphore, #tpu.memory_space<semaphore_mem>>)
        %mul3A_186 = arith.constant 784 : i32
        %mul3A_187 = arith.muli %add3A_177, %mul3A_186 : i32
        %dma_start3A_188 = tpu.memref_slice %arg5[%mul3A_187] : memref<802816xf32, #tpu.memory_space<hbm>> -> memref<784xf32, #tpu.memory_space<hbm>>
        %dma_start3A_189 = tpu.memref_slice %arg5[%mul3A_187] : memref<802816xf32, #tpu.memory_space<hbm>> -> memref<784xf32, #tpu.memory_space<hbm>>
        tpu.enqueue_dma source(%dma_start3A_189 : memref<784xf32, #tpu.memory_space<hbm>>) target(%arg11 : memref<784xf32, #tpu.memory_space<vmem>>) target_semaphore(%arg18 : memref<!tpu.dma_semaphore, #tpu.memory_space<semaphore_mem>>)
      } else {
      }
      %mul3A_124 = arith.constant 2 : i32
      %mul3A_125 = arith.muli %mul3A_124, %scan3A_48 : i32
      %add3A_126 = arith.constant 1 : i32
      %add3A_127 = arith.addi %mul3A_125, %add3A_126 : i32
      %add3A_128 = arith.addi %mul3A_2, %add3A_127 : i32
      %le3A_129 = arith.constant 1000 : i32
      %le3A_130 = arith.cmpi sle, %add3A_128, %le3A_129 : i32
      %convert_element_type3A_131 = arith.extui %le3A_130 : i1 to i32
      %cond3A_132 = arith.constant 0 : i32
      %cond3A_133 = arith.cmpi ne, %convert_element_type3A_131, %cond3A_132 : i32
      scf.if %cond3A_133 {
        %sub3A_175 = arith.constant 1 : i32
        %sub3A_176 = arith.subi %add3A_128, %sub3A_175 : i32
        %dma_wait3A_177 = arith.constant 0 : i32
        %dma_wait3A_178 = tpu.memref_slice %arg6[%sub3A_176, %dma_wait3A_177] : memref<1000x12544xf32, #tpu.memory_space<hbm>> -> memref<1x12544xf32, #tpu.memory_space<hbm>>
        %dma_wait3A_179 = tpu.memref_squeeze %dma_wait3A_178 : memref<1x12544xf32, #tpu.memory_space<hbm>> -> memref<12544xf32, #tpu.memory_space<hbm>>
        %dma_wait3A_180 = arith.constant 0 : i32
        %dma_wait3A_181 = tpu.memref_slice %arg6[%sub3A_176, %dma_wait3A_180] : memref<1000x12544xf32, #tpu.memory_space<hbm>> -> memref<1x12544xf32, #tpu.memory_space<hbm>>
        %dma_wait3A_182 = tpu.memref_squeeze %dma_wait3A_181 : memref<1x12544xf32, #tpu.memory_space<hbm>> -> memref<12544xf32, #tpu.memory_space<hbm>>
        tpu.wait_dma2 semaphore(%arg20 : memref<!tpu.dma_semaphore, #tpu.memory_space<semaphore_mem>>) src(%arg15 : memref<12544xf32, #tpu.memory_space<vmem>>) dst(%dma_wait3A_182 : memref<12544xf32, #tpu.memory_space<hbm>>)
      } else {
      }
      %dma_wait3A_134 = arith.constant 0 : i32
      %dma_wait3A_135 = arith.constant 0 : i32
      %dma_wait3A_136 = tpu.memref_slice %arg13[%dma_wait3A_134, %dma_wait3A_135] : memref<144x128xi32, #tpu.memory_space<vmem>> -> memref<72x128xi32, #tpu.memory_space<vmem>>
      %dma_wait3A_137 = arith.constant 0 : i32
      %dma_wait3A_138 = tpu.memref_slice %arg7[%dma_wait3A_137] : memref<144xi32, #tpu.memory_space<vmem>> -> memref<72xi32, #tpu.memory_space<vmem>>
      %dma_wait3A_139 = arith.constant 0 : i32
      %dma_wait3A_140 = arith.constant 0 : i32
      %dma_wait3A_141 = tpu.memref_slice %arg2[%dma_wait3A_139, %dma_wait3A_140] : memref<6800x128xi32, #tpu.memory_space<hbm>> -> memref<6800x128xi32, #tpu.memory_space<hbm>>
      tpu.wait_indirect_dma semaphore(%arg19 : memref<!tpu.dma_semaphore, #tpu.memory_space<semaphore_mem>>) src(%dma_wait3A_141 : memref<6800x128xi32, #tpu.memory_space<hbm>>) dst(%dma_wait3A_136 : memref<72x128xi32, #tpu.memory_space<vmem>>)
      %dma_wait3A_142 = arith.constant 0 : i32
      %dma_wait3A_143 = arith.constant 0 : i32
      %dma_wait3A_144 = tpu.memref_slice %arg13[%dma_wait3A_142, %dma_wait3A_143] : memref<144x128xi32, #tpu.memory_space<vmem>> -> memref<72x128xi32, #tpu.memory_space<vmem>>
      %dma_wait3A_145 = arith.constant 0 : i32
      %dma_wait3A_146 = tpu.memref_slice %arg7[%dma_wait3A_145] : memref<144xi32, #tpu.memory_space<vmem>> -> memref<72xi32, #tpu.memory_space<vmem>>
      %dma_wait3A_147 = arith.constant 0 : i32
      %dma_wait3A_148 = arith.constant 0 : i32
      %dma_wait3A_149 = tpu.memref_slice %arg2[%dma_wait3A_147, %dma_wait3A_148] : memref<6800x128xi32, #tpu.memory_space<hbm>> -> memref<6800x128xi32, #tpu.memory_space<hbm>>
      tpu.wait_indirect_dma semaphore(%arg19 : memref<!tpu.dma_semaphore, #tpu.memory_space<semaphore_mem>>) src(%dma_wait3A_149 : memref<6800x128xi32, #tpu.memory_space<hbm>>) dst(%dma_wait3A_144 : memref<72x128xi32, #tpu.memory_space<vmem>>)
      %lt3A_150 = arith.constant 15 : i32
      %lt3A_151 = arith.cmpi slt, %scan3A_48, %lt3A_150 : i32
      %convert_element_type3A_152 = arith.extui %lt3A_151 : i1 to i32
      %cond3A_153 = arith.constant 0 : i32
      %cond3A_154 = arith.cmpi ne, %convert_element_type3A_152, %cond3A_153 : i32
      scf.if %cond3A_154 {
        %add3A_175 = arith.constant 1 : i32
        %add3A_176 = arith.addi %add3A_127, %add3A_175 : i32
        %add3A_177 = arith.addi %mul3A_2, %add3A_176 : i32
        %mul3A_178 = arith.constant 144 : i32
        %mul3A_179 = arith.muli %add3A_177, %mul3A_178 : i32
        %dma_wait3A_180 = tpu.memref_slice %arg3[%mul3A_179] : memref<147456xi32, #tpu.memory_space<hbm>> -> memref<144xi32, #tpu.memory_space<hbm>>
        %dma_wait3A_181 = tpu.memref_slice %arg3[%mul3A_179] : memref<147456xi32, #tpu.memory_space<hbm>> -> memref<144xi32, #tpu.memory_space<hbm>>
        tpu.wait_dma2 semaphore(%arg16 : memref<!tpu.dma_semaphore, #tpu.memory_space<semaphore_mem>>) src(%dma_wait3A_181 : memref<144xi32, #tpu.memory_space<hbm>>) dst(%arg7 : memref<144xi32, #tpu.memory_space<vmem>>)
        %mul3A_182 = arith.constant 784 : i32
        %mul3A_183 = arith.muli %add3A_177, %mul3A_182 : i32
        %dma_wait3A_184 = tpu.memref_slice %arg4[%mul3A_183] : memref<802816xi32, #tpu.memory_space<hbm>> -> memref<784xi32, #tpu.memory_space<hbm>>
        %dma_wait3A_185 = tpu.memref_slice %arg4[%mul3A_183] : memref<802816xi32, #tpu.memory_space<hbm>> -> memref<784xi32, #tpu.memory_space<hbm>>
        tpu.wait_dma2 semaphore(%arg17 : memref<!tpu.dma_semaphore, #tpu.memory_space<semaphore_mem>>) src(%dma_wait3A_185 : memref<784xi32, #tpu.memory_space<hbm>>) dst(%arg9 : memref<784xi32, #tpu.memory_space<vmem>>)
        %mul3A_186 = arith.constant 784 : i32
        %mul3A_187 = arith.muli %add3A_177, %mul3A_186 : i32
        %dma_wait3A_188 = tpu.memref_slice %arg5[%mul3A_187] : memref<802816xf32, #tpu.memory_space<hbm>> -> memref<784xf32, #tpu.memory_space<hbm>>
        %dma_wait3A_189 = tpu.memref_slice %arg5[%mul3A_187] : memref<802816xf32, #tpu.memory_space<hbm>> -> memref<784xf32, #tpu.memory_space<hbm>>
        tpu.wait_dma2 semaphore(%arg18 : memref<!tpu.dma_semaphore, #tpu.memory_space<semaphore_mem>>) src(%dma_wait3A_189 : memref<784xf32, #tpu.memory_space<hbm>>) dst(%arg11 : memref<784xf32, #tpu.memory_space<vmem>>)
        %dma_start3A_190 = arith.constant 0 : i32
        %dma_start3A_191 = arith.constant 0 : i32
        %dma_start3A_192 = tpu.memref_slice %arg13[%dma_start3A_190, %dma_start3A_191] : memref<144x128xi32, #tpu.memory_space<vmem>> -> memref<72x128xi32, #tpu.memory_space<vmem>>
        %dma_start3A_193 = arith.constant 0 : i32
        %dma_start3A_194 = tpu.memref_slice %arg7[%dma_start3A_193] : memref<144xi32, #tpu.memory_space<vmem>> -> memref<72xi32, #tpu.memory_space<vmem>>
        %dma_start3A_195 = arith.constant 0 : i32
        %dma_start3A_196 = arith.constant 0 : i32
        %dma_start3A_197 = tpu.memref_slice %arg2[%dma_start3A_195, %dma_start3A_196] : memref<6800x128xi32, #tpu.memory_space<hbm>> -> memref<6800x128xi32, #tpu.memory_space<hbm>>
        tpu.enqueue_indirect_dma source(%dma_start3A_197 : memref<6800x128xi32, #tpu.memory_space<hbm>>) target(%dma_start3A_192 : memref<72x128xi32, #tpu.memory_space<vmem>>) offsets(%dma_start3A_194 : memref<72xi32, #tpu.memory_space<vmem>>) semaphore(%arg19 : memref<!tpu.dma_semaphore, #tpu.memory_space<semaphore_mem>>)
        %dma_start3A_198 = arith.constant 72 : i32
        %dma_start3A_199 = arith.constant 0 : i32
        %dma_start3A_200 = tpu.memref_slice %arg13[%dma_start3A_198, %dma_start3A_199] : memref<144x128xi32, #tpu.memory_space<vmem>> -> memref<72x128xi32, #tpu.memory_space<vmem>>
        %dma_start3A_201 = arith.constant 72 : i32
        %dma_start3A_202 = tpu.memref_slice %arg7[%dma_start3A_201] : memref<144xi32, #tpu.memory_space<vmem>> -> memref<72xi32, #tpu.memory_space<vmem>>
        %dma_start3A_203 = arith.constant 0 : i32
        %dma_start3A_204 = arith.constant 0 : i32
        %dma_start3A_205 = tpu.memref_slice %arg2[%dma_start3A_203, %dma_start3A_204] : memref<6800x128xi32, #tpu.memory_space<hbm>> -> memref<6800x128xi32, #tpu.memory_space<hbm>>
        tpu.enqueue_indirect_dma source(%dma_start3A_205 : memref<6800x128xi32, #tpu.memory_space<hbm>>) target(%dma_start3A_200 : memref<72x128xi32, #tpu.memory_space<vmem>>) offsets(%dma_start3A_202 : memref<72xi32, #tpu.memory_space<vmem>>) semaphore(%arg19 : memref<!tpu.dma_semaphore, #tpu.memory_space<semaphore_mem>>)
      } else {
      }
      %iota3A_155 = tpu.iota {dimensions = array<i32: 0>} : vector<16xi32>
      %mul3A_156 = arith.constant 49 : i32
      %mul3A_157 = vector.broadcast %mul3A_156 : i32 to vector<16xi32>
      %mul3A_158 = arith.muli %iota3A_155, %mul3A_157 : vector<16xi32>
      %scan3A_159 = arith.constant 0 : i32
      %scan3A_160 = arith.constant 0 : i32
      %scan3A_161 = arith.constant 49 : i32
      %scan3A_162 = arith.addi %scan3A_160, %scan3A_161 : i32
      %scan3A_163 = arith.constant 1 : i32
      scf.for %scan3A_175 = %scan3A_160 to %scan3A_162 step %scan3A_163  : i32 {
        %mul3A_176 = arith.constant 16 : i32
        %mul3A_177 = arith.muli %scan3A_175, %mul3A_176 : i32
        %broadcast_in_dim3A = arith.constant 0.000000e+00 : f32
        %broadcast_in_dim3A_178 = vector.broadcast %broadcast_in_dim3A : f32 to vector<16xf32>
        %broadcast_in_dim3A_179 = arith.constant 0.000000e+00 : f32
        %broadcast_in_dim3A_180 = vector.broadcast %broadcast_in_dim3A_179 : f32 to vector<16xf32>
        %broadcast_in_dim3A_181 = arith.constant 0.000000e+00 : f32
        %broadcast_in_dim3A_182 = vector.broadcast %broadcast_in_dim3A_181 : f32 to vector<16xf32>
        %broadcast_in_dim3A_183 = arith.constant 0.000000e+00 : f32
        %broadcast_in_dim3A_184 = vector.broadcast %broadcast_in_dim3A_183 : f32 to vector<16xf32>
        %broadcast_in_dim3A_185 = arith.constant 0.000000e+00 : f32
        %broadcast_in_dim3A_186 = vector.broadcast %broadcast_in_dim3A_185 : f32 to vector<16xf32>
        %broadcast_in_dim3A_187 = arith.constant 0.000000e+00 : f32
        %broadcast_in_dim3A_188 = vector.broadcast %broadcast_in_dim3A_187 : f32 to vector<16xf32>
        %broadcast_in_dim3A_189 = arith.constant 0.000000e+00 : f32
        %broadcast_in_dim3A_190 = vector.broadcast %broadcast_in_dim3A_189 : f32 to vector<16xf32>
        %broadcast_in_dim3A_191 = arith.constant 0.000000e+00 : f32
        %broadcast_in_dim3A_192 = vector.broadcast %broadcast_in_dim3A_191 : f32 to vector<16xf32>
        %broadcast_in_dim3A_193 = arith.constant 0.000000e+00 : f32
        %broadcast_in_dim3A_194 = vector.broadcast %broadcast_in_dim3A_193 : f32 to vector<16xf32>
        %broadcast_in_dim3A_195 = arith.constant 0.000000e+00 : f32
        %broadcast_in_dim3A_196 = vector.broadcast %broadcast_in_dim3A_195 : f32 to vector<16xf32>
        %broadcast_in_dim3A_197 = arith.constant 0.000000e+00 : f32
        %broadcast_in_dim3A_198 = vector.broadcast %broadcast_in_dim3A_197 : f32 to vector<16xf32>
        %broadcast_in_dim3A_199 = arith.constant 0.000000e+00 : f32
        %broadcast_in_dim3A_200 = vector.broadcast %broadcast_in_dim3A_199 : f32 to vector<16xf32>
        %broadcast_in_dim3A_201 = arith.constant 0.000000e+00 : f32
        %broadcast_in_dim3A_202 = vector.broadcast %broadcast_in_dim3A_201 : f32 to vector<16xf32>
        %broadcast_in_dim3A_203 = arith.constant 0.000000e+00 : f32
        %broadcast_in_dim3A_204 = vector.broadcast %broadcast_in_dim3A_203 : f32 to vector<16xf32>
        %broadcast_in_dim3A_205 = arith.constant 0.000000e+00 : f32
        %broadcast_in_dim3A_206 = vector.broadcast %broadcast_in_dim3A_205 : f32 to vector<16xf32>
        %broadcast_in_dim3A_207 = arith.constant 0.000000e+00 : f32
        %broadcast_in_dim3A_208 = vector.broadcast %broadcast_in_dim3A_207 : f32 to vector<16xf32>
        %scan3A_209 = arith.constant 0 : i32
        %scan3A_210 = arith.constant 2 : i32
        %scan3A_211 = arith.addi %scan3A_209, %scan3A_210 : i32
        %scan3A_212 = arith.constant 1 : i32
        %scan3A_213:16 = scf.for %scan3A_265 = %scan3A_209 to %scan3A_211 step %scan3A_212 iter_args(%scan3A_266 = %broadcast_in_dim3A_178, %scan3A_267 = %broadcast_in_dim3A_180, %scan3A_268 = %broadcast_in_dim3A_182, %scan3A_269 = %broadcast_in_dim3A_184, %scan3A_270 = %broadcast_in_dim3A_186, %scan3A_271 = %broadcast_in_dim3A_188, %scan3A_272 = %broadcast_in_dim3A_190, %scan3A_273 = %broadcast_in_dim3A_192, %scan3A_274 = %broadcast_in_dim3A_194, %scan3A_275 = %broadcast_in_dim3A_196, %scan3A_276 = %broadcast_in_dim3A_198, %scan3A_277 = %broadcast_in_dim3A_200, %scan3A_278 = %broadcast_in_dim3A_202, %scan3A_279 = %broadcast_in_dim3A_204, %scan3A_280 = %broadcast_in_dim3A_206, %scan3A_281 = %broadcast_in_dim3A_208) -> (vector<16xf32>, vector<16xf32>, vector<16xf32>, vector<16xf32>, vector<16xf32>, vector<16xf32>, vector<16xf32>, vector<16xf32>, vector<16xf32>, vector<16xf32>, vector<16xf32>, vector<16xf32>, vector<16xf32>, vector<16xf32>, vector<16xf32>, vector<16xf32>)  : i32 {
          %mul3A_282 = arith.constant 8 : i32
          %mul3A_283 = arith.muli %scan3A_265, %mul3A_282 : i32
          %add3A_284 = arith.constant 0 : i32
          %add3A_285 = arith.addi %mul3A_283, %add3A_284 : i32
          %add3A_286 = arith.addi %mul3A_177, %add3A_285 : i32
          %broadcast_in_dim3A_287 = vector.broadcast %add3A_286 : i32 to vector<16xi32>
          %gather3A = tpu.vector_load_idx %arg12[%broadcast_in_dim3A_287] : memref<784xf32, #tpu.memory_space<vmem>>[vector<16xi32>], vector<16xf32>,
          %gather3A_288 = tpu.vector_load_idx %arg10[%broadcast_in_dim3A_287] : memref<784xi32, #tpu.memory_space<vmem>>[vector<16xi32>], vector<16xi32>,
          %add3A_289 = arith.constant 0 : i32
          %add3A_290 = vector.broadcast %add3A_289 : i32 to vector<16xi32>
          %add3A_291 = arith.addi %iota3A_155, %add3A_290 : vector<16xi32>
          %gather3A_292 = tpu.vector_load_idx %arg14[%gather3A_288, %add3A_291] : memref<144x128xi32, #tpu.memory_space<vmem>>[vector<16xi32>, vector<16xi32>], vector<16xi32>,
          %shift_left3A = arith.constant 16 : i32
          %shift_left3A_293 = vector.broadcast %shift_left3A : i32 to vector<16xi32>
          %shift_left3A_294 = arith.shli %gather3A_292, %shift_left3A_293 : vector<16xi32>
          %bitcast3A = vector.bitcast %shift_left3A_294 : vector<16xi32> to vector<16xf32>
          %bitcast3A_295 = vector.bitcast %gather3A_292 : vector<16xi32> to vector<16xf32>
          %mul3A_296 = arith.mulf %gather3A, %bitcast3A : vector<16xf32>
          %add3A_297 = arith.addf %scan3A_266, %mul3A_296 : vector<16xf32>
          %mul3A_298 = arith.mulf %gather3A, %bitcast3A_295 : vector<16xf32>
          %add3A_299 = arith.addf %scan3A_267, %mul3A_298 : vector<16xf32>
          %add3A_300 = arith.constant 16 : i32
          %add3A_301 = vector.broadcast %add3A_300 : i32 to vector<16xi32>
          %add3A_302 = arith.addi %iota3A_155, %add3A_301 : vector<16xi32>
          %gather3A_303 = tpu.vector_load_idx %arg14[%gather3A_288, %add3A_302] : memref<144x128xi32, #tpu.memory_space<vmem>>[vector<16xi32>, vector<16xi32>], vector<16xi32>,
          %shift_left3A_304 = arith.constant 16 : i32
          %shift_left3A_305 = vector.broadcast %shift_left3A_304 : i32 to vector<16xi32>
          %shift_left3A_306 = arith.shli %gather3A_303, %shift_left3A_305 : vector<16xi32>
          %bitcast3A_307 = vector.bitcast %shift_left3A_306 : vector<16xi32> to vector<16xf32>
          %bitcast3A_308 = vector.bitcast %gather3A_303 : vector<16xi32> to vector<16xf32>
          %mul3A_309 = arith.mulf %gather3A, %bitcast3A_307 : vector<16xf32>
          %add3A_310 = arith.addf %scan3A_268, %mul3A_309 : vector<16xf32>
          %mul3A_311 = arith.mulf %gather3A, %bitcast3A_308 : vector<16xf32>
          %add3A_312 = arith.addf %scan3A_269, %mul3A_311 : vector<16xf32>
          %add3A_313 = arith.constant 32 : i32
          %add3A_314 = vector.broadcast %add3A_313 : i32 to vector<16xi32>
          %add3A_315 = arith.addi %iota3A_155, %add3A_314 : vector<16xi32>
          %gather3A_316 = tpu.vector_load_idx %arg14[%gather3A_288, %add3A_315] : memref<144x128xi32, #tpu.memory_space<vmem>>[vector<16xi32>, vector<16xi32>], vector<16xi32>,
          %shift_left3A_317 = arith.constant 16 : i32
          %shift_left3A_318 = vector.broadcast %shift_left3A_317 : i32 to vector<16xi32>
          %shift_left3A_319 = arith.shli %gather3A_316, %shift_left3A_318 : vector<16xi32>
          %bitcast3A_320 = vector.bitcast %shift_left3A_319 : vector<16xi32> to vector<16xf32>
          %bitcast3A_321 = vector.bitcast %gather3A_316 : vector<16xi32> to vector<16xf32>
          %mul3A_322 = arith.mulf %gather3A, %bitcast3A_320 : vector<16xf32>
          %add3A_323 = arith.addf %scan3A_270, %mul3A_322 : vector<16xf32>
          %mul3A_324 = arith.mulf %gather3A, %bitcast3A_321 : vector<16xf32>
          %add3A_325 = arith.addf %scan3A_271, %mul3A_324 : vector<16xf32>
          %add3A_326 = arith.constant 48 : i32
          %add3A_327 = vector.broadcast %add3A_326 : i32 to vector<16xi32>
          %add3A_328 = arith.addi %iota3A_155, %add3A_327 : vector<16xi32>
          %gather3A_329 = tpu.vector_load_idx %arg14[%gather3A_288, %add3A_328] : memref<144x128xi32, #tpu.memory_space<vmem>>[vector<16xi32>, vector<16xi32>], vector<16xi32>,
          %shift_left3A_330 = arith.constant 16 : i32
          %shift_left3A_331 = vector.broadcast %shift_left3A_330 : i32 to vector<16xi32>
          %shift_left3A_332 = arith.shli %gather3A_329, %shift_left3A_331 : vector<16xi32>
          %bitcast3A_333 = vector.bitcast %shift_left3A_332 : vector<16xi32> to vector<16xf32>
          %bitcast3A_334 = vector.bitcast %gather3A_329 : vector<16xi32> to vector<16xf32>
          %mul3A_335 = arith.mulf %gather3A, %bitcast3A_333 : vector<16xf32>
          %add3A_336 = arith.addf %scan3A_272, %mul3A_335 : vector<16xf32>
          %mul3A_337 = arith.mulf %gather3A, %bitcast3A_334 : vector<16xf32>
          %add3A_338 = arith.addf %scan3A_273, %mul3A_337 : vector<16xf32>
          %add3A_339 = arith.constant 64 : i32
          %add3A_340 = vector.broadcast %add3A_339 : i32 to vector<16xi32>
          %add3A_341 = arith.addi %iota3A_155, %add3A_340 : vector<16xi32>
          %gather3A_342 = tpu.vector_load_idx %arg14[%gather3A_288, %add3A_341] : memref<144x128xi32, #tpu.memory_space<vmem>>[vector<16xi32>, vector<16xi32>], vector<16xi32>,
          %shift_left3A_343 = arith.constant 16 : i32
          %shift_left3A_344 = vector.broadcast %shift_left3A_343 : i32 to vector<16xi32>
          %shift_left3A_345 = arith.shli %gather3A_342, %shift_left3A_344 : vector<16xi32>
          %bitcast3A_346 = vector.bitcast %shift_left3A_345 : vector<16xi32> to vector<16xf32>
          %bitcast3A_347 = vector.bitcast %gather3A_342 : vector<16xi32> to vector<16xf32>
          %mul3A_348 = arith.mulf %gather3A, %bitcast3A_346 : vector<16xf32>
          %add3A_349 = arith.addf %scan3A_274, %mul3A_348 : vector<16xf32>
          %mul3A_350 = arith.mulf %gather3A, %bitcast3A_347 : vector<16xf32>
          %add3A_351 = arith.addf %scan3A_275, %mul3A_350 : vector<16xf32>
          %add3A_352 = arith.constant 80 : i32
          %add3A_353 = vector.broadcast %add3A_352 : i32 to vector<16xi32>
          %add3A_354 = arith.addi %iota3A_155, %add3A_353 : vector<16xi32>
          %gather3A_355 = tpu.vector_load_idx %arg14[%gather3A_288, %add3A_354] : memref<144x128xi32, #tpu.memory_space<vmem>>[vector<16xi32>, vector<16xi32>], vector<16xi32>,
          %shift_left3A_356 = arith.constant 16 : i32
          %shift_left3A_357 = vector.broadcast %shift_left3A_356 : i32 to vector<16xi32>
          %shift_left3A_358 = arith.shli %gather3A_355, %shift_left3A_357 : vector<16xi32>
          %bitcast3A_359 = vector.bitcast %shift_left3A_358 : vector<16xi32> to vector<16xf32>
          %bitcast3A_360 = vector.bitcast %gather3A_355 : vector<16xi32> to vector<16xf32>
          %mul3A_361 = arith.mulf %gather3A, %bitcast3A_359 : vector<16xf32>
          %add3A_362 = arith.addf %scan3A_276, %mul3A_361 : vector<16xf32>
          %mul3A_363 = arith.mulf %gather3A, %bitcast3A_360 : vector<16xf32>
          %add3A_364 = arith.addf %scan3A_277, %mul3A_363 : vector<16xf32>
          %add3A_365 = arith.constant 96 : i32
          %add3A_366 = vector.broadcast %add3A_365 : i32 to vector<16xi32>
          %add3A_367 = arith.addi %iota3A_155, %add3A_366 : vector<16xi32>
          %gather3A_368 = tpu.vector_load_idx %arg14[%gather3A_288, %add3A_367] : memref<144x128xi32, #tpu.memory_space<vmem>>[vector<16xi32>, vector<16xi32>], vector<16xi32>,
          %shift_left3A_369 = arith.constant 16 : i32
          %shift_left3A_370 = vector.broadcast %shift_left3A_369 : i32 to vector<16xi32>
          %shift_left3A_371 = arith.shli %gather3A_368, %shift_left3A_370 : vector<16xi32>
          %bitcast3A_372 = vector.bitcast %shift_left3A_371 : vector<16xi32> to vector<16xf32>
          %bitcast3A_373 = vector.bitcast %gather3A_368 : vector<16xi32> to vector<16xf32>
          %mul3A_374 = arith.mulf %gather3A, %bitcast3A_372 : vector<16xf32>
          %add3A_375 = arith.addf %scan3A_278, %mul3A_374 : vector<16xf32>
          %mul3A_376 = arith.mulf %gather3A, %bitcast3A_373 : vector<16xf32>
          %add3A_377 = arith.addf %scan3A_279, %mul3A_376 : vector<16xf32>
          %add3A_378 = arith.constant 112 : i32
          %add3A_379 = vector.broadcast %add3A_378 : i32 to vector<16xi32>
          %add3A_380 = arith.addi %iota3A_155, %add3A_379 : vector<16xi32>
          %gather3A_381 = tpu.vector_load_idx %arg14[%gather3A_288, %add3A_380] : memref<144x128xi32, #tpu.memory_space<vmem>>[vector<16xi32>, vector<16xi32>], vector<16xi32>,
          %shift_left3A_382 = arith.constant 16 : i32
          %shift_left3A_383 = vector.broadcast %shift_left3A_382 : i32 to vector<16xi32>
          %shift_left3A_384 = arith.shli %gather3A_381, %shift_left3A_383 : vector<16xi32>
          %bitcast3A_385 = vector.bitcast %shift_left3A_384 : vector<16xi32> to vector<16xf32>
          %bitcast3A_386 = vector.bitcast %gather3A_381 : vector<16xi32> to vector<16xf32>
          %mul3A_387 = arith.mulf %gather3A, %bitcast3A_385 : vector<16xf32>
          %add3A_388 = arith.addf %scan3A_280, %mul3A_387 : vector<16xf32>
          %mul3A_389 = arith.mulf %gather3A, %bitcast3A_386 : vector<16xf32>
          %add3A_390 = arith.addf %scan3A_281, %mul3A_389 : vector<16xf32>
          %mul3A_391 = arith.constant 8 : i32
          %mul3A_392 = arith.muli %scan3A_265, %mul3A_391 : i32
          %add3A_393 = arith.constant 1 : i32
          %add3A_394 = arith.addi %mul3A_392, %add3A_393 : i32
          %add3A_395 = arith.addi %mul3A_177, %add3A_394 : i32
          %broadcast_in_dim3A_396 = vector.broadcast %add3A_395 : i32 to vector<16xi32>
          %gather3A_397 = tpu.vector_load_idx %arg12[%broadcast_in_dim3A_396] : memref<784xf32, #tpu.memory_space<vmem>>[vector<16xi32>], vector<16xf32>,
          %gather3A_398 = tpu.vector_load_idx %arg10[%broadcast_in_dim3A_396] : memref<784xi32, #tpu.memory_space<vmem>>[vector<16xi32>], vector<16xi32>,
          %add3A_399 = arith.constant 0 : i32
          %add3A_400 = vector.broadcast %add3A_399 : i32 to vector<16xi32>
          %add3A_401 = arith.addi %iota3A_155, %add3A_400 : vector<16xi32>
          %gather3A_402 = tpu.vector_load_idx %arg14[%gather3A_398, %add3A_401] : memref<144x128xi32, #tpu.memory_space<vmem>>[vector<16xi32>, vector<16xi32>], vector<16xi32>,
          %shift_left3A_403 = arith.constant 16 : i32
          %shift_left3A_404 = vector.broadcast %shift_left3A_403 : i32 to vector<16xi32>
          %shift_left3A_405 = arith.shli %gather3A_402, %shift_left3A_404 : vector<16xi32>
          %bitcast3A_406 = vector.bitcast %shift_left3A_405 : vector<16xi32> to vector<16xf32>
          %bitcast3A_407 = vector.bitcast %gather3A_402 : vector<16xi32> to vector<16xf32>
          %mul3A_408 = arith.mulf %gather3A_397, %bitcast3A_406 : vector<16xf32>
          %add3A_409 = arith.addf %add3A_297, %mul3A_408 : vector<16xf32>
          %mul3A_410 = arith.mulf %gather3A_397, %bitcast3A_407 : vector<16xf32>
          %add3A_411 = arith.addf %add3A_299, %mul3A_410 : vector<16xf32>
          %add3A_412 = arith.constant 16 : i32
          %add3A_413 = vector.broadcast %add3A_412 : i32 to vector<16xi32>
          %add3A_414 = arith.addi %iota3A_155, %add3A_413 : vector<16xi32>
          %gather3A_415 = tpu.vector_load_idx %arg14[%gather3A_398, %add3A_414] : memref<144x128xi32, #tpu.memory_space<vmem>>[vector<16xi32>, vector<16xi32>], vector<16xi32>,
          %shift_left3A_416 = arith.constant 16 : i32
          %shift_left3A_417 = vector.broadcast %shift_left3A_416 : i32 to vector<16xi32>
          %shift_left3A_418 = arith.shli %gather3A_415, %shift_left3A_417 : vector<16xi32>
          %bitcast3A_419 = vector.bitcast %shift_left3A_418 : vector<16xi32> to vector<16xf32>
          %bitcast3A_420 = vector.bitcast %gather3A_415 : vector<16xi32> to vector<16xf32>
          %mul3A_421 = arith.mulf %gather3A_397, %bitcast3A_419 : vector<16xf32>
          %add3A_422 = arith.addf %add3A_310, %mul3A_421 : vector<16xf32>
          %mul3A_423 = arith.mulf %gather3A_397, %bitcast3A_420 : vector<16xf32>
          %add3A_424 = arith.addf %add3A_312, %mul3A_423 : vector<16xf32>
          %add3A_425 = arith.constant 32 : i32
          %add3A_426 = vector.broadcast %add3A_425 : i32 to vector<16xi32>
          %add3A_427 = arith.addi %iota3A_155, %add3A_426 : vector<16xi32>
          %gather3A_428 = tpu.vector_load_idx %arg14[%gather3A_398, %add3A_427] : memref<144x128xi32, #tpu.memory_space<vmem>>[vector<16xi32>, vector<16xi32>], vector<16xi32>,
          %shift_left3A_429 = arith.constant 16 : i32
          %shift_left3A_430 = vector.broadcast %shift_left3A_429 : i32 to vector<16xi32>
          %shift_left3A_431 = arith.shli %gather3A_428, %shift_left3A_430 : vector<16xi32>
          %bitcast3A_432 = vector.bitcast %shift_left3A_431 : vector<16xi32> to vector<16xf32>
          %bitcast3A_433 = vector.bitcast %gather3A_428 : vector<16xi32> to vector<16xf32>
          %mul3A_434 = arith.mulf %gather3A_397, %bitcast3A_432 : vector<16xf32>
          %add3A_435 = arith.addf %add3A_323, %mul3A_434 : vector<16xf32>
          %mul3A_436 = arith.mulf %gather3A_397, %bitcast3A_433 : vector<16xf32>
          %add3A_437 = arith.addf %add3A_325, %mul3A_436 : vector<16xf32>
          %add3A_438 = arith.constant 48 : i32
          %add3A_439 = vector.broadcast %add3A_438 : i32 to vector<16xi32>
          %add3A_440 = arith.addi %iota3A_155, %add3A_439 : vector<16xi32>
          %gather3A_441 = tpu.vector_load_idx %arg14[%gather3A_398, %add3A_440] : memref<144x128xi32, #tpu.memory_space<vmem>>[vector<16xi32>, vector<16xi32>], vector<16xi32>,
          %shift_left3A_442 = arith.constant 16 : i32
          %shift_left3A_443 = vector.broadcast %shift_left3A_442 : i32 to vector<16xi32>
          %shift_left3A_444 = arith.shli %gather3A_441, %shift_left3A_443 : vector<16xi32>
          %bitcast3A_445 = vector.bitcast %shift_left3A_444 : vector<16xi32> to vector<16xf32>
          %bitcast3A_446 = vector.bitcast %gather3A_441 : vector<16xi32> to vector<16xf32>
          %mul3A_447 = arith.mulf %gather3A_397, %bitcast3A_445 : vector<16xf32>
          %add3A_448 = arith.addf %add3A_336, %mul3A_447 : vector<16xf32>
          %mul3A_449 = arith.mulf %gather3A_397, %bitcast3A_446 : vector<16xf32>
          %add3A_450 = arith.addf %add3A_338, %mul3A_449 : vector<16xf32>
          %add3A_451 = arith.constant 64 : i32
          %add3A_452 = vector.broadcast %add3A_451 : i32 to vector<16xi32>
          %add3A_453 = arith.addi %iota3A_155, %add3A_452 : vector<16xi32>
          %gather3A_454 = tpu.vector_load_idx %arg14[%gather3A_398, %add3A_453] : memref<144x128xi32, #tpu.memory_space<vmem>>[vector<16xi32>, vector<16xi32>], vector<16xi32>,
          %shift_left3A_455 = arith.constant 16 : i32
          %shift_left3A_456 = vector.broadcast %shift_left3A_455 : i32 to vector<16xi32>
          %shift_left3A_457 = arith.shli %gather3A_454, %shift_left3A_456 : vector<16xi32>
          %bitcast3A_458 = vector.bitcast %shift_left3A_457 : vector<16xi32> to vector<16xf32>
          %bitcast3A_459 = vector.bitcast %gather3A_454 : vector<16xi32> to vector<16xf32>
          %mul3A_460 = arith.mulf %gather3A_397, %bitcast3A_458 : vector<16xf32>
          %add3A_461 = arith.addf %add3A_349, %mul3A_460 : vector<16xf32>
          %mul3A_462 = arith.mulf %gather3A_397, %bitcast3A_459 : vector<16xf32>
          %add3A_463 = arith.addf %add3A_351, %mul3A_462 : vector<16xf32>
          %add3A_464 = arith.constant 80 : i32
          %add3A_465 = vector.broadcast %add3A_464 : i32 to vector<16xi32>
          %add3A_466 = arith.addi %iota3A_155, %add3A_465 : vector<16xi32>
          %gather3A_467 = tpu.vector_load_idx %arg14[%gather3A_398, %add3A_466] : memref<144x128xi32, #tpu.memory_space<vmem>>[vector<16xi32>, vector<16xi32>], vector<16xi32>,
          %shift_left3A_468 = arith.constant 16 : i32
          %shift_left3A_469 = vector.broadcast %shift_left3A_468 : i32 to vector<16xi32>
          %shift_left3A_470 = arith.shli %gather3A_467, %shift_left3A_469 : vector<16xi32>
          %bitcast3A_471 = vector.bitcast %shift_left3A_470 : vector<16xi32> to vector<16xf32>
          %bitcast3A_472 = vector.bitcast %gather3A_467 : vector<16xi32> to vector<16xf32>
          %mul3A_473 = arith.mulf %gather3A_397, %bitcast3A_471 : vector<16xf32>
          %add3A_474 = arith.addf %add3A_362, %mul3A_473 : vector<16xf32>
          %mul3A_475 = arith.mulf %gather3A_397, %bitcast3A_472 : vector<16xf32>
          %add3A_476 = arith.addf %add3A_364, %mul3A_475 : vector<16xf32>
          %add3A_477 = arith.constant 96 : i32
          %add3A_478 = vector.broadcast %add3A_477 : i32 to vector<16xi32>
          %add3A_479 = arith.addi %iota3A_155, %add3A_478 : vector<16xi32>
          %gather3A_480 = tpu.vector_load_idx %arg14[%gather3A_398, %add3A_479] : memref<144x128xi32, #tpu.memory_space<vmem>>[vector<16xi32>, vector<16xi32>], vector<16xi32>,
          %shift_left3A_481 = arith.constant 16 : i32
          %shift_left3A_482 = vector.broadcast %shift_left3A_481 : i32 to vector<16xi32>
          %shift_left3A_483 = arith.shli %gather3A_480, %shift_left3A_482 : vector<16xi32>
          %bitcast3A_484 = vector.bitcast %shift_left3A_483 : vector<16xi32> to vector<16xf32>
          %bitcast3A_485 = vector.bitcast %gather3A_480 : vector<16xi32> to vector<16xf32>
          %mul3A_486 = arith.mulf %gather3A_397, %bitcast3A_484 : vector<16xf32>
          %add3A_487 = arith.addf %add3A_375, %mul3A_486 : vector<16xf32>
          %mul3A_488 = arith.mulf %gather3A_397, %bitcast3A_485 : vector<16xf32>
          %add3A_489 = arith.addf %add3A_377, %mul3A_488 : vector<16xf32>
          %add3A_490 = arith.constant 112 : i32
          %add3A_491 = vector.broadcast %add3A_490 : i32 to vector<16xi32>
          %add3A_492 = arith.addi %iota3A_155, %add3A_491 : vector<16xi32>
          %gather3A_493 = tpu.vector_load_idx %arg14[%gather3A_398, %add3A_492] : memref<144x128xi32, #tpu.memory_space<vmem>>[vector<16xi32>, vector<16xi32>], vector<16xi32>,
          %shift_left3A_494 = arith.constant 16 : i32
          %shift_left3A_495 = vector.broadcast %shift_left3A_494 : i32 to vector<16xi32>
          %shift_left3A_496 = arith.shli %gather3A_493, %shift_left3A_495 : vector<16xi32>
          %bitcast3A_497 = vector.bitcast %shift_left3A_496 : vector<16xi32> to vector<16xf32>
          %bitcast3A_498 = vector.bitcast %gather3A_493 : vector<16xi32> to vector<16xf32>
          %mul3A_499 = arith.mulf %gather3A_397, %bitcast3A_497 : vector<16xf32>
          %add3A_500 = arith.addf %add3A_388, %mul3A_499 : vector<16xf32>
          %mul3A_501 = arith.mulf %gather3A_397, %bitcast3A_498 : vector<16xf32>
          %add3A_502 = arith.addf %add3A_390, %mul3A_501 : vector<16xf32>
          %mul3A_503 = arith.constant 8 : i32
          %mul3A_504 = arith.muli %scan3A_265, %mul3A_503 : i32
          %add3A_505 = arith.constant 2 : i32
          %add3A_506 = arith.addi %mul3A_504, %add3A_505 : i32
          %add3A_507 = arith.addi %mul3A_177, %add3A_506 : i32
          %broadcast_in_dim3A_508 = vector.broadcast %add3A_507 : i32 to vector<16xi32>
          %gather3A_509 = tpu.vector_load_idx %arg12[%broadcast_in_dim3A_508] : memref<784xf32, #tpu.memory_space<vmem>>[vector<16xi32>], vector<16xf32>,
          %gather3A_510 = tpu.vector_load_idx %arg10[%broadcast_in_dim3A_508] : memref<784xi32, #tpu.memory_space<vmem>>[vector<16xi32>], vector<16xi32>,
          %add3A_511 = arith.constant 0 : i32
          %add3A_512 = vector.broadcast %add3A_511 : i32 to vector<16xi32>
          %add3A_513 = arith.addi %iota3A_155, %add3A_512 : vector<16xi32>
          %gather3A_514 = tpu.vector_load_idx %arg14[%gather3A_510, %add3A_513] : memref<144x128xi32, #tpu.memory_space<vmem>>[vector<16xi32>, vector<16xi32>], vector<16xi32>,
          %shift_left3A_515 = arith.constant 16 : i32
          %shift_left3A_516 = vector.broadcast %shift_left3A_515 : i32 to vector<16xi32>
          %shift_left3A_517 = arith.shli %gather3A_514, %shift_left3A_516 : vector<16xi32>
          %bitcast3A_518 = vector.bitcast %shift_left3A_517 : vector<16xi32> to vector<16xf32>
          %bitcast3A_519 = vector.bitcast %gather3A_514 : vector<16xi32> to vector<16xf32>
          %mul3A_520 = arith.mulf %gather3A_509, %bitcast3A_518 : vector<16xf32>
          %add3A_521 = arith.addf %add3A_409, %mul3A_520 : vector<16xf32>
          %mul3A_522 = arith.mulf %gather3A_509, %bitcast3A_519 : vector<16xf32>
          %add3A_523 = arith.addf %add3A_411, %mul3A_522 : vector<16xf32>
          %add3A_524 = arith.constant 16 : i32
          %add3A_525 = vector.broadcast %add3A_524 : i32 to vector<16xi32>
          %add3A_526 = arith.addi %iota3A_155, %add3A_525 : vector<16xi32>
          %gather3A_527 = tpu.vector_load_idx %arg14[%gather3A_510, %add3A_526] : memref<144x128xi32, #tpu.memory_space<vmem>>[vector<16xi32>, vector<16xi32>], vector<16xi32>,
          %shift_left3A_528 = arith.constant 16 : i32
          %shift_left3A_529 = vector.broadcast %shift_left3A_528 : i32 to vector<16xi32>
          %shift_left3A_530 = arith.shli %gather3A_527, %shift_left3A_529 : vector<16xi32>
          %bitcast3A_531 = vector.bitcast %shift_left3A_530 : vector<16xi32> to vector<16xf32>
          %bitcast3A_532 = vector.bitcast %gather3A_527 : vector<16xi32> to vector<16xf32>
          %mul3A_533 = arith.mulf %gather3A_509, %bitcast3A_531 : vector<16xf32>
          %add3A_534 = arith.addf %add3A_422, %mul3A_533 : vector<16xf32>
          %mul3A_535 = arith.mulf %gather3A_509, %bitcast3A_532 : vector<16xf32>
          %add3A_536 = arith.addf %add3A_424, %mul3A_535 : vector<16xf32>
          %add3A_537 = arith.constant 32 : i32
          %add3A_538 = vector.broadcast %add3A_537 : i32 to vector<16xi32>
          %add3A_539 = arith.addi %iota3A_155, %add3A_538 : vector<16xi32>
          %gather3A_540 = tpu.vector_load_idx %arg14[%gather3A_510, %add3A_539] : memref<144x128xi32, #tpu.memory_space<vmem>>[vector<16xi32>, vector<16xi32>], vector<16xi32>,
          %shift_left3A_541 = arith.constant 16 : i32
          %shift_left3A_542 = vector.broadcast %shift_left3A_541 : i32 to vector<16xi32>
          %shift_left3A_543 = arith.shli %gather3A_540, %shift_left3A_542 : vector<16xi32>
          %bitcast3A_544 = vector.bitcast %shift_left3A_543 : vector<16xi32> to vector<16xf32>
          %bitcast3A_545 = vector.bitcast %gather3A_540 : vector<16xi32> to vector<16xf32>
          %mul3A_546 = arith.mulf %gather3A_509, %bitcast3A_544 : vector<16xf32>
          %add3A_547 = arith.addf %add3A_435, %mul3A_546 : vector<16xf32>
          %mul3A_548 = arith.mulf %gather3A_509, %bitcast3A_545 : vector<16xf32>
          %add3A_549 = arith.addf %add3A_437, %mul3A_548 : vector<16xf32>
          %add3A_550 = arith.constant 48 : i32
          %add3A_551 = vector.broadcast %add3A_550 : i32 to vector<16xi32>
          %add3A_552 = arith.addi %iota3A_155, %add3A_551 : vector<16xi32>
          %gather3A_553 = tpu.vector_load_idx %arg14[%gather3A_510, %add3A_552] : memref<144x128xi32, #tpu.memory_space<vmem>>[vector<16xi32>, vector<16xi32>], vector<16xi32>,
          %shift_left3A_554 = arith.constant 16 : i32
          %shift_left3A_555 = vector.broadcast %shift_left3A_554 : i32 to vector<16xi32>
          %shift_left3A_556 = arith.shli %gather3A_553, %shift_left3A_555 : vector<16xi32>
          %bitcast3A_557 = vector.bitcast %shift_left3A_556 : vector<16xi32> to vector<16xf32>
          %bitcast3A_558 = vector.bitcast %gather3A_553 : vector<16xi32> to vector<16xf32>
          %mul3A_559 = arith.mulf %gather3A_509, %bitcast3A_557 : vector<16xf32>
          %add3A_560 = arith.addf %add3A_448, %mul3A_559 : vector<16xf32>
          %mul3A_561 = arith.mulf %gather3A_509, %bitcast3A_558 : vector<16xf32>
          %add3A_562 = arith.addf %add3A_450, %mul3A_561 : vector<16xf32>
          %add3A_563 = arith.constant 64 : i32
          %add3A_564 = vector.broadcast %add3A_563 : i32 to vector<16xi32>
          %add3A_565 = arith.addi %iota3A_155, %add3A_564 : vector<16xi32>
          %gather3A_566 = tpu.vector_load_idx %arg14[%gather3A_510, %add3A_565] : memref<144x128xi32, #tpu.memory_space<vmem>>[vector<16xi32>, vector<16xi32>], vector<16xi32>,
          %shift_left3A_567 = arith.constant 16 : i32
          %shift_left3A_568 = vector.broadcast %shift_left3A_567 : i32 to vector<16xi32>
          %shift_left3A_569 = arith.shli %gather3A_566, %shift_left3A_568 : vector<16xi32>
          %bitcast3A_570 = vector.bitcast %shift_left3A_569 : vector<16xi32> to vector<16xf32>
          %bitcast3A_571 = vector.bitcast %gather3A_566 : vector<16xi32> to vector<16xf32>
          %mul3A_572 = arith.mulf %gather3A_509, %bitcast3A_570 : vector<16xf32>
          %add3A_573 = arith.addf %add3A_461, %mul3A_572 : vector<16xf32>
          %mul3A_574 = arith.mulf %gather3A_509, %bitcast3A_571 : vector<16xf32>
          %add3A_575 = arith.addf %add3A_463, %mul3A_574 : vector<16xf32>
          %add3A_576 = arith.constant 80 : i32
          %add3A_577 = vector.broadcast %add3A_576 : i32 to vector<16xi32>
          %add3A_578 = arith.addi %iota3A_155, %add3A_577 : vector<16xi32>
          %gather3A_579 = tpu.vector_load_idx %arg14[%gather3A_510, %add3A_578] : memref<144x128xi32, #tpu.memory_space<vmem>>[vector<16xi32>, vector<16xi32>], vector<16xi32>,
          %shift_left3A_580 = arith.constant 16 : i32
          %shift_left3A_581 = vector.broadcast %shift_left3A_580 : i32 to vector<16xi32>
          %shift_left3A_582 = arith.shli %gather3A_579, %shift_left3A_581 : vector<16xi32>
          %bitcast3A_583 = vector.bitcast %shift_left3A_582 : vector<16xi32> to vector<16xf32>
          %bitcast3A_584 = vector.bitcast %gather3A_579 : vector<16xi32> to vector<16xf32>
          %mul3A_585 = arith.mulf %gather3A_509, %bitcast3A_583 : vector<16xf32>
          %add3A_586 = arith.addf %add3A_474, %mul3A_585 : vector<16xf32>
          %mul3A_587 = arith.mulf %gather3A_509, %bitcast3A_584 : vector<16xf32>
          %add3A_588 = arith.addf %add3A_476, %mul3A_587 : vector<16xf32>
          %add3A_589 = arith.constant 96 : i32
          %add3A_590 = vector.broadcast %add3A_589 : i32 to vector<16xi32>
          %add3A_591 = arith.addi %iota3A_155, %add3A_590 : vector<16xi32>
          %gather3A_592 = tpu.vector_load_idx %arg14[%gather3A_510, %add3A_591] : memref<144x128xi32, #tpu.memory_space<vmem>>[vector<16xi32>, vector<16xi32>], vector<16xi32>,
          %shift_left3A_593 = arith.constant 16 : i32
          %shift_left3A_594 = vector.broadcast %shift_left3A_593 : i32 to vector<16xi32>
          %shift_left3A_595 = arith.shli %gather3A_592, %shift_left3A_594 : vector<16xi32>
          %bitcast3A_596 = vector.bitcast %shift_left3A_595 : vector<16xi32> to vector<16xf32>
          %bitcast3A_597 = vector.bitcast %gather3A_592 : vector<16xi32> to vector<16xf32>
          %mul3A_598 = arith.mulf %gather3A_509, %bitcast3A_596 : vector<16xf32>
          %add3A_599 = arith.addf %add3A_487, %mul3A_598 : vector<16xf32>
          %mul3A_600 = arith.mulf %gather3A_509, %bitcast3A_597 : vector<16xf32>
          %add3A_601 = arith.addf %add3A_489, %mul3A_600 : vector<16xf32>
          %add3A_602 = arith.constant 112 : i32
          %add3A_603 = vector.broadcast %add3A_602 : i32 to vector<16xi32>
          %add3A_604 = arith.addi %iota3A_155, %add3A_603 : vector<16xi32>
          %gather3A_605 = tpu.vector_load_idx %arg14[%gather3A_510, %add3A_604] : memref<144x128xi32, #tpu.memory_space<vmem>>[vector<16xi32>, vector<16xi32>], vector<16xi32>,
          %shift_left3A_606 = arith.constant 16 : i32
          %shift_left3A_607 = vector.broadcast %shift_left3A_606 : i32 to vector<16xi32>
          %shift_left3A_608 = arith.shli %gather3A_605, %shift_left3A_607 : vector<16xi32>
          %bitcast3A_609 = vector.bitcast %shift_left3A_608 : vector<16xi32> to vector<16xf32>
          %bitcast3A_610 = vector.bitcast %gather3A_605 : vector<16xi32> to vector<16xf32>
          %mul3A_611 = arith.mulf %gather3A_509, %bitcast3A_609 : vector<16xf32>
          %add3A_612 = arith.addf %add3A_500, %mul3A_611 : vector<16xf32>
          %mul3A_613 = arith.mulf %gather3A_509, %bitcast3A_610 : vector<16xf32>
          %add3A_614 = arith.addf %add3A_502, %mul3A_613 : vector<16xf32>
          %mul3A_615 = arith.constant 8 : i32
          %mul3A_616 = arith.muli %scan3A_265, %mul3A_615 : i32
          %add3A_617 = arith.constant 3 : i32
          %add3A_618 = arith.addi %mul3A_616, %add3A_617 : i32
          %add3A_619 = arith.addi %mul3A_177, %add3A_618 : i32
          %broadcast_in_dim3A_620 = vector.broadcast %add3A_619 : i32 to vector<16xi32>
          %gather3A_621 = tpu.vector_load_idx %arg12[%broadcast_in_dim3A_620] : memref<784xf32, #tpu.memory_space<vmem>>[vector<16xi32>], vector<16xf32>,
          %gather3A_622 = tpu.vector_load_idx %arg10[%broadcast_in_dim3A_620] : memref<784xi32, #tpu.memory_space<vmem>>[vector<16xi32>], vector<16xi32>,
          %add3A_623 = arith.constant 0 : i32
          %add3A_624 = vector.broadcast %add3A_623 : i32 to vector<16xi32>
          %add3A_625 = arith.addi %iota3A_155, %add3A_624 : vector<16xi32>
          %gather3A_626 = tpu.vector_load_idx %arg14[%gather3A_622, %add3A_625] : memref<144x128xi32, #tpu.memory_space<vmem>>[vector<16xi32>, vector<16xi32>], vector<16xi32>,
          %shift_left3A_627 = arith.constant 16 : i32
          %shift_left3A_628 = vector.broadcast %shift_left3A_627 : i32 to vector<16xi32>
          %shift_left3A_629 = arith.shli %gather3A_626, %shift_left3A_628 : vector<16xi32>
          %bitcast3A_630 = vector.bitcast %shift_left3A_629 : vector<16xi32> to vector<16xf32>
          %bitcast3A_631 = vector.bitcast %gather3A_626 : vector<16xi32> to vector<16xf32>
          %mul3A_632 = arith.mulf %gather3A_621, %bitcast3A_630 : vector<16xf32>
          %add3A_633 = arith.addf %add3A_521, %mul3A_632 : vector<16xf32>
          %mul3A_634 = arith.mulf %gather3A_621, %bitcast3A_631 : vector<16xf32>
          %add3A_635 = arith.addf %add3A_523, %mul3A_634 : vector<16xf32>
          %add3A_636 = arith.constant 16 : i32
          %add3A_637 = vector.broadcast %add3A_636 : i32 to vector<16xi32>
          %add3A_638 = arith.addi %iota3A_155, %add3A_637 : vector<16xi32>
          %gather3A_639 = tpu.vector_load_idx %arg14[%gather3A_622, %add3A_638] : memref<144x128xi32, #tpu.memory_space<vmem>>[vector<16xi32>, vector<16xi32>], vector<16xi32>,
          %shift_left3A_640 = arith.constant 16 : i32
          %shift_left3A_641 = vector.broadcast %shift_left3A_640 : i32 to vector<16xi32>
          %shift_left3A_642 = arith.shli %gather3A_639, %shift_left3A_641 : vector<16xi32>
          %bitcast3A_643 = vector.bitcast %shift_left3A_642 : vector<16xi32> to vector<16xf32>
          %bitcast3A_644 = vector.bitcast %gather3A_639 : vector<16xi32> to vector<16xf32>
          %mul3A_645 = arith.mulf %gather3A_621, %bitcast3A_643 : vector<16xf32>
          %add3A_646 = arith.addf %add3A_534, %mul3A_645 : vector<16xf32>
          %mul3A_647 = arith.mulf %gather3A_621, %bitcast3A_644 : vector<16xf32>
          %add3A_648 = arith.addf %add3A_536, %mul3A_647 : vector<16xf32>
          %add3A_649 = arith.constant 32 : i32
          %add3A_650 = vector.broadcast %add3A_649 : i32 to vector<16xi32>
          %add3A_651 = arith.addi %iota3A_155, %add3A_650 : vector<16xi32>
          %gather3A_652 = tpu.vector_load_idx %arg14[%gather3A_622, %add3A_651] : memref<144x128xi32, #tpu.memory_space<vmem>>[vector<16xi32>, vector<16xi32>], vector<16xi32>,
          %shift_left3A_653 = arith.constant 16 : i32
          %shift_left3A_654 = vector.broadcast %shift_left3A_653 : i32 to vector<16xi32>
          %shift_left3A_655 = arith.shli %gather3A_652, %shift_left3A_654 : vector<16xi32>
          %bitcast3A_656 = vector.bitcast %shift_left3A_655 : vector<16xi32> to vector<16xf32>
          %bitcast3A_657 = vector.bitcast %gather3A_652 : vector<16xi32> to vector<16xf32>
          %mul3A_658 = arith.mulf %gather3A_621, %bitcast3A_656 : vector<16xf32>
          %add3A_659 = arith.addf %add3A_547, %mul3A_658 : vector<16xf32>
          %mul3A_660 = arith.mulf %gather3A_621, %bitcast3A_657 : vector<16xf32>
          %add3A_661 = arith.addf %add3A_549, %mul3A_660 : vector<16xf32>
          %add3A_662 = arith.constant 48 : i32
          %add3A_663 = vector.broadcast %add3A_662 : i32 to vector<16xi32>
          %add3A_664 = arith.addi %iota3A_155, %add3A_663 : vector<16xi32>
          %gather3A_665 = tpu.vector_load_idx %arg14[%gather3A_622, %add3A_664] : memref<144x128xi32, #tpu.memory_space<vmem>>[vector<16xi32>, vector<16xi32>], vector<16xi32>,
          %shift_left3A_666 = arith.constant 16 : i32
          %shift_left3A_667 = vector.broadcast %shift_left3A_666 : i32 to vector<16xi32>
          %shift_left3A_668 = arith.shli %gather3A_665, %shift_left3A_667 : vector<16xi32>
          %bitcast3A_669 = vector.bitcast %shift_left3A_668 : vector<16xi32> to vector<16xf32>
          %bitcast3A_670 = vector.bitcast %gather3A_665 : vector<16xi32> to vector<16xf32>
          %mul3A_671 = arith.mulf %gather3A_621, %bitcast3A_669 : vector<16xf32>
          %add3A_672 = arith.addf %add3A_560, %mul3A_671 : vector<16xf32>
          %mul3A_673 = arith.mulf %gather3A_621, %bitcast3A_670 : vector<16xf32>
          %add3A_674 = arith.addf %add3A_562, %mul3A_673 : vector<16xf32>
          %add3A_675 = arith.constant 64 : i32
          %add3A_676 = vector.broadcast %add3A_675 : i32 to vector<16xi32>
          %add3A_677 = arith.addi %iota3A_155, %add3A_676 : vector<16xi32>
          %gather3A_678 = tpu.vector_load_idx %arg14[%gather3A_622, %add3A_677] : memref<144x128xi32, #tpu.memory_space<vmem>>[vector<16xi32>, vector<16xi32>], vector<16xi32>,
          %shift_left3A_679 = arith.constant 16 : i32
          %shift_left3A_680 = vector.broadcast %shift_left3A_679 : i32 to vector<16xi32>
          %shift_left3A_681 = arith.shli %gather3A_678, %shift_left3A_680 : vector<16xi32>
          %bitcast3A_682 = vector.bitcast %shift_left3A_681 : vector<16xi32> to vector<16xf32>
          %bitcast3A_683 = vector.bitcast %gather3A_678 : vector<16xi32> to vector<16xf32>
          %mul3A_684 = arith.mulf %gather3A_621, %bitcast3A_682 : vector<16xf32>
          %add3A_685 = arith.addf %add3A_573, %mul3A_684 : vector<16xf32>
          %mul3A_686 = arith.mulf %gather3A_621, %bitcast3A_683 : vector<16xf32>
          %add3A_687 = arith.addf %add3A_575, %mul3A_686 : vector<16xf32>
          %add3A_688 = arith.constant 80 : i32
          %add3A_689 = vector.broadcast %add3A_688 : i32 to vector<16xi32>
          %add3A_690 = arith.addi %iota3A_155, %add3A_689 : vector<16xi32>
          %gather3A_691 = tpu.vector_load_idx %arg14[%gather3A_622, %add3A_690] : memref<144x128xi32, #tpu.memory_space<vmem>>[vector<16xi32>, vector<16xi32>], vector<16xi32>,
          %shift_left3A_692 = arith.constant 16 : i32
          %shift_left3A_693 = vector.broadcast %shift_left3A_692 : i32 to vector<16xi32>
          %shift_left3A_694 = arith.shli %gather3A_691, %shift_left3A_693 : vector<16xi32>
          %bitcast3A_695 = vector.bitcast %shift_left3A_694 : vector<16xi32> to vector<16xf32>
          %bitcast3A_696 = vector.bitcast %gather3A_691 : vector<16xi32> to vector<16xf32>
          %mul3A_697 = arith.mulf %gather3A_621, %bitcast3A_695 : vector<16xf32>
          %add3A_698 = arith.addf %add3A_586, %mul3A_697 : vector<16xf32>
          %mul3A_699 = arith.mulf %gather3A_621, %bitcast3A_696 : vector<16xf32>
          %add3A_700 = arith.addf %add3A_588, %mul3A_699 : vector<16xf32>
          %add3A_701 = arith.constant 96 : i32
          %add3A_702 = vector.broadcast %add3A_701 : i32 to vector<16xi32>
          %add3A_703 = arith.addi %iota3A_155, %add3A_702 : vector<16xi32>
          %gather3A_704 = tpu.vector_load_idx %arg14[%gather3A_622, %add3A_703] : memref<144x128xi32, #tpu.memory_space<vmem>>[vector<16xi32>, vector<16xi32>], vector<16xi32>,
          %shift_left3A_705 = arith.constant 16 : i32
          %shift_left3A_706 = vector.broadcast %shift_left3A_705 : i32 to vector<16xi32>
          %shift_left3A_707 = arith.shli %gather3A_704, %shift_left3A_706 : vector<16xi32>
          %bitcast3A_708 = vector.bitcast %shift_left3A_707 : vector<16xi32> to vector<16xf32>
          %bitcast3A_709 = vector.bitcast %gather3A_704 : vector<16xi32> to vector<16xf32>
          %mul3A_710 = arith.mulf %gather3A_621, %bitcast3A_708 : vector<16xf32>
          %add3A_711 = arith.addf %add3A_599, %mul3A_710 : vector<16xf32>
          %mul3A_712 = arith.mulf %gather3A_621, %bitcast3A_709 : vector<16xf32>
          %add3A_713 = arith.addf %add3A_601, %mul3A_712 : vector<16xf32>
          %add3A_714 = arith.constant 112 : i32
          %add3A_715 = vector.broadcast %add3A_714 : i32 to vector<16xi32>
          %add3A_716 = arith.addi %iota3A_155, %add3A_715 : vector<16xi32>
          %gather3A_717 = tpu.vector_load_idx %arg14[%gather3A_622, %add3A_716] : memref<144x128xi32, #tpu.memory_space<vmem>>[vector<16xi32>, vector<16xi32>], vector<16xi32>,
          %shift_left3A_718 = arith.constant 16 : i32
          %shift_left3A_719 = vector.broadcast %shift_left3A_718 : i32 to vector<16xi32>
          %shift_left3A_720 = arith.shli %gather3A_717, %shift_left3A_719 : vector<16xi32>
          %bitcast3A_721 = vector.bitcast %shift_left3A_720 : vector<16xi32> to vector<16xf32>
          %bitcast3A_722 = vector.bitcast %gather3A_717 : vector<16xi32> to vector<16xf32>
          %mul3A_723 = arith.mulf %gather3A_621, %bitcast3A_721 : vector<16xf32>
          %add3A_724 = arith.addf %add3A_612, %mul3A_723 : vector<16xf32>
          %mul3A_725 = arith.mulf %gather3A_621, %bitcast3A_722 : vector<16xf32>
          %add3A_726 = arith.addf %add3A_614, %mul3A_725 : vector<16xf32>
          %mul3A_727 = arith.constant 8 : i32
          %mul3A_728 = arith.muli %scan3A_265, %mul3A_727 : i32
          %add3A_729 = arith.constant 4 : i32
          %add3A_730 = arith.addi %mul3A_728, %add3A_729 : i32
          %add3A_731 = arith.addi %mul3A_177, %add3A_730 : i32
          %broadcast_in_dim3A_732 = vector.broadcast %add3A_731 : i32 to vector<16xi32>
          %gather3A_733 = tpu.vector_load_idx %arg12[%broadcast_in_dim3A_732] : memref<784xf32, #tpu.memory_space<vmem>>[vector<16xi32>], vector<16xf32>,
          %gather3A_734 = tpu.vector_load_idx %arg10[%broadcast_in_dim3A_732] : memref<784xi32, #tpu.memory_space<vmem>>[vector<16xi32>], vector<16xi32>,
          %add3A_735 = arith.constant 0 : i32
          %add3A_736 = vector.broadcast %add3A_735 : i32 to vector<16xi32>
          %add3A_737 = arith.addi %iota3A_155, %add3A_736 : vector<16xi32>
          %gather3A_738 = tpu.vector_load_idx %arg14[%gather3A_734, %add3A_737] : memref<144x128xi32, #tpu.memory_space<vmem>>[vector<16xi32>, vector<16xi32>], vector<16xi32>,
          %shift_left3A_739 = arith.constant 16 : i32
          %shift_left3A_740 = vector.broadcast %shift_left3A_739 : i32 to vector<16xi32>
          %shift_left3A_741 = arith.shli %gather3A_738, %shift_left3A_740 : vector<16xi32>
          %bitcast3A_742 = vector.bitcast %shift_left3A_741 : vector<16xi32> to vector<16xf32>
          %bitcast3A_743 = vector.bitcast %gather3A_738 : vector<16xi32> to vector<16xf32>
          %mul3A_744 = arith.mulf %gather3A_733, %bitcast3A_742 : vector<16xf32>
          %add3A_745 = arith.addf %add3A_633, %mul3A_744 : vector<16xf32>
          %mul3A_746 = arith.mulf %gather3A_733, %bitcast3A_743 : vector<16xf32>
          %add3A_747 = arith.addf %add3A_635, %mul3A_746 : vector<16xf32>
          %add3A_748 = arith.constant 16 : i32
          %add3A_749 = vector.broadcast %add3A_748 : i32 to vector<16xi32>
          %add3A_750 = arith.addi %iota3A_155, %add3A_749 : vector<16xi32>
          %gather3A_751 = tpu.vector_load_idx %arg14[%gather3A_734, %add3A_750] : memref<144x128xi32, #tpu.memory_space<vmem>>[vector<16xi32>, vector<16xi32>], vector<16xi32>,
          %shift_left3A_752 = arith.constant 16 : i32
          %shift_left3A_753 = vector.broadcast %shift_left3A_752 : i32 to vector<16xi32>
          %shift_left3A_754 = arith.shli %gather3A_751, %shift_left3A_753 : vector<16xi32>
          %bitcast3A_755 = vector.bitcast %shift_left3A_754 : vector<16xi32> to vector<16xf32>
          %bitcast3A_756 = vector.bitcast %gather3A_751 : vector<16xi32> to vector<16xf32>
          %mul3A_757 = arith.mulf %gather3A_733, %bitcast3A_755 : vector<16xf32>
          %add3A_758 = arith.addf %add3A_646, %mul3A_757 : vector<16xf32>
          %mul3A_759 = arith.mulf %gather3A_733, %bitcast3A_756 : vector<16xf32>
          %add3A_760 = arith.addf %add3A_648, %mul3A_759 : vector<16xf32>
          %add3A_761 = arith.constant 32 : i32
          %add3A_762 = vector.broadcast %add3A_761 : i32 to vector<16xi32>
          %add3A_763 = arith.addi %iota3A_155, %add3A_762 : vector<16xi32>
          %gather3A_764 = tpu.vector_load_idx %arg14[%gather3A_734, %add3A_763] : memref<144x128xi32, #tpu.memory_space<vmem>>[vector<16xi32>, vector<16xi32>], vector<16xi32>,
          %shift_left3A_765 = arith.constant 16 : i32
          %shift_left3A_766 = vector.broadcast %shift_left3A_765 : i32 to vector<16xi32>
          %shift_left3A_767 = arith.shli %gather3A_764, %shift_left3A_766 : vector<16xi32>
          %bitcast3A_768 = vector.bitcast %shift_left3A_767 : vector<16xi32> to vector<16xf32>
          %bitcast3A_769 = vector.bitcast %gather3A_764 : vector<16xi32> to vector<16xf32>
          %mul3A_770 = arith.mulf %gather3A_733, %bitcast3A_768 : vector<16xf32>
          %add3A_771 = arith.addf %add3A_659, %mul3A_770 : vector<16xf32>
          %mul3A_772 = arith.mulf %gather3A_733, %bitcast3A_769 : vector<16xf32>
          %add3A_773 = arith.addf %add3A_661, %mul3A_772 : vector<16xf32>
          %add3A_774 = arith.constant 48 : i32
          %add3A_775 = vector.broadcast %add3A_774 : i32 to vector<16xi32>
          %add3A_776 = arith.addi %iota3A_155, %add3A_775 : vector<16xi32>
          %gather3A_777 = tpu.vector_load_idx %arg14[%gather3A_734, %add3A_776] : memref<144x128xi32, #tpu.memory_space<vmem>>[vector<16xi32>, vector<16xi32>], vector<16xi32>,
          %shift_left3A_778 = arith.constant 16 : i32
          %shift_left3A_779 = vector.broadcast %shift_left3A_778 : i32 to vector<16xi32>
          %shift_left3A_780 = arith.shli %gather3A_777, %shift_left3A_779 : vector<16xi32>
          %bitcast3A_781 = vector.bitcast %shift_left3A_780 : vector<16xi32> to vector<16xf32>
          %bitcast3A_782 = vector.bitcast %gather3A_777 : vector<16xi32> to vector<16xf32>
          %mul3A_783 = arith.mulf %gather3A_733, %bitcast3A_781 : vector<16xf32>
          %add3A_784 = arith.addf %add3A_672, %mul3A_783 : vector<16xf32>
          %mul3A_785 = arith.mulf %gather3A_733, %bitcast3A_782 : vector<16xf32>
          %add3A_786 = arith.addf %add3A_674, %mul3A_785 : vector<16xf32>
          %add3A_787 = arith.constant 64 : i32
          %add3A_788 = vector.broadcast %add3A_787 : i32 to vector<16xi32>
          %add3A_789 = arith.addi %iota3A_155, %add3A_788 : vector<16xi32>
          %gather3A_790 = tpu.vector_load_idx %arg14[%gather3A_734, %add3A_789] : memref<144x128xi32, #tpu.memory_space<vmem>>[vector<16xi32>, vector<16xi32>], vector<16xi32>,
          %shift_left3A_791 = arith.constant 16 : i32
          %shift_left3A_792 = vector.broadcast %shift_left3A_791 : i32 to vector<16xi32>
          %shift_left3A_793 = arith.shli %gather3A_790, %shift_left3A_792 : vector<16xi32>
          %bitcast3A_794 = vector.bitcast %shift_left3A_793 : vector<16xi32> to vector<16xf32>
          %bitcast3A_795 = vector.bitcast %gather3A_790 : vector<16xi32> to vector<16xf32>
          %mul3A_796 = arith.mulf %gather3A_733, %bitcast3A_794 : vector<16xf32>
          %add3A_797 = arith.addf %add3A_685, %mul3A_796 : vector<16xf32>
          %mul3A_798 = arith.mulf %gather3A_733, %bitcast3A_795 : vector<16xf32>
          %add3A_799 = arith.addf %add3A_687, %mul3A_798 : vector<16xf32>
          %add3A_800 = arith.constant 80 : i32
          %add3A_801 = vector.broadcast %add3A_800 : i32 to vector<16xi32>
          %add3A_802 = arith.addi %iota3A_155, %add3A_801 : vector<16xi32>
          %gather3A_803 = tpu.vector_load_idx %arg14[%gather3A_734, %add3A_802] : memref<144x128xi32, #tpu.memory_space<vmem>>[vector<16xi32>, vector<16xi32>], vector<16xi32>,
          %shift_left3A_804 = arith.constant 16 : i32
          %shift_left3A_805 = vector.broadcast %shift_left3A_804 : i32 to vector<16xi32>
          %shift_left3A_806 = arith.shli %gather3A_803, %shift_left3A_805 : vector<16xi32>
          %bitcast3A_807 = vector.bitcast %shift_left3A_806 : vector<16xi32> to vector<16xf32>
          %bitcast3A_808 = vector.bitcast %gather3A_803 : vector<16xi32> to vector<16xf32>
          %mul3A_809 = arith.mulf %gather3A_733, %bitcast3A_807 : vector<16xf32>
          %add3A_810 = arith.addf %add3A_698, %mul3A_809 : vector<16xf32>
          %mul3A_811 = arith.mulf %gather3A_733, %bitcast3A_808 : vector<16xf32>
          %add3A_812 = arith.addf %add3A_700, %mul3A_811 : vector<16xf32>
          %add3A_813 = arith.constant 96 : i32
          %add3A_814 = vector.broadcast %add3A_813 : i32 to vector<16xi32>
          %add3A_815 = arith.addi %iota3A_155, %add3A_814 : vector<16xi32>
          %gather3A_816 = tpu.vector_load_idx %arg14[%gather3A_734, %add3A_815] : memref<144x128xi32, #tpu.memory_space<vmem>>[vector<16xi32>, vector<16xi32>], vector<16xi32>,
          %shift_left3A_817 = arith.constant 16 : i32
          %shift_left3A_818 = vector.broadcast %shift_left3A_817 : i32 to vector<16xi32>
          %shift_left3A_819 = arith.shli %gather3A_816, %shift_left3A_818 : vector<16xi32>
          %bitcast3A_820 = vector.bitcast %shift_left3A_819 : vector<16xi32> to vector<16xf32>
          %bitcast3A_821 = vector.bitcast %gather3A_816 : vector<16xi32> to vector<16xf32>
          %mul3A_822 = arith.mulf %gather3A_733, %bitcast3A_820 : vector<16xf32>
          %add3A_823 = arith.addf %add3A_711, %mul3A_822 : vector<16xf32>
          %mul3A_824 = arith.mulf %gather3A_733, %bitcast3A_821 : vector<16xf32>
          %add3A_825 = arith.addf %add3A_713, %mul3A_824 : vector<16xf32>
          %add3A_826 = arith.constant 112 : i32
          %add3A_827 = vector.broadcast %add3A_826 : i32 to vector<16xi32>
          %add3A_828 = arith.addi %iota3A_155, %add3A_827 : vector<16xi32>
          %gather3A_829 = tpu.vector_load_idx %arg14[%gather3A_734, %add3A_828] : memref<144x128xi32, #tpu.memory_space<vmem>>[vector<16xi32>, vector<16xi32>], vector<16xi32>,
          %shift_left3A_830 = arith.constant 16 : i32
          %shift_left3A_831 = vector.broadcast %shift_left3A_830 : i32 to vector<16xi32>
          %shift_left3A_832 = arith.shli %gather3A_829, %shift_left3A_831 : vector<16xi32>
          %bitcast3A_833 = vector.bitcast %shift_left3A_832 : vector<16xi32> to vector<16xf32>
          %bitcast3A_834 = vector.bitcast %gather3A_829 : vector<16xi32> to vector<16xf32>
          %mul3A_835 = arith.mulf %gather3A_733, %bitcast3A_833 : vector<16xf32>
          %add3A_836 = arith.addf %add3A_724, %mul3A_835 : vector<16xf32>
          %mul3A_837 = arith.mulf %gather3A_733, %bitcast3A_834 : vector<16xf32>
          %add3A_838 = arith.addf %add3A_726, %mul3A_837 : vector<16xf32>
          %mul3A_839 = arith.constant 8 : i32
          %mul3A_840 = arith.muli %scan3A_265, %mul3A_839 : i32
          %add3A_841 = arith.constant 5 : i32
          %add3A_842 = arith.addi %mul3A_840, %add3A_841 : i32
          %add3A_843 = arith.addi %mul3A_177, %add3A_842 : i32
          %broadcast_in_dim3A_844 = vector.broadcast %add3A_843 : i32 to vector<16xi32>
          %gather3A_845 = tpu.vector_load_idx %arg12[%broadcast_in_dim3A_844] : memref<784xf32, #tpu.memory_space<vmem>>[vector<16xi32>], vector<16xf32>,
          %gather3A_846 = tpu.vector_load_idx %arg10[%broadcast_in_dim3A_844] : memref<784xi32, #tpu.memory_space<vmem>>[vector<16xi32>], vector<16xi32>,
          %add3A_847 = arith.constant 0 : i32
          %add3A_848 = vector.broadcast %add3A_847 : i32 to vector<16xi32>
          %add3A_849 = arith.addi %iota3A_155, %add3A_848 : vector<16xi32>
          %gather3A_850 = tpu.vector_load_idx %arg14[%gather3A_846, %add3A_849] : memref<144x128xi32, #tpu.memory_space<vmem>>[vector<16xi32>, vector<16xi32>], vector<16xi32>,
          %shift_left3A_851 = arith.constant 16 : i32
          %shift_left3A_852 = vector.broadcast %shift_left3A_851 : i32 to vector<16xi32>
          %shift_left3A_853 = arith.shli %gather3A_850, %shift_left3A_852 : vector<16xi32>
          %bitcast3A_854 = vector.bitcast %shift_left3A_853 : vector<16xi32> to vector<16xf32>
          %bitcast3A_855 = vector.bitcast %gather3A_850 : vector<16xi32> to vector<16xf32>
          %mul3A_856 = arith.mulf %gather3A_845, %bitcast3A_854 : vector<16xf32>
          %add3A_857 = arith.addf %add3A_745, %mul3A_856 : vector<16xf32>
          %mul3A_858 = arith.mulf %gather3A_845, %bitcast3A_855 : vector<16xf32>
          %add3A_859 = arith.addf %add3A_747, %mul3A_858 : vector<16xf32>
          %add3A_860 = arith.constant 16 : i32
          %add3A_861 = vector.broadcast %add3A_860 : i32 to vector<16xi32>
          %add3A_862 = arith.addi %iota3A_155, %add3A_861 : vector<16xi32>
          %gather3A_863 = tpu.vector_load_idx %arg14[%gather3A_846, %add3A_862] : memref<144x128xi32, #tpu.memory_space<vmem>>[vector<16xi32>, vector<16xi32>], vector<16xi32>,
          %shift_left3A_864 = arith.constant 16 : i32
          %shift_left3A_865 = vector.broadcast %shift_left3A_864 : i32 to vector<16xi32>
          %shift_left3A_866 = arith.shli %gather3A_863, %shift_left3A_865 : vector<16xi32>
          %bitcast3A_867 = vector.bitcast %shift_left3A_866 : vector<16xi32> to vector<16xf32>
          %bitcast3A_868 = vector.bitcast %gather3A_863 : vector<16xi32> to vector<16xf32>
          %mul3A_869 = arith.mulf %gather3A_845, %bitcast3A_867 : vector<16xf32>
          %add3A_870 = arith.addf %add3A_758, %mul3A_869 : vector<16xf32>
          %mul3A_871 = arith.mulf %gather3A_845, %bitcast3A_868 : vector<16xf32>
          %add3A_872 = arith.addf %add3A_760, %mul3A_871 : vector<16xf32>
          %add3A_873 = arith.constant 32 : i32
          %add3A_874 = vector.broadcast %add3A_873 : i32 to vector<16xi32>
          %add3A_875 = arith.addi %iota3A_155, %add3A_874 : vector<16xi32>
          %gather3A_876 = tpu.vector_load_idx %arg14[%gather3A_846, %add3A_875] : memref<144x128xi32, #tpu.memory_space<vmem>>[vector<16xi32>, vector<16xi32>], vector<16xi32>,
          %shift_left3A_877 = arith.constant 16 : i32
          %shift_left3A_878 = vector.broadcast %shift_left3A_877 : i32 to vector<16xi32>
          %shift_left3A_879 = arith.shli %gather3A_876, %shift_left3A_878 : vector<16xi32>
          %bitcast3A_880 = vector.bitcast %shift_left3A_879 : vector<16xi32> to vector<16xf32>
          %bitcast3A_881 = vector.bitcast %gather3A_876 : vector<16xi32> to vector<16xf32>
          %mul3A_882 = arith.mulf %gather3A_845, %bitcast3A_880 : vector<16xf32>
          %add3A_883 = arith.addf %add3A_771, %mul3A_882 : vector<16xf32>
          %mul3A_884 = arith.mulf %gather3A_845, %bitcast3A_881 : vector<16xf32>
          %add3A_885 = arith.addf %add3A_773, %mul3A_884 : vector<16xf32>
          %add3A_886 = arith.constant 48 : i32
          %add3A_887 = vector.broadcast %add3A_886 : i32 to vector<16xi32>
          %add3A_888 = arith.addi %iota3A_155, %add3A_887 : vector<16xi32>
          %gather3A_889 = tpu.vector_load_idx %arg14[%gather3A_846, %add3A_888] : memref<144x128xi32, #tpu.memory_space<vmem>>[vector<16xi32>, vector<16xi32>], vector<16xi32>,
          %shift_left3A_890 = arith.constant 16 : i32
          %shift_left3A_891 = vector.broadcast %shift_left3A_890 : i32 to vector<16xi32>
          %shift_left3A_892 = arith.shli %gather3A_889, %shift_left3A_891 : vector<16xi32>
          %bitcast3A_893 = vector.bitcast %shift_left3A_892 : vector<16xi32> to vector<16xf32>
          %bitcast3A_894 = vector.bitcast %gather3A_889 : vector<16xi32> to vector<16xf32>
          %mul3A_895 = arith.mulf %gather3A_845, %bitcast3A_893 : vector<16xf32>
          %add3A_896 = arith.addf %add3A_784, %mul3A_895 : vector<16xf32>
          %mul3A_897 = arith.mulf %gather3A_845, %bitcast3A_894 : vector<16xf32>
          %add3A_898 = arith.addf %add3A_786, %mul3A_897 : vector<16xf32>
          %add3A_899 = arith.constant 64 : i32
          %add3A_900 = vector.broadcast %add3A_899 : i32 to vector<16xi32>
          %add3A_901 = arith.addi %iota3A_155, %add3A_900 : vector<16xi32>
          %gather3A_902 = tpu.vector_load_idx %arg14[%gather3A_846, %add3A_901] : memref<144x128xi32, #tpu.memory_space<vmem>>[vector<16xi32>, vector<16xi32>], vector<16xi32>,
          %shift_left3A_903 = arith.constant 16 : i32
          %shift_left3A_904 = vector.broadcast %shift_left3A_903 : i32 to vector<16xi32>
          %shift_left3A_905 = arith.shli %gather3A_902, %shift_left3A_904 : vector<16xi32>
          %bitcast3A_906 = vector.bitcast %shift_left3A_905 : vector<16xi32> to vector<16xf32>
          %bitcast3A_907 = vector.bitcast %gather3A_902 : vector<16xi32> to vector<16xf32>
          %mul3A_908 = arith.mulf %gather3A_845, %bitcast3A_906 : vector<16xf32>
          %add3A_909 = arith.addf %add3A_797, %mul3A_908 : vector<16xf32>
          %mul3A_910 = arith.mulf %gather3A_845, %bitcast3A_907 : vector<16xf32>
          %add3A_911 = arith.addf %add3A_799, %mul3A_910 : vector<16xf32>
          %add3A_912 = arith.constant 80 : i32
          %add3A_913 = vector.broadcast %add3A_912 : i32 to vector<16xi32>
          %add3A_914 = arith.addi %iota3A_155, %add3A_913 : vector<16xi32>
          %gather3A_915 = tpu.vector_load_idx %arg14[%gather3A_846, %add3A_914] : memref<144x128xi32, #tpu.memory_space<vmem>>[vector<16xi32>, vector<16xi32>], vector<16xi32>,
          %shift_left3A_916 = arith.constant 16 : i32
          %shift_left3A_917 = vector.broadcast %shift_left3A_916 : i32 to vector<16xi32>
          %shift_left3A_918 = arith.shli %gather3A_915, %shift_left3A_917 : vector<16xi32>
          %bitcast3A_919 = vector.bitcast %shift_left3A_918 : vector<16xi32> to vector<16xf32>
          %bitcast3A_920 = vector.bitcast %gather3A_915 : vector<16xi32> to vector<16xf32>
          %mul3A_921 = arith.mulf %gather3A_845, %bitcast3A_919 : vector<16xf32>
          %add3A_922 = arith.addf %add3A_810, %mul3A_921 : vector<16xf32>
          %mul3A_923 = arith.mulf %gather3A_845, %bitcast3A_920 : vector<16xf32>
          %add3A_924 = arith.addf %add3A_812, %mul3A_923 : vector<16xf32>
          %add3A_925 = arith.constant 96 : i32
          %add3A_926 = vector.broadcast %add3A_925 : i32 to vector<16xi32>
          %add3A_927 = arith.addi %iota3A_155, %add3A_926 : vector<16xi32>
          %gather3A_928 = tpu.vector_load_idx %arg14[%gather3A_846, %add3A_927] : memref<144x128xi32, #tpu.memory_space<vmem>>[vector<16xi32>, vector<16xi32>], vector<16xi32>,
          %shift_left3A_929 = arith.constant 16 : i32
          %shift_left3A_930 = vector.broadcast %shift_left3A_929 : i32 to vector<16xi32>
          %shift_left3A_931 = arith.shli %gather3A_928, %shift_left3A_930 : vector<16xi32>
          %bitcast3A_932 = vector.bitcast %shift_left3A_931 : vector<16xi32> to vector<16xf32>
          %bitcast3A_933 = vector.bitcast %gather3A_928 : vector<16xi32> to vector<16xf32>
          %mul3A_934 = arith.mulf %gather3A_845, %bitcast3A_932 : vector<16xf32>
          %add3A_935 = arith.addf %add3A_823, %mul3A_934 : vector<16xf32>
          %mul3A_936 = arith.mulf %gather3A_845, %bitcast3A_933 : vector<16xf32>
          %add3A_937 = arith.addf %add3A_825, %mul3A_936 : vector<16xf32>
          %add3A_938 = arith.constant 112 : i32
          %add3A_939 = vector.broadcast %add3A_938 : i32 to vector<16xi32>
          %add3A_940 = arith.addi %iota3A_155, %add3A_939 : vector<16xi32>
          %gather3A_941 = tpu.vector_load_idx %arg14[%gather3A_846, %add3A_940] : memref<144x128xi32, #tpu.memory_space<vmem>>[vector<16xi32>, vector<16xi32>], vector<16xi32>,
          %shift_left3A_942 = arith.constant 16 : i32
          %shift_left3A_943 = vector.broadcast %shift_left3A_942 : i32 to vector<16xi32>
          %shift_left3A_944 = arith.shli %gather3A_941, %shift_left3A_943 : vector<16xi32>
          %bitcast3A_945 = vector.bitcast %shift_left3A_944 : vector<16xi32> to vector<16xf32>
          %bitcast3A_946 = vector.bitcast %gather3A_941 : vector<16xi32> to vector<16xf32>
          %mul3A_947 = arith.mulf %gather3A_845, %bitcast3A_945 : vector<16xf32>
          %add3A_948 = arith.addf %add3A_836, %mul3A_947 : vector<16xf32>
          %mul3A_949 = arith.mulf %gather3A_845, %bitcast3A_946 : vector<16xf32>
          %add3A_950 = arith.addf %add3A_838, %mul3A_949 : vector<16xf32>
          %mul3A_951 = arith.constant 8 : i32
          %mul3A_952 = arith.muli %scan3A_265, %mul3A_951 : i32
          %add3A_953 = arith.constant 6 : i32
          %add3A_954 = arith.addi %mul3A_952, %add3A_953 : i32
          %add3A_955 = arith.addi %mul3A_177, %add3A_954 : i32
          %broadcast_in_dim3A_956 = vector.broadcast %add3A_955 : i32 to vector<16xi32>
          %gather3A_957 = tpu.vector_load_idx %arg12[%broadcast_in_dim3A_956] : memref<784xf32, #tpu.memory_space<vmem>>[vector<16xi32>], vector<16xf32>,
          %gather3A_958 = tpu.vector_load_idx %arg10[%broadcast_in_dim3A_956] : memref<784xi32, #tpu.memory_space<vmem>>[vector<16xi32>], vector<16xi32>,
          %add3A_959 = arith.constant 0 : i32
          %add3A_960 = vector.broadcast %add3A_959 : i32 to vector<16xi32>
          %add3A_961 = arith.addi %iota3A_155, %add3A_960 : vector<16xi32>
          %gather3A_962 = tpu.vector_load_idx %arg14[%gather3A_958, %add3A_961] : memref<144x128xi32, #tpu.memory_space<vmem>>[vector<16xi32>, vector<16xi32>], vector<16xi32>,
          %shift_left3A_963 = arith.constant 16 : i32
          %shift_left3A_964 = vector.broadcast %shift_left3A_963 : i32 to vector<16xi32>
          %shift_left3A_965 = arith.shli %gather3A_962, %shift_left3A_964 : vector<16xi32>
          %bitcast3A_966 = vector.bitcast %shift_left3A_965 : vector<16xi32> to vector<16xf32>
          %bitcast3A_967 = vector.bitcast %gather3A_962 : vector<16xi32> to vector<16xf32>
          %mul3A_968 = arith.mulf %gather3A_957, %bitcast3A_966 : vector<16xf32>
          %add3A_969 = arith.addf %add3A_857, %mul3A_968 : vector<16xf32>
          %mul3A_970 = arith.mulf %gather3A_957, %bitcast3A_967 : vector<16xf32>
          %add3A_971 = arith.addf %add3A_859, %mul3A_970 : vector<16xf32>
          %add3A_972 = arith.constant 16 : i32
          %add3A_973 = vector.broadcast %add3A_972 : i32 to vector<16xi32>
          %add3A_974 = arith.addi %iota3A_155, %add3A_973 : vector<16xi32>
          %gather3A_975 = tpu.vector_load_idx %arg14[%gather3A_958, %add3A_974] : memref<144x128xi32, #tpu.memory_space<vmem>>[vector<16xi32>, vector<16xi32>], vector<16xi32>,
          %shift_left3A_976 = arith.constant 16 : i32
          %shift_left3A_977 = vector.broadcast %shift_left3A_976 : i32 to vector<16xi32>
          %shift_left3A_978 = arith.shli %gather3A_975, %shift_left3A_977 : vector<16xi32>
          %bitcast3A_979 = vector.bitcast %shift_left3A_978 : vector<16xi32> to vector<16xf32>
          %bitcast3A_980 = vector.bitcast %gather3A_975 : vector<16xi32> to vector<16xf32>
          %mul3A_981 = arith.mulf %gather3A_957, %bitcast3A_979 : vector<16xf32>
          %add3A_982 = arith.addf %add3A_870, %mul3A_981 : vector<16xf32>
          %mul3A_983 = arith.mulf %gather3A_957, %bitcast3A_980 : vector<16xf32>
          %add3A_984 = arith.addf %add3A_872, %mul3A_983 : vector<16xf32>
          %add3A_985 = arith.constant 32 : i32
          %add3A_986 = vector.broadcast %add3A_985 : i32 to vector<16xi32>
          %add3A_987 = arith.addi %iota3A_155, %add3A_986 : vector<16xi32>
          %gather3A_988 = tpu.vector_load_idx %arg14[%gather3A_958, %add3A_987] : memref<144x128xi32, #tpu.memory_space<vmem>>[vector<16xi32>, vector<16xi32>], vector<16xi32>,
          %shift_left3A_989 = arith.constant 16 : i32
          %shift_left3A_990 = vector.broadcast %shift_left3A_989 : i32 to vector<16xi32>
          %shift_left3A_991 = arith.shli %gather3A_988, %shift_left3A_990 : vector<16xi32>
          %bitcast3A_992 = vector.bitcast %shift_left3A_991 : vector<16xi32> to vector<16xf32>
          %bitcast3A_993 = vector.bitcast %gather3A_988 : vector<16xi32> to vector<16xf32>
          %mul3A_994 = arith.mulf %gather3A_957, %bitcast3A_992 : vector<16xf32>
          %add3A_995 = arith.addf %add3A_883, %mul3A_994 : vector<16xf32>
          %mul3A_996 = arith.mulf %gather3A_957, %bitcast3A_993 : vector<16xf32>
          %add3A_997 = arith.addf %add3A_885, %mul3A_996 : vector<16xf32>
          %add3A_998 = arith.constant 48 : i32
          %add3A_999 = vector.broadcast %add3A_998 : i32 to vector<16xi32>
          %add3A_1000 = arith.addi %iota3A_155, %add3A_999 : vector<16xi32>
          %gather3A_1001 = tpu.vector_load_idx %arg14[%gather3A_958, %add3A_1000] : memref<144x128xi32, #tpu.memory_space<vmem>>[vector<16xi32>, vector<16xi32>], vector<16xi32>,
          %shift_left3A_1002 = arith.constant 16 : i32
          %shift_left3A_1003 = vector.broadcast %shift_left3A_1002 : i32 to vector<16xi32>
          %shift_left3A_1004 = arith.shli %gather3A_1001, %shift_left3A_1003 : vector<16xi32>
          %bitcast3A_1005 = vector.bitcast %shift_left3A_1004 : vector<16xi32> to vector<16xf32>
          %bitcast3A_1006 = vector.bitcast %gather3A_1001 : vector<16xi32> to vector<16xf32>
          %mul3A_1007 = arith.mulf %gather3A_957, %bitcast3A_1005 : vector<16xf32>
          %add3A_1008 = arith.addf %add3A_896, %mul3A_1007 : vector<16xf32>
          %mul3A_1009 = arith.mulf %gather3A_957, %bitcast3A_1006 : vector<16xf32>
          %add3A_1010 = arith.addf %add3A_898, %mul3A_1009 : vector<16xf32>
          %add3A_1011 = arith.constant 64 : i32
          %add3A_1012 = vector.broadcast %add3A_1011 : i32 to vector<16xi32>
          %add3A_1013 = arith.addi %iota3A_155, %add3A_1012 : vector<16xi32>
          %gather3A_1014 = tpu.vector_load_idx %arg14[%gather3A_958, %add3A_1013] : memref<144x128xi32, #tpu.memory_space<vmem>>[vector<16xi32>, vector<16xi32>], vector<16xi32>,
          %shift_left3A_1015 = arith.constant 16 : i32
          %shift_left3A_1016 = vector.broadcast %shift_left3A_1015 : i32 to vector<16xi32>
          %shift_left3A_1017 = arith.shli %gather3A_1014, %shift_left3A_1016 : vector<16xi32>
          %bitcast3A_1018 = vector.bitcast %shift_left3A_1017 : vector<16xi32> to vector<16xf32>
          %bitcast3A_1019 = vector.bitcast %gather3A_1014 : vector<16xi32> to vector<16xf32>
          %mul3A_1020 = arith.mulf %gather3A_957, %bitcast3A_1018 : vector<16xf32>
          %add3A_1021 = arith.addf %add3A_909, %mul3A_1020 : vector<16xf32>
          %mul3A_1022 = arith.mulf %gather3A_957, %bitcast3A_1019 : vector<16xf32>
          %add3A_1023 = arith.addf %add3A_911, %mul3A_1022 : vector<16xf32>
          %add3A_1024 = arith.constant 80 : i32
          %add3A_1025 = vector.broadcast %add3A_1024 : i32 to vector<16xi32>
          %add3A_1026 = arith.addi %iota3A_155, %add3A_1025 : vector<16xi32>
          %gather3A_1027 = tpu.vector_load_idx %arg14[%gather3A_958, %add3A_1026] : memref<144x128xi32, #tpu.memory_space<vmem>>[vector<16xi32>, vector<16xi32>], vector<16xi32>,
          %shift_left3A_1028 = arith.constant 16 : i32
          %shift_left3A_1029 = vector.broadcast %shift_left3A_1028 : i32 to vector<16xi32>
          %shift_left3A_1030 = arith.shli %gather3A_1027, %shift_left3A_1029 : vector<16xi32>
          %bitcast3A_1031 = vector.bitcast %shift_left3A_1030 : vector<16xi32> to vector<16xf32>
          %bitcast3A_1032 = vector.bitcast %gather3A_1027 : vector<16xi32> to vector<16xf32>
          %mul3A_1033 = arith.mulf %gather3A_957, %bitcast3A_1031 : vector<16xf32>
          %add3A_1034 = arith.addf %add3A_922, %mul3A_1033 : vector<16xf32>
          %mul3A_1035 = arith.mulf %gather3A_957, %bitcast3A_1032 : vector<16xf32>
          %add3A_1036 = arith.addf %add3A_924, %mul3A_1035 : vector<16xf32>
          %add3A_1037 = arith.constant 96 : i32
          %add3A_1038 = vector.broadcast %add3A_1037 : i32 to vector<16xi32>
          %add3A_1039 = arith.addi %iota3A_155, %add3A_1038 : vector<16xi32>
          %gather3A_1040 = tpu.vector_load_idx %arg14[%gather3A_958, %add3A_1039] : memref<144x128xi32, #tpu.memory_space<vmem>>[vector<16xi32>, vector<16xi32>], vector<16xi32>,
          %shift_left3A_1041 = arith.constant 16 : i32
          %shift_left3A_1042 = vector.broadcast %shift_left3A_1041 : i32 to vector<16xi32>
          %shift_left3A_1043 = arith.shli %gather3A_1040, %shift_left3A_1042 : vector<16xi32>
          %bitcast3A_1044 = vector.bitcast %shift_left3A_1043 : vector<16xi32> to vector<16xf32>
          %bitcast3A_1045 = vector.bitcast %gather3A_1040 : vector<16xi32> to vector<16xf32>
          %mul3A_1046 = arith.mulf %gather3A_957, %bitcast3A_1044 : vector<16xf32>
          %add3A_1047 = arith.addf %add3A_935, %mul3A_1046 : vector<16xf32>
          %mul3A_1048 = arith.mulf %gather3A_957, %bitcast3A_1045 : vector<16xf32>
          %add3A_1049 = arith.addf %add3A_937, %mul3A_1048 : vector<16xf32>
          %add3A_1050 = arith.constant 112 : i32
          %add3A_1051 = vector.broadcast %add3A_1050 : i32 to vector<16xi32>
          %add3A_1052 = arith.addi %iota3A_155, %add3A_1051 : vector<16xi32>
          %gather3A_1053 = tpu.vector_load_idx %arg14[%gather3A_958, %add3A_1052] : memref<144x128xi32, #tpu.memory_space<vmem>>[vector<16xi32>, vector<16xi32>], vector<16xi32>,
          %shift_left3A_1054 = arith.constant 16 : i32
          %shift_left3A_1055 = vector.broadcast %shift_left3A_1054 : i32 to vector<16xi32>
          %shift_left3A_1056 = arith.shli %gather3A_1053, %shift_left3A_1055 : vector<16xi32>
          %bitcast3A_1057 = vector.bitcast %shift_left3A_1056 : vector<16xi32> to vector<16xf32>
          %bitcast3A_1058 = vector.bitcast %gather3A_1053 : vector<16xi32> to vector<16xf32>
          %mul3A_1059 = arith.mulf %gather3A_957, %bitcast3A_1057 : vector<16xf32>
          %add3A_1060 = arith.addf %add3A_948, %mul3A_1059 : vector<16xf32>
          %mul3A_1061 = arith.mulf %gather3A_957, %bitcast3A_1058 : vector<16xf32>
          %add3A_1062 = arith.addf %add3A_950, %mul3A_1061 : vector<16xf32>
          %mul3A_1063 = arith.constant 8 : i32
          %mul3A_1064 = arith.muli %scan3A_265, %mul3A_1063 : i32
          %add3A_1065 = arith.constant 7 : i32
          %add3A_1066 = arith.addi %mul3A_1064, %add3A_1065 : i32
          %add3A_1067 = arith.addi %mul3A_177, %add3A_1066 : i32
          %broadcast_in_dim3A_1068 = vector.broadcast %add3A_1067 : i32 to vector<16xi32>
          %gather3A_1069 = tpu.vector_load_idx %arg12[%broadcast_in_dim3A_1068] : memref<784xf32, #tpu.memory_space<vmem>>[vector<16xi32>], vector<16xf32>,
          %gather3A_1070 = tpu.vector_load_idx %arg10[%broadcast_in_dim3A_1068] : memref<784xi32, #tpu.memory_space<vmem>>[vector<16xi32>], vector<16xi32>,
          %add3A_1071 = arith.constant 0 : i32
          %add3A_1072 = vector.broadcast %add3A_1071 : i32 to vector<16xi32>
          %add3A_1073 = arith.addi %iota3A_155, %add3A_1072 : vector<16xi32>
          %gather3A_1074 = tpu.vector_load_idx %arg14[%gather3A_1070, %add3A_1073] : memref<144x128xi32, #tpu.memory_space<vmem>>[vector<16xi32>, vector<16xi32>], vector<16xi32>,
          %shift_left3A_1075 = arith.constant 16 : i32
          %shift_left3A_1076 = vector.broadcast %shift_left3A_1075 : i32 to vector<16xi32>
          %shift_left3A_1077 = arith.shli %gather3A_1074, %shift_left3A_1076 : vector<16xi32>
          %bitcast3A_1078 = vector.bitcast %shift_left3A_1077 : vector<16xi32> to vector<16xf32>
          %bitcast3A_1079 = vector.bitcast %gather3A_1074 : vector<16xi32> to vector<16xf32>
          %mul3A_1080 = arith.mulf %gather3A_1069, %bitcast3A_1078 : vector<16xf32>
          %add3A_1081 = arith.addf %add3A_969, %mul3A_1080 : vector<16xf32>
          %mul3A_1082 = arith.mulf %gather3A_1069, %bitcast3A_1079 : vector<16xf32>
          %add3A_1083 = arith.addf %add3A_971, %mul3A_1082 : vector<16xf32>
          %add3A_1084 = arith.constant 16 : i32
          %add3A_1085 = vector.broadcast %add3A_1084 : i32 to vector<16xi32>
          %add3A_1086 = arith.addi %iota3A_155, %add3A_1085 : vector<16xi32>
          %gather3A_1087 = tpu.vector_load_idx %arg14[%gather3A_1070, %add3A_1086] : memref<144x128xi32, #tpu.memory_space<vmem>>[vector<16xi32>, vector<16xi32>], vector<16xi32>,
          %shift_left3A_1088 = arith.constant 16 : i32
          %shift_left3A_1089 = vector.broadcast %shift_left3A_1088 : i32 to vector<16xi32>
          %shift_left3A_1090 = arith.shli %gather3A_1087, %shift_left3A_1089 : vector<16xi32>
          %bitcast3A_1091 = vector.bitcast %shift_left3A_1090 : vector<16xi32> to vector<16xf32>
          %bitcast3A_1092 = vector.bitcast %gather3A_1087 : vector<16xi32> to vector<16xf32>
          %mul3A_1093 = arith.mulf %gather3A_1069, %bitcast3A_1091 : vector<16xf32>
          %add3A_1094 = arith.addf %add3A_982, %mul3A_1093 : vector<16xf32>
          %mul3A_1095 = arith.mulf %gather3A_1069, %bitcast3A_1092 : vector<16xf32>
          %add3A_1096 = arith.addf %add3A_984, %mul3A_1095 : vector<16xf32>
          %add3A_1097 = arith.constant 32 : i32
          %add3A_1098 = vector.broadcast %add3A_1097 : i32 to vector<16xi32>
          %add3A_1099 = arith.addi %iota3A_155, %add3A_1098 : vector<16xi32>
          %gather3A_1100 = tpu.vector_load_idx %arg14[%gather3A_1070, %add3A_1099] : memref<144x128xi32, #tpu.memory_space<vmem>>[vector<16xi32>, vector<16xi32>], vector<16xi32>,
          %shift_left3A_1101 = arith.constant 16 : i32
          %shift_left3A_1102 = vector.broadcast %shift_left3A_1101 : i32 to vector<16xi32>
          %shift_left3A_1103 = arith.shli %gather3A_1100, %shift_left3A_1102 : vector<16xi32>
          %bitcast3A_1104 = vector.bitcast %shift_left3A_1103 : vector<16xi32> to vector<16xf32>
          %bitcast3A_1105 = vector.bitcast %gather3A_1100 : vector<16xi32> to vector<16xf32>
          %mul3A_1106 = arith.mulf %gather3A_1069, %bitcast3A_1104 : vector<16xf32>
          %add3A_1107 = arith.addf %add3A_995, %mul3A_1106 : vector<16xf32>
          %mul3A_1108 = arith.mulf %gather3A_1069, %bitcast3A_1105 : vector<16xf32>
          %add3A_1109 = arith.addf %add3A_997, %mul3A_1108 : vector<16xf32>
          %add3A_1110 = arith.constant 48 : i32
          %add3A_1111 = vector.broadcast %add3A_1110 : i32 to vector<16xi32>
          %add3A_1112 = arith.addi %iota3A_155, %add3A_1111 : vector<16xi32>
          %gather3A_1113 = tpu.vector_load_idx %arg14[%gather3A_1070, %add3A_1112] : memref<144x128xi32, #tpu.memory_space<vmem>>[vector<16xi32>, vector<16xi32>], vector<16xi32>,
          %shift_left3A_1114 = arith.constant 16 : i32
          %shift_left3A_1115 = vector.broadcast %shift_left3A_1114 : i32 to vector<16xi32>
          %shift_left3A_1116 = arith.shli %gather3A_1113, %shift_left3A_1115 : vector<16xi32>
          %bitcast3A_1117 = vector.bitcast %shift_left3A_1116 : vector<16xi32> to vector<16xf32>
          %bitcast3A_1118 = vector.bitcast %gather3A_1113 : vector<16xi32> to vector<16xf32>
          %mul3A_1119 = arith.mulf %gather3A_1069, %bitcast3A_1117 : vector<16xf32>
          %add3A_1120 = arith.addf %add3A_1008, %mul3A_1119 : vector<16xf32>
          %mul3A_1121 = arith.mulf %gather3A_1069, %bitcast3A_1118 : vector<16xf32>
          %add3A_1122 = arith.addf %add3A_1010, %mul3A_1121 : vector<16xf32>
          %add3A_1123 = arith.constant 64 : i32
          %add3A_1124 = vector.broadcast %add3A_1123 : i32 to vector<16xi32>
          %add3A_1125 = arith.addi %iota3A_155, %add3A_1124 : vector<16xi32>
          %gather3A_1126 = tpu.vector_load_idx %arg14[%gather3A_1070, %add3A_1125] : memref<144x128xi32, #tpu.memory_space<vmem>>[vector<16xi32>, vector<16xi32>], vector<16xi32>,
          %shift_left3A_1127 = arith.constant 16 : i32
          %shift_left3A_1128 = vector.broadcast %shift_left3A_1127 : i32 to vector<16xi32>
          %shift_left3A_1129 = arith.shli %gather3A_1126, %shift_left3A_1128 : vector<16xi32>
          %bitcast3A_1130 = vector.bitcast %shift_left3A_1129 : vector<16xi32> to vector<16xf32>
          %bitcast3A_1131 = vector.bitcast %gather3A_1126 : vector<16xi32> to vector<16xf32>
          %mul3A_1132 = arith.mulf %gather3A_1069, %bitcast3A_1130 : vector<16xf32>
          %add3A_1133 = arith.addf %add3A_1021, %mul3A_1132 : vector<16xf32>
          %mul3A_1134 = arith.mulf %gather3A_1069, %bitcast3A_1131 : vector<16xf32>
          %add3A_1135 = arith.addf %add3A_1023, %mul3A_1134 : vector<16xf32>
          %add3A_1136 = arith.constant 80 : i32
          %add3A_1137 = vector.broadcast %add3A_1136 : i32 to vector<16xi32>
          %add3A_1138 = arith.addi %iota3A_155, %add3A_1137 : vector<16xi32>
          %gather3A_1139 = tpu.vector_load_idx %arg14[%gather3A_1070, %add3A_1138] : memref<144x128xi32, #tpu.memory_space<vmem>>[vector<16xi32>, vector<16xi32>], vector<16xi32>,
          %shift_left3A_1140 = arith.constant 16 : i32
          %shift_left3A_1141 = vector.broadcast %shift_left3A_1140 : i32 to vector<16xi32>
          %shift_left3A_1142 = arith.shli %gather3A_1139, %shift_left3A_1141 : vector<16xi32>
          %bitcast3A_1143 = vector.bitcast %shift_left3A_1142 : vector<16xi32> to vector<16xf32>
          %bitcast3A_1144 = vector.bitcast %gather3A_1139 : vector<16xi32> to vector<16xf32>
          %mul3A_1145 = arith.mulf %gather3A_1069, %bitcast3A_1143 : vector<16xf32>
          %add3A_1146 = arith.addf %add3A_1034, %mul3A_1145 : vector<16xf32>
          %mul3A_1147 = arith.mulf %gather3A_1069, %bitcast3A_1144 : vector<16xf32>
          %add3A_1148 = arith.addf %add3A_1036, %mul3A_1147 : vector<16xf32>
          %add3A_1149 = arith.constant 96 : i32
          %add3A_1150 = vector.broadcast %add3A_1149 : i32 to vector<16xi32>
          %add3A_1151 = arith.addi %iota3A_155, %add3A_1150 : vector<16xi32>
          %gather3A_1152 = tpu.vector_load_idx %arg14[%gather3A_1070, %add3A_1151] : memref<144x128xi32, #tpu.memory_space<vmem>>[vector<16xi32>, vector<16xi32>], vector<16xi32>,
          %shift_left3A_1153 = arith.constant 16 : i32
          %shift_left3A_1154 = vector.broadcast %shift_left3A_1153 : i32 to vector<16xi32>
          %shift_left3A_1155 = arith.shli %gather3A_1152, %shift_left3A_1154 : vector<16xi32>
          %bitcast3A_1156 = vector.bitcast %shift_left3A_1155 : vector<16xi32> to vector<16xf32>
          %bitcast3A_1157 = vector.bitcast %gather3A_1152 : vector<16xi32> to vector<16xf32>
          %mul3A_1158 = arith.mulf %gather3A_1069, %bitcast3A_1156 : vector<16xf32>
          %add3A_1159 = arith.addf %add3A_1047, %mul3A_1158 : vector<16xf32>
          %mul3A_1160 = arith.mulf %gather3A_1069, %bitcast3A_1157 : vector<16xf32>
          %add3A_1161 = arith.addf %add3A_1049, %mul3A_1160 : vector<16xf32>
          %add3A_1162 = arith.constant 112 : i32
          %add3A_1163 = vector.broadcast %add3A_1162 : i32 to vector<16xi32>
          %add3A_1164 = arith.addi %iota3A_155, %add3A_1163 : vector<16xi32>
          %gather3A_1165 = tpu.vector_load_idx %arg14[%gather3A_1070, %add3A_1164] : memref<144x128xi32, #tpu.memory_space<vmem>>[vector<16xi32>, vector<16xi32>], vector<16xi32>,
          %shift_left3A_1166 = arith.constant 16 : i32
          %shift_left3A_1167 = vector.broadcast %shift_left3A_1166 : i32 to vector<16xi32>
          %shift_left3A_1168 = arith.shli %gather3A_1165, %shift_left3A_1167 : vector<16xi32>
          %bitcast3A_1169 = vector.bitcast %shift_left3A_1168 : vector<16xi32> to vector<16xf32>
          %bitcast3A_1170 = vector.bitcast %gather3A_1165 : vector<16xi32> to vector<16xf32>
          %mul3A_1171 = arith.mulf %gather3A_1069, %bitcast3A_1169 : vector<16xf32>
          %add3A_1172 = arith.addf %add3A_1060, %mul3A_1171 : vector<16xf32>
          %mul3A_1173 = arith.mulf %gather3A_1069, %bitcast3A_1170 : vector<16xf32>
          %add3A_1174 = arith.addf %add3A_1062, %mul3A_1173 : vector<16xf32>
          scf.yield %add3A_1081, %add3A_1083, %add3A_1094, %add3A_1096, %add3A_1107, %add3A_1109, %add3A_1120, %add3A_1122, %add3A_1133, %add3A_1135, %add3A_1146, %add3A_1148, %add3A_1159, %add3A_1161, %add3A_1172, %add3A_1174 : vector<16xf32>, vector<16xf32>, vector<16xf32>, vector<16xf32>, vector<16xf32>, vector<16xf32>, vector<16xf32>, vector<16xf32>, vector<16xf32>, vector<16xf32>, vector<16xf32>, vector<16xf32>, vector<16xf32>, vector<16xf32>, vector<16xf32>, vector<16xf32>
        }
        %scan3A_214 = arith.constant 2 : i32
        %broadcast_in_dim3A_215 = vector.broadcast %scan3A_175 : i32 to vector<16xi32>
        %add3A_216 = arith.addi %mul3A_158, %broadcast_in_dim3A_215 : vector<16xi32>
        %add3A_217 = arith.constant 0 : i32
        %add3A_218 = vector.broadcast %add3A_217 : i32 to vector<16xi32>
        %add3A_219 = arith.addi %add3A_216, %add3A_218 : vector<16xi32>
        tpu.vector_store_idx %arg15[%add3A_219], %scan3A_213#0 : memref<12544xf32, #tpu.memory_space<vmem>>[vector<16xi32>], vector<16xf32>,
        %add3A_220 = arith.constant 784 : i32
        %add3A_221 = vector.broadcast %add3A_220 : i32 to vector<16xi32>
        %add3A_222 = arith.addi %add3A_216, %add3A_221 : vector<16xi32>
        tpu.vector_store_idx %arg15[%add3A_222], %scan3A_213#1 : memref<12544xf32, #tpu.memory_space<vmem>>[vector<16xi32>], vector<16xf32>,
        %add3A_223 = arith.constant 1568 : i32
        %add3A_224 = vector.broadcast %add3A_223 : i32 to vector<16xi32>
        %add3A_225 = arith.addi %add3A_216, %add3A_224 : vector<16xi32>
        tpu.vector_store_idx %arg15[%add3A_225], %scan3A_213#2 : memref<12544xf32, #tpu.memory_space<vmem>>[vector<16xi32>], vector<16xf32>,
        %add3A_226 = arith.constant 2352 : i32
        %add3A_227 = vector.broadcast %add3A_226 : i32 to vector<16xi32>
        %add3A_228 = arith.addi %add3A_216, %add3A_227 : vector<16xi32>
        tpu.vector_store_idx %arg15[%add3A_228], %scan3A_213#3 : memref<12544xf32, #tpu.memory_space<vmem>>[vector<16xi32>], vector<16xf32>,
        %add3A_229 = arith.constant 3136 : i32
        %add3A_230 = vector.broadcast %add3A_229 : i32 to vector<16xi32>
        %add3A_231 = arith.addi %add3A_216, %add3A_230 : vector<16xi32>
        tpu.vector_store_idx %arg15[%add3A_231], %scan3A_213#4 : memref<12544xf32, #tpu.memory_space<vmem>>[vector<16xi32>], vector<16xf32>,
        %add3A_232 = arith.constant 3920 : i32
        %add3A_233 = vector.broadcast %add3A_232 : i32 to vector<16xi32>
        %add3A_234 = arith.addi %add3A_216, %add3A_233 : vector<16xi32>
        tpu.vector_store_idx %arg15[%add3A_234], %scan3A_213#5 : memref<12544xf32, #tpu.memory_space<vmem>>[vector<16xi32>], vector<16xf32>,
        %add3A_235 = arith.constant 4704 : i32
        %add3A_236 = vector.broadcast %add3A_235 : i32 to vector<16xi32>
        %add3A_237 = arith.addi %add3A_216, %add3A_236 : vector<16xi32>
        tpu.vector_store_idx %arg15[%add3A_237], %scan3A_213#6 : memref<12544xf32, #tpu.memory_space<vmem>>[vector<16xi32>], vector<16xf32>,
        %add3A_238 = arith.constant 5488 : i32
        %add3A_239 = vector.broadcast %add3A_238 : i32 to vector<16xi32>
        %add3A_240 = arith.addi %add3A_216, %add3A_239 : vector<16xi32>
        tpu.vector_store_idx %arg15[%add3A_240], %scan3A_213#7 : memref<12544xf32, #tpu.memory_space<vmem>>[vector<16xi32>], vector<16xf32>,
        %add3A_241 = arith.constant 6272 : i32
        %add3A_242 = vector.broadcast %add3A_241 : i32 to vector<16xi32>
        %add3A_243 = arith.addi %add3A_216, %add3A_242 : vector<16xi32>
        tpu.vector_store_idx %arg15[%add3A_243], %scan3A_213#8 : memref<12544xf32, #tpu.memory_space<vmem>>[vector<16xi32>], vector<16xf32>,
        %add3A_244 = arith.constant 7056 : i32
        %add3A_245 = vector.broadcast %add3A_244 : i32 to vector<16xi32>
        %add3A_246 = arith.addi %add3A_216, %add3A_245 : vector<16xi32>
        tpu.vector_store_idx %arg15[%add3A_246], %scan3A_213#9 : memref<12544xf32, #tpu.memory_space<vmem>>[vector<16xi32>], vector<16xf32>,
        %add3A_247 = arith.constant 7840 : i32
        %add3A_248 = vector.broadcast %add3A_247 : i32 to vector<16xi32>
        %add3A_249 = arith.addi %add3A_216, %add3A_248 : vector<16xi32>
        tpu.vector_store_idx %arg15[%add3A_249], %scan3A_213#10 : memref<12544xf32, #tpu.memory_space<vmem>>[vector<16xi32>], vector<16xf32>,
        %add3A_250 = arith.constant 8624 : i32
        %add3A_251 = vector.broadcast %add3A_250 : i32 to vector<16xi32>
        %add3A_252 = arith.addi %add3A_216, %add3A_251 : vector<16xi32>
        tpu.vector_store_idx %arg15[%add3A_252], %scan3A_213#11 : memref<12544xf32, #tpu.memory_space<vmem>>[vector<16xi32>], vector<16xf32>,
        %add3A_253 = arith.constant 9408 : i32
        %add3A_254 = vector.broadcast %add3A_253 : i32 to vector<16xi32>
        %add3A_255 = arith.addi %add3A_216, %add3A_254 : vector<16xi32>
        tpu.vector_store_idx %arg15[%add3A_255], %scan3A_213#12 : memref<12544xf32, #tpu.memory_space<vmem>>[vector<16xi32>], vector<16xf32>,
        %add3A_256 = arith.constant 10192 : i32
        %add3A_257 = vector.broadcast %add3A_256 : i32 to vector<16xi32>
        %add3A_258 = arith.addi %add3A_216, %add3A_257 : vector<16xi32>
        tpu.vector_store_idx %arg15[%add3A_258], %scan3A_213#13 : memref<12544xf32, #tpu.memory_space<vmem>>[vector<16xi32>], vector<16xf32>,
        %add3A_259 = arith.constant 10976 : i32
        %add3A_260 = vector.broadcast %add3A_259 : i32 to vector<16xi32>
        %add3A_261 = arith.addi %add3A_216, %add3A_260 : vector<16xi32>
        tpu.vector_store_idx %arg15[%add3A_261], %scan3A_213#14 : memref<12544xf32, #tpu.memory_space<vmem>>[vector<16xi32>], vector<16xf32>,
        %add3A_262 = arith.constant 11760 : i32
        %add3A_263 = vector.broadcast %add3A_262 : i32 to vector<16xi32>
        %add3A_264 = arith.addi %add3A_216, %add3A_263 : vector<16xi32>
        tpu.vector_store_idx %arg15[%add3A_264], %scan3A_213#15 : memref<12544xf32, #tpu.memory_space<vmem>>[vector<16xi32>], vector<16xf32>,
      }
      %scan3A_164 = arith.constant 49 : i32
      %lt3A_165 = arith.constant 1000 : i32
      %lt3A_166 = arith.cmpi slt, %add3A_128, %lt3A_165 : i32
      %convert_element_type3A_167 = arith.extui %lt3A_166 : i1 to i32
      %cond3A_168 = arith.constant 0 : i32
      %cond3A_169 = arith.cmpi ne, %convert_element_type3A_167, %cond3A_168 : i32
      scf.if %cond3A_169 {
        %dma_start3A_175 = arith.constant 0 : i32
        %dma_start3A_176 = tpu.memref_slice %arg6[%add3A_128, %dma_start3A_175] : memref<1000x12544xf32, #tpu.memory_space<hbm>> -> memref<1x12544xf32, #tpu.memory_space<hbm>>
        %dma_start3A_177 = tpu.memref_squeeze %dma_start3A_176 : memref<1x12544xf32, #tpu.memory_space<hbm>> -> memref<12544xf32, #tpu.memory_space<hbm>>
        %dma_start3A_178 = arith.constant 0 : i32
        %dma_start3A_179 = tpu.memref_slice %arg6[%add3A_128, %dma_start3A_178] : memref<1000x12544xf32, #tpu.memory_space<hbm>> -> memref<1x12544xf32, #tpu.memory_space<hbm>>
        %dma_start3A_180 = tpu.memref_squeeze %dma_start3A_179 : memref<1x12544xf32, #tpu.memory_space<hbm>> -> memref<12544xf32, #tpu.memory_space<hbm>>
        tpu.enqueue_dma source(%arg15 : memref<12544xf32, #tpu.memory_space<vmem>>) target(%dma_start3A_180 : memref<12544xf32, #tpu.memory_space<hbm>>) target_semaphore(%arg20 : memref<!tpu.dma_semaphore, #tpu.memory_space<semaphore_mem>>)
      } else {
      }
      %lt3A_170 = arith.constant 15 : i32
      %lt3A_171 = arith.cmpi slt, %scan3A_48, %lt3A_170 : i32
      %convert_element_type3A_172 = arith.extui %lt3A_171 : i1 to i32
      %cond3A_173 = arith.constant 0 : i32
      %cond3A_174 = arith.cmpi ne, %convert_element_type3A_172, %cond3A_173 : i32
      scf.if %cond3A_174 {
        %add3A_175 = arith.constant 2 : i32
        %add3A_176 = arith.addi %add3A_127, %add3A_175 : i32
        %add3A_177 = arith.addi %mul3A_2, %add3A_176 : i32
        %mul3A_178 = arith.constant 144 : i32
        %mul3A_179 = arith.muli %add3A_177, %mul3A_178 : i32
        %dma_start3A_180 = tpu.memref_slice %arg3[%mul3A_179] : memref<147456xi32, #tpu.memory_space<hbm>> -> memref<144xi32, #tpu.memory_space<hbm>>
        %dma_start3A_181 = tpu.memref_slice %arg3[%mul3A_179] : memref<147456xi32, #tpu.memory_space<hbm>> -> memref<144xi32, #tpu.memory_space<hbm>>
        tpu.enqueue_dma source(%dma_start3A_181 : memref<144xi32, #tpu.memory_space<hbm>>) target(%arg8 : memref<144xi32, #tpu.memory_space<vmem>>) target_semaphore(%arg16 : memref<!tpu.dma_semaphore, #tpu.memory_space<semaphore_mem>>)
        %mul3A_182 = arith.constant 784 : i32
        %mul3A_183 = arith.muli %add3A_177, %mul3A_182 : i32
        %dma_start3A_184 = tpu.memref_slice %arg4[%mul3A_183] : memref<802816xi32, #tpu.memory_space<hbm>> -> memref<784xi32, #tpu.memory_space<hbm>>
        %dma_start3A_185 = tpu.memref_slice %arg4[%mul3A_183] : memref<802816xi32, #tpu.memory_space<hbm>> -> memref<784xi32, #tpu.memory_space<hbm>>
        tpu.enqueue_dma source(%dma_start3A_185 : memref<784xi32, #tpu.memory_space<hbm>>) target(%arg10 : memref<784xi32, #tpu.memory_space<vmem>>) target_semaphore(%arg17 : memref<!tpu.dma_semaphore, #tpu.memory_space<semaphore_mem>>)
        %mul3A_186 = arith.constant 784 : i32
        %mul3A_187 = arith.muli %add3A_177, %mul3A_186 : i32
        %dma_start3A_188 = tpu.memref_slice %arg5[%mul3A_187] : memref<802816xf32, #tpu.memory_space<hbm>> -> memref<784xf32, #tpu.memory_space<hbm>>
        %dma_start3A_189 = tpu.memref_slice %arg5[%mul3A_187] : memref<802816xf32, #tpu.memory_space<hbm>> -> memref<784xf32, #tpu.memory_space<hbm>>
        tpu.enqueue_dma source(%dma_start3A_189 : memref<784xf32, #tpu.memory_space<hbm>>) target(%arg12 : memref<784xf32, #tpu.memory_space<vmem>>) target_semaphore(%arg18 : memref<!tpu.dma_semaphore, #tpu.memory_space<semaphore_mem>>)
      } else {
      }
    }
    %scan3A_42 = arith.constant 16 : i32
    %add3A_43 = arith.constant 32 : i32
    %add3A_44 = arith.addi %mul3A_2, %add3A_43 : i32
    %sub3A = arith.constant 1 : i32
    %sub3A_45 = arith.subi %add3A_44, %sub3A : i32
    %lt3A = arith.constant 1000 : i32
    %lt3A_46 = arith.cmpi slt, %sub3A_45, %lt3A : i32
    %convert_element_type3A = arith.extui %lt3A_46 : i1 to i32
    %cond3A = arith.constant 0 : i32
    %cond3A_47 = arith.cmpi ne, %convert_element_type3A, %cond3A : i32
    scf.if %cond3A_47 {
      %dma_wait3A = arith.constant 0 : i32
      %dma_wait3A_48 = tpu.memref_slice %arg6[%sub3A_45, %dma_wait3A] : memref<1000x12544xf32, #tpu.memory_space<hbm>> -> memref<1x12544xf32, #tpu.memory_space<hbm>>
      %dma_wait3A_49 = tpu.memref_squeeze %dma_wait3A_48 : memref<1x12544xf32, #tpu.memory_space<hbm>> -> memref<12544xf32, #tpu.memory_space<hbm>>
      %dma_wait3A_50 = arith.constant 0 : i32
      %dma_wait3A_51 = tpu.memref_slice %arg6[%sub3A_45, %dma_wait3A_50] : memref<1000x12544xf32, #tpu.memory_space<hbm>> -> memref<1x12544xf32, #tpu.memory_space<hbm>>
      %dma_wait3A_52 = tpu.memref_squeeze %dma_wait3A_51 : memref<1x12544xf32, #tpu.memory_space<hbm>> -> memref<12544xf32, #tpu.memory_space<hbm>>
      tpu.wait_dma2 semaphore(%arg20 : memref<!tpu.dma_semaphore, #tpu.memory_space<semaphore_mem>>) src(%arg15 : memref<12544xf32, #tpu.memory_space<vmem>>) dst(%dma_wait3A_52 : memref<12544xf32, #tpu.memory_space<hbm>>)
    } else {
    }
    return
  }
}

module attributes {stable_mosaic.version = 14 : i64} {
  func.func @_idxw_body(%arg0: i32, %arg1: memref<32x4xf32, #tpu.memory_space<vmem>>, %arg2: memref<32x144xi32, #tpu.memory_space<vmem>>, %arg3: memref<32x784xi32, #tpu.memory_space<vmem>>, %arg4: memref<32x784xf32, #tpu.memory_space<vmem>>) attributes {dimension_semantics = [#tpu.dimension_semantics<arbitrary>], iteration_bounds = array<i64: 32>, scalar_prefetch = 0 : i64, scratch_operands = 0 : i64, tpu.core_type = #tpu.core_type<tc>, window_params = [{transform_indices = @transform_0, window_bounds = array<i64: 32, 4>}, {transform_indices = @transform_1, window_bounds = array<i64: 32, 144>}, {transform_indices = @transform_2, window_bounds = array<i64: 32, 784>}, {transform_indices = @transform_3, window_bounds = array<i64: 32, 784>}]} {
    %get3A = arith.constant 0 : index
    %get3A_0 = arith.constant 0 : index
    %get3A_1 = vector.load %arg1[%get3A, %get3A_0] : memref<32x4xf32, #tpu.memory_space<vmem>>, vector<32x4xf32>
    %slice3A = vector.extract_strided_slice %get3A_1 {offsets = [0, 0], sizes = [32, 1], strides = [1, 1]} : vector<32x4xf32> to vector<32x1xf32>
    %slice3A_2 = vector.extract_strided_slice %get3A_1 {offsets = [0, 1], sizes = [32, 1], strides = [1, 1]} : vector<32x4xf32> to vector<32x1xf32>
    %slice3A_3 = vector.extract_strided_slice %get3A_1 {offsets = [0, 2], sizes = [32, 1], strides = [1, 1]} : vector<32x4xf32> to vector<32x1xf32>
    %slice3A_4 = vector.extract_strided_slice %get3A_1 {offsets = [0, 3], sizes = [32, 1], strides = [1, 1]} : vector<32x4xf32> to vector<32x1xf32>
    %sub3A = arith.subf %slice3A_3, %slice3A : vector<32x1xf32>
    %sub3A_5 = arith.subf %slice3A_4, %slice3A_2 : vector<32x1xf32>
    %mul3A = arith.mulf %sub3A, %sub3A_5 : vector<32x1xf32>
    %ge3A = arith.constant 4.000000e+02 : f32
    %ge3A_6 = vector.broadcast %ge3A : f32 to vector<32x1xf32>
    %ge3A_7 = arith.cmpf oge, %mul3A, %ge3A_6 : vector<32x1xf32>
    %jit3A = arith.constant 3.125000e-02 : f32
    %jit3A_8 = arith.constant 1.250000e-01 : f32
    %broadcast_in_dim3A = vector.broadcast %jit3A : f32 to vector<32x1xf32>
    %broadcast_in_dim3A_9 = vector.broadcast %jit3A_8 : f32 to vector<32x1xf32>
    %select_n3A = arith.select %ge3A_7, %broadcast_in_dim3A, %broadcast_in_dim3A_9 : vector<32x1xi1>, vector<32x1xf32>
    %jit3A_10 = arith.constant 2.000000e+01 : f32
    %jit3A_11 = arith.constant 8.000000e+01 : f32
    %broadcast_in_dim3A_12 = vector.broadcast %jit3A_10 : f32 to vector<32x1xf32>
    %broadcast_in_dim3A_13 = vector.broadcast %jit3A_11 : f32 to vector<32x1xf32>
    %select_n3A_14 = arith.select %ge3A_7, %broadcast_in_dim3A_12, %broadcast_in_dim3A_13 : vector<32x1xi1>, vector<32x1xf32>
    %jit3A_15 = arith.constant 20 : i32
    %jit3A_16 = arith.constant 80 : i32
    %broadcast_in_dim3A_17 = vector.broadcast %jit3A_15 : i32 to vector<32x1xi32>
    %broadcast_in_dim3A_18 = vector.broadcast %jit3A_16 : i32 to vector<32x1xi32>
    %select_n3A_19 = arith.select %ge3A_7, %broadcast_in_dim3A_17, %broadcast_in_dim3A_18 : vector<32x1xi1>, vector<32x1xi32>
    %jit3A_20 = arith.constant 6400 : i32
    %jit3A_21 = arith.constant 0 : i32
    %broadcast_in_dim3A_22 = vector.broadcast %jit3A_20 : i32 to vector<32x1xi32>
    %broadcast_in_dim3A_23 = vector.broadcast %jit3A_21 : i32 to vector<32x1xi32>
    %select_n3A_24 = arith.select %ge3A_7, %broadcast_in_dim3A_22, %broadcast_in_dim3A_23 : vector<32x1xi1>, vector<32x1xi32>
    %mul3A_25 = arith.mulf %slice3A, %select_n3A : vector<32x1xf32>
    %mul3A_26 = arith.mulf %slice3A_2, %select_n3A : vector<32x1xf32>
    %sub3A_27 = arith.subf %slice3A_3, %slice3A : vector<32x1xf32>
    %mul3A_28 = arith.mulf %sub3A_27, %select_n3A : vector<32x1xf32>
    %max3A = arith.constant 1.000000e+00 : f32
    %max3A_29 = vector.broadcast %max3A : f32 to vector<32x1xf32>
    %max3A_30 = arith.maximumf %mul3A_28, %max3A_29 : vector<32x1xf32>
    %sub3A_31 = arith.subf %slice3A_4, %slice3A_2 : vector<32x1xf32>
    %mul3A_32 = arith.mulf %sub3A_31, %select_n3A : vector<32x1xf32>
    %max3A_33 = arith.constant 1.000000e+00 : f32
    %max3A_34 = vector.broadcast %max3A_33 : f32 to vector<32x1xf32>
    %max3A_35 = arith.maximumf %mul3A_32, %max3A_34 : vector<32x1xf32>
    %div3A = arith.constant 7.000000e+00 : f32
    %div3A_36 = vector.broadcast %div3A : f32 to vector<32x1xf32>
    %div3A_37 = arith.divf %max3A_30, %div3A_36 : vector<32x1xf32>
    %div3A_38 = arith.constant 7.000000e+00 : f32
    %div3A_39 = vector.broadcast %div3A_38 : f32 to vector<32x1xf32>
    %div3A_40 = arith.divf %max3A_35, %div3A_39 : vector<32x1xf32>
    %sub3A_41 = arith.constant 1.000000e+00 : f32
    %sub3A_42 = vector.broadcast %sub3A_41 : f32 to vector<32x1xf32>
    %sub3A_43 = arith.subf %select_n3A_14, %sub3A_42 : vector<32x1xf32>
    %jit3A_44 = arith.constant 0.000000e+00 : f32
    %max3A_45 = vector.broadcast %jit3A_44 : f32 to vector<32x1xf32>
    %max3A_46 = arith.maximumf %max3A_45, %mul3A_25 : vector<32x1xf32>
    %min3A = arith.minimumf %sub3A_43, %max3A_46 : vector<32x1xf32>
    %floor3A = math.floor %min3A : vector<32x1xf32>
    %jit3A_47 = arith.constant 0.000000e+00 : f32
    %max3A_48 = vector.broadcast %jit3A_47 : f32 to vector<32x1xf32>
    %max3A_49 = arith.maximumf %max3A_48, %mul3A_26 : vector<32x1xf32>
    %min3A_50 = arith.minimumf %sub3A_43, %max3A_49 : vector<32x1xf32>
    %floor3A_51 = math.floor %min3A_50 : vector<32x1xf32>
    %add3A = arith.addf %mul3A_25, %max3A_30 : vector<32x1xf32>
    %jit3A_52 = arith.constant 0.000000e+00 : f32
    %max3A_53 = vector.broadcast %jit3A_52 : f32 to vector<32x1xf32>
    %max3A_54 = arith.maximumf %max3A_53, %add3A : vector<32x1xf32>
    %min3A_55 = arith.minimumf %sub3A_43, %max3A_54 : vector<32x1xf32>
    %floor3A_56 = math.floor %min3A_55 : vector<32x1xf32>
    %add3A_57 = arith.constant 2.000000e+00 : f32
    %add3A_58 = vector.broadcast %add3A_57 : f32 to vector<32x1xf32>
    %add3A_59 = arith.addf %floor3A_56, %add3A_58 : vector<32x1xf32>
    %sub3A_60 = arith.subf %add3A_59, %floor3A : vector<32x1xf32>
    %iota3A = tpu.iota {dimensions = array<i32: 1>} : vector<32x144xi32>
    %convert_element_type3A = arith.sitofp %iota3A : vector<32x144xi32> to vector<32x144xf32>
    %div3A_61 = arith.constant 1.000000e+00 : f32
    %div3A_62 = vector.broadcast %div3A_61 : f32 to vector<32x1xf32>
    %div3A_63 = arith.divf %div3A_62, %sub3A_60 : vector<32x1xf32>
    %mul3A_64 = vector.broadcast %div3A_63 : vector<32x1xf32> to vector<32x144xf32>
    %mul3A_65 = arith.mulf %convert_element_type3A, %mul3A_64 : vector<32x144xf32>
    %floor3A_66 = math.floor %mul3A_65 : vector<32x144xf32>
    %mul3A_67 = vector.broadcast %sub3A_60 : vector<32x1xf32> to vector<32x144xf32>
    %mul3A_68 = arith.mulf %floor3A_66, %mul3A_67 : vector<32x144xf32>
    %gt3A = arith.cmpf ogt, %mul3A_68, %convert_element_type3A : vector<32x144xf32>
    %sub3A_69 = arith.constant 1.000000e+00 : f32
    %sub3A_70 = vector.broadcast %sub3A_69 : f32 to vector<32x144xf32>
    %sub3A_71 = arith.subf %floor3A_66, %sub3A_70 : vector<32x144xf32>
    %select_n3A_72 = arith.select %gt3A, %sub3A_71, %floor3A_66 : vector<32x144xi1>, vector<32x144xf32>
    %add3A_73 = arith.constant 1.000000e+00 : f32
    %add3A_74 = vector.broadcast %add3A_73 : f32 to vector<32x144xf32>
    %add3A_75 = arith.addf %select_n3A_72, %add3A_74 : vector<32x144xf32>
    %mul3A_76 = vector.broadcast %sub3A_60 : vector<32x1xf32> to vector<32x144xf32>
    %mul3A_77 = arith.mulf %add3A_75, %mul3A_76 : vector<32x144xf32>
    %le3A = arith.cmpf ole, %mul3A_77, %convert_element_type3A : vector<32x144xf32>
    %add3A_78 = arith.constant 1.000000e+00 : f32
    %add3A_79 = vector.broadcast %add3A_78 : f32 to vector<32x144xf32>
    %add3A_80 = arith.addf %select_n3A_72, %add3A_79 : vector<32x144xf32>
    %select_n3A_81 = arith.select %le3A, %add3A_80, %select_n3A_72 : vector<32x144xi1>, vector<32x144xf32>
    %mul3A_82 = vector.broadcast %sub3A_60 : vector<32x1xf32> to vector<32x144xf32>
    %mul3A_83 = arith.mulf %select_n3A_81, %mul3A_82 : vector<32x144xf32>
    %sub3A_84 = arith.subf %convert_element_type3A, %mul3A_83 : vector<32x144xf32>
    %add3A_85 = vector.broadcast %floor3A_51 : vector<32x1xf32> to vector<32x144xf32>
    %add3A_86 = arith.addf %add3A_85, %select_n3A_81 : vector<32x144xf32>
    %min3A_87 = vector.broadcast %sub3A_43 : vector<32x1xf32> to vector<32x144xf32>
    %min3A_88 = arith.minimumf %add3A_86, %min3A_87 : vector<32x144xf32>
    %add3A_89 = vector.broadcast %floor3A : vector<32x1xf32> to vector<32x144xf32>
    %add3A_90 = arith.addf %add3A_89, %sub3A_84 : vector<32x144xf32>
    %min3A_91 = vector.broadcast %sub3A_43 : vector<32x1xf32> to vector<32x144xf32>
    %min3A_92 = arith.minimumf %add3A_90, %min3A_91 : vector<32x144xf32>
    %convert_element_type3A_93 = arith.fptosi %min3A_88 : vector<32x144xf32> to vector<32x144xi32>
    %mul3A_94 = vector.broadcast %select_n3A_19 : vector<32x1xi32> to vector<32x144xi32>
    %mul3A_95 = arith.muli %convert_element_type3A_93, %mul3A_94 : vector<32x144xi32>
    %add3A_96 = vector.broadcast %select_n3A_24 : vector<32x1xi32> to vector<32x144xi32>
    %add3A_97 = arith.addi %add3A_96, %mul3A_95 : vector<32x144xi32>
    %convert_element_type3A_98 = arith.fptosi %min3A_92 : vector<32x144xf32> to vector<32x144xi32>
    %add3A_99 = arith.addi %add3A_97, %convert_element_type3A_98 : vector<32x144xi32>
    %swap3A = arith.constant 0 : index
    %swap3A_100 = arith.constant 0 : index
    %swap3A_101 = vector.load %arg2[%swap3A, %swap3A_100] : memref<32x144xi32, #tpu.memory_space<vmem>>, vector<32x144xi32>
    tpu.vector_store %arg2[%swap3A, %swap3A_100], %add3A_99 {strides = array<i32>} : memref<32x144xi32, #tpu.memory_space<vmem>>, vector<32x144xi32>,
    %iota3A_102 = tpu.iota {dimensions = array<i32: 1>} : vector<32x784xi32>
    %jit3A_103 = arith.constant 112 : i32
    %div3A_104 = vector.broadcast %jit3A_103 : i32 to vector<32x784xi32>
    %div3A_105 = arith.divsi %iota3A_102, %div3A_104 : vector<32x784xi32>
    %sign3A = arith.constant 0 : i32
    %sign3A_106 = vector.broadcast %sign3A : i32 to vector<32x784xi32>
    %sign3A_107 = arith.cmpi sgt, %iota3A_102, %sign3A_106 : vector<32x784xi32>
    %sign3A_108 = arith.extui %sign3A_107 : vector<32x784xi1> to vector<32x784xi32>
    %sign3A_109 = arith.constant 0 : i32
    %sign3A_110 = vector.broadcast %sign3A_109 : i32 to vector<32x784xi32>
    %sign3A_111 = arith.cmpi slt, %iota3A_102, %sign3A_110 : vector<32x784xi32>
    %sign3A_112 = arith.extui %sign3A_111 : vector<32x784xi1> to vector<32x784xi32>
    %sign3A_113 = arith.subi %sign3A_108, %sign3A_112 : vector<32x784xi32>
    %sign3A_114 = arith.constant 0 : i32
    %sign3A_115 = arith.cmpi sgt, %jit3A_103, %sign3A_114 : i32
    %sign3A_116 = arith.extui %sign3A_115 : i1 to i32
    %sign3A_117 = arith.constant 0 : i32
    %sign3A_118 = arith.cmpi slt, %jit3A_103, %sign3A_117 : i32
    %sign3A_119 = arith.extui %sign3A_118 : i1 to i32
    %sign3A_120 = arith.subi %sign3A_116, %sign3A_119 : i32
    %ne3A = vector.broadcast %sign3A_120 : i32 to vector<32x784xi32>
    %ne3A_121 = arith.cmpi ne, %sign3A_113, %ne3A : vector<32x784xi32>
    %rem3A = vector.broadcast %jit3A_103 : i32 to vector<32x784xi32>
    %rem3A_122 = arith.remsi %iota3A_102, %rem3A : vector<32x784xi32>
    %ne3A_123 = arith.constant 0 : i32
    %ne3A_124 = vector.broadcast %ne3A_123 : i32 to vector<32x784xi32>
    %ne3A_125 = arith.cmpi ne, %rem3A_122, %ne3A_124 : vector<32x784xi32>
    %and3A = arith.andi %ne3A_121, %ne3A_125 : vector<32x784xi1>
    %sub3A_126 = arith.constant 1 : i32
    %sub3A_127 = vector.broadcast %sub3A_126 : i32 to vector<32x784xi32>
    %sub3A_128 = arith.subi %div3A_105, %sub3A_127 : vector<32x784xi32>
    %select_n3A_129 = arith.select %and3A, %sub3A_128, %div3A_105 : vector<32x784xi1>, vector<32x784xi32>
    %jit3A_130 = arith.constant 112 : i32
    %eq3A = arith.constant 0 : i32
    %eq3A_131 = arith.cmpi eq, %jit3A_130, %eq3A : i32
    %jit3A_132 = arith.constant 1 : i32
    %select_n3A_133 = arith.select %eq3A_131, %jit3A_132, %jit3A_130 : i32
    %rem3A_134 = vector.broadcast %select_n3A_133 : i32 to vector<32x784xi32>
    %rem3A_135 = arith.remsi %iota3A_102, %rem3A_134 : vector<32x784xi32>
    %ne3A_136 = arith.constant 0 : i32
    %ne3A_137 = vector.broadcast %ne3A_136 : i32 to vector<32x784xi32>
    %ne3A_138 = arith.cmpi ne, %rem3A_135, %ne3A_137 : vector<32x784xi32>
    %lt3A = arith.constant 0 : i32
    %lt3A_139 = vector.broadcast %lt3A : i32 to vector<32x784xi32>
    %lt3A_140 = arith.cmpi slt, %rem3A_135, %lt3A_139 : vector<32x784xi32>
    %lt3A_141 = arith.constant 0 : i32
    %lt3A_142 = arith.cmpi slt, %select_n3A_133, %lt3A_141 : i32
    %ne3A_143 = vector.broadcast %lt3A_142 : i1 to vector<32x784xi1>
    %ne3A_144 = vector.broadcast %ne3A_143 : vector<32x784xi1> to vector<32x784xi1>
    %ne3A_145 = arith.xori %lt3A_140, %ne3A_144 : vector<32x784xi1>
    %and3A_146 = arith.andi %ne3A_145, %ne3A_138 : vector<32x784xi1>
    %add3A_147 = vector.broadcast %select_n3A_133 : i32 to vector<32x784xi32>
    %add3A_148 = arith.addi %rem3A_135, %add3A_147 : vector<32x784xi32>
    %select_n3A_149 = arith.select %and3A_146, %add3A_148, %rem3A_135 : vector<32x784xi1>, vector<32x784xi32>
    %jit3A_150 = arith.constant 16 : i32
    %div3A_151 = vector.broadcast %jit3A_150 : i32 to vector<32x784xi32>
    %div3A_152 = arith.divsi %select_n3A_149, %div3A_151 : vector<32x784xi32>
    %sign3A_153 = arith.constant 0 : i32
    %sign3A_154 = vector.broadcast %sign3A_153 : i32 to vector<32x784xi32>
    %sign3A_155 = arith.cmpi sgt, %select_n3A_149, %sign3A_154 : vector<32x784xi32>
    %sign3A_156 = arith.extui %sign3A_155 : vector<32x784xi1> to vector<32x784xi32>
    %sign3A_157 = arith.constant 0 : i32
    %sign3A_158 = vector.broadcast %sign3A_157 : i32 to vector<32x784xi32>
    %sign3A_159 = arith.cmpi slt, %select_n3A_149, %sign3A_158 : vector<32x784xi32>
    %sign3A_160 = arith.extui %sign3A_159 : vector<32x784xi1> to vector<32x784xi32>
    %sign3A_161 = arith.subi %sign3A_156, %sign3A_160 : vector<32x784xi32>
    %sign3A_162 = arith.constant 0 : i32
    %sign3A_163 = arith.cmpi sgt, %jit3A_150, %sign3A_162 : i32
    %sign3A_164 = arith.extui %sign3A_163 : i1 to i32
    %sign3A_165 = arith.constant 0 : i32
    %sign3A_166 = arith.cmpi slt, %jit3A_150, %sign3A_165 : i32
    %sign3A_167 = arith.extui %sign3A_166 : i1 to i32
    %sign3A_168 = arith.subi %sign3A_164, %sign3A_167 : i32
    %ne3A_169 = vector.broadcast %sign3A_168 : i32 to vector<32x784xi32>
    %ne3A_170 = arith.cmpi ne, %sign3A_161, %ne3A_169 : vector<32x784xi32>
    %rem3A_171 = vector.broadcast %jit3A_150 : i32 to vector<32x784xi32>
    %rem3A_172 = arith.remsi %select_n3A_149, %rem3A_171 : vector<32x784xi32>
    %ne3A_173 = arith.constant 0 : i32
    %ne3A_174 = vector.broadcast %ne3A_173 : i32 to vector<32x784xi32>
    %ne3A_175 = arith.cmpi ne, %rem3A_172, %ne3A_174 : vector<32x784xi32>
    %and3A_176 = arith.andi %ne3A_170, %ne3A_175 : vector<32x784xi1>
    %sub3A_177 = arith.constant 1 : i32
    %sub3A_178 = vector.broadcast %sub3A_177 : i32 to vector<32x784xi32>
    %sub3A_179 = arith.subi %div3A_152, %sub3A_178 : vector<32x784xi32>
    %select_n3A_180 = arith.select %and3A_176, %sub3A_179, %div3A_152 : vector<32x784xi1>, vector<32x784xi32>
    %jit3A_181 = arith.constant 16 : i32
    %eq3A_182 = arith.constant 0 : i32
    %eq3A_183 = arith.cmpi eq, %jit3A_181, %eq3A_182 : i32
    %jit3A_184 = arith.constant 1 : i32
    %select_n3A_185 = arith.select %eq3A_183, %jit3A_184, %jit3A_181 : i32
    %rem3A_186 = vector.broadcast %select_n3A_185 : i32 to vector<32x784xi32>
    %rem3A_187 = arith.remsi %select_n3A_149, %rem3A_186 : vector<32x784xi32>
    %ne3A_188 = arith.constant 0 : i32
    %ne3A_189 = vector.broadcast %ne3A_188 : i32 to vector<32x784xi32>
    %ne3A_190 = arith.cmpi ne, %rem3A_187, %ne3A_189 : vector<32x784xi32>
    %lt3A_191 = arith.constant 0 : i32
    %lt3A_192 = vector.broadcast %lt3A_191 : i32 to vector<32x784xi32>
    %lt3A_193 = arith.cmpi slt, %rem3A_187, %lt3A_192 : vector<32x784xi32>
    %lt3A_194 = arith.constant 0 : i32
    %lt3A_195 = arith.cmpi slt, %select_n3A_185, %lt3A_194 : i32
    %ne3A_196 = vector.broadcast %lt3A_195 : i1 to vector<32x784xi1>
    %ne3A_197 = vector.broadcast %ne3A_196 : vector<32x784xi1> to vector<32x784xi1>
    %ne3A_198 = arith.xori %lt3A_193, %ne3A_197 : vector<32x784xi1>
    %and3A_199 = arith.andi %ne3A_198, %ne3A_190 : vector<32x784xi1>
    %add3A_200 = vector.broadcast %select_n3A_185 : i32 to vector<32x784xi32>
    %add3A_201 = arith.addi %rem3A_187, %add3A_200 : vector<32x784xi32>
    %select_n3A_202 = arith.select %and3A_199, %add3A_201, %rem3A_187 : vector<32x784xi1>, vector<32x784xi32>
    %jit3A_203 = arith.constant 8 : i32
    %div3A_204 = vector.broadcast %jit3A_203 : i32 to vector<32x784xi32>
    %div3A_205 = arith.divsi %select_n3A_202, %div3A_204 : vector<32x784xi32>
    %sign3A_206 = arith.constant 0 : i32
    %sign3A_207 = vector.broadcast %sign3A_206 : i32 to vector<32x784xi32>
    %sign3A_208 = arith.cmpi sgt, %select_n3A_202, %sign3A_207 : vector<32x784xi32>
    %sign3A_209 = arith.extui %sign3A_208 : vector<32x784xi1> to vector<32x784xi32>
    %sign3A_210 = arith.constant 0 : i32
    %sign3A_211 = vector.broadcast %sign3A_210 : i32 to vector<32x784xi32>
    %sign3A_212 = arith.cmpi slt, %select_n3A_202, %sign3A_211 : vector<32x784xi32>
    %sign3A_213 = arith.extui %sign3A_212 : vector<32x784xi1> to vector<32x784xi32>
    %sign3A_214 = arith.subi %sign3A_209, %sign3A_213 : vector<32x784xi32>
    %sign3A_215 = arith.constant 0 : i32
    %sign3A_216 = arith.cmpi sgt, %jit3A_203, %sign3A_215 : i32
    %sign3A_217 = arith.extui %sign3A_216 : i1 to i32
    %sign3A_218 = arith.constant 0 : i32
    %sign3A_219 = arith.cmpi slt, %jit3A_203, %sign3A_218 : i32
    %sign3A_220 = arith.extui %sign3A_219 : i1 to i32
    %sign3A_221 = arith.subi %sign3A_217, %sign3A_220 : i32
    %ne3A_222 = vector.broadcast %sign3A_221 : i32 to vector<32x784xi32>
    %ne3A_223 = arith.cmpi ne, %sign3A_214, %ne3A_222 : vector<32x784xi32>
    %rem3A_224 = vector.broadcast %jit3A_203 : i32 to vector<32x784xi32>
    %rem3A_225 = arith.remsi %select_n3A_202, %rem3A_224 : vector<32x784xi32>
    %ne3A_226 = arith.constant 0 : i32
    %ne3A_227 = vector.broadcast %ne3A_226 : i32 to vector<32x784xi32>
    %ne3A_228 = arith.cmpi ne, %rem3A_225, %ne3A_227 : vector<32x784xi32>
    %and3A_229 = arith.andi %ne3A_223, %ne3A_228 : vector<32x784xi1>
    %sub3A_230 = arith.constant 1 : i32
    %sub3A_231 = vector.broadcast %sub3A_230 : i32 to vector<32x784xi32>
    %sub3A_232 = arith.subi %div3A_205, %sub3A_231 : vector<32x784xi32>
    %select_n3A_233 = arith.select %and3A_229, %sub3A_232, %div3A_205 : vector<32x784xi1>, vector<32x784xi32>
    %jit3A_234 = arith.constant 4 : i32
    %div3A_235 = vector.broadcast %jit3A_234 : i32 to vector<32x784xi32>
    %div3A_236 = arith.divsi %select_n3A_202, %div3A_235 : vector<32x784xi32>
    %sign3A_237 = arith.constant 0 : i32
    %sign3A_238 = vector.broadcast %sign3A_237 : i32 to vector<32x784xi32>
    %sign3A_239 = arith.cmpi sgt, %select_n3A_202, %sign3A_238 : vector<32x784xi32>
    %sign3A_240 = arith.extui %sign3A_239 : vector<32x784xi1> to vector<32x784xi32>
    %sign3A_241 = arith.constant 0 : i32
    %sign3A_242 = vector.broadcast %sign3A_241 : i32 to vector<32x784xi32>
    %sign3A_243 = arith.cmpi slt, %select_n3A_202, %sign3A_242 : vector<32x784xi32>
    %sign3A_244 = arith.extui %sign3A_243 : vector<32x784xi1> to vector<32x784xi32>
    %sign3A_245 = arith.subi %sign3A_240, %sign3A_244 : vector<32x784xi32>
    %sign3A_246 = arith.constant 0 : i32
    %sign3A_247 = arith.cmpi sgt, %jit3A_234, %sign3A_246 : i32
    %sign3A_248 = arith.extui %sign3A_247 : i1 to i32
    %sign3A_249 = arith.constant 0 : i32
    %sign3A_250 = arith.cmpi slt, %jit3A_234, %sign3A_249 : i32
    %sign3A_251 = arith.extui %sign3A_250 : i1 to i32
    %sign3A_252 = arith.subi %sign3A_248, %sign3A_251 : i32
    %ne3A_253 = vector.broadcast %sign3A_252 : i32 to vector<32x784xi32>
    %ne3A_254 = arith.cmpi ne, %sign3A_245, %ne3A_253 : vector<32x784xi32>
    %rem3A_255 = vector.broadcast %jit3A_234 : i32 to vector<32x784xi32>
    %rem3A_256 = arith.remsi %select_n3A_202, %rem3A_255 : vector<32x784xi32>
    %ne3A_257 = arith.constant 0 : i32
    %ne3A_258 = vector.broadcast %ne3A_257 : i32 to vector<32x784xi32>
    %ne3A_259 = arith.cmpi ne, %rem3A_256, %ne3A_258 : vector<32x784xi32>
    %and3A_260 = arith.andi %ne3A_254, %ne3A_259 : vector<32x784xi1>
    %sub3A_261 = arith.constant 1 : i32
    %sub3A_262 = vector.broadcast %sub3A_261 : i32 to vector<32x784xi32>
    %sub3A_263 = arith.subi %div3A_236, %sub3A_262 : vector<32x784xi32>
    %select_n3A_264 = arith.select %and3A_260, %sub3A_263, %div3A_236 : vector<32x784xi1>, vector<32x784xi32>
    %jit3A_265 = arith.constant 2 : i32
    %eq3A_266 = arith.constant 0 : i32
    %eq3A_267 = arith.cmpi eq, %jit3A_265, %eq3A_266 : i32
    %jit3A_268 = arith.constant 1 : i32
    %select_n3A_269 = arith.select %eq3A_267, %jit3A_268, %jit3A_265 : i32
    %rem3A_270 = vector.broadcast %select_n3A_269 : i32 to vector<32x784xi32>
    %rem3A_271 = arith.remsi %select_n3A_264, %rem3A_270 : vector<32x784xi32>
    %ne3A_272 = arith.constant 0 : i32
    %ne3A_273 = vector.broadcast %ne3A_272 : i32 to vector<32x784xi32>
    %ne3A_274 = arith.cmpi ne, %rem3A_271, %ne3A_273 : vector<32x784xi32>
    %lt3A_275 = arith.constant 0 : i32
    %lt3A_276 = vector.broadcast %lt3A_275 : i32 to vector<32x784xi32>
    %lt3A_277 = arith.cmpi slt, %rem3A_271, %lt3A_276 : vector<32x784xi32>
    %lt3A_278 = arith.constant 0 : i32
    %lt3A_279 = arith.cmpi slt, %select_n3A_269, %lt3A_278 : i32
    %ne3A_280 = vector.broadcast %lt3A_279 : i1 to vector<32x784xi1>
    %ne3A_281 = vector.broadcast %ne3A_280 : vector<32x784xi1> to vector<32x784xi1>
    %ne3A_282 = arith.xori %lt3A_277, %ne3A_281 : vector<32x784xi1>
    %and3A_283 = arith.andi %ne3A_282, %ne3A_274 : vector<32x784xi1>
    %add3A_284 = vector.broadcast %select_n3A_269 : i32 to vector<32x784xi32>
    %add3A_285 = arith.addi %rem3A_271, %add3A_284 : vector<32x784xi32>
    %select_n3A_286 = arith.select %and3A_283, %add3A_285, %rem3A_271 : vector<32x784xi1>, vector<32x784xi32>
    %jit3A_287 = arith.constant 2 : i32
    %div3A_288 = vector.broadcast %jit3A_287 : i32 to vector<32x784xi32>
    %div3A_289 = arith.divsi %select_n3A_202, %div3A_288 : vector<32x784xi32>
    %sign3A_290 = arith.constant 0 : i32
    %sign3A_291 = vector.broadcast %sign3A_290 : i32 to vector<32x784xi32>
    %sign3A_292 = arith.cmpi sgt, %select_n3A_202, %sign3A_291 : vector<32x784xi32>
    %sign3A_293 = arith.extui %sign3A_292 : vector<32x784xi1> to vector<32x784xi32>
    %sign3A_294 = arith.constant 0 : i32
    %sign3A_295 = vector.broadcast %sign3A_294 : i32 to vector<32x784xi32>
    %sign3A_296 = arith.cmpi slt, %select_n3A_202, %sign3A_295 : vector<32x784xi32>
    %sign3A_297 = arith.extui %sign3A_296 : vector<32x784xi1> to vector<32x784xi32>
    %sign3A_298 = arith.subi %sign3A_293, %sign3A_297 : vector<32x784xi32>
    %sign3A_299 = arith.constant 0 : i32
    %sign3A_300 = arith.cmpi sgt, %jit3A_287, %sign3A_299 : i32
    %sign3A_301 = arith.extui %sign3A_300 : i1 to i32
    %sign3A_302 = arith.constant 0 : i32
    %sign3A_303 = arith.cmpi slt, %jit3A_287, %sign3A_302 : i32
    %sign3A_304 = arith.extui %sign3A_303 : i1 to i32
    %sign3A_305 = arith.subi %sign3A_301, %sign3A_304 : i32
    %ne3A_306 = vector.broadcast %sign3A_305 : i32 to vector<32x784xi32>
    %ne3A_307 = arith.cmpi ne, %sign3A_298, %ne3A_306 : vector<32x784xi32>
    %rem3A_308 = vector.broadcast %jit3A_287 : i32 to vector<32x784xi32>
    %rem3A_309 = arith.remsi %select_n3A_202, %rem3A_308 : vector<32x784xi32>
    %ne3A_310 = arith.constant 0 : i32
    %ne3A_311 = vector.broadcast %ne3A_310 : i32 to vector<32x784xi32>
    %ne3A_312 = arith.cmpi ne, %rem3A_309, %ne3A_311 : vector<32x784xi32>
    %and3A_313 = arith.andi %ne3A_307, %ne3A_312 : vector<32x784xi1>
    %sub3A_314 = arith.constant 1 : i32
    %sub3A_315 = vector.broadcast %sub3A_314 : i32 to vector<32x784xi32>
    %sub3A_316 = arith.subi %div3A_289, %sub3A_315 : vector<32x784xi32>
    %select_n3A_317 = arith.select %and3A_313, %sub3A_316, %div3A_289 : vector<32x784xi1>, vector<32x784xi32>
    %jit3A_318 = arith.constant 2 : i32
    %eq3A_319 = arith.constant 0 : i32
    %eq3A_320 = arith.cmpi eq, %jit3A_318, %eq3A_319 : i32
    %jit3A_321 = arith.constant 1 : i32
    %select_n3A_322 = arith.select %eq3A_320, %jit3A_321, %jit3A_318 : i32
    %rem3A_323 = vector.broadcast %select_n3A_322 : i32 to vector<32x784xi32>
    %rem3A_324 = arith.remsi %select_n3A_317, %rem3A_323 : vector<32x784xi32>
    %ne3A_325 = arith.constant 0 : i32
    %ne3A_326 = vector.broadcast %ne3A_325 : i32 to vector<32x784xi32>
    %ne3A_327 = arith.cmpi ne, %rem3A_324, %ne3A_326 : vector<32x784xi32>
    %lt3A_328 = arith.constant 0 : i32
    %lt3A_329 = vector.broadcast %lt3A_328 : i32 to vector<32x784xi32>
    %lt3A_330 = arith.cmpi slt, %rem3A_324, %lt3A_329 : vector<32x784xi32>
    %lt3A_331 = arith.constant 0 : i32
    %lt3A_332 = arith.cmpi slt, %select_n3A_322, %lt3A_331 : i32
    %ne3A_333 = vector.broadcast %lt3A_332 : i1 to vector<32x784xi1>
    %ne3A_334 = vector.broadcast %ne3A_333 : vector<32x784xi1> to vector<32x784xi1>
    %ne3A_335 = arith.xori %lt3A_330, %ne3A_334 : vector<32x784xi1>
    %and3A_336 = arith.andi %ne3A_335, %ne3A_327 : vector<32x784xi1>
    %add3A_337 = vector.broadcast %select_n3A_322 : i32 to vector<32x784xi32>
    %add3A_338 = arith.addi %rem3A_324, %add3A_337 : vector<32x784xi32>
    %select_n3A_339 = arith.select %and3A_336, %add3A_338, %rem3A_324 : vector<32x784xi1>, vector<32x784xi32>
    %jit3A_340 = arith.constant 2 : i32
    %eq3A_341 = arith.constant 0 : i32
    %eq3A_342 = arith.cmpi eq, %jit3A_340, %eq3A_341 : i32
    %jit3A_343 = arith.constant 1 : i32
    %select_n3A_344 = arith.select %eq3A_342, %jit3A_343, %jit3A_340 : i32
    %rem3A_345 = vector.broadcast %select_n3A_344 : i32 to vector<32x784xi32>
    %rem3A_346 = arith.remsi %select_n3A_202, %rem3A_345 : vector<32x784xi32>
    %ne3A_347 = arith.constant 0 : i32
    %ne3A_348 = vector.broadcast %ne3A_347 : i32 to vector<32x784xi32>
    %ne3A_349 = arith.cmpi ne, %rem3A_346, %ne3A_348 : vector<32x784xi32>
    %lt3A_350 = arith.constant 0 : i32
    %lt3A_351 = vector.broadcast %lt3A_350 : i32 to vector<32x784xi32>
    %lt3A_352 = arith.cmpi slt, %rem3A_346, %lt3A_351 : vector<32x784xi32>
    %lt3A_353 = arith.constant 0 : i32
    %lt3A_354 = arith.cmpi slt, %select_n3A_344, %lt3A_353 : i32
    %ne3A_355 = vector.broadcast %lt3A_354 : i1 to vector<32x784xi1>
    %ne3A_356 = vector.broadcast %ne3A_355 : vector<32x784xi1> to vector<32x784xi1>
    %ne3A_357 = arith.xori %lt3A_352, %ne3A_356 : vector<32x784xi1>
    %and3A_358 = arith.andi %ne3A_357, %ne3A_349 : vector<32x784xi1>
    %add3A_359 = vector.broadcast %select_n3A_344 : i32 to vector<32x784xi32>
    %add3A_360 = arith.addi %rem3A_346, %add3A_359 : vector<32x784xi32>
    %select_n3A_361 = arith.select %and3A_358, %add3A_360, %rem3A_346 : vector<32x784xi1>, vector<32x784xi32>
    %convert_element_type3A_362 = arith.sitofp %select_n3A_129 : vector<32x784xi32> to vector<32x784xf32>
    %convert_element_type3A_363 = arith.sitofp %select_n3A_233 : vector<32x784xi32> to vector<32x784xf32>
    %add3A_364 = arith.constant 5.000000e-01 : f32
    %add3A_365 = vector.broadcast %add3A_364 : f32 to vector<32x784xf32>
    %add3A_366 = arith.addf %convert_element_type3A_363, %add3A_365 : vector<32x784xf32>
    %div3A_367 = arith.constant 2.000000e+00 : f32
    %div3A_368 = vector.broadcast %div3A_367 : f32 to vector<32x784xf32>
    %div3A_369 = arith.divf %add3A_366, %div3A_368 : vector<32x784xf32>
    %add3A_370 = arith.addf %convert_element_type3A_362, %div3A_369 : vector<32x784xf32>
    %convert_element_type3A_371 = arith.sitofp %select_n3A_180 : vector<32x784xi32> to vector<32x784xf32>
    %convert_element_type3A_372 = arith.sitofp %select_n3A_286 : vector<32x784xi32> to vector<32x784xf32>
    %add3A_373 = arith.constant 5.000000e-01 : f32
    %add3A_374 = vector.broadcast %add3A_373 : f32 to vector<32x784xf32>
    %add3A_375 = arith.addf %convert_element_type3A_372, %add3A_374 : vector<32x784xf32>
    %div3A_376 = arith.constant 2.000000e+00 : f32
    %div3A_377 = vector.broadcast %div3A_376 : f32 to vector<32x784xf32>
    %div3A_378 = arith.divf %add3A_375, %div3A_377 : vector<32x784xf32>
    %add3A_379 = arith.addf %convert_element_type3A_371, %div3A_378 : vector<32x784xf32>
    %mul3A_380 = vector.broadcast %div3A_40 : vector<32x1xf32> to vector<32x784xf32>
    %mul3A_381 = arith.mulf %mul3A_380, %add3A_370 : vector<32x784xf32>
    %add3A_382 = vector.broadcast %mul3A_26 : vector<32x1xf32> to vector<32x784xf32>
    %add3A_383 = arith.addf %add3A_382, %mul3A_381 : vector<32x784xf32>
    %jit3A_384 = arith.constant 0.000000e+00 : f32
    %max3A_385 = vector.broadcast %jit3A_384 : f32 to vector<32x784xf32>
    %max3A_386 = arith.maximumf %max3A_385, %add3A_383 : vector<32x784xf32>
    %min3A_387 = vector.broadcast %sub3A_43 : vector<32x1xf32> to vector<32x784xf32>
    %min3A_388 = arith.minimumf %min3A_387, %max3A_386 : vector<32x784xf32>
    %mul3A_389 = vector.broadcast %div3A_37 : vector<32x1xf32> to vector<32x784xf32>
    %mul3A_390 = arith.mulf %mul3A_389, %add3A_379 : vector<32x784xf32>
    %add3A_391 = vector.broadcast %mul3A_25 : vector<32x1xf32> to vector<32x784xf32>
    %add3A_392 = arith.addf %add3A_391, %mul3A_390 : vector<32x784xf32>
    %jit3A_393 = arith.constant 0.000000e+00 : f32
    %max3A_394 = vector.broadcast %jit3A_393 : f32 to vector<32x784xf32>
    %max3A_395 = arith.maximumf %max3A_394, %add3A_392 : vector<32x784xf32>
    %min3A_396 = vector.broadcast %sub3A_43 : vector<32x1xf32> to vector<32x784xf32>
    %min3A_397 = arith.minimumf %min3A_396, %max3A_395 : vector<32x784xf32>
    %floor3A_398 = math.floor %min3A_388 : vector<32x784xf32>
    %floor3A_399 = math.floor %min3A_397 : vector<32x784xf32>
    %sub3A_400 = arith.subf %min3A_388, %floor3A_398 : vector<32x784xf32>
    %sub3A_401 = arith.subf %min3A_397, %floor3A_399 : vector<32x784xf32>
    %eq3A_402 = arith.constant 0 : i32
    %eq3A_403 = vector.broadcast %eq3A_402 : i32 to vector<32x784xi32>
    %eq3A_404 = arith.cmpi eq, %select_n3A_339, %eq3A_403 : vector<32x784xi32>
    %add3A_405 = arith.constant 1.000000e+00 : f32
    %add3A_406 = vector.broadcast %add3A_405 : f32 to vector<32x784xf32>
    %add3A_407 = arith.addf %floor3A_398, %add3A_406 : vector<32x784xf32>
    %min3A_408 = vector.broadcast %sub3A_43 : vector<32x1xf32> to vector<32x784xf32>
    %min3A_409 = arith.minimumf %add3A_407, %min3A_408 : vector<32x784xf32>
    %select_n3A_410 = arith.select %eq3A_404, %floor3A_398, %min3A_409 : vector<32x784xi1>, vector<32x784xf32>
    %eq3A_411 = arith.constant 0 : i32
    %eq3A_412 = vector.broadcast %eq3A_411 : i32 to vector<32x784xi32>
    %eq3A_413 = arith.cmpi eq, %select_n3A_339, %eq3A_412 : vector<32x784xi32>
    %sub3A_414 = arith.constant 1.000000e+00 : f32
    %sub3A_415 = vector.broadcast %sub3A_414 : f32 to vector<32x784xf32>
    %sub3A_416 = arith.subf %sub3A_415, %sub3A_400 : vector<32x784xf32>
    %select_n3A_417 = arith.select %eq3A_413, %sub3A_416, %sub3A_400 : vector<32x784xi1>, vector<32x784xf32>
    %eq3A_418 = arith.constant 0 : i32
    %eq3A_419 = vector.broadcast %eq3A_418 : i32 to vector<32x784xi32>
    %eq3A_420 = arith.cmpi eq, %select_n3A_361, %eq3A_419 : vector<32x784xi32>
    %add3A_421 = arith.constant 1.000000e+00 : f32
    %add3A_422 = vector.broadcast %add3A_421 : f32 to vector<32x784xf32>
    %add3A_423 = arith.addf %floor3A_399, %add3A_422 : vector<32x784xf32>
    %min3A_424 = vector.broadcast %sub3A_43 : vector<32x1xf32> to vector<32x784xf32>
    %min3A_425 = arith.minimumf %add3A_423, %min3A_424 : vector<32x784xf32>
    %select_n3A_426 = arith.select %eq3A_420, %floor3A_399, %min3A_425 : vector<32x784xi1>, vector<32x784xf32>
    %eq3A_427 = arith.constant 0 : i32
    %eq3A_428 = vector.broadcast %eq3A_427 : i32 to vector<32x784xi32>
    %eq3A_429 = arith.cmpi eq, %select_n3A_361, %eq3A_428 : vector<32x784xi32>
    %sub3A_430 = arith.constant 1.000000e+00 : f32
    %sub3A_431 = vector.broadcast %sub3A_430 : f32 to vector<32x784xf32>
    %sub3A_432 = arith.subf %sub3A_431, %sub3A_401 : vector<32x784xf32>
    %select_n3A_433 = arith.select %eq3A_429, %sub3A_432, %sub3A_401 : vector<32x784xi1>, vector<32x784xf32>
    %sub3A_434 = vector.broadcast %floor3A_51 : vector<32x1xf32> to vector<32x784xf32>
    %sub3A_435 = arith.subf %select_n3A_410, %sub3A_434 : vector<32x784xf32>
    %mul3A_436 = vector.broadcast %sub3A_60 : vector<32x1xf32> to vector<32x784xf32>
    %mul3A_437 = arith.mulf %sub3A_435, %mul3A_436 : vector<32x784xf32>
    %sub3A_438 = vector.broadcast %floor3A : vector<32x1xf32> to vector<32x784xf32>
    %sub3A_439 = arith.subf %select_n3A_426, %sub3A_438 : vector<32x784xf32>
    %add3A_440 = arith.addf %mul3A_437, %sub3A_439 : vector<32x784xf32>
    %convert_element_type3A_441 = arith.fptosi %add3A_440 : vector<32x784xf32> to vector<32x784xi32>
    %swap3A_442 = arith.constant 0 : index
    %swap3A_443 = arith.constant 0 : index
    %swap3A_444 = vector.load %arg3[%swap3A_442, %swap3A_443] : memref<32x784xi32, #tpu.memory_space<vmem>>, vector<32x784xi32>
    tpu.vector_store %arg3[%swap3A_442, %swap3A_443], %convert_element_type3A_441 {strides = array<i32>} : memref<32x784xi32, #tpu.memory_space<vmem>>, vector<32x784xi32>,
    %mul3A_445 = arith.constant 2.500000e-01 : f32
    %mul3A_446 = vector.broadcast %mul3A_445 : f32 to vector<32x784xf32>
    %mul3A_447 = arith.mulf %mul3A_446, %select_n3A_417 : vector<32x784xf32>
    %mul3A_448 = arith.mulf %mul3A_447, %select_n3A_433 : vector<32x784xf32>
    %swap3A_449 = arith.constant 0 : index
    %swap3A_450 = arith.constant 0 : index
    %swap3A_451 = vector.load %arg4[%swap3A_449, %swap3A_450] : memref<32x784xf32, #tpu.memory_space<vmem>>, vector<32x784xf32>
    tpu.vector_store %arg4[%swap3A_449, %swap3A_450], %mul3A_448 {strides = array<i32>} : memref<32x784xf32, #tpu.memory_space<vmem>>, vector<32x784xf32>,
    return
  }
  func.func @transform_0(%arg0: i32) -> (i32, i32) {
    %c0_i32 = arith.constant 0 : i32
    %c0_i32_0 = arith.constant 0 : i32
    return %arg0, %c0_i32 : i32, i32
  }
  func.func @transform_1(%arg0: i32) -> (i32, i32) {
    %c0_i32 = arith.constant 0 : i32
    %c0_i32_0 = arith.constant 0 : i32
    return %arg0, %c0_i32 : i32, i32
  }
  func.func @transform_2(%arg0: i32) -> (i32, i32) {
    %c0_i32 = arith.constant 0 : i32
    %c0_i32_0 = arith.constant 0 : i32
    return %arg0, %c0_i32 : i32, i32
  }
  func.func @transform_3(%arg0: i32) -> (i32, i32) {
    %c0_i32 = arith.constant 0 : i32
    %c0_i32_0 = arith.constant 0 : i32
    return %arg0, %c0_i32 : i32, i32
  }
}

</mosaic_0001>

<sc_bundles>
// kernel: kernel.4.cloned.1.call-start
scs
__scs_entry_jumppad:
0x0: {  	(pc) =	sbr.rel $0x88, $3  }
0x1: {  	(tag) =	ssettag $0x0;
	lr =	simm.s32 $0x1  }
0x2: {  	[smem:$0x3F9E] =	sst lr;
	_ =	strace $0xD0000000  }
0x3: {  	_ = 	snop  }
0x4: {  	_ = 	snop  }
0x5: {  	_ = 	snop  }
0x6: {  	_ = 	snop  }
0x7: {  	_ = 	snop  }
__scs_overlays_trampoline_lowered:
0x8: {  	[smem:$0x3FAD] =	sst s0  }
0x9: {  	[smem:$0x3FAE] =	sst s1  }
0xa: {  	[smem:$0x3FAF] =	sst s2  }
0xb: {  	[smem:$0x3FB0] =	sst s3  }
0xc: {  	[smem:$0x3FB1] =	sst s4  }
0xd: {  	[smem:$0x3FB2] =	sst s5  }
0xe: {  	[smem:$0x3FB3] =	sst s6  }
0xf: {  	[smem:$0x3FB4] =	sst s7  }
0x10: {  	[smem:$0x3FB5] =	sst s8  }
0x11: {  	[smem:$0x3FB6] =	sst s9;
	s0 =	simm.s32 @!p0 $0x0  }
0x12: {  	s1 =	sld [smem:$0x3F9C];
	s0 =	simm.s32 @p0 $0x1  }
0x13: {  	[smem:$0x3FB7] =	sst s0;
	s0 =	simm.s32 @!p1 $0x0  }
0x14: {  	s2 =	sld [smem:$0x3F9B];
	s0 =	simm.s32 @p1 $0x1  }
0x15: {  	[smem:$0x3FB8] =	sst s0;
	s0 =	simm.s32 @!p2 $0x0  }
0x16: {  	s3 =	sld [smem:$0x3FDB];
	s0 =	simm.s32 @p2 $0x1  }
0x17: {  	s4 =	simm.s32 $0x1BF5;
	[smem:$0x3FBA] =	sst s0  }
0x18: {  	s0 =	sld [smem:$0x3F9D];
	_ =	swait.ge [sflag:s4], $0x0  }
0x19: {  	s7 =	sld [smem:$0x3F9E]  }
0x1a: {  	s8 =	sadd.s32 $0xFFFFE003, lr  }
0x1b: {  	s9 =	sadd.s32 $0xFFFFFEF7, lr;
	s5 =	simm.s32 $0xFFFFFFFF;
	p2 =	slt.u32 s8, $0xFFFFF086  }
0x1c: {  	p1 =	slt.u32 s9, $0xF7A;
	s5 =	simm.s32 @!p2 $0x0  }
0x1d: {  	s5 =	simm.s32 @p1 $0x1;
	p0 =	seq.s32 s7, s2  }
0x1e: {  	s7 =	smul.u32 @!p0 $0xF7A, s2;
	p2 =	seq.s32 @!p0 s5, $0x0  }
0x1f: {  	s9 =	smul.u32 $0xF7A, s1;
	s8 =	simm.s32 @!p0 $0x1BF5;
	p2 =	por !p2, p0  }
0x20: {  	[sflag:s8] =	ssyncset.s32 @!p0 $0xFFFFF086;
	s6 =	sadd.s32 @!p0 s3, s7;
	s7 =	simm.s32 @!p0 $0x108  }
0x21: {  	s3 =	sadd.s32 s3, s9;
	s6 =	sadd.s32 @!p0 $0x88, s6;
	s7 =	simm.s32 @p2 $0x1082  }
0x22: {  	[simem:s7], [sflag:s8] =	dma.local @!p0 [hbm:s6], $0xF7A  }
0x23: {  	s9 =	sor.u32 $0xD0000000, s2;
	s6 =	simm.s32 $0x108;
	_ =	swait.ge @!p0 [sflag:s8], $0x0  }
0x24: {  	s3 =	sadd.s32 $0x88, s3;
	s6 =	simm.s32 @!p1 $0x1082;
	[sflag:s4] =	ssyncset.s32 $0xFFFFF086  }
0x25: {  	[simem:s6], [sflag:s4] =	dma.local [hbm:s3], $0xF7A  }
0x26: {  	[smem:$0x3F9E] =	sst s1;
	(tag) =	ssettag s2;
	_ =	strace s9  }
0x27: {  	s1 =	sld [smem:$0x3FAE]  }
0x28: {  	s2 =	sld [smem:$0x3FAF]  }
0x29: {  	s4 =	sld [smem:$0x3FB1]  }
0x2a: {  	p0 =	seq.s32 s5, $0x0;
	s5 =	sld [smem:$0x3FB2]  }
0x2b: {  	s6 =	sld [smem:$0x3FB3]  }
0x2c: {  	s7 =	sld [smem:$0x3FB4]  }
0x2d: {  	s3 =	simm.s32 $0x108;
	s8 =	sld [smem:$0x3FB5]  }
0x2e: {  	s3 =	simm.s32 @!p0 $0x1082;
	s9 =	sld [smem:$0x3FB6]  }
0x2f: {  	lr =	sadd.s32 s0, s3;
	s0 =	sld [smem:$0x3FAD]  }
0x30: {  	s3 =	sld [smem:$0x3FB0]  }
0x31: {  	[smem:$0x3FB9] =	sst s10  }
0x32: {  	s10 =	sld [smem:$0x3FB7];
	_ =	sdelay $0x3  }
0x33: {  	p0 =	seq.s32 s10, $0x1;
	s10 =	sld [smem:$0x3FB9];
	_ =	sdelay $0x3  }
0x34: {  	[smem:$0x3FB9] =	sst s10  }
0x35: {  	s10 =	sld [smem:$0x3FB8];
	_ =	sdelay $0x3  }
0x36: {  	p1 =	seq.s32 s10, $0x1;
	s10 =	sld [smem:$0x3FB9];
	_ =	sdelay $0x3  }
0x37: {  	[smem:$0x3FB9] =	sst s10  }
0x38: {  	s10 =	sld [smem:$0x3FBA]  }
0x39: {  	_ = 	snop;
	(pc) =	sbr.ind lr, $3  }
0x3a: {  	_ = 	snop  }
0x3b: {  	_ = 	snop  }
0x3c: {  	p2 =	seq.s32 s10, $0x1;
	s10 =	sld [smem:$0x3FB9]  }
0x3d: {  	_ =	shalt  }
0x3e: {  	_ =	shalt  }
0x3f: {  	_ =	shalt  }
0x40: {  	_ =	shalt  }
0x41: {  	_ =	shalt  }
0x42: {  	_ =	shalt  }
0x43: {  	_ =	shalt  }
0x44: {  	_ =	shalt  }
0x45: {  	_ =	shalt  }
0x46: {  	_ =	shalt  }
0x47: {  	_ =	shalt  }
0x48: {  	_ =	shalt  }
0x49: {  	_ =	shalt  }
0x4a: {  	_ =	shalt  }
0x4b: {  	_ =	shalt  }
0x4c: {  	_ =	shalt  }
0x4d: {  	_ =	shalt  }
0x4e: {  	_ =	shalt  }
0x4f: {  	_ =	shalt  }
0x50: {  	_ =	shalt  }
0x51: {  	_ =	shalt  }
0x52: {  	_ =	shalt  }
0x53: {  	_ =	shalt  }
0x54: {  	_ =	shalt  }
0x55: {  	_ =	shalt  }
0x56: {  	_ =	shalt  }
0x57: {  	_ =	shalt  }
0x58: {  	_ =	shalt  }
0x59: {  	_ =	shalt  }
0x5a: {  	_ =	shalt  }
0x5b: {  	_ =	shalt  }
0x5c: {  	_ =	shalt  }
0x5d: {  	_ =	shalt  }
0x5e: {  	_ =	shalt  }
0x5f: {  	_ =	shalt  }
0x60: {  	_ =	shalt  }
0x61: {  	_ =	shalt  }
0x62: {  	_ =	shalt  }
0x63: {  	_ =	shalt  }
0x64: {  	_ =	shalt  }
0x65: {  	_ =	shalt  }
0x66: {  	_ =	shalt  }
0x67: {  	_ =	shalt  }
0x68: {  	_ =	shalt  }
0x69: {  	_ =	shalt  }
0x6a: {  	_ =	shalt  }
0x6b: {  	_ =	shalt  }
0x6c: {  	_ =	shalt  }
0x6d: {  	_ =	shalt  }
0x6e: {  	_ =	shalt  }
0x6f: {  	_ =	shalt  }
0x70: {  	_ =	shalt  }
0x71: {  	_ =	shalt  }
0x72: {  	_ =	shalt  }
0x73: {  	_ =	shalt  }
0x74: {  	_ =	shalt  }
0x75: {  	_ =	shalt  }
0x76: {  	_ =	shalt  }
0x77: {  	_ =	shalt  }
0x78: {  	_ =	shalt  }
0x79: {  	_ =	shalt  }
0x7a: {  	_ =	shalt  }
0x7b: {  	_ =	shalt  }
0x7c: {  	_ =	shalt  }
0x7d: {  	_ =	shalt  }
0x7e: {  	_ =	shalt  }
0x7f: {  	_ =	shalt  }
0x80: {  	_ =	shalt  }
0x81: {  	_ =	shalt  }
0x82: {  	_ =	shalt  }
0x83: {  	_ =	shalt  }
0x84: {  	_ =	shalt  }
0x85: {  	_ =	shalt  }
0x86: {  	_ =	shalt  }
0x87: {  	_ =	shalt  }
.Lfunc_end0:
.L_simem_size_0:
called_computation.1_lowered:
.L_overlay_start_0:
0x88: {  	s2 =	sld [smem:$0x3FD9]  }
0x89: {  	s3 =	sld [smem:$0x3FFE];
	_ =	sdelay $0x1  }
0x8a: {  	s1 =	srdreg.scid  }
0x8b: {  	s0 =	sand.u32 $0x1, s1  }
0x8c: {  	s17 =	sshll.u32 s0, $0xA;
	s2 =	sadd.s32 s3, s2  }
0x8d: {  	s2 =	sadd.s32 s2, s17  }
0x8e: {  	[smem:$0x3FC5] =	sst s2  }
0x8f: {  	_ = 	snop  }
0x90: {  	s2 =	sld [smem:$0x3FD0];
	(tm) =	ssettm $0x1  }
0x91: {  	s18 =	sld [smem:$0x3FFB];
	_ =	sdelay $0x3  }
0x92: {  	_ =	strace s18  }
0x93: {  	s3 =	sld [smem:$0x3FFC];
	_ =	sdelay $0x3  }
0x94: {  	_ =	strace s3  }
0x95: {  	s3 =	sld [smem:$0x3FFD];
	_ =	sdelay $0x3  }
0x96: {  	_ =	strace s3  }
0x97: {  	_ =	strace $0x8FFFFFFF  }
0x98: {  	s19 =	sld [smem:$0x3FDB];
	_ =	sdelay $0x1  }
0x99: {  	s4 =	simm.s32 $_scs_section_size  }
0x9a: {  	s5 =	simm.s32 $_size__tile_overlayer_lowered;
	s6 =	simm.s32 $_tile_overlayer_lowered  }
0x9b: {  	s22 =	simm.s32 $0x1BFF;
	s21 =	sshll.u32 s6, $0x1;
	s3 =	sadd.s32 s4, s19  }
0x9c: {  	s7 =	simm.s32 $0x0;
	s20 =	sshll.u32 s5, $0x1;
	s5 =	sadd.s32 s21, s3  }
0x9d: {  	[timem:s7], [sflag:s22] =	dma.local [hbm:s5], s20  }
0x9e: {  	_ =	swait.ge [sflag:s22], s20  }
0x9f: {  	s4 =	ssub.s32 $0x0, s20;
	[sflag:s22] =	ssyncset.done $0x0  }
0xa0: {  	[sflag:s22] =	ssyncadd.s32 s4;
	_ =	sdelay $0x1  }
0xa1: {  	s23 =	simm.s32 $0x1B8B  }
0xa2: {  	_ =	swait.ge [sflag:s23], $0x1  }
0xa3: {  	[sflag:s23] =	ssyncset.done $0x0  }
0xa4: {  	s25 =	simm.s32 $0x1B8E;
	s24 =	sld [smem:$0x3FFE];
	[sflag:s23] =	ssyncadd.s32 $0xFFFFFFFF  }
0xa5: {  	s26 =	simm.s32 $execute0_lowered;
	[smem:$0x3FD2] =	sst s25  }
0xa6: {  	s5 =	sshll.u32 s26, $0x1;
	_ =	strace $0x80000046;
	[dreg:$0x1] =	wrdreg $0xFFFFFFFF  }
0xa7: {  	s28 =	simm.s32 $_size_execute0_lowered;
	s3 =	sadd.s32 s3, s5;
	[dreg:$0x0] =	wrdreg $0x0  }
0xa8: {  	s5 =	sshll.u32 s28, $0x1;
	[dreg:$0x2] =	wrdreg s3  }
0xa9: {  	[dreg:$0x3] =	wrdreg s5  }
0xaa: {  	[dreg:$0x4] =	wrdreg $0xC0  }
0xab: {  	_ =	task [dreg:s7], $0x5FFFF  }
0xac: {  	[dreg:$0x1] =	wrdreg $0xFFFFFFFF  }
0xad: {  	[dreg:$0x0] =	wrdreg $0x60  }
0xae: {  	[dreg:$0x2] =	wrdreg s24  }
0xaf: {  	[dreg:$0x3] =	wrdreg s2  }
0xb0: {  	[dreg:$0x4] =	wrdreg $0x9  }
0xb1: {  	_ =	task.clear_ibuf [dreg:s7], $0x5FFFF;
	_ =	strace $0x90000046  }
0xb2: {  	s29 =	simm.s32 $0x9;
	_ =	strace $0x80000048  }
0xb3: {  	_ =	swait.ge [sflag:s29], $0x1  }
0xb4: {  	[sflag:s29] =	ssyncadd.s32 $0xFFFFFFFF  }
0xb5: {  	_ =	strace $0x90000048  }
0xb6: {  	_ =	sfence  }
0xb7: {  	s30 =	sld [smem:$0x0];
	_ =	sdelay $0x2  }
0xb8: {  	s31 =	sshll.u32 s1, $0xD;
	s1 =	sshrl.u32 s1, $0x2  }
0xb9: {  	s3 =	sand.u32 $0x4000, s31;
	s1 =	sadd.s32 s1, s30  }
0xba: {  	s0 =	sor.u32 s3, s0;
	s1 =	sshll.u32 s1, $0x11  }
0xbb: {  	s0 =	sor.u32 s1, s0  }
0xbc: {  	s0 =	sadd.s32 $0x8F2B, s0  }
0xbd: {  	[sflag:s0] =	ssyncadd.remote.s32 $0x1  }
0xbe: {  	_ =	sfence.sel $0xFFFF  }
0xbf: {  	[dreg:$0x0] =	wrdreg $0xFFFFFFFF;
	(pc) =	sbr.abs _section_cstart, $3  }
0xc0: {  	[dreg:$0x1] =	wrdreg $0xFFFFFFFF  }
0xc1: {  	_ =	task.clear_ibuf [dreg:s7], $0x2FFFF;
	_ =	strace $0x9FFFFFFF  }
0xc2: {  	(tm) =	ssettm $0x7FFFFFFF  }
0xc3: {  	_ =	shalt  }
tec
execute0_lowered:
.L_overlay_start_1:
0x0: {  	(tag) =	ssettag $0x1  }
0x1: {  	s0 =	rddreg [dreg:$0x0]  }
0x2: {  	s1 =	rddreg [dreg:$0x1]  }
0x3: {  	s3 =	simm.s32 $0x0;
	s2 =	srdreg.scid;
	s4 =	stileid.u32  }
0x4: {  	s19 =	simm.s32 $0x200;
	s28 =	simm.s32 $0x4;
	s29 =	simm.s32 $0x1  }
0x5: {  	s30 =	simm.s32 $0x2;
	s31 =	simm.s32 $0x3;
	[smem:$0x7FF] =	sst s3  }
0x6: {  	s2 =	sand.u32 $0x1, s2;
	s6 =	sshll.u32 s4, $0x1;
	s4 =	sadd.s32 $0x600, s0  }
0x7: {  	s5 =	sadd.s32 $0x1B000, s0;
	s8 =	sadd.s32 $0x38000, s0;
	s9 =	sor.u32 s2, s6  }
0x8: {  	_ =	strace $0x80000047;
	s6 =	sadd.s32 $0x1F800, s0;
	s10 =	smul.u32 $0x240, s9  }
0x9: {  	s2 =	ssub.s32 $0x2, s2;
	s7 =	sshll.u32 s9, $0x5;
	s11 =	smul.u32 $0xC40, s9  }
0xa: {  	s20 =	sshrl.u32 s2, $0x1;
	p0 =	seq.s32 s9, $0x1F;
	s9 =	simm.s32 $0xA000  }
0xb: {  	s12 =	sor.u32 $0x1, s7;
	s0 =	ssub.s32 s2, s20;
	s15 =	sor.u32 $0x2, s7  }
0xc: {  	s16 =	sor.u32 $0x3, s7;
	s20 =	simm.s32 $0x900;
	s21 =	sadd.s32 s5, s10  }
0xd: {  	s13 =	smul.u32 $0x12, s12;
	s23 =	sadd.s32 s6, s11;
	[dreg:$0x3] =	wrdreg s21  }
0xe: {  	s22 =	smul.u32 $0x62, s12;
	s24 =	sadd.s32 s8, s11;
	[dreg:$0x4] =	wrdreg s23  }
0xf: {  	s0 =	smax.u32 s0, $0x1;
	s11 =	simm.s32 $0x0;
	[dreg:$0x5] =	wrdreg s24  }
.Ltmp0:
0x10: {  	[dreg:$0x9] =	wrdreg s0;
	s21 =	simm.s32 $0x48;
	(pc) =	sbr.rel .LBB2_1-.Ltmp0, $4  }
0x11: {  	v0 =	vlaneseq.u32;
	s24 =	simm.s32 $0x100;
	s0 =	simm.s32 $0x5800;
	s25 =	sadd.s32 s5, s13  }
0x12: {  	v1 =	vor.u32 $0x10, v0;
	s23 =	simm.s32 $0x7C00;
	s26 =	sadd.s32 s6, s22;
	[dreg:$0x6] =	wrdreg s25  }
0x13: {  	v2 =	vor.u32 $0x20, v0;
	v3 =	vor.u32 $0x30, v0;
	v4 =	vor.u32 $0x40, v0;
	s2 =	sadd.s32 s8, s22;
	s22 =	simm.s32 $0x1000;
	[dreg:$0x7] =	wrdreg s26  }
0x14: {  	v5 =	vor.u32 $0x50, v0;
	v6 =	vor.u32 $0x60, v0;
	v7 =	vor.u32 $0x70, v0;
	[dreg:$0x8] =	wrdreg s2;
	s25 =	simm.s32 $0x580;
	s26 =	simm.s32 $0xC80  }
.LBB2_12:
0x15: {  	s2 =	simm.s32 @!p0 $0x5  }
0x16: {  	_ =	swait.ge @!p0 [sflag:s2], $0x3100  }
0x17: {  	s11 =	rddreg [dreg:$0xa]  }
0x18: {  	s10 =	rddreg [dreg:$0x9];
	s11 =	sadd.s32 $0x1, s11  }
0x19: {  	p1 =	sne.s32 s11, s10  }
.Ltmp1:
0x1a: {  	_ = 	snop;
	(pc) =	sbr.rel @!p1 .LBB2_13-.Ltmp1, $3  }
0x1b: {  	_ =	sdelay $0x1  }
0x1c: {  	[sflag:s2] =	ssyncset.done @!p0 $0x0  }
0x1d: {  	[sflag:s2] =	ssyncadd.s32 @!p0 $0xFFFFCF00  }
.LBB2_1:
0x1e: {  	[dreg:$0xa] =	wrdreg s11  }
0x1f: {  	s2 =	rddreg [dreg:$0x3];
	s10 =	simm.s32 $0x6  }
0x20: {  	[tilespmem:s3], [sflag:$0x6] =	stream.linear.gather [hbm4b:s2+s3], $0x90, $0x38;
	[tilespmem:$0xD100] =	vst v63  }
0x21: {  	_ =	swait.ge [sflag:s10], $0x90  }
0x22: {  	[sflag:s10] =	ssyncset.done $0x0  }
0x23: {  	s11 =	rddreg [dreg:$0x4];
	[sflag:s10] =	ssyncadd.s32 $0xFFFFFF70  }
0x24: {  	[tilespmem:s19], [sflag:$0x6] =	stream.linear.gather [hbm4b:s11+s3], $0x310, $0x38;
	[tilespmem:$0xD100] =	vst v63  }
0x25: {  	_ =	swait.ge [sflag:s10], $0x310  }
0x26: {  	[sflag:s10] =	ssyncset.done $0x0  }
0x27: {  	s12 =	rddreg [dreg:$0x5];
	[sflag:s10] =	ssyncadd.s32 $0xFFFFFCF0  }
0x28: {  	[tilespmem:s20], [sflag:$0x6] =	stream.linear.gather [hbm4b:s12+s3], $0x310, $0x38;
	[tilespmem:$0xD100] =	vst v63  }
0x29: {  	_ =	swait.ge [sflag:s10], $0x310  }
0x2a: {  	[sflag:s10] =	ssyncset.done $0x0  }
0x2b: {  	[sflag:s10] =	ssyncadd.s32 $0xFFFFFCF0  }
0x2c: {  	[tilespmem:s22], [sflag:$0x4] =	stream.indirect.gather [hbm4b:s4+s21], $0x80, s3, s21, $0xb8;
	[tilespmem:$0xD100] =	vst v63  }
0x2d: {  	s13 =	simm.s32 $0x3400  }
0x2e: {  	[tilespmem:s13], [sflag:$0x4] =	stream.indirect.gather [hbm4b:s4+s21], $0x80, s21, s21, $0xb8;
	[tilespmem:$0xD100] =	vst v63  }
0x2f: {  	s14 =	rddreg [dreg:$0x6]  }
0x30: {  	[tilespmem:s24], [sflag:$0x1] =	stream.linear.gather [hbm4b:s14+s3], $0x90, $0x38;
	[tilespmem:$0xD100] =	vst v63  }
0x31: {  	s17 =	rddreg [dreg:$0x7]  }
0x32: {  	[tilespmem:s25], [sflag:$0x2] =	stream.linear.gather [hbm4b:s17+s3], $0x310, $0x38;
	[tilespmem:$0xD100] =	vst v63  }
0x33: {  	s11 =	simm.s32 $0x0;
	s18 =	rddreg [dreg:$0x8]  }
0x34: {  	[tilespmem:s26], [sflag:$0x3] =	stream.linear.gather [hbm4b:s18+s3], $0x310, $0x38;
	[tilespmem:$0xD100] =	vst v63  }
.LBB2_2:
0x35: {  	s12 =	sshll.u32 s11, $0x1  }
0x36: {  	p1 =	seq.s32 s11, $0x0;
	s13 =	sor.u32 s7, s12  }
0x37: {  	p2 =	sgt.u32 @!p1 s13, $0x3E8  }
0x38: {  	p1 =	por p2, p1  }
0x39: {  	s10 =	simm.s32 @!p1 $0x5  }
0x3a: {  	_ =	swait.ge @!p1 [sflag:s10], $0x3100  }
0x3b: {  	[sflag:s10] =	ssyncset.done @!p1 $0x0  }
0x3c: {  	[sflag:s10] =	ssyncadd.s32 @!p1 $0xFFFFCF00  }
0x3d: {  	_ =	swait.ge [sflag:s28], $0x2400  }
0x3e: {  	[sflag:s28] =	ssyncset.done $0x0  }
0x3f: {  	[sflag:s28] =	ssyncadd.s32 $0xFFFFDC00  }
0x40: {  	_ =	swait.ge [sflag:s28], $0x2400  }
0x41: {  	[sflag:s28] =	ssyncset.done $0x0  }
0x42: {  	[sflag:s28] =	ssyncadd.s32 $0xFFFFDC00  }
0x43: {  	_ =	swait.ge [sflag:s29], $0x90  }
0x44: {  	[sflag:s29] =	ssyncset.done $0x0  }
0x45: {  	[sflag:s29] =	ssyncadd.s32 $0xFFFFFF70  }
0x46: {  	_ =	swait.ge [sflag:s30], $0x310  }
0x47: {  	[sflag:s30] =	ssyncset.done $0x0  }
0x48: {  	[sflag:s30] =	ssyncadd.s32 $0xFFFFFCF0  }
0x49: {  	_ =	swait.ge [sflag:s31], $0x310  }
0x4a: {  	[sflag:s31] =	ssyncset.done $0x0  }
0x4b: {  	[sflag:s31] =	ssyncadd.s32 $0xFFFFFCF0  }
0x4c: {  	[tilespmem:s0], [sflag:$0x4] =	stream.indirect.gather [hbm4b:s4+s21], $0x80, s24, s21, $0xb8;
	[tilespmem:$0xD100] =	vst v63  }
0x4d: {  	s2 =	simm.s32 $0x148;
	s14 =	simm.s32 $0x0  }
0x4e: {  	[tilespmem:s23], [sflag:$0x4] =	stream.indirect.gather [hbm4b:s4+s21], $0x80, s2, s21, $0xb8;
	[tilespmem:$0xD100] =	vst v63  }
.LBB2_3:
0x4f: {  	v24 =	vimm.f32 $0.0e+00  }
0x50: {  	v25 =	vimm.f32 $0.0e+00;
	v26 =	vimm.f32 $0.0e+00;
	v27 =	vimm.f32 $0.0e+00  }
0x51: {  	v29 =	vimm.f32 $0.0e+00;
	v28 =	vimm.f32 $0.0e+00;
	v23 =	vimm.f32 $0.0e+00  }
0x52: {  	v22 =	vimm.f32 $0.0e+00;
	v21 =	vimm.f32 $0.0e+00;
	v20 =	vimm.f32 $0.0e+00  }
0x53: {  	v19 =	vimm.f32 $0.0e+00;
	v18 =	vimm.f32 $0.0e+00;
	v17 =	vimm.f32 $0.0e+00  }
0x54: {  	s17 =	sshll.u32 s14, $0x4;
	p1 =	por $0x1, $0x1;
	v16 =	vimm.f32 $0.0e+00;
	v15 =	vimm.f32 $0.0e+00;
	v14 =	vimm.f32 $0.0e+00;
	s10 =	simm.s32 $0x0  }
.LBB2_4:
0x55: {  	s18 =	sor.u32 s17, s10  }
0x56: {  	v8 =	vmov s18  }
0x57: {  	v8 =	vand.u32 $0xFFFFFFF8, v8  }
0x58: {  	v8 =	vbroadcast v8, $0x0;
	_ =	sdelay $0x5  }
0x59: {  	v9 =	vld.idx.msk [tilespmem:v8+s19+$0x0], $0xffff  }
0x5a: {  	s10 =	sor.u32 $0x1, s18  }
0x5b: {  	v12 =	vmov s10  }
0x5c: {  	v12 =	vand.u32 $0xFFFFFFF9, v12  }
0x5d: {  	v12 =	vbroadcast v12, $0x0  }
0x5e: {  	v9 =	vshll.u32 v9, $0x7  }
0x5f: {  	v10 =	vor.u32 v0, v9  }
0x60: {  	v11 =	vor.u32 v1, v9  }
0x61: {  	v30 =	vor.u32 v3, v9  }
0x62: {  	v8 =	vld.idx.msk [tilespmem:v8+s20+$0x0], $0xffff;
	v13 =	vor.u32 v2, v9  }
0x63: {  	v33 =	vld.idx.msk [tilespmem:v12+s19+$0x0], $0xffff;
	v31 =	vor.u32 v4, v9  }
0x64: {  	v10 =	vld.idx.msk [tilespmem:v10+s22+$0x0], $0xffff  }
0x65: {  	v11 =	vld.idx.msk [tilespmem:v11+s22+$0x0], $0xffff  }
0x66: {  	v30 =	vld.idx.msk [tilespmem:v30+s22+$0x0], $0xffff  }
0x67: {  	s2 =	sor.u32 $0x2, s18;
	v13 =	vld.idx.msk [tilespmem:v13+s22+$0x0], $0xffff  }
0x68: {  	v39 =	vmov s2;
	v35 =	vor.u32 v5, v9;
	v31 =	vld.idx.msk [tilespmem:v31+s22+$0x0], $0xffff  }
0x69: {  	v62 =	vshll.u32 v33, $0x7;
	v32 =	vshll.u32 v10, $0x10;
	v10 =	vmul.f32 v10, v8  }
0x6a: {  	v37 =	vor.u32 v0, v62;
	v34 =	vshll.u32 v11, $0x10;
	v11 =	vmul.f32 v11, v8  }
0x6b: {  	v63 =	vshll.u32 v30, $0x10;
	v10 =	vadd.f32 v10, v15;
	v15 =	vor.u32 v6, v9  }
0x6c: {  	v11 =	vadd.f32 v11, v17;
	v17 =	vshll.u32 v13, $0x10;
	v13 =	vmul.f32 v13, v8  }
0x6d: {  	v38 =	vshll.u32 v31, $0x10;
	v9 =	vor.u32 v7, v9;
	v17 =	vmul.f32 v17, v8  }
0x6e: {  	v36 =	vld.idx.msk [tilespmem:v35+s22+$0x0], $0xffff;
	v13 =	vadd.f32 v13, v19;
	v19 =	vmul.f32 v30, v8;
	v30 =	vmul.f32 v38, v8  }
0x6f: {  	v12 =	vld.idx.msk [tilespmem:v12+s20+$0x0], $0xffff;
	v33 =	vand.u32 $0xFFFFFFFA, v39;
	v17 =	vadd.f32 v17, v18;
	v18 =	vmul.f32 v63, v8  }
0x70: {  	v33 =	vbroadcast v33, $0x0;
	v19 =	vadd.f32 v19, v21;
	v21 =	vadd.f32 v30, v22;
	v30 =	vld.idx.msk [tilespmem:v37+s22+$0x0], $0xffff  }
0x71: {  	v22 =	vor.u32 v2, v62;
	v15 =	vld.idx.msk [tilespmem:v15+s22+$0x0], $0xffff;
	v18 =	vadd.f32 v18, v20;
	v20 =	vmul.f32 v31, v8  }
0x72: {  	v42 =	vor.u32 v4, v62;
	v34 =	vmul.f32 v34, v8;
	v31 =	vor.u32 v1, v62;
	v9 =	vld.idx.msk [tilespmem:v9+s22+$0x0], $0xffff  }
0x73: {  	v32 =	vmul.f32 v32, v8;
	v20 =	vadd.f32 v20, v23;
	v23 =	vshll.u32 v36, $0x10  }
0x74: {  	v16 =	vadd.f32 v34, v16;
	v34 =	vmul.f32 v36, v8;
	v23 =	vmul.f32 v23, v8  }
0x75: {  	v36 =	vor.u32 v3, v62;
	v43 =	vshll.u32 v30, $0x10;
	v30 =	vmul.f32 v30, v12  }
0x76: {  	v22 =	vld.idx.msk [tilespmem:v22+s22+$0x0], $0xffff;
	v40 =	vshll.u32 v15, $0x10;
	v23 =	vadd.f32 v23, v28;
	v28 =	vadd.f32 v34, v29  }
0x77: {  	v31 =	vld.idx.msk [tilespmem:v31+s22+$0x0], $0xffff;
	v15 =	vmul.f32 v15, v8;
	v41 =	vshll.u32 v9, $0x10;
	v29 =	vmul.f32 v40, v8  }
0x78: {  	v45 =	vor.u32 v6, v62;
	v34 =	vmul.f32 v41, v8;
	v8 =	vmul.f32 v9, v8  }
0x79: {  	v35 =	vld.idx.msk [tilespmem:v42+s22+$0x0], $0xffff;
	v14 =	vadd.f32 v32, v14;
	v9 =	vmul.f32 v43, v12;
	v10 =	vadd.f32 v30, v10  }
0x7a: {  	v15 =	vadd.f32 v15, v26;
	v26 =	vor.u32 v5, v62;
	v8 =	vadd.f32 v8, v24;
	v24 =	vld.idx.msk [tilespmem:v36+s22+$0x0], $0xffff  }
0x7b: {  	v27 =	vadd.f32 v29, v27;
	v9 =	vadd.f32 v9, v14;
	v29 =	vld.idx.msk [tilespmem:v33+s19+$0x0], $0xffff;
	v44 =	vshll.u32 v22, $0x10  }
0x7c: {  	v22 =	vmul.f32 v22, v12;
	v14 =	vshll.u32 v31, $0x10;
	v31 =	vmul.f32 v31, v12  }
0x7d: {  	v25 =	vadd.f32 v34, v25;
	v34 =	vmul.f32 v44, v12;
	v14 =	vmul.f32 v14, v12  }
0x7e: {  	v13 =	vadd.f32 v22, v13;
	v11 =	vadd.f32 v31, v11  }
0x7f: {  	v26 =	vld.idx.msk [tilespmem:v26+s22+$0x0], $0xffff;
	v31 =	vshll.u32 v35, $0x10;
	v14 =	vadd.f32 v14, v16;
	v16 =	vadd.f32 v34, v17  }
0x80: {  	v17 =	vor.u32 v7, v62;
	v30 =	vshll.u32 v24, $0x10;
	v29 =	vshll.u32 v29, $0x7  }
0x81: {  	v22 =	vmul.f32 v24, v12;
	v24 =	vmul.f32 v31, v12;
	v46 =	vor.u32 v0, v29  }
0x82: {  	v31 =	vld.idx.msk [tilespmem:v45+s22+$0x0], $0xffff;
	v30 =	vmul.f32 v30, v12;
	v47 =	vor.u32 v1, v29  }
0x83: {  	v19 =	vadd.f32 v22, v19;
	v21 =	vadd.f32 v24, v21;
	v24 =	vor.u32 v2, v29  }
0x84: {  	s2 =	sor.u32 $0x3, s18;
	v18 =	vadd.f32 v30, v18;
	v30 =	vmul.f32 v35, v12;
	v22 =	vshll.u32 v26, $0x10  }
0x85: {  	v48 =	vmov s2;
	v17 =	vld.idx.msk [tilespmem:v17+s22+$0x0], $0xffff;
	v22 =	vmul.f32 v22, v12  }
0x86: {  	v32 =	vand.u32 $0xFFFFFFFB, v48;
	v26 =	vmul.f32 v26, v12;
	v20 =	vadd.f32 v30, v20;
	v30 =	vld.idx.msk [tilespmem:v46+s22+$0x0], $0xffff  }
0x87: {  	v33 =	vld.idx.msk [tilespmem:v33+s20+$0x0], $0xffff;
	v50 =	vor.u32 v3, v29;
	v49 =	vshll.u32 v31, $0x10;
	v22 =	vadd.f32 v22, v23  }
0x88: {  	v23 =	vadd.f32 v26, v28;
	v28 =	vmul.f32 v31, v12;
	v24 =	vld.idx.msk [tilespmem:v24+s22+$0x0], $0xffff;
	v31 =	vor.u32 v5, v29  }
0x89: {  	v32 =	vbroadcast v32, $0x0;
	v37 =	vor.u32 v4, v29;
	v52 =	vor.u32 v6, v29;
	v34 =	vld.idx.msk [tilespmem:v47+s22+$0x0], $0xffff  }
0x8a: {  	v35 =	vmul.f32 v49, v12;
	v29 =	vor.u32 v7, v29;
	v26 =	vshll.u32 v17, $0x10  }
0x8b: {  	v26 =	vmul.f32 v26, v12;
	v12 =	vmul.f32 v17, v12;
	v17 =	vshll.u32 v30, $0x10  }
0x8c: {  	v15 =	vadd.f32 v28, v15;
	v28 =	vmul.f32 v30, v33;
	v30 =	vld.idx.msk [tilespmem:v50+s22+$0x0], $0xffff;
	v17 =	vmul.f32 v17, v33  }
0x8d: {  	v51 =	vshll.u32 v24, $0x10;
	v24 =	vmul.f32 v24, v33;
	v31 =	vld.idx.msk [tilespmem:v31+s22+$0x0], $0xffff;
	v25 =	vadd.f32 v26, v25  }
0x8e: {  	v8 =	vadd.f32 v12, v8;
	v12 =	vshll.u32 v34, $0x10;
	v26 =	vld.idx.msk [tilespmem:v37+s22+$0x0], $0xffff;
	v10 =	vadd.f32 v28, v10  }
0x8f: {  	v28 =	vmul.f32 v34, v33;
	v9 =	vadd.f32 v17, v9;
	v12 =	vmul.f32 v12, v33;
	v17 =	vld.idx.msk [tilespmem:v32+s19+$0x0], $0xffff  }
0x90: {  	v27 =	vadd.f32 v35, v27;
	v34 =	vmul.f32 v51, v33;
	v13 =	vadd.f32 v24, v13  }
0x91: {  	v11 =	vadd.f32 v28, v11;
	v12 =	vadd.f32 v12, v14  }
0x92: {  	v14 =	vadd.f32 v34, v16;
	v16 =	vshll.u32 v30, $0x10;
	v28 =	vmul.f32 v30, v33  }
0x93: {  	v29 =	vld.idx.msk [tilespmem:v29+s22+$0x0], $0xffff;
	v16 =	vmul.f32 v16, v33;
	v54 =	vshll.u32 v31, $0x10;
	v24 =	vshll.u32 v26, $0x10  }
0x94: {  	v30 =	vld.idx.msk [tilespmem:v52+s22+$0x0], $0xffff;
	v31 =	vmul.f32 v31, v33;
	v17 =	vshll.u32 v17, $0x7;
	v24 =	vmul.f32 v24, v33  }
0x95: {  	s2 =	sor.u32 $0x4, s18;
	v16 =	vadd.f32 v16, v18;
	v18 =	vadd.f32 v28, v19;
	v53 =	vor.u32 v0, v17  }
0x96: {  	v55 =	vor.u32 v1, v17;
	v21 =	vadd.f32 v24, v21;
	v24 =	vmov s2  }
0x97: {  	v19 =	vmul.f32 v54, v33;
	v57 =	vor.u32 v3, v17;
	v24 =	vand.u32 $0xFFFFFFFC, v24  }
0x98: {  	v26 =	vmul.f32 v26, v33;
	v59 =	vor.u32 v4, v17;
	v24 =	vbroadcast v24, $0x0  }
0x99: {  	v58 =	vshll.u32 v29, $0x10;
	v19 =	vadd.f32 v19, v22;
	v22 =	vld.idx.msk [tilespmem:v32+s20+$0x0], $0xffff;
	v28 =	vshll.u32 v30, $0x10  }
0x9a: {  	v20 =	vadd.f32 v26, v20;
	v26 =	vor.u32 v2, v17;
	v28 =	vmul.f32 v28, v33;
	v56 =	vld.idx.msk [tilespmem:v53+s22+$0x0], $0xffff  }
0x9b: {  	v35 =	vmul.f32 v58, v33;
	v23 =	vadd.f32 v31, v23;
	v36 =	vld.idx.msk [tilespmem:v55+s22+$0x0], $0xffff  }
0x9c: {  	v30 =	vmul.f32 v30, v33;
	s2 =	sor.u32 $0x5, s18;
	v27 =	vadd.f32 v28, v27;
	v28 =	vmul.f32 v29, v33;
	v29 =	vld.idx.msk [tilespmem:v57+s22+$0x0], $0xffff  }
0x9d: {  	v25 =	vadd.f32 v35, v25;
	v40 =	vor.u32 v6, v17;
	v46 =	vmov s2;
	v63 =	vld.idx.msk [tilespmem:v59+s22+$0x0], $0xffff  }
0x9e: {  	s2 =	sor.u32 $0x6, s18;
	v15 =	vadd.f32 v30, v15;
	v30 =	vor.u32 v5, v17;
	v35 =	vand.u32 $0xFFFFFFFD, v46;
	v61 =	vld.idx.msk [tilespmem:v24+s19+$0x0], $0xffff  }
0x9f: {  	v17 =	vor.u32 v7, v17;
	v52 =	vmov s2;
	v48 =	vbroadcast v35, $0x0;
	v26 =	vld.idx.msk [tilespmem:v26+s22+$0x0], $0xffff  }
0xa0: {  	v8 =	vadd.f32 v28, v8;
	v28 =	vshll.u32 v56, $0x10;
	v31 =	vmul.f32 v56, v22  }
0xa1: {  	v60 =	vshll.u32 v36, $0x10;
	v62 =	vmul.f32 v36, v22;
	v28 =	vmul.f32 v28, v22  }
0xa2: {  	v42 =	vshll.u32 v63, $0x10;
	v10 =	vadd.f32 v31, v10;
	v31 =	vshll.u32 v29, $0x10  }
0xa3: {  	v30 =	vld.idx.msk [tilespmem:v30+s22+$0x0], $0xffff;
	v29 =	vmul.f32 v29, v22;
	v9 =	vadd.f32 v28, v9;
	v41 =	vshll.u32 v61, $0x7  }
0xa4: {  	v28 =	vshll.u32 v26, $0x10;
	v26 =	vmul.f32 v26, v22;
	v44 =	vor.u32 v0, v41  }
0xa5: {  	v43 =	vld.idx.msk [tilespmem:v40+s22+$0x0], $0xffff;
	v32 =	vmul.f32 v60, v22;
	v28 =	vmul.f32 v28, v22;
	v18 =	vadd.f32 v29, v18  }
0xa6: {  	v13 =	vadd.f32 v26, v13;
	v26 =	vmul.f32 v42, v22;
	v29 =	vor.u32 v1, v41  }
0xa7: {  	v11 =	vadd.f32 v62, v11;
	v14 =	vadd.f32 v28, v14;
	v28 =	vmul.f32 v63, v22  }
0xa8: {  	v17 =	vld.idx.msk [tilespmem:v17+s22+$0x0], $0xffff;
	v31 =	vmul.f32 v31, v22;
	v21 =	vadd.f32 v26, v21;
	v26 =	vshll.u32 v30, $0x10  }
0xa9: {  	v20 =	vadd.f32 v28, v20;
	v26 =	vmul.f32 v26, v22;
	v28 =	vor.u32 v2, v41;
	v45 =	vld.idx.msk [tilespmem:v44+s22+$0x0], $0xffff  }
0xaa: {  	v24 =	vld.idx.msk [tilespmem:v24+s20+$0x0], $0xffff;
	v16 =	vadd.f32 v31, v16;
	v31 =	vshll.u32 v43, $0x10;
	v47 =	vor.u32 v3, v41  }
0xab: {  	v31 =	vmul.f32 v31, v22;
	v19 =	vadd.f32 v26, v19;
	v26 =	vmul.f32 v43, v22;
	v29 =	vld.idx.msk [tilespmem:v29+s22+$0x0], $0xffff  }
0xac: {  	v12 =	vadd.f32 v32, v12;
	v50 =	vor.u32 v5, v41;
	v30 =	vmul.f32 v30, v22  }
0xad: {  	v27 =	vadd.f32 v31, v27;
	v15 =	vadd.f32 v26, v15;
	v26 =	vshll.u32 v17, $0x10  }
0xae: {  	v17 =	vmul.f32 v17, v22;
	v28 =	vld.idx.msk [tilespmem:v28+s22+$0x0], $0xffff;
	v26 =	vmul.f32 v26, v22;
	v22 =	vshll.u32 v45, $0x10  }
0xaf: {  	v23 =	vadd.f32 v30, v23;
	v30 =	vor.u32 v4, v41;
	v22 =	vmul.f32 v22, v24  }
0xb0: {  	s18 =	sor.u32 $0x7, s18;
	v49 =	vld.idx.msk [tilespmem:v47+s22+$0x0], $0xffff;
	v8 =	vadd.f32 v17, v8;
	v31 =	vmul.f32 v45, v24;
	v17 =	vshll.u32 v29, $0x10  }
0xb1: {  	v43 =	vmov s18;
	v17 =	vmul.f32 v17, v24;
	v9 =	vadd.f32 v22, v9;
	v22 =	vld.idx.msk [tilespmem:v48+s19+$0x0], $0xffff  }
0xb2: {  	v25 =	vadd.f32 v26, v25;
	v10 =	vadd.f32 v31, v10;
	v31 =	vor.u32 v6, v41  }
0xb3: {  	v26 =	vshll.u32 v28, $0x10;
	v12 =	vadd.f32 v17, v12;
	v17 =	vmul.f32 v28, v24  }
0xb4: {  	v32 =	vor.u32 v7, v41;
	v30 =	vld.idx.msk [tilespmem:v30+s22+$0x0], $0xffff;
	v29 =	vmul.f32 v29, v24;
	v26 =	vmul.f32 v26, v24  }
0xb5: {  	v28 =	vshll.u32 v49, $0x10;
	v13 =	vadd.f32 v17, v13;
	v17 =	vmul.f32 v49, v24  }
0xb6: {  	v35 =	vld.idx.msk [tilespmem:v50+s22+$0x0], $0xffff;
	v14 =	vadd.f32 v26, v14;
	v26 =	vmul.f32 v28, v24;
	v22 =	vshll.u32 v22, $0x7  }
0xb7: {  	v53 =	vand.u32 $0xFFFFFFFE, v52;
	v46 =	vld.idx.msk [tilespmem:v43+s19+$0x0], $0xffff;
	v11 =	vadd.f32 v29, v11;
	v29 =	vor.u32 v0, v22  }
0xb8: {  	v28 =	vld.idx.msk [tilespmem:v31+s22+$0x0], $0xffff;
	v17 =	vadd.f32 v17, v18;
	v16 =	vadd.f32 v26, v16;
	v31 =	vor.u32 v1, v22  }
0xb9: {  	v26 =	vshll.u32 v30, $0x10;
	v30 =	vmul.f32 v30, v24;
	v57 =	vor.u32 v3, v22  }
0xba: {  	v18 =	vmul.f32 v26, v24;
	v26 =	vld.idx.msk [tilespmem:v32+s22+$0x0], $0xffff;
	v32 =	vbroadcast v53, $0x0;
	v58 =	vor.u32 v4, v22  }
0xbb: {  	v51 =	vshll.u32 v35, $0x10;
	v20 =	vadd.f32 v30, v20;
	v30 =	vld.idx.msk [tilespmem:v48+s20+$0x0], $0xffff  }
0xbc: {  	v18 =	vadd.f32 v18, v21;
	v21 =	vmul.f32 v51, v24;
	v29 =	vld.idx.msk [tilespmem:v29+s22+$0x0], $0xffff  }
0xbd: {  	v47 =	vshll.u32 v46, $0x7;
	v54 =	vor.u32 v2, v22;
	v62 =	vor.u32 v6, v22;
	v31 =	vld.idx.msk [tilespmem:v31+s22+$0x0], $0xffff  }
0xbe: {  	v55 =	vshll.u32 v28, $0x10;
	v28 =	vmul.f32 v28, v24;
	v19 =	vadd.f32 v21, v19;
	v60 =	vld.idx.msk [tilespmem:v57+s22+$0x0], $0xffff  }
0xbf: {  	v21 =	vmul.f32 v35, v24;
	v34 =	vmul.f32 v55, v24;
	v56 =	vshll.u32 v26, $0x10;
	v61 =	vld.idx.msk [tilespmem:v58+s22+$0x0], $0xffff  }
0xc0: {  	v15 =	vadd.f32 v28, v15;
	v35 =	vmul.f32 v56, v24;
	v24 =	vmul.f32 v26, v24;
	v28 =	vld.idx.msk [tilespmem:v32+s19+$0x0], $0xffff  }
0xc1: {  	v21 =	vadd.f32 v21, v23;
	v23 =	vadd.f32 v34, v27;
	v27 =	vor.u32 v5, v22  }
0xc2: {  	v26 =	vld.idx.msk [tilespmem:v54+s22+$0x0], $0xffff;
	v22 =	vor.u32 v7, v22;
	v25 =	vadd.f32 v35, v25;
	v8 =	vadd.f32 v24, v8  }
0xc3: {  	v36 =	vld.idx.msk [tilespmem:v62+s22+$0x0], $0xffff;
	v24 =	vshll.u32 v29, $0x10;
	v29 =	vmul.f32 v29, v30;
	v59 =	vshll.u32 v31, $0x10  }
0xc4: {  	v31 =	vmul.f32 v31, v30;
	v63 =	vmul.f32 v60, v30;
	v40 =	vshll.u32 v61, $0x10  }
0xc5: {  	v24 =	vmul.f32 v24, v30;
	v28 =	vshll.u32 v28, $0x7;
	v10 =	vadd.f32 v29, v10  }
0xc6: {  	v11 =	vadd.f32 v31, v11;
	v29 =	vshll.u32 v60, $0x10;
	v31 =	vor.u32 v0, v28  }
0xc7: {  	v27 =	vld.idx.msk [tilespmem:v27+s22+$0x0], $0xffff;
	v9 =	vadd.f32 v24, v9;
	v24 =	vshll.u32 v26, $0x10;
	v29 =	vmul.f32 v29, v30  }
0xc8: {  	v42 =	vshll.u32 v36, $0x10;
	v33 =	vmul.f32 v59, v30;
	v24 =	vmul.f32 v24, v30  }
0xc9: {  	v26 =	vmul.f32 v26, v30;
	v16 =	vadd.f32 v29, v16;
	v29 =	vmul.f32 v61, v30  }
0xca: {  	v22 =	vld.idx.msk [tilespmem:v22+s22+$0x0], $0xffff;
	v41 =	vor.u32 v2, v28;
	v14 =	vadd.f32 v24, v14;
	v24 =	vmul.f32 v40, v30  }
0xcb: {  	v13 =	vadd.f32 v26, v13;
	v26 =	vor.u32 v1, v28;
	v31 =	vld.idx.msk [tilespmem:v31+s22+$0x0], $0xffff;
	v20 =	vadd.f32 v29, v20  }
0xcc: {  	v32 =	vld.idx.msk [tilespmem:v32+s20+$0x0], $0xffff;
	v29 =	vmul.f32 v42, v30;
	v18 =	vadd.f32 v24, v18;
	v24 =	vshll.u32 v27, $0x10  }
0xcd: {  	v44 =	vor.u32 v3, v28;
	v27 =	vmul.f32 v27, v30;
	v24 =	vmul.f32 v24, v30  }
0xce: {  	v45 =	vor.u32 v4, v28;
	v12 =	vadd.f32 v33, v12;
	v23 =	vadd.f32 v29, v23  }
0xcf: {  	v21 =	vadd.f32 v27, v21;
	v27 =	vshll.u32 v22, $0x10;
	v19 =	vadd.f32 v24, v19  }
0xd0: {  	v26 =	vld.idx.msk [tilespmem:v26+s22+$0x0], $0xffff;
	v24 =	vmul.f32 v36, v30;
	v27 =	vmul.f32 v27, v30;
	v29 =	vshll.u32 v31, $0x10  }
0xd1: {  	v33 =	vld.idx.msk [tilespmem:v41+s22+$0x0], $0xffff;
	v22 =	vmul.f32 v22, v30;
	v30 =	vor.u32 v5, v28;
	v29 =	vmul.f32 v29, v32  }
0xd2: {  	v15 =	vadd.f32 v24, v15;
	v24 =	vadd.f32 v27, v25;
	v25 =	vmul.f32 v31, v32  }
0xd3: {  	v37 =	vor.u32 v0, v47;
	v8 =	vadd.f32 v22, v8;
	v27 =	vld.idx.msk [tilespmem:v44+s22+$0x0], $0xffff  }
0xd4: {  	v50 =	vor.u32 v2, v47;
	v9 =	vadd.f32 v29, v9;
	v10 =	vadd.f32 v25, v10  }
0xd5: {  	v31 =	vld.idx.msk [tilespmem:v45+s22+$0x0], $0xffff;
	v22 =	vshll.u32 v26, $0x10;
	v25 =	vor.u32 v6, v28;
	v26 =	vmul.f32 v26, v32  }
0xd6: {  	v29 =	vshll.u32 v33, $0x10;
	v28 =	vor.u32 v7, v28;
	v22 =	vmul.f32 v22, v32;
	v30 =	vld.idx.msk [tilespmem:v30+s22+$0x0], $0xffff  }
0xd7: {  	v53 =	vor.u32 v5, v47;
	v17 =	vadd.f32 v63, v17;
	v29 =	vmul.f32 v29, v32  }
0xd8: {  	v11 =	vadd.f32 v26, v11;
	v48 =	vshll.u32 v27, $0x10;
	v12 =	vadd.f32 v22, v12  }
0xd9: {  	v26 =	vadd.f32 v29, v14;
	v29 =	vor.u32 v1, v47;
	v22 =	vmul.f32 v48, v32  }
0xda: {  	v33 =	vmul.f32 v33, v32;
	v14 =	vld.idx.msk [tilespmem:v25+s22+$0x0], $0xffff;
	v25 =	vshll.u32 v31, $0x10;
	v31 =	vmul.f32 v31, v32  }
0xdb: {  	v28 =	vld.idx.msk [tilespmem:v28+s22+$0x0], $0xffff;
	v22 =	vadd.f32 v22, v16;
	v16 =	vmul.f32 v27, v32;
	v27 =	vshll.u32 v30, $0x10  }
0xdc: {  	v49 =	vld.idx.msk [tilespmem:v37+s22+$0x0], $0xffff;
	v13 =	vadd.f32 v33, v13;
	v25 =	vmul.f32 v25, v32;
	v27 =	vmul.f32 v27, v32  }
0xdd: {  	v31 =	vadd.f32 v31, v20;
	v51 =	vadd.f32 v16, v17;
	v16 =	vmul.f32 v30, v32;
	v30 =	vld.idx.msk [tilespmem:v43+s20+$0x0], $0xffff  }
0xde: {  	v20 =	vor.u32 v4, v47;
	v25 =	vadd.f32 v25, v18;
	v27 =	vadd.f32 v27, v19;
	v19 =	vld.idx.msk [tilespmem:v29+s22+$0x0], $0xffff  }
0xdf: {  	v29 =	vld.idx.msk [tilespmem:v50+s22+$0x0], $0xffff;
	v17 =	vshll.u32 v14, $0x10;
	v52 =	vadd.f32 v16, v21;
	v14 =	vmul.f32 v14, v32  }
0xe0: {  	v56 =	vld.idx.msk [tilespmem:v53+s22+$0x0], $0xffff;
	v18 =	vshll.u32 v28, $0x10;
	v16 =	vmul.f32 v17, v32;
	v17 =	vor.u32 v3, v47  }
0xe1: {  	v21 =	vshll.u32 v49, $0x10;
	v18 =	vmul.f32 v18, v32;
	v54 =	vadd.f32 v14, v15  }
0xe2: {  	v38 =	vadd.f32 v16, v23;
	v16 =	vmul.f32 v28, v32;
	v21 =	vmul.f32 v21, v30  }
0xe3: {  	v24 =	vadd.f32 v18, v24;
	v15 =	vmul.f32 v49, v30;
	v23 =	vor.u32 v7, v47  }
0xe4: {  	v20 =	vld.idx.msk [tilespmem:v20+s22+$0x0], $0xffff;
	v18 =	vshll.u32 v29, $0x10;
	v14 =	vadd.f32 v21, v9;
	v21 =	vor.u32 v6, v47  }
0xe5: {  	v61 =	vmul.f32 v56, v30;
	v8 =	vadd.f32 v16, v8;
	v57 =	vmul.f32 v18, v30;
	v55 =	vld.idx.msk [tilespmem:v17+s22+$0x0], $0xffff  }
0xe6: {  	v16 =	vshll.u32 v19, $0x10;
	v17 =	vmul.f32 v19, v30;
	v19 =	vmul.f32 v29, v30  }
0xe7: {  	v15 =	vadd.f32 v15, v10;
	v16 =	vmul.f32 v16, v30;
	v29 =	vadd.f32 v61, v52  }
0xe8: {  	v18 =	vadd.f32 v57, v26;
	v19 =	vadd.f32 v19, v13;
	v13 =	vld.idx.msk [tilespmem:v23+s22+$0x0], $0xffff  }
0xe9: {  	v26 =	vshll.u32 v56, $0x10;
	v16 =	vadd.f32 v16, v12;
	v12 =	vshll.u32 v20, $0x10;
	v59 =	vld.idx.msk [tilespmem:v21+s22+$0x0], $0xffff  }
0xea: {  	v23 =	vmul.f32 v20, v30;
	v60 =	vmul.f32 v26, v30;
	v58 =	vshll.u32 v55, $0x10  }
0xeb: {  	v17 =	vadd.f32 v17, v11;
	v12 =	vmul.f32 v12, v30;
	v10 =	vmul.f32 v58, v30  }
0xec: {  	p2 =	por p1, p1;
	v23 =	vadd.f32 v23, v31;
	v28 =	vadd.f32 v60, v27;
	v9 =	vmul.f32 v55, v30  }
.Ltmp2:
0xed: {  	v20 =	vadd.f32 v10, v22;
	v22 =	vadd.f32 v12, v25;
	v12 =	vshll.u32 v13, $0x10;
	(pc) =	sbr.rel @p2 .LBB2_4-.Ltmp2, $4  }
0xee: {  	v62 =	vshll.u32 v59, $0x10;
	v11 =	vmul.f32 v59, v30;
	v63 =	vmul.f32 v12, v30  }
0xef: {  	v21 =	vadd.f32 v9, v51;
	v12 =	vmul.f32 v13, v30;
	v10 =	vmul.f32 v62, v30  }
0xf0: {  	v26 =	vadd.f32 v11, v54;
	v25 =	vadd.f32 v63, v24  }
0xf1: {  	p1 =	por $0x0, $0x0;
	s10 =	simm.s32 $0x8;
	v24 =	vadd.f32 v12, v8;
	v27 =	vadd.f32 v10, v38  }
0xf2: {  	v8 =	vmul.u32 $0x31, v0;
	_ =	sdelay $0x1  }
0xf3: {  	v30 =	vadd.s32 s14, v8;
	v9 =	vadd.s32 $0x310, v8  }
0xf4: {  	v10 =	vadd.s32 $0x620, v8;
	v31 =	vadd.s32 s14, v9  }
0xf5: {  	v11 =	vadd.s32 $0x930, v8;
	v32 =	vadd.s32 s14, v10  }
0xf6: {  	v12 =	vadd.s32 $0xC40, v8;
	v33 =	vadd.s32 s14, v11  }
0xf7: {  	v13 =	vadd.s32 $0xF50, v8;
	v34 =	vadd.s32 s14, v12  }
0xf8: {  	v53 =	vadd.s32 s14, v13;
	[tilespmem:v30+s9+$0x0] =	vst.idx.msk $0xffff, v14;
	v14 =	vadd.s32 $0x1260, v8  }
0xf9: {  	[tilespmem:v31+s9+$0x0] =	vst.idx.msk $0xffff, v15;
	v54 =	vadd.s32 s14, v14;
	v15 =	vadd.s32 $0x1570, v8  }
0xfa: {  	[tilespmem:v32+s9+$0x0] =	vst.idx.msk $0xffff, v16;
	v55 =	vadd.s32 s14, v15;
	v16 =	vadd.s32 $0x1880, v8  }
0xfb: {  	[tilespmem:v33+s9+$0x0] =	vst.idx.msk $0xffff, v17;
	v56 =	vadd.s32 s14, v16;
	v17 =	vadd.s32 $0x1B90, v8  }
0xfc: {  	[tilespmem:v34+s9+$0x0] =	vst.idx.msk $0xffff, v18;
	v57 =	vadd.s32 s14, v17  }
0xfd: {  	v18 =	vadd.s32 $0x1EA0, v8;
	[tilespmem:v53+s9+$0x0] =	vst.idx.msk $0xffff, v19  }
0xfe: {  	v58 =	vadd.s32 s14, v18;
	v19 =	vadd.s32 $0x21B0, v8;
	[tilespmem:v54+s9+$0x0] =	vst.idx.msk $0xffff, v20  }
0xff: {  	v59 =	vadd.s32 s14, v19;
	v20 =	vadd.s32 $0x24C0, v8;
	[tilespmem:v55+s9+$0x0] =	vst.idx.msk $0xffff, v21  }
0x100: {  	v60 =	vadd.s32 s14, v20;
	v21 =	vadd.s32 $0x27D0, v8;
	[tilespmem:v56+s9+$0x0] =	vst.idx.msk $0xffff, v22  }
0x101: {  	v61 =	vadd.s32 s14, v21;
	v22 =	vadd.s32 $0x2AE0, v8;
	[tilespmem:v57+s9+$0x0] =	vst.idx.msk $0xffff, v23;
	v23 =	vadd.s32 $0x2DF0, v8  }
0x102: {  	v62 =	vadd.s32 s14, v22;
	v63 =	vadd.s32 s14, v23;
	s14 =	sadd.s32 $0x1, s14  }
0x103: {  	[tilespmem:v58+s9+$0x0] =	vst.idx.msk $0xffff, v28;
	p1 =	sne.s32 s14, $0x31  }
.Ltmp3:
0x104: {  	[tilespmem:v59+s9+$0x0] =	vst.idx.msk $0xffff, v29;
	(pc) =	sbr.rel @p1 .LBB2_3-.Ltmp3, $4  }
0x105: {  	[tilespmem:v60+s9+$0x0] =	vst.idx.msk $0xffff, v27  }
0x106: {  	[tilespmem:v61+s9+$0x0] =	vst.idx.msk $0xffff, v26  }
0x107: {  	[tilespmem:v62+s9+$0x0] =	vst.idx.msk $0xffff, v25  }
0x108: {  	[tilespmem:v63+s9+$0x0] =	vst.idx.msk $0xffff, v24  }
0x109: {  	p2 =	sgt.u32 s13, $0x3E7  }
0x10a: {  	s10 =	sshrl.u32 @!p2 s13, $0x3  }
0x10b: {  	s13 =	sshll.u32 @!p2 s11, $0x8;
	s10 =	smul.u32 @!p2 $0x18800, s10  }
0x10c: {  	p1 =	seq.s32 s11, $0xF;
	s13 =	sand.u32 @!p2 $0x300, s13  }
0x10d: {  	s14 =	sadd.s32 @!p1 s12, s15;
	s10 =	sor.u32 @!p2 s13, s10  }
0x10e: {  	s17 =	simm.s32 @!p2 $0x400;
	s18 =	simm.s32 @!p2 $0xA000;
	s10 =	sshrl.u32 @!p2 s10, $0x3  }
0x10f: {  	s2 =	smul.u32 @!p1 $0x12, s14;
	s13 =	simm.s32 @!p2 $0x80;
	s10 =	sadd.s32 @!p2 s1, s10  }
0x110: {  	[hbm4b:s10+s13] =	stream.strided.scatter @!p2 [tilespmem:s18], [sflag:$0x5], $0x3100, s17, s13, $0x38;
	[tilespmem:$0xD100] =	vst v63  }
0x111: {  	s2 =	sadd.s32 @!p1 s5, s2;
	s10 =	simm.s32 @!p1 $0x0;
	s17 =	smul.u32 @!p1 $0x62, s14  }
0x112: {  	[tilespmem:s10], [sflag:$0x1] =	stream.linear.gather @!p1 [hbm4b:s2+s10], $0x90, $0x38;
	[tilespmem:$0xD100] =	vst v63  }
0x113: {  	s13 =	sor.u32 $0x1, s12;
	s14 =	simm.s32 @!p1 $0x200;
	s2 =	sadd.s32 @!p1 s6, s17  }
0x114: {  	[tilespmem:s14], [sflag:$0x2] =	stream.linear.gather @!p1 [hbm4b:s2+s10], $0x310, $0x38;
	[tilespmem:$0xD100] =	vst v63  }
0x115: {  	s14 =	sor.u32 s7, s13  }
0x116: {  	s2 =	sadd.s32 @!p1 s8, s17;
	s17 =	simm.s32 @!p1 $0x900;
	p2 =	sgt.u32 s14, $0x3E8  }
0x117: {  	[tilespmem:s17], [sflag:$0x3] =	stream.linear.gather @!p1 [hbm4b:s2+s10], $0x310, $0x38;
	[tilespmem:$0xD100] =	vst v63  }
0x118: {  	s2 =	simm.s32 @!p2 $0x5  }
0x119: {  	_ =	swait.ge @!p2 [sflag:s2], $0x3100  }
0x11a: {  	[sflag:s2] =	ssyncset.done @!p2 $0x0  }
0x11b: {  	[sflag:s2] =	ssyncadd.s32 @!p2 $0xFFFFCF00  }
0x11c: {  	_ =	swait.ge [sflag:s28], $0x2400  }
0x11d: {  	[sflag:s28] =	ssyncset.done $0x0  }
0x11e: {  	[sflag:s28] =	ssyncadd.s32 $0xFFFFDC00  }
0x11f: {  	_ =	swait.ge [sflag:s28], $0x2400  }
0x120: {  	[sflag:s28] =	ssyncset.done $0x0  }
0x121: {  	s2 =	simm.s32 @!p1 $0x1;
	[sflag:s28] =	ssyncadd.s32 $0xFFFFDC00  }
0x122: {  	_ =	swait.ge @!p1 [sflag:s2], $0x90  }
0x123: {  	[sflag:s2] =	ssyncset.done @!p1 $0x0  }
0x124: {  	[sflag:s2] =	ssyncadd.s32 @!p1 $0xFFFFFF70;
	s2 =	simm.s32 @!p1 $0x2  }
0x125: {  	_ =	swait.ge @!p1 [sflag:s2], $0x310  }
0x126: {  	[sflag:s2] =	ssyncset.done @!p1 $0x0  }
0x127: {  	[sflag:s2] =	ssyncadd.s32 @!p1 $0xFFFFFCF0;
	s2 =	simm.s32 @!p1 $0x3  }
0x128: {  	_ =	swait.ge @!p1 [sflag:s2], $0x310  }
0x129: {  	[sflag:s2] =	ssyncset.done @!p1 $0x0  }
0x12a: {  	s17 =	simm.s32 @!p1 $0x1000;
	[sflag:s2] =	ssyncadd.s32 @!p1 $0xFFFFFCF0;
	s2 =	simm.s32 @!p1 $0x48  }
0x12b: {  	[tilespmem:s17], [sflag:$0x4] =	stream.indirect.gather @!p1 [hbm4b:s4+s2], $0x80, s10, s2, $0xb8;
	[tilespmem:$0xD100] =	vst v63  }
0x12c: {  	s10 =	simm.s32 @!p1 $0x3400;
	s17 =	simm.s32 $0x0  }
0x12d: {  	[tilespmem:s10], [sflag:$0x4] =	stream.indirect.gather @!p1 [hbm4b:s4+s2], $0x80, s2, s2, $0xb8;
	[tilespmem:$0xD100] =	vst v63  }
.LBB2_7:
0x12e: {  	v24 =	vimm.f32 $0.0e+00  }
0x12f: {  	v25 =	vimm.f32 $0.0e+00;
	v26 =	vimm.f32 $0.0e+00;
	v27 =	vimm.f32 $0.0e+00  }
0x130: {  	v29 =	vimm.f32 $0.0e+00;
	v28 =	vimm.f32 $0.0e+00;
	v30 =	vimm.f32 $0.0e+00  }
0x131: {  	v31 =	vimm.f32 $0.0e+00;
	v32 =	vimm.f32 $0.0e+00;
	v34 =	vimm.f32 $0.0e+00  }
0x132: {  	v33 =	vimm.f32 $0.0e+00;
	v35 =	vimm.f32 $0.0e+00;
	v36 =	vimm.f32 $0.0e+00  }
0x133: {  	s18 =	sshll.u32 s17, $0x4;
	p2 =	por $0x1, $0x1;
	v38 =	vimm.f32 $0.0e+00;
	v39 =	vimm.f32 $0.0e+00;
	v37 =	vimm.f32 $0.0e+00;
	s10 =	simm.s32 $0x0  }
.LBB2_8:
0x134: {  	s10 =	sor.u32 s18, s10  }
0x135: {  	v40 =	vmov s10  }
0x136: {  	v40 =	vand.u32 $0xFFFFFFF8, v40  }
0x137: {  	v40 =	vbroadcast v40, $0x0;
	_ =	sdelay $0x5  }
0x138: {  	v41 =	vld.idx.msk [tilespmem:v40+s25+$0x0], $0xffff;
	_ =	sdelay $0x4  }
0x139: {  	v41 =	vshll.u32 v41, $0x7  }
0x13a: {  	v42 =	vor.u32 v0, v41  }
0x13b: {  	v43 =	vor.u32 v1, v41  }
0x13c: {  	v45 =	vor.u32 v2, v41  }
0x13d: {  	s2 =	sor.u32 $0x1, s10;
	v46 =	vor.u32 v3, v41  }
0x13e: {  	v44 =	vmov s2;
	v40 =	vld.idx.msk [tilespmem:v40+s26+$0x0], $0xffff;
	v47 =	vor.u32 v4, v41  }
0x13f: {  	v44 =	vand.u32 $0xFFFFFFF9, v44;
	v42 =	vld.idx.msk [tilespmem:v42+s0+$0x0], $0xffff  }
0x140: {  	v44 =	vbroadcast v44, $0x0;
	v43 =	vld.idx.msk [tilespmem:v43+s0+$0x0], $0xffff  }
0x141: {  	v45 =	vld.idx.msk [tilespmem:v45+s0+$0x0], $0xffff  }
0x142: {  	v51 =	vor.u32 v5, v41;
	v59 =	vor.u32 v6, v41;
	v41 =	vor.u32 v7, v41;
	v46 =	vld.idx.msk [tilespmem:v46+s0+$0x0], $0xffff  }
0x143: {  	v47 =	vld.idx.msk [tilespmem:v47+s0+$0x0], $0xffff;
	_ =	sdelay $0x2  }
0x144: {  	v49 =	vld.idx.msk [tilespmem:v44+s25+$0x0], $0xffff;
	v48 =	vshll.u32 v42, $0x10;
	v42 =	vmul.f32 v42, v40;
	v50 =	vshll.u32 v43, $0x10  }
0x145: {  	v41 =	vld.idx.msk [tilespmem:v41+s0+$0x0], $0xffff;
	v43 =	vmul.f32 v43, v40;
	v60 =	vshll.u32 v45, $0x10;
	v45 =	vmul.f32 v45, v40  }
0x146: {  	v61 =	vshll.u32 v46, $0x10;
	v55 =	vmul.f32 v46, v40;
	v57 =	vmul.f32 v47, v40  }
0x147: {  	v54 =	vshll.u32 v47, $0x10;
	v48 =	vmul.f32 v48, v40;
	v50 =	vmul.f32 v50, v40  }
0x148: {  	s2 =	sor.u32 $0x2, s10;
	v53 =	vmul.f32 v61, v40;
	v56 =	vmul.f32 v54, v40  }
0x149: {  	v62 =	vld.idx.msk [tilespmem:v51+s0+$0x0], $0xffff;
	v61 =	vmov s2;
	v37 =	vadd.f32 v48, v37;
	v48 =	vshll.u32 v49, $0x7  }
0x14a: {  	v54 =	vshll.u32 v41, $0x10;
	v39 =	vadd.f32 v42, v39;
	v63 =	vor.u32 v0, v48  }
0x14b: {  	v36 =	vadd.f32 v43, v36;
	v43 =	vmul.f32 v60, v40;
	v58 =	vor.u32 v1, v48  }
0x14c: {  	v33 =	vadd.f32 v45, v33;
	v42 =	vld.idx.msk [tilespmem:v59+s0+$0x0], $0xffff;
	v32 =	vadd.f32 v55, v32;
	v59 =	vor.u32 v2, v48  }
0x14d: {  	v38 =	vadd.f32 v50, v38;
	v49 =	vand.u32 $0xFFFFFFFA, v61;
	v52 =	vor.u32 v3, v48  }
0x14e: {  	v44 =	vld.idx.msk [tilespmem:v44+s26+$0x0], $0xffff;
	v50 =	vmul.f32 v62, v40;
	v49 =	vbroadcast v49, $0x0;
	v55 =	vor.u32 v4, v48  }
0x14f: {  	v30 =	vadd.f32 v57, v30;
	v60 =	vshll.u32 v62, $0x10;
	v34 =	vadd.f32 v53, v34;
	v46 =	vld.idx.msk [tilespmem:v63+s0+$0x0], $0xffff  }
0x150: {  	v35 =	vadd.f32 v43, v35;
	v43 =	vmul.f32 v60, v40;
	v29 =	vadd.f32 v50, v29;
	v47 =	vld.idx.msk [tilespmem:v58+s0+$0x0], $0xffff  }
0x151: {  	v50 =	vmul.f32 v54, v40;
	v62 =	vshll.u32 v42, $0x10;
	v42 =	vmul.f32 v42, v40;
	v45 =	vld.idx.msk [tilespmem:v59+s0+$0x0], $0xffff  }
0x152: {  	v31 =	vadd.f32 v56, v31;
	v28 =	vadd.f32 v43, v28;
	v63 =	vmul.f32 v62, v40;
	v57 =	vld.idx.msk [tilespmem:v52+s0+$0x0], $0xffff  }
0x153: {  	v25 =	vadd.f32 v50, v25;
	v40 =	vmul.f32 v41, v40;
	v26 =	vadd.f32 v42, v26;
	v51 =	vld.idx.msk [tilespmem:v55+s0+$0x0], $0xffff  }
0x154: {  	v59 =	vor.u32 v5, v48;
	v62 =	vor.u32 v6, v48;
	v60 =	vld.idx.msk [tilespmem:v49+s25+$0x0], $0xffff;
	v27 =	vadd.f32 v63, v27  }
0x155: {  	v24 =	vadd.f32 v40, v24;
	v63 =	vor.u32 v7, v48;
	v56 =	vshll.u32 v46, $0x10  }
0x156: {  	v58 =	vshll.u32 v47, $0x10;
	v46 =	vmul.f32 v46, v44;
	v61 =	vshll.u32 v45, $0x10  }
0x157: {  	v47 =	vmul.f32 v47, v44;
	v45 =	vmul.f32 v45, v44;
	v53 =	vshll.u32 v57, $0x10  }
0x158: {  	v54 =	vshll.u32 v51, $0x10;
	v40 =	vmul.f32 v57, v44;
	v57 =	vmul.f32 v51, v44  }
0x159: {  	v41 =	vmul.f32 v56, v44;
	v50 =	vmul.f32 v61, v44;
	v43 =	vshll.u32 v60, $0x7  }
0x15a: {  	v56 =	vmul.f32 v54, v44;
	v39 =	vadd.f32 v46, v39;
	v36 =	vadd.f32 v47, v36  }
0x15b: {  	v42 =	vld.idx.msk [tilespmem:v59+s0+$0x0], $0xffff;
	v46 =	vmul.f32 v53, v44;
	v55 =	vor.u32 v0, v43;
	v33 =	vadd.f32 v45, v33  }
0x15c: {  	s2 =	sor.u32 $0x3, s10;
	v32 =	vadd.f32 v40, v32;
	v30 =	vadd.f32 v57, v30;
	v61 =	vor.u32 v2, v43  }
0x15d: {  	v47 =	vld.idx.msk [tilespmem:v62+s0+$0x0], $0xffff;
	v62 =	vmov s2;
	v53 =	vor.u32 v4, v43;
	v37 =	vadd.f32 v41, v37  }
0x15e: {  	v59 =	vld.idx.msk [tilespmem:v63+s0+$0x0], $0xffff;
	v41 =	vmul.f32 v58, v44;
	v35 =	vadd.f32 v50, v35;
	v58 =	vor.u32 v1, v43  }
0x15f: {  	v31 =	vadd.f32 v56, v31;
	v56 =	vor.u32 v3, v43;
	v48 =	vand.u32 $0xFFFFFFFB, v62  }
0x160: {  	v49 =	vld.idx.msk [tilespmem:v49+s26+$0x0], $0xffff;
	v34 =	vadd.f32 v46, v34;
	v60 =	vshll.u32 v42, $0x10;
	v42 =	vmul.f32 v42, v44  }
0x161: {  	v48 =	vbroadcast v48, $0x0;
	v38 =	vadd.f32 v41, v38;
	v41 =	vmul.f32 v60, v44;
	v46 =	vld.idx.msk [tilespmem:v55+s0+$0x0], $0xffff  }
0x162: {  	v60 =	vor.u32 v5, v43;
	v63 =	vshll.u32 v47, $0x10;
	v29 =	vadd.f32 v42, v29;
	v45 =	vld.idx.msk [tilespmem:v61+s0+$0x0], $0xffff  }
0x163: {  	v57 =	vshll.u32 v59, $0x10;
	v40 =	vmul.f32 v59, v44;
	v54 =	vld.idx.msk [tilespmem:v53+s0+$0x0], $0xffff;
	v51 =	vmul.f32 v63, v44  }
0x164: {  	v50 =	vld.idx.msk [tilespmem:v58+s0+$0x0], $0xffff;
	v28 =	vadd.f32 v41, v28;
	v58 =	vmul.f32 v47, v44;
	v41 =	vmul.f32 v57, v44  }
0x165: {  	v63 =	vld.idx.msk [tilespmem:v56+s0+$0x0], $0xffff;
	v24 =	vadd.f32 v40, v24;
	v27 =	vadd.f32 v51, v27  }
0x166: {  	v26 =	vadd.f32 v58, v26;
	v25 =	vadd.f32 v41, v25;
	v58 =	vor.u32 v6, v43  }
0x167: {  	v55 =	vld.idx.msk [tilespmem:v48+s25+$0x0], $0xffff;
	v43 =	vor.u32 v7, v43;
	v59 =	vshll.u32 v46, $0x10;
	v62 =	vmul.f32 v46, v49  }
0x168: {  	v47 =	vld.idx.msk [tilespmem:v60+s0+$0x0], $0xffff;
	v57 =	vshll.u32 v45, $0x10;
	v45 =	vmul.f32 v45, v49;
	v60 =	vshll.u32 v54, $0x10  }
0x169: {  	v41 =	vmul.f32 v54, v49;
	v61 =	vmul.f32 v59, v49;
	v52 =	vshll.u32 v50, $0x10  }
0x16a: {  	v56 =	vmul.f32 v50, v49;
	v50 =	vmul.f32 v57, v49;
	v59 =	vshll.u32 v63, $0x10  }
0x16b: {  	v44 =	vmul.f32 v60, v49;
	v39 =	vadd.f32 v62, v39;
	v33 =	vadd.f32 v45, v33  }
0x16c: {  	v40 =	vmul.f32 v52, v49;
	v30 =	vadd.f32 v41, v30;
	v37 =	vadd.f32 v61, v37  }
0x16d: {  	v36 =	vadd.f32 v56, v36;
	v35 =	vadd.f32 v50, v35;
	v42 =	vshll.u32 v55, $0x7  }
0x16e: {  	s2 =	sor.u32 $0x4, s10;
	v61 =	vmul.f32 v63, v49;
	v46 =	vld.idx.msk [tilespmem:v58+s0+$0x0], $0xffff;
	v31 =	vadd.f32 v44, v31;
	v62 =	vor.u32 v0, v42  }
0x16f: {  	v43 =	vld.idx.msk [tilespmem:v43+s0+$0x0], $0xffff;
	v58 =	vmov s2;
	v38 =	vadd.f32 v40, v38;
	v56 =	vor.u32 v1, v42  }
0x170: {  	v40 =	vmul.f32 v59, v49;
	v63 =	vshll.u32 v47, $0x10;
	v59 =	vor.u32 v2, v42  }
0x171: {  	v41 =	vand.u32 $0xFFFFFFFC, v58;
	v47 =	vmul.f32 v47, v49;
	v57 =	vmul.f32 v63, v49  }
0x172: {  	v32 =	vadd.f32 v61, v32;
	v41 =	vbroadcast v41, $0x0;
	v34 =	vadd.f32 v40, v34;
	v40 =	vld.idx.msk [tilespmem:v48+s26+$0x0], $0xffff  }
0x173: {  	v29 =	vadd.f32 v47, v29;
	v28 =	vadd.f32 v57, v28;
	v60 =	vshll.u32 v46, $0x10;
	v61 =	vld.idx.msk [tilespmem:v62+s0+$0x0], $0xffff  }
0x174: {  	v63 =	vshll.u32 v43, $0x10;
	v46 =	vmul.f32 v46, v49;
	v62 =	vor.u32 v3, v42;
	v52 =	vld.idx.msk [tilespmem:v56+s0+$0x0], $0xffff  }
0x175: {  	v43 =	vmul.f32 v43, v49;
	v45 =	vmul.f32 v60, v49;
	v56 =	vor.u32 v4, v42;
	v44 =	vld.idx.msk [tilespmem:v59+s0+$0x0], $0xffff  }
0x176: {  	v51 =	vmul.f32 v63, v49;
	v63 =	vor.u32 v6, v42;
	v26 =	vadd.f32 v46, v26  }
0x177: {  	v24 =	vadd.f32 v43, v24;
	v46 =	vor.u32 v5, v42;
	v42 =	vor.u32 v7, v42  }
0x178: {  	v27 =	vadd.f32 v45, v27;
	v25 =	vadd.f32 v51, v25;
	v60 =	vld.idx.msk [tilespmem:v41+s25+$0x0], $0xffff;
	v57 =	vshll.u32 v61, $0x10  }
0x179: {  	v45 =	vld.idx.msk [tilespmem:v62+s0+$0x0], $0xffff;
	v58 =	vmul.f32 v61, v40;
	v59 =	vshll.u32 v52, $0x10;
	v61 =	vmul.f32 v52, v40  }
0x17a: {  	v62 =	vld.idx.msk [tilespmem:v56+s0+$0x0], $0xffff;
	v56 =	vshll.u32 v44, $0x10;
	v44 =	vmul.f32 v44, v40;
	v43 =	vmul.f32 v57, v40  }
0x17b: {  	v48 =	vmul.f32 v59, v40;
	v39 =	vadd.f32 v58, v39;
	v36 =	vadd.f32 v61, v36  }
0x17c: {  	v46 =	vld.idx.msk [tilespmem:v46+s0+$0x0], $0xffff;
	v33 =	vadd.f32 v44, v33;
	v37 =	vadd.f32 v43, v37  }
0x17d: {  	v50 =	vld.idx.msk [tilespmem:v63+s0+$0x0], $0xffff;
	v38 =	vadd.f32 v48, v38;
	v43 =	vmul.f32 v56, v40;
	v48 =	vshll.u32 v60, $0x7  }
0x17e: {  	v59 =	vor.u32 v0, v48;
	v63 =	vor.u32 v1, v48;
	v56 =	vor.u32 v2, v48  }
0x17f: {  	v42 =	vld.idx.msk [tilespmem:v42+s0+$0x0], $0xffff;
	v57 =	vshll.u32 v45, $0x10;
	v45 =	vmul.f32 v45, v40;
	v58 =	vshll.u32 v62, $0x10  }
0x180: {  	v35 =	vadd.f32 v43, v35;
	v61 =	vmul.f32 v62, v40;
	v47 =	vmul.f32 v57, v40  }
0x181: {  	v60 =	vmul.f32 v58, v40;
	v62 =	vshll.u32 v46, $0x10;
	v46 =	vmul.f32 v46, v40  }
0x182: {  	s2 =	sor.u32 $0x5, s10;
	v57 =	vshll.u32 v50, $0x10;
	v32 =	vadd.f32 v45, v32;
	v30 =	vadd.f32 v61, v30  }
0x183: {  	v43 =	vmul.f32 v62, v40;
	v61 =	vmul.f32 v50, v40;
	v58 =	vld.idx.msk [tilespmem:v59+s0+$0x0], $0xffff;
	v59 =	vmov s2  }
0x184: {  	v41 =	vld.idx.msk [tilespmem:v41+s26+$0x0], $0xffff;
	v62 =	vshll.u32 v42, $0x10;
	v34 =	vadd.f32 v47, v34;
	v51 =	vand.u32 $0xFFFFFFFD, v59  }
0x185: {  	v31 =	vadd.f32 v60, v31;
	v60 =	vor.u32 v3, v48;
	v45 =	vld.idx.msk [tilespmem:v63+s0+$0x0], $0xffff;
	v50 =	vbroadcast v51, $0x0  }
0x186: {  	v47 =	vmul.f32 v57, v40;
	v29 =	vadd.f32 v46, v29;
	v57 =	vor.u32 v5, v48;
	v44 =	vld.idx.msk [tilespmem:v56+s0+$0x0], $0xffff  }
0x187: {  	v28 =	vadd.f32 v43, v28;
	v26 =	vadd.f32 v61, v26;
	v43 =	vmul.f32 v62, v40  }
0x188: {  	v63 =	vor.u32 v4, v48;
	v40 =	vmul.f32 v42, v40;
	v61 =	vor.u32 v6, v48  }
0x189: {  	v48 =	vor.u32 v7, v48;
	v27 =	vadd.f32 v47, v27;
	v25 =	vadd.f32 v43, v25  }
0x18a: {  	v24 =	vadd.f32 v40, v24;
	v56 =	vld.idx.msk [tilespmem:v60+s0+$0x0], $0xffff;
	v54 =	vshll.u32 v58, $0x10;
	v55 =	vmul.f32 v58, v41  }
0x18b: {  	v58 =	vshll.u32 v45, $0x10;
	v45 =	vmul.f32 v45, v41;
	v62 =	vmul.f32 v44, v41;
	v59 =	vld.idx.msk [tilespmem:v50+s25+$0x0], $0xffff  }
0x18c: {  	v51 =	vld.idx.msk [tilespmem:v57+s0+$0x0], $0xffff;
	v60 =	vshll.u32 v44, $0x10;
	v42 =	vmul.f32 v54, v41;
	v40 =	vmul.f32 v58, v41  }
0x18d: {  	v46 =	vld.idx.msk [tilespmem:v63+s0+$0x0], $0xffff;
	v43 =	vmul.f32 v60, v41;
	v39 =	vadd.f32 v55, v39;
	v36 =	vadd.f32 v45, v36  }
0x18e: {  	v33 =	vadd.f32 v62, v33;
	v37 =	vadd.f32 v42, v37  }
0x18f: {  	v38 =	vadd.f32 v40, v38;
	v35 =	vadd.f32 v43, v35  }
0x190: {  	v63 =	vshll.u32 v56, $0x10;
	v52 =	vmul.f32 v56, v41;
	v42 =	vshll.u32 v59, $0x7  }
0x191: {  	v43 =	vld.idx.msk [tilespmem:v48+s0+$0x0], $0xffff;
	v58 =	vshll.u32 v51, $0x10;
	v45 =	vmul.f32 v63, v41;
	v54 =	vor.u32 v0, v42  }
0x192: {  	s2 =	sor.u32 $0x6, s10;
	v44 =	vld.idx.msk [tilespmem:v61+s0+$0x0], $0xffff;
	v53 =	vshll.u32 v46, $0x10;
	v46 =	vmul.f32 v46, v41;
	v57 =	vor.u32 v1, v42  }
0x193: {  	v60 =	vmul.f32 v58, v41;
	v59 =	vmov s2;
	v62 =	vor.u32 v2, v42  }
0x194: {  	v56 =	vmul.f32 v53, v41;
	v61 =	vand.u32 $0xFFFFFFFE, v59;
	v58 =	vor.u32 v4, v42  }
0x195: {  	v63 =	vmul.f32 v51, v41;
	v30 =	vadd.f32 v46, v30;
	v46 =	vld.idx.msk [tilespmem:v50+s26+$0x0], $0xffff;
	v48 =	vbroadcast v61, $0x0  }
0x196: {  	v34 =	vadd.f32 v45, v34;
	v31 =	vadd.f32 v56, v31;
	v56 =	vshll.u32 v43, $0x10;
	v45 =	vld.idx.msk [tilespmem:v54+s0+$0x0], $0xffff  }
0x197: {  	v55 =	vshll.u32 v44, $0x10;
	v44 =	vmul.f32 v44, v41;
	v51 =	vmul.f32 v56, v41;
	v47 =	vld.idx.msk [tilespmem:v57+s0+$0x0], $0xffff  }
0x198: {  	v32 =	vadd.f32 v52, v32;
	v28 =	vadd.f32 v60, v28;
	v50 =	vmul.f32 v55, v41;
	v60 =	vld.idx.msk [tilespmem:v62+s0+$0x0], $0xffff  }
0x199: {  	v59 =	vmul.f32 v43, v41;
	v25 =	vadd.f32 v51, v25;
	v51 =	vld.idx.msk [tilespmem:v58+s0+$0x0], $0xffff;
	v58 =	vor.u32 v6, v42  }
0x19a: {  	v29 =	vadd.f32 v63, v29;
	v26 =	vadd.f32 v44, v26;
	v57 =	vor.u32 v3, v42  }
0x19b: {  	v27 =	vadd.f32 v50, v27;
	v24 =	vadd.f32 v59, v24;
	v62 =	vor.u32 v5, v42;
	v63 =	vld.idx.msk [tilespmem:v48+s25+$0x0], $0xffff  }
0x19c: {  	v42 =	vor.u32 v7, v42;
	v61 =	vshll.u32 v45, $0x10;
	v45 =	vmul.f32 v45, v46  }
0x19d: {  	v56 =	vshll.u32 v47, $0x10;
	v47 =	vmul.f32 v47, v46;
	v41 =	vmul.f32 v60, v46  }
0x19e: {  	v59 =	vshll.u32 v60, $0x10;
	v52 =	vld.idx.msk [tilespmem:v58+s0+$0x0], $0xffff;
	v58 =	vmul.f32 v51, v46;
	v40 =	vmul.f32 v61, v46  }
0x19f: {  	v57 =	vld.idx.msk [tilespmem:v57+s0+$0x0], $0xffff;
	v49 =	vmul.f32 v56, v46;
	v39 =	vadd.f32 v45, v39;
	v36 =	vadd.f32 v47, v36  }
0x1a0: {  	s10 =	sor.u32 $0x7, s10;
	v43 =	vld.idx.msk [tilespmem:v62+s0+$0x0], $0xffff;
	v44 =	vshll.u32 v63, $0x7;
	v63 =	vshll.u32 v51, $0x10;
	v33 =	vadd.f32 v41, v33  }
0x1a1: {  	v51 =	vmov s10;
	v30 =	vadd.f32 v58, v30;
	v37 =	vadd.f32 v40, v37  }
0x1a2: {  	v38 =	vadd.f32 v49, v38;
	v40 =	vmul.f32 v59, v46;
	v61 =	vor.u32 v0, v44  }
0x1a3: {  	v41 =	vld.idx.msk [tilespmem:v42+s0+$0x0], $0xffff;
	v55 =	vmul.f32 v63, v46;
	v59 =	vor.u32 v2, v44;
	v58 =	vor.u32 v5, v44  }
0x1a4: {  	v60 =	vshll.u32 v57, $0x10;
	v62 =	vmul.f32 v57, v46;
	v35 =	vadd.f32 v40, v35  }
0x1a5: {  	v31 =	vadd.f32 v55, v31;
	v56 =	vshll.u32 v43, $0x10;
	v43 =	vmul.f32 v43, v46  }
0x1a6: {  	v48 =	vld.idx.msk [tilespmem:v48+s26+$0x0], $0xffff;
	v57 =	vor.u32 v1, v44;
	v63 =	vmul.f32 v52, v46;
	v45 =	vmul.f32 v60, v46  }
0x1a7: {  	v40 =	vmul.f32 v56, v46;
	v60 =	vshll.u32 v52, $0x10;
	v32 =	vadd.f32 v62, v32;
	v47 =	vld.idx.msk [tilespmem:v61+s0+$0x0], $0xffff  }
0x1a8: {  	v62 =	vor.u32 v3, v44;
	v29 =	vadd.f32 v43, v29;
	v55 =	vshll.u32 v41, $0x10;
	v49 =	vld.idx.msk [tilespmem:v59+s0+$0x0], $0xffff  }
0x1a9: {  	v41 =	vmul.f32 v41, v46;
	v26 =	vadd.f32 v63, v26;
	v63 =	vor.u32 v6, v44;
	v59 =	vld.idx.msk [tilespmem:v51+s25+$0x0], $0xffff  }
0x1aa: {  	v34 =	vadd.f32 v45, v34;
	v61 =	vmul.f32 v60, v46;
	v43 =	vmul.f32 v55, v46  }
0x1ab: {  	v28 =	vadd.f32 v40, v28;
	v24 =	vadd.f32 v41, v24;
	v42 =	vld.idx.msk [tilespmem:v57+s0+$0x0], $0xffff  }
0x1ac: {  	v27 =	vadd.f32 v61, v27;
	v57 =	vor.u32 v4, v44;
	v25 =	vadd.f32 v43, v25  }
0x1ad: {  	v44 =	vor.u32 v7, v44;
	v61 =	vld.idx.msk [tilespmem:v62+s0+$0x0], $0xffff;
	v56 =	vshll.u32 v47, $0x10;
	v60 =	vmul.f32 v47, v48  }
0x1ae: {  	v46 =	vld.idx.msk [tilespmem:v58+s0+$0x0], $0xffff;
	v55 =	vshll.u32 v49, $0x10;
	v50 =	vshll.u32 v59, $0x7;
	v49 =	vmul.f32 v49, v48  }
0x1af: {  	v41 =	vld.idx.msk [tilespmem:v63+s0+$0x0], $0xffff;
	v45 =	vmul.f32 v56, v48;
	v53 =	vor.u32 v0, v50;
	v63 =	vor.u32 v2, v50  }
0x1b0: {  	v39 =	vadd.f32 v60, v39;
	v62 =	vshll.u32 v42, $0x10;
	v42 =	vmul.f32 v42, v48  }
0x1b1: {  	v56 =	vld.idx.msk [tilespmem:v57+s0+$0x0], $0xffff;
	v33 =	vadd.f32 v49, v33;
	v37 =	vadd.f32 v45, v37;
	v40 =	vmul.f32 v62, v48  }
0x1b2: {  	v45 =	vmul.f32 v55, v48;
	v62 =	vor.u32 v1, v50;
	v57 =	vshll.u32 v61, $0x10  }
0x1b3: {  	v36 =	vadd.f32 v42, v36;
	v59 =	vmul.f32 v61, v48;
	v61 =	vshll.u32 v46, $0x10  }
0x1b4: {  	v38 =	vadd.f32 v40, v38;
	v58 =	vmul.f32 v57, v48;
	v35 =	vadd.f32 v45, v35  }
0x1b5: {  	v44 =	vld.idx.msk [tilespmem:v44+s0+$0x0], $0xffff;
	v43 =	vmul.f32 v61, v48;
	v57 =	vshll.u32 v41, $0x10;
	v41 =	vmul.f32 v41, v48  }
0x1b6: {  	v61 =	vor.u32 v4, v50;
	v49 =	vld.idx.msk [tilespmem:v53+s0+$0x0], $0xffff;
	v32 =	vadd.f32 v59, v32;
	v60 =	vshll.u32 v56, $0x10  }
0x1b7: {  	v59 =	vor.u32 v3, v50;
	v52 =	vld.idx.msk [tilespmem:v63+s0+$0x0], $0xffff;
	v63 =	vor.u32 v5, v50;
	v42 =	vmul.f32 v60, v48  }
0x1b8: {  	v34 =	vadd.f32 v58, v34;
	v47 =	vmul.f32 v56, v48;
	v56 =	vmul.f32 v46, v48;
	v45 =	vld.idx.msk [tilespmem:v62+s0+$0x0], $0xffff  }
0x1b9: {  	v28 =	vadd.f32 v43, v28;
	v58 =	vmul.f32 v57, v48;
	v31 =	vadd.f32 v42, v31;
	v42 =	vld.idx.msk [tilespmem:v51+s26+$0x0], $0xffff  }
0x1ba: {  	v54 =	vmul.f32 v44, v48;
	v26 =	vadd.f32 v41, v26;
	v60 =	vshll.u32 v44, $0x10  }
0x1bb: {  	v57 =	vor.u32 v6, v50;
	v30 =	vadd.f32 v47, v30;
	v46 =	vmul.f32 v60, v48;
	v60 =	vld.idx.msk [tilespmem:v61+s0+$0x0], $0xffff  }
0x1bc: {  	v29 =	vadd.f32 v56, v29;
	v27 =	vadd.f32 v58, v27  }
0x1bd: {  	v24 =	vadd.f32 v54, v24;
	v61 =	vor.u32 v7, v50;
	v62 =	vshll.u32 v49, $0x10;
	v56 =	vld.idx.msk [tilespmem:v59+s0+$0x0], $0xffff  }
0x1be: {  	v59 =	vshll.u32 v45, $0x10;
	v55 =	vmul.f32 v62, v42;
	v58 =	vmul.f32 v49, v42  }
0x1bf: {  	v25 =	vadd.f32 v46, v25;
	v63 =	vld.idx.msk [tilespmem:v63+s0+$0x0], $0xffff;
	v44 =	vmul.f32 v59, v42;
	v45 =	vmul.f32 v45, v42  }
0x1c0: {  	v41 =	vld.idx.msk [tilespmem:v57+s0+$0x0], $0xffff;
	v62 =	vshll.u32 v52, $0x10;
	v54 =	vmul.f32 v52, v42;
	v46 =	vmul.f32 v60, v42  }
0x1c1: {  	v53 =	vmul.f32 v62, v42;
	v37 =	vadd.f32 v55, v37;
	v39 =	vadd.f32 v58, v39  }
0x1c2: {  	v40 =	vmul.f32 v56, v42;
	v38 =	vadd.f32 v44, v38;
	v36 =	vadd.f32 v45, v36  }
0x1c3: {  	v57 =	vld.idx.msk [tilespmem:v61+s0+$0x0], $0xffff;
	v33 =	vadd.f32 v54, v33;
	v55 =	vshll.u32 v56, $0x10;
	v56 =	vshll.u32 v60, $0x10  }
0x1c4: {  	v58 =	vshll.u32 v63, $0x10;
	v30 =	vadd.f32 v46, v30;
	v60 =	vmul.f32 v63, v42  }
0x1c5: {  	v61 =	vshll.u32 v41, $0x10;
	v41 =	vmul.f32 v41, v42;
	v35 =	vadd.f32 v53, v35  }
0x1c6: {  	p3 =	por p2, p2;
	v43 =	vmul.f32 v55, v42;
	v44 =	vmul.f32 v56, v42;
	v32 =	vadd.f32 v40, v32  }
.Ltmp4:
0x1c7: {  	v59 =	vmul.f32 v58, v42;
	v29 =	vadd.f32 v60, v29;
	v26 =	vadd.f32 v41, v26;
	(pc) =	sbr.rel @p3 .LBB2_8-.Ltmp4, $4  }
0x1c8: {  	v34 =	vadd.f32 v43, v34;
	v43 =	vmul.f32 v61, v42;
	v62 =	vshll.u32 v57, $0x10  }
0x1c9: {  	v31 =	vadd.f32 v44, v31;
	v63 =	vmul.f32 v62, v42;
	v42 =	vmul.f32 v57, v42  }
0x1ca: {  	v28 =	vadd.f32 v59, v28;
	v27 =	vadd.f32 v43, v27  }
0x1cb: {  	p2 =	por $0x0, $0x0;
	s10 =	simm.s32 $0x8;
	v25 =	vadd.f32 v63, v25;
	v24 =	vadd.f32 v42, v24  }
0x1cc: {  	v40 =	vadd.s32 s17, v8  }
0x1cd: {  	v41 =	vadd.s32 s17, v9  }
0x1ce: {  	v42 =	vadd.s32 s17, v10  }
0x1cf: {  	v43 =	vadd.s32 s17, v11  }
0x1d0: {  	v44 =	vadd.s32 s17, v12  }
0x1d1: {  	v53 =	vadd.s32 s17, v13;
	[tilespmem:v40+s9+$0x0] =	vst.idx.msk $0xffff, v37  }
0x1d2: {  	v54 =	vadd.s32 s17, v14;
	[tilespmem:v41+s9+$0x0] =	vst.idx.msk $0xffff, v39  }
0x1d3: {  	v55 =	vadd.s32 s17, v15;
	[tilespmem:v42+s9+$0x0] =	vst.idx.msk $0xffff, v38  }
0x1d4: {  	v56 =	vadd.s32 s17, v16;
	[tilespmem:v43+s9+$0x0] =	vst.idx.msk $0xffff, v36  }
0x1d5: {  	v57 =	vadd.s32 s17, v17;
	[tilespmem:v44+s9+$0x0] =	vst.idx.msk $0xffff, v35  }
0x1d6: {  	v58 =	vadd.s32 s17, v18;
	[tilespmem:v53+s9+$0x0] =	vst.idx.msk $0xffff, v33  }
0x1d7: {  	v59 =	vadd.s32 s17, v19;
	[tilespmem:v54+s9+$0x0] =	vst.idx.msk $0xffff, v34  }
0x1d8: {  	v60 =	vadd.s32 s17, v20;
	[tilespmem:v55+s9+$0x0] =	vst.idx.msk $0xffff, v32  }
0x1d9: {  	v61 =	vadd.s32 s17, v21;
	[tilespmem:v56+s9+$0x0] =	vst.idx.msk $0xffff, v31  }
0x1da: {  	v62 =	vadd.s32 s17, v22;
	v63 =	vadd.s32 s17, v23;
	s17 =	sadd.s32 $0x1, s17;
	[tilespmem:v57+s9+$0x0] =	vst.idx.msk $0xffff, v30  }
0x1db: {  	p2 =	sne.s32 s17, $0x31;
	[tilespmem:v58+s9+$0x0] =	vst.idx.msk $0xffff, v28  }
.Ltmp5:
0x1dc: {  	[tilespmem:v59+s9+$0x0] =	vst.idx.msk $0xffff, v29;
	(pc) =	sbr.rel @p2 .LBB2_7-.Ltmp5, $4  }
0x1dd: {  	[tilespmem:v60+s9+$0x0] =	vst.idx.msk $0xffff, v27  }
0x1de: {  	[tilespmem:v61+s9+$0x0] =	vst.idx.msk $0xffff, v26  }
0x1df: {  	[tilespmem:v62+s9+$0x0] =	vst.idx.msk $0xffff, v25  }
0x1e0: {  	[tilespmem:v63+s9+$0x0] =	vst.idx.msk $0xffff, v24  }
0x1e1: {  	p2 =	sgt.u32 s14, $0x3E7  }
0x1e2: {  	s2 =	sshrl.u32 @!p2 s14, $0x3  }
0x1e3: {  	s10 =	sshll.u32 @!p2 s13, $0x7;
	s2 =	smul.u32 @!p2 $0x18800, s2  }
.Ltmp6:
0x1e4: {  	s10 =	sand.u32 @!p2 $0x380, s10;
	(pc) =	sbr.rel @p1 .LBB2_12-.Ltmp6, $4  }
0x1e5: {  	s2 =	sor.u32 @!p2 s10, s2  }
0x1e6: {  	s13 =	simm.s32 @!p2 $0x400;
	s2 =	sshrl.u32 @!p2 s2, $0x3  }
0x1e7: {  	s14 =	simm.s32 @!p2 $0xA000;
	s10 =	simm.s32 @!p2 $0x80;
	s2 =	sadd.s32 @!p2 s1, s2  }
0x1e8: {  	[hbm4b:s2+s10] =	stream.strided.scatter @!p2 [tilespmem:s14], [sflag:$0x5], $0x3100, s13, s10, $0x38;
	[tilespmem:$0xD100] =	vst v63  }
0x1e9: {  	s2 =	sadd.s32 s12, s16  }
0x1ea: {  	s10 =	smul.u32 $0x12, s2;
	_ =	sdelay $0x1  }
0x1eb: {  	s2 =	smul.u32 $0x62, s2;
	s10 =	sadd.s32 s5, s10  }
0x1ec: {  	[tilespmem:s24], [sflag:$0x1] =	stream.linear.gather [hbm4b:s10+s3], $0x90, $0x38;
	[tilespmem:$0xD100] =	vst v63  }
.Ltmp7:
0x1ed: {  	_ = 	snop;
	(pc) =	sbr.rel .LBB2_2-.Ltmp7, $4  }
0x1ee: {  	s18 =	sadd.s32 s6, s2  }
0x1ef: {  	[tilespmem:s25], [sflag:$0x2] =	stream.linear.gather [hbm4b:s18+s3], $0x310, $0x38;
	[tilespmem:$0xD100] =	vst v63  }
0x1f0: {  	s11 =	sadd.s32 $0x1, s11;
	s2 =	sadd.s32 s8, s2  }
0x1f1: {  	[tilespmem:s26], [sflag:$0x3] =	stream.linear.gather [hbm4b:s2+s3], $0x310, $0x38;
	[tilespmem:$0xD100] =	vst v63  }
.LBB2_13:
0x1f2: {  	_ =	sfence.sel $0x180000  }
0x1f3: {  	[bflag:$0x0] =	sbarrier.arrive $0xFFFF  }
0x1f4: {  	_ =	strace $0x90000047  }
0x1f5: {  	s0 =	stileid.u32;
	[bflag:$0x2] =	sbarrier.arrive $0xFFFF  }
0x1f6: {  	p0 =	sne.s32 s0, $0x0;
	s0 =	rddreg [dreg:$0x2]  }
0x1f7: {  	s0 =	sadd.s32 @!p0 $0x100000, s0  }
0x1f8: {  	[sflag:s0] =	ssyncadd.tile.s32 @!p0 $0x1;
	_ =	shalt  }
.Lfunc_end2:
_tile_overlayer_lowered:
.L_overlay_start_2:
0x1f9: {  	(tag) =	ssettag $0x2  }
0x1fa: {  	s0 =	rddreg [dreg:$0x0];
	s2 =	stileid.u32  }
0x1fb: {  	s1 =	rddreg [dreg:$0x1];
	p0 =	sne.s32 s2, $0x0  }
0x1fc: {  	s3 =	rddreg [dreg:$0x2];
	[bflag:$0x3] =	sbarrier.arrive $0xFFFF;
	s2 =	simm.s32 @!p0 $0x1C06  }
0x1fd: {  	[timem:s3], [sflag:s2] =	dma.local @!p0 [hbm:s0], s1  }
0x1fe: {  	s0 =	simm.s32 @!p0 $0x6  }
0x1ff: {  	_ =	swait.ge @!p0 [sflag:s0], s1  }
0x200: {  	s1 =	ssub.s32 @!p0 $0x0, s1;
	[sflag:s0] =	ssyncset.done @!p0 $0x0  }
0x201: {  	[sflag:s0] =	ssyncadd.s32 @!p0 s1  }
0x202: {  	[bflag:$0x3] =	sbarrier.arrive $0xFFFF  }
0x203: {  	_ =	shalt  }

// kernel: sparse-core-data-format-call.cloned.1.call-start
scs
called_computation_lowered:
.L_overlay_start_0:
0x0: {  	s2 =	sld [smem:$0x3FD9]  }
0x1: {  	s3 =	sld [smem:$0x3FFE];
	_ =	sdelay $0x1  }
0x2: {  	s1 =	srdreg.scid  }
0x3: {  	s0 =	sand.u32 $0x1, s1  }
0x4: {  	s18 =	sshll.u32 s0, $0xA;
	s2 =	sadd.s32 s3, s2  }
0x5: {  	s2 =	sadd.s32 s2, s18  }
0x6: {  	[smem:$0x3FC5] =	sst s2  }
0x7: {  	_ = 	snop  }
0x8: {  	s2 =	sld [smem:$0x3FD0];
	(tm) =	ssettm $0x1  }
0x9: {  	s19 =	sld [smem:$0x3FFB];
	_ =	sdelay $0x3  }
0xa: {  	_ =	strace s19  }
0xb: {  	s3 =	sld [smem:$0x3FFC];
	_ =	sdelay $0x3  }
0xc: {  	_ =	strace s3  }
0xd: {  	s3 =	sld [smem:$0x3FFD];
	_ =	sdelay $0x3  }
0xe: {  	_ =	strace s3  }
0xf: {  	_ =	strace $0x8FFFFFFF  }
0x10: {  	s20 =	sld [smem:$0x3FDB];
	_ =	sdelay $0x1  }
0x11: {  	s4 =	simm.s32 $_scs_section_size  }
0x12: {  	s5 =	simm.s32 $_size__tile_overlayer_lowered;
	s6 =	simm.s32 $_tile_overlayer_lowered  }
0x13: {  	s23 =	simm.s32 $0x1BFF;
	s22 =	sshll.u32 s6, $0x1;
	s3 =	sadd.s32 s4, s20  }
0x14: {  	s7 =	simm.s32 $0x0;
	s21 =	sshll.u32 s5, $0x1;
	s5 =	sadd.s32 s22, s3  }
0x15: {  	[timem:s7], [sflag:s23] =	dma.local [hbm:s5], s21  }
0x16: {  	_ =	swait.ge [sflag:s23], s21  }
0x17: {  	s4 =	ssub.s32 $0x0, s21;
	[sflag:s23] =	ssyncset.done $0x0  }
0x18: {  	[sflag:s23] =	ssyncadd.s32 s4;
	_ =	sdelay $0x1  }
0x19: {  	s24 =	simm.s32 $0x1B8B  }
0x1a: {  	_ =	swait.ge [sflag:s24], $0x1  }
0x1b: {  	[sflag:s24] =	ssyncset.done $0x0  }
0x1c: {  	s26 =	simm.s32 $0x1B8E;
	s25 =	sld [smem:$0x3FFE];
	[sflag:s24] =	ssyncadd.s32 $0xFFFFFFFF  }
0x1d: {  	s27 =	simm.s32 $execute0_lowered;
	[smem:$0x3FD2] =	sst s26  }
0x1e: {  	s5 =	sshll.u32 s27, $0x1;
	_ =	strace $0x80000049;
	[dreg:$0x1] =	wrdreg $0xFFFFFFFF  }
0x1f: {  	s28 =	simm.s32 $_size_execute0_lowered;
	s3 =	sadd.s32 s3, s5;
	[dreg:$0x0] =	wrdreg $0x0  }
0x20: {  	s5 =	sshll.u32 s28, $0x1;
	[dreg:$0x2] =	wrdreg s3  }
0x21: {  	[dreg:$0x3] =	wrdreg s5  }
0x22: {  	[dreg:$0x4] =	wrdreg $0xC0  }
0x23: {  	_ =	task [dreg:s7], $0x5FFFF  }
0x24: {  	[dreg:$0x1] =	wrdreg $0xFFFFFFFF  }
0x25: {  	[dreg:$0x0] =	wrdreg $0x60  }
0x26: {  	[dreg:$0x2] =	wrdreg s25  }
0x27: {  	[dreg:$0x3] =	wrdreg s2  }
0x28: {  	[dreg:$0x4] =	wrdreg $0x9  }
0x29: {  	_ =	task.clear_ibuf [dreg:s7], $0x5FFFF;
	_ =	strace $0x90000049  }
0x2a: {  	s29 =	simm.s32 $0x9;
	_ =	strace $0x8000004B  }
0x2b: {  	_ =	swait.ge [sflag:s29], $0x1  }
0x2c: {  	[sflag:s29] =	ssyncadd.s32 $0xFFFFFFFF  }
0x2d: {  	_ =	strace $0x9000004B  }
0x2e: {  	_ =	sfence  }
0x2f: {  	s30 =	sld [smem:$0x0];
	_ =	sdelay $0x2  }
0x30: {  	s31 =	sshll.u32 s1, $0xD;
	s1 =	sshrl.u32 s1, $0x2  }
0x31: {  	s3 =	sand.u32 $0x4000, s31;
	s1 =	sadd.s32 s1, s30  }
0x32: {  	s0 =	sor.u32 s3, s0;
	s1 =	sshll.u32 s1, $0x11  }
0x33: {  	s0 =	sor.u32 s1, s0  }
0x34: {  	s0 =	sadd.s32 $0x8F2B, s0  }
0x35: {  	[sflag:s0] =	ssyncadd.remote.s32 $0x1  }
0x36: {  	_ =	sfence.sel $0xFFFF  }
0x37: {  	[dreg:$0x0] =	wrdreg $0xFFFFFFFF;
	(pc) =	sbr.abs _section_cstart, $3  }
0x38: {  	[dreg:$0x1] =	wrdreg $0xFFFFFFFF  }
0x39: {  	_ =	task.clear_ibuf [dreg:s7], $0x2FFFF;
	_ =	strace $0x9FFFFFFF  }
0x3a: {  	(tm) =	ssettm $0x7FFFFFFF  }
0x3b: {  	_ =	shalt  }
tec
execute0_lowered:
.L_overlay_start_1:
0x0: {  	(tag) =	ssettag $0x1  }
0x1: {  	s0 =	stileid.u32;
	s8 =	rddreg [dreg:$0x0]  }
0x2: {  	s3 =	rddreg [dreg:$0x1];
	s7 =	srdreg.scid  }
0x3: {  	_ =	strace $0x8000004A;
	s31 =	simm.s32 $0x2;
	s19 =	simm.s32 $0x0  }
0x4: {  	p0 =	por $0x0, $0x0;
	s20 =	simm.s32 $0x0;
	s1 =	sshll.u32 s0, $0x7  }
0x5: {  	s22 =	simm.s32 $0x0;
	s21 =	simm.s32 $0x0;
	s2 =	sand.u32 $0x80, s1  }
0x6: {  	s11 =	simm.s32 $0x0;
	s12 =	simm.s32 $0x0;
	s5 =	ssub.s32 $0x100, s2  }
0x7: {  	s13 =	simm.s32 $0x0;
	s4 =	sshrl.u32 s0, $0x1;
	s6 =	sshrl.u32 s5, $0x7  }
0x8: {  	s4 =	sand.u32 $0x1, s4;
	s5 =	sshrl.u32 s5, $0x8;
	s6 =	sand.u32 $0x1, s6  }
0x9: {  	s14 =	simm.s32 $0x0;
	s29 =	ssub.s32 $0x4, s4;
	s5 =	sadd.s32 s5, s6  }
0xa: {  	s15 =	simm.s32 $0x0;
	s18 =	simm.s32 $0x0;
	s10 =	smul.u32 s5, s29  }
.Ltmp0:
0xb: {  	s9 =	sshll.u32 s0, $0x5;
	s7 =	sshll.u32 s7, $0x9;
	(pc) =	sbr.rel .LBB1_1-.Ltmp0, $4  }
0xc: {  	s30 =	sor.u32 s9, s7;
	s16 =	smov.u32 s4;
	s6 =	simm.s32 $0x1  }
0xd: {  	s5 =	sand.u32 $0x380, s30;
	[sflag:s6] =	ssyncpa.u1 $0x0;
	s7 =	smul.u32 $0x7, s10  }
0xe: {  	s17 =	smov.u32 s2;
	s8 =	sadd.s32 s5, s8;
	[sflag:s31] =	ssyncpa.u1 $0x0  }
0xf: {  	s8 =	sadd.s32 $0x188600, s8;
	s10 =	simm.s32 $0x800;
	s9 =	sadd.s32 $0x1, s7  }
.LBB1_4:
0x10: {  	v5 =	vld [tilespmem:s24+$0xFFFFFFD0]  }
0x11: {  	s28 =	sshrl.u32 s14, $0x5;
	v58 =	vld [tilespmem:s24+$0xFFFFFFE0]  }
0x12: {  	p1 =	sgt.s32 s13, $0x6;
	v59 =	vld [tilespmem:s24+$0xFFFFFFF0];
	s28 =	sadd.s32 s28, s11  }
0x13: {  	s30 =	smov.u32 s13;
	s31 =	sshra.s32 s13, $0x1F;
	v60 =	vld [tilespmem:s24+$0x0];
	s28 =	sand.u32 $0xFFFFFC, s28  }
0x14: {  	s27 =	sshra.s32 s27, $0x2;
	p2 =	sgt.s32 s12, $0x6;
	v61 =	vld [tilespmem:s24+$0x10];
	s29 =	smulhi.u32 $0x83126F, s28  }
0x15: {  	p3 =	sgt.s32 s14, $0x80;
	v62 =	vld [tilespmem:s24+$0x20];
	s30 =	simm.s32 @!p1 $0x6;
	s31 =	sand.u32 s31, s13  }
0x16: {  	v63 =	vld [tilespmem:s24+$0xFFFFFFC0];
	s24 =	smul.u32 $0x36B00, s13;
	s30 =	ssub.s32 s30, s31;
	s29 =	sshrl.u32 s29, $0x1  }
0x17: {  	s1 =	sshra.s32 s12, $0x1F;
	s31 =	sadd.s32 $0xFFFFFFFA, s30;
	s29 =	smul.u32 $0x3E8, s29  }
0x18: {  	s26 =	sadd.s32 s27, s26;
	s1 =	sand.u32 s1, s12;
	p1 =	sgt.s32 s31, $0x0  }
0x19: {  	s27 =	ssub.s32 s28, s29;
	s28 =	smov.u32 s14;
	s29 =	sshra.s32 s14, $0x1F  }
0x1a: {  	[tilespmem:s25+$0x2040 ss:$0x81] =	vst.msk $0xffff, v4;
	s31 =	smov.u32 s12;
	s28 =	simm.s32 @!p3 $0x80;
	s29 =	sand.u32 s29, s14  }
0x1b: {  	[tilespmem:s25+$0x2850 ss:$0x81] =	vst.msk $0xffff, v3;
	s31 =	simm.s32 @!p2 $0x6;
	p2 =	sgt.s32 s11, $0x368;
	s28 =	ssub.s32 s28, s29  }
0x1c: {  	[tilespmem:s25+$0x3060 ss:$0x81] =	vst.msk $0xffff, v2;
	s1 =	ssub.s32 s31, s1;
	s29 =	smov.u32 s11;
	s31 =	sadd.s32 $0xFFFFFF80, s28  }
0x1d: {  	[tilespmem:s25+$0x0 ss:$0x81] =	vst.msk $0xffff, v1;
	s29 =	simm.s32 @!p2 $0x368;
	s25 =	ssub.s32 $0x100, s28;
	p3 =	sgt.s32 s31, $0x7F  }
0x1e: {  	[tilespmem:s26+$0x3870 ss:$0x81] =	vst.msk $0xffff, v0;
	s29 =	ssub.s32 $0x3E8, s29;
	s25 =	simm.s32 @p3 $0x0  }
0x1f: {  	s24 =	sadd.s32 s3, s24;
	[tilespmem:s26+$0x810 ss:$0x81] =	vst.msk $0xffff, v5;
	s28 =	ssub.s32 $0x7, s30;
	s25 =	smul.u32 s29, s25  }
0x20: {  	[tilespmem:s26+$0x1020 ss:$0x81] =	vst.msk $0xffff, v58;
	s30 =	sadd.s32 $0xFFFFFFFA, s1;
	s1 =	ssub.s32 $0x7, s1;
	s28 =	simm.s32 @p1 $0x0  }
0x21: {  	[tilespmem:s26+$0x1830 ss:$0x81] =	vst.msk $0xffff, v59;
	p1 =	sgt.s32 s30, $0x0;
	s31 =	sshrl.u32 s14, $0x3;
	s25 =	smul.u32 s28, s25  }
0x22: {  	[tilespmem:s26+$0x2040 ss:$0x81] =	vst.msk $0xffff, v60;
	s30 =	smul.u32 $0x7D00, s12;
	s1 =	simm.s32 @p1 $0x0;
	s28 =	sand.u32 $0xF, s31  }
0x23: {  	[tilespmem:s26+$0x2850 ss:$0x81] =	vst.msk $0xffff, v61;
	s31 =	sand.u32 $0x7, s14;
	s24 =	sadd.s32 s28, s24;
	s1 =	smul.u32 s1, s25  }
0x24: {  	[tilespmem:s26+$0x3060 ss:$0x81] =	vst.msk $0xffff, v62;
	s27 =	sshll.u32 s27, $0x5;
	s24 =	sadd.s32 s30, s24;
	s25 =	sshll.u32 s31, $0x12  }
0x25: {  	[tilespmem:s26+$0x0 ss:$0x81] =	vst.msk $0xffff, v63;
	s24 =	sadd.s32 s27, s24;
	s25 =	sor.u32 $0x400, s25;
	s1 =	sand.u32 $0x3FFFFFFF, s1  }
0x26: {  	[hbm4b:s24+s25] =	stream.strided.scatter [tilespmem:s23], [sflag:$0x2], s1, s10, s25, $0x20;
	[tilespmem:$0x10100] =	vst v63  }
.LBB1_5:
0x27: {  	p1 =	slt.u32 s18, $0x2  }
0x28: {  	s1 =	smov.u32 s22;
	s24 =	smov.u32 s16;
	s26 =	smov.u32 s17  }
0x29: {  	s27 =	sadd.s32 $0x1, s18;
	p2 =	sgt.s32 @!p1 s22, $0x6;
	s23 =	sshra.s32 @!p1 s22, $0x1F  }
0x2a: {  	p3 =	sgt.s32 @!p1 s20, $0x6;
	p4 =	sgt.s32 @!p1 s19, $0x368;
	p2 =	por !p2, p1  }
0x2b: {  	s22 =	sand.u32 @!p1 s23, s22;
	s23 =	sshra.s32 @!p1 s21, $0x1F;
	p3 =	por !p3, p1  }
0x2c: {  	p4 =	por !p4, p1;
	s1 =	simm.s32 @p2 $0x6;
	p2 =	sgt.s32 @!p1 s21, $0x80  }
0x2d: {  	s1 =	ssub.s32 @!p1 s1, s22;
	p2 =	por !p2, p1;
	s22 =	smov.u32 s21  }
0x2e: {  	s19 =	simm.s32 @p4 $0x368;
	s21 =	sand.u32 @!p1 s23, s21;
	s22 =	simm.s32 @p2 $0x80  }
0x2f: {  	s19 =	ssub.s32 @!p1 $0x3E8, s19;
	s23 =	sadd.s32 @!p1 $0xFFFFFFFA, s1;
	s21 =	ssub.s32 @!p1 s22, s21  }
0x30: {  	s22 =	smov.u32 s20;
	p2 =	sgt.s32 @!p1 s23, $0x0;
	s23 =	sadd.s32 @!p1 $0xFFFFFF80, s21  }
0x31: {  	s22 =	simm.s32 @p3 $0x6;
	p3 =	sgt.s32 @!p1 s23, $0x7F;
	s23 =	sshra.s32 @!p1 s20, $0x1F  }
0x32: {  	s21 =	ssub.s32 @!p1 $0x100, s21;
	p3 =	por !p3, p1;
	s20 =	sand.u32 @!p1 s23, s20  }
0x33: {  	s1 =	ssub.s32 @!p1 $0x7, s1;
	s21 =	simm.s32 @!p3 $0x0;
	s20 =	ssub.s32 @!p1 s22, s20  }
0x34: {  	p2 =	por !p2, p1;
	s22 =	sadd.s32 @!p1 $0xFFFFFFFA, s20;
	s19 =	smul.u32 @!p1 s19, s21  }
0x35: {  	s1 =	simm.s32 @!p2 $0x0;
	s23 =	sadd.s32 $0x1, s15;
	p2 =	sgt.s32 @!p1 s22, $0x0  }
0x36: {  	s20 =	ssub.s32 @!p1 $0x7, s20;
	p2 =	por !p2, p1;
	s1 =	smul.u32 @!p1 s1, s19  }
0x37: {  	s19 =	sadd.s32 $0x2, s16;
	s20 =	simm.s32 @!p2 $0x0;
	p2 =	sgt.s32 s23, $0x6  }
0x38: {  	p0 =	por !p0, !p0;
	s25 =	simm.s32 @!p1 $0x2;
	s24 =	smov.u32 @p2 s19  }
0x39: {  	s23 =	simm.s32 @p2 $0x0;
	s19 =	sadd.s32 $0x100, s17;
	p2 =	sgt.s32 s24, $0x6  }
0x3a: {  	s21 =	smov.u32 s14;
	s14 =	smov.u32 s17;
	s26 =	smov.u32 @p2 s19  }
0x3b: {  	s22 =	smov.u32 s13;
	s24 =	smov.u32 @p2 s4;
	p2 =	sgt.s32 s26, $0xFF  }
0x3c: {  	s1 =	smul.u32 @!p1 s20, s1;
	s26 =	smov.u32 @p2 s2;
	p2 =	sne.s32 s18, s9  }
.Ltmp1:
0x3d: {  	s13 =	smov.u32 s16;
	s20 =	smov.u32 s12;
	(pc) =	sbr.rel @!p2 .LBB1_6-.Ltmp1, $4  }
0x3e: {  	s12 =	smov.u32 s15;
	s15 =	smov.u32 s23;
	s1 =	sand.u32 @!p1 $0x3FFFFFFF, s1  }
0x3f: {  	s19 =	smov.u32 s11;
	s11 =	smov.u32 s5;
	_ =	swait.ge @!p1 [sflag:s25], s1  }
0x40: {  	s1 =	ssub.s32 @!p1 $0x0, s1;
	s16 =	smov.u32 s24;
	[sflag:s25] =	ssyncset.done @!p1 $0x0  }
0x41: {  	s18 =	smov.u32 s27;
	[sflag:s25] =	ssyncadd.s32 @!p1 s1;
	s17 =	smov.u32 s26  }
.LBB1_1:
0x42: {  	p1 =	sge.u32 s18, s7  }
0x43: {  	s24 =	smul.u32 @!p1 $0x1C00, s17  }
0x44: {  	s31 =	sadd.s32 $0xFFFFFFFF, s18;
	s23 =	sxor.u32 @!p1 $0xFFFFFFFF, s18;
	s25 =	sshll.u32 @!p1 s16, $0xA  }
0x45: {  	s26 =	sshll.u32 @!p1 s15, $0x4;
	s23 =	sshll.u32 @!p1 s23, $0xE;
	s24 =	sadd.s32 @!p1 s24, s8  }
0x46: {  	s26 =	sand.u32 @!p1 $0x70, s26;
	s23 =	sand.u32 @!p1 $0x4000, s23;
	s24 =	sadd.s32 @!p1 s25, s24  }
0x47: {  	s25 =	simm.s32 @!p1 $0x80;
	s24 =	sadd.s32 @!p1 s26, s24;
	s26 =	simm.s32 @!p1 $0xE000  }
0x48: {  	[tilespmem:s23], [sflag:$0x1] =	stream.strided.gather @!p1 [hbm4b:s24+s25], $0x4000, s26, s25, $0x38;
	[tilespmem:$0x10100] =	vst v63  }
0x49: {  	p1 =	sge.u32 s31, s7  }
.Ltmp2:
0x4a: {  	_ = 	snop;
	(pc) =	sbr.rel @p1 .LBB1_5-.Ltmp2, $1  }
0x4b: {  	_ =	sdelay $0x3  }
0x4c: {  	s23 =	simm.s32 $0x1  }
0x4d: {  	_ =	swait.ge [sflag:s6], $0x4000;
	s23 =	simm.s32 @!p0 $0x0  }
0x4e: {  	[sflag:s6] =	ssyncset.done $0x0;
	s24 =	sshll.u32 s23, $0xE  }
0x4f: {  	[sflag:s6] =	ssyncadd.s32 $0xFFFFC000;
	s24 =	sor.u32 $0x40, s24  }
0x50: {  	s23 =	smul.u32 $0x10200, s23;
	v0 =	vld [tilespmem:s24+$0x30]  }
0x51: {  	v1 =	vld [tilespmem:s24+$0xFFFFFFD0]  }
0x52: {  	s23 =	sshrl.u32 s23, $0x2;
	v5 =	vld [tilespmem:s24+$0xFFFFFFE0]  }
0x53: {  	v6 =	vld [tilespmem:s24+$0xFFFFFFF0];
	s26 =	sor.u32 $0x8000, s23  }
0x54: {  	s31 =	sand.u32 $0x1, s18;
	v4 =	vld [tilespmem:s24+$0x0];
	s25 =	sadd.s32 $0x0, s26  }
0x55: {  	v3 =	vld [tilespmem:s24+$0x10];
	s23 =	smul.u32 $0x10200, s31;
	[tilespmem:s25+$0x3870 ss:$0x81] =	vst.msk $0xffff, v0  }
0x56: {  	v2 =	vld [tilespmem:s24+$0x20];
	[tilespmem:s25+$0x810 ss:$0x81] =	vst.msk $0xffff, v1  }
0x57: {  	s23 =	sshrl.u32 s23, $0x2;
	v1 =	vld [tilespmem:s24+$0xFFFFFFC0];
	[tilespmem:s25+$0x1020 ss:$0x81] =	vst.msk $0xffff, v5;
	s24 =	sadd.s32 $0x80, s24  }
0x58: {  	s27 =	simm.s32 $0x4;
	s28 =	simm.s32 $0x8;
	s23 =	sor.u32 $0x8000, s23;
	[tilespmem:s25+$0x1830 ss:$0x81] =	vst.msk $0xffff, v6;
	v0 =	vld [tilespmem:s24+$0x30]  }
.LBB1_3:
0x59: {  	p1 =	sne.s32 s28, $0x1FC;
	v5 =	vld [tilespmem:s24+$0xFFFFFFD0];
	[tilespmem:s25+$0x2040 ss:$0x81] =	vst.msk $0xffff, v4  }
0x5a: {  	v6 =	vld [tilespmem:s24+$0xFFFFFFE0];
	[tilespmem:s25+$0x2850 ss:$0x81] =	vst.msk $0xffff, v3  }
0x5b: {  	s29 =	sshra.s32 s27, $0x2;
	s27 =	smov.u32 s28;
	v7 =	vld [tilespmem:s24+$0xFFFFFFF0];
	[tilespmem:s25+$0x3060 ss:$0x81] =	vst.msk $0xffff, v2  }
.Ltmp3:
0x5c: {  	v4 =	vld [tilespmem:s24+$0x0];
	[tilespmem:s25+$0x0 ss:$0x81] =	vst.msk $0xffff, v1;
	s25 =	sadd.s32 s29, s26;
	(pc) =	sbr.rel @p1 .LBB1_3-.Ltmp3, $4  }
0x5d: {  	v3 =	vld [tilespmem:s24+$0x10];
	[tilespmem:s25+$0x3870 ss:$0x81] =	vst.msk $0xffff, v0  }
0x5e: {  	[tilespmem:s25+$0x810 ss:$0x81] =	vst.msk $0xffff, v5;
	v2 =	vld [tilespmem:s24+$0x20]  }
0x5f: {  	v1 =	vld [tilespmem:s24+$0xFFFFFFC0];
	[tilespmem:s25+$0x1020 ss:$0x81] =	vst.msk $0xffff, v6;
	s24 =	sadd.s32 $0x80, s24  }
0x60: {  	s28 =	sadd.s32 $0x4, s28;
	v0 =	vld [tilespmem:s24+$0x30];
	[tilespmem:s25+$0x1830 ss:$0x81] =	vst.msk $0xffff, v7  }
.Ltmp4:
0x61: {  	_ = 	snop;
	(pc) =	sbr.rel .LBB1_4-.Ltmp4, $1  }
0x62: {  	_ =	sdelay $0x3  }
.LBB1_6:
0x63: {  	_ =	sfence.sel $0x180000  }
0x64: {  	s1 =	simm.s32 $0x1;
	[bflag:$0x0] =	sbarrier.arrive $0xFFFF  }
0x65: {  	s31 =	simm.s32 $0x2;
	[sflag:s1] =	ssyncpa.u1 $0x1  }
0x66: {  	[sflag:s31] =	ssyncpa.u1 $0x1  }
0x67: {  	_ =	strace $0x9000004A  }
0x68: {  	[bflag:$0x2] =	sbarrier.arrive $0xFFFF  }
0x69: {  	p0 =	sne.s32 s0, $0x0;
	s0 =	rddreg [dreg:$0x2]  }
0x6a: {  	s0 =	sadd.s32 @!p0 $0x100000, s0  }
0x6b: {  	[sflag:s0] =	ssyncadd.tile.s32 @!p0 $0x1;
	_ =	shalt  }
.Lfunc_end1:
_tile_overlayer_lowered:
.L_overlay_start_2:
0x6c: {  	(tag) =	ssettag $0x2  }
0x6d: {  	s0 =	rddreg [dreg:$0x0];
	s2 =	stileid.u32  }
0x6e: {  	s1 =	rddreg [dreg:$0x1];
	p0 =	sne.s32 s2, $0x0  }
0x6f: {  	s3 =	rddreg [dreg:$0x2];
	[bflag:$0x3] =	sbarrier.arrive $0xFFFF;
	s2 =	simm.s32 @!p0 $0x1C01  }
0x70: {  	[timem:s3], [sflag:s2] =	dma.local @!p0 [hbm:s0], s1  }
0x71: {  	s0 =	simm.s32 @!p0 $0x1  }
0x72: {  	_ =	swait.ge @!p0 [sflag:s0], s1  }
0x73: {  	s1 =	ssub.s32 @!p0 $0x0, s1;
	[sflag:s0] =	ssyncset.done @!p0 $0x0  }
0x74: {  	[sflag:s0] =	ssyncadd.s32 @!p0 s1  }
0x75: {  	[bflag:$0x3] =	sbarrier.arrive $0xFFFF  }
0x76: {  	_ =	shalt  }

</sc_bundles>
